<compile_context>
chip_gen: v7x
topology: tpu7x:2x2x1
jax: 0.10.2.dev20260603
libtpu: 0.0.44.dev20260713+nightly
codegen_flags: <defaults>
</compile_context>

<pallas_src>
import functools

import jax
import jax.numpy as jnp
from jax import lax
from jax.experimental import pallas as pl
from jax.experimental.pallas import tpu as pltpu
from jax.experimental.pallas import tpu_sc as plsc

N = 10000
E = 320000
D = 128
NC = 2
NS = 16
NW = NC * NS
NP = 10240

HR = NP // 16
EPW = E // NW
EPT = E // NS
DEG_G = EPT // 16

CH = 64
NB = 3
K = 159
KCH = K * CH
PW = KCH - EPW

_MESH = plsc.VectorSubcoreMesh(core_axis_name="c", subcore_axis_name="s")
_SC_PARAMS = pltpu.CompilerParams(needs_layout_passes=False,
                                  use_tc_tiling_on_sc=False)


def _deg_body(ei_hbm, norm_s_out, norm_d_out, srcp_out, dstp_out,
              id_v, h_v, comb_v, deg_v, nrm_v, dump_v, sh):
    c = lax.axis_index("c")
    s = lax.axis_index("s")
    rows = HR // NS
    iota = lax.iota(jnp.int32, 16)
    z = jnp.zeros((16,), jnp.float32)

    def zero_row(i, carry):
        h_v[i, :] = z
        return carry

    lax.fori_loop(0, HR, zero_row, 0)
    pltpu.sync_copy(h_v.at[pl.ds(s * rows, rows)], sh.at[pl.ds(s * rows, rows)])

    @pl.when(c == 0)
    def _():
        pltpu.sync_copy(ei_hbm.at[0, pl.ds(s * EPT, EPT)], id_v)

    @pl.when(c == 1)
    def _():
        pltpu.sync_copy(ei_hbm.at[1, pl.ds(s * EPT, EPT)], id_v)
    for cc in range(HR // 128):
        for g in range(128 // 16):
            comb_v[cc, pl.ds(g * 16, 16)] = iota + (cc * 128 + g * 16)

    ones = jnp.ones((16,), jnp.float32)

    def scat(i, carry):
        ids = id_v[pl.ds(i * 16, 16)]
        plsc.addupdate_scatter(h_v, [ids >> 4, ids & 15], ones)
        return carry

    lax.fori_loop(0, DEG_G, scat, 0)

    @pl.when(c == 0)
    def _():
        for g in range(PW // 16):
            dump_v[pl.ds(g * 16, 16)] = iota + g * 16
        for half in range(2):
            wv = 2 * s + half
            pltpu.sync_copy(id_v.at[pl.ds(half * EPW, EPW)],
                            srcp_out.at[wv, pl.ds(0, EPW)])
            pltpu.sync_copy(dump_v, srcp_out.at[wv, pl.ds(EPW, PW)])

    @pl.when(c == 1)
    def _():
        for g in range(PW // 16):
            dump_v[pl.ds(g * 16, 16)] = iota + (N + g * 16)
        for half in range(2):
            wv = 2 * s + half
            pltpu.sync_copy(id_v.at[pl.ds(half * EPW, EPW)],
                            dstp_out.at[wv, pl.ds(0, EPW)])
            pltpu.sync_copy(dump_v, dstp_out.at[wv, pl.ds(EPW, PW)])

    plsc.subcore_barrier()
    for cc in range(HR // 128):
        pltpu.sync_copy(h_v.at[pl.ds(cc * 128, 128)], sh.at[comb_v.at[cc]], add=True)
    plsc.subcore_barrier()

    pltpu.sync_copy(sh.at[pl.ds(s * rows, rows)], deg_v)
    half3 = jnp.full((16,), 1.5, jnp.float32)

    def nrm(i, carry):
        dg = deg_v[i, :]
        d = jnp.maximum(dg, 1.0)
        y = plsc.bitcast(jnp.full((16,), 0x5F3759DF, jnp.int32) -
                         (plsc.bitcast(d, jnp.int32) >> 1), jnp.float32)
        hd = 0.5 * d
        y = y * (half3 - hd * y * y)
        y = y * (half3 - hd * y * y)
        y = y * (half3 - hd * y * y)
        nrm_v[pl.ds(i * 16, 16)] = jnp.where(dg > 0, y, 0.0)
        return carry

    lax.fori_loop(0, rows, nrm, 0)

    @pl.when(c == 0)
    def _():
        pltpu.sync_copy(nrm_v, norm_s_out.at[pl.ds(s * (16 * rows), 16 * rows)])

    @pl.when(c == 1)
    def _():
        pltpu.sync_copy(nrm_v, norm_d_out.at[pl.ds(s * (16 * rows), 16 * rows)])


_deg_call = functools.partial(
    pl.kernel,
    out_type=[
        jax.ShapeDtypeStruct((NP,), jnp.float32),
        jax.ShapeDtypeStruct((NP,), jnp.float32),
        jax.ShapeDtypeStruct((NW, KCH), jnp.int32),
        jax.ShapeDtypeStruct((NW, KCH), jnp.int32),
    ],
    mesh=_MESH,
    compiler_params=_SC_PARAMS,
    scratch_types=[
        pltpu.VMEM((EPT,), jnp.int32),
        pltpu.VMEM((HR, 16), jnp.float32),
        pltpu.VMEM((HR // 128, 128), jnp.int32),
        pltpu.VMEM((HR // NS, 16), jnp.float32),
        pltpu.VMEM((16 * (HR // NS),), jnp.float32),
        pltpu.VMEM((PW,), jnp.int32),
        pltpu.VMEM_SHARED((HR, 16), jnp.float32),
    ],
)(_deg_body)


def _agg_body(xs_hbm, srcp_hbm, dstp_hbm, out_hbm,
              src_v, dst_v, bufs, g0, g1, g2, s0, s1, s2, agg_sh):
    c = lax.axis_index("c")
    s = lax.axis_index("s")
    w = s * NC + c
    rows = NP // NS
    sems_g = [g0, g1, g2]
    sems_s = [s0, s1, s2]

    z = jnp.zeros((16,), jnp.float32)

    def zero_buf(i, carry):
        bufs[0, i >> 3, pl.ds((i & 7) * 16, 16)] = z
        return carry

    lax.fori_loop(0, CH * D // 16, zero_buf, 0)
    for r in range(rows // CH):
        pltpu.sync_copy(bufs.at[0], agg_sh.at[pl.ds(s * rows + r * CH, CH)])
    pltpu.sync_copy(srcp_hbm.at[w], src_v)
    pltpu.sync_copy(dstp_hbm.at[w], dst_v)
    plsc.subcore_barrier()

    def gather(t, b):
        pltpu.async_copy(xs_hbm.at[src_v.at[t]], bufs.at[b], sems_g[b])

    def scat_wait(t, b):
        pltpu.make_async_copy(bufs.at[b], agg_sh.at[dst_v.at[t]], sems_s[b]).wait()

    gather(0, 0)
    gather(1, 1)

    def outer(g, carry):
        for b in range(NB):
            t = g * NB + b
            pltpu.make_async_copy(xs_hbm.at[src_v.at[t]], bufs.at[b], sems_g[b]).wait()
            pltpu.async_copy(bufs.at[b], agg_sh.at[dst_v.at[t]], sems_s[b], add=True)
            b2 = (b + 2) % NB

            @pl.when(t >= 1)
            def _():
                scat_wait(t - 1, b2)

            @pl.when(t + 2 < K)
            def _():
                gather(t + 2, b2)

        return carry

    lax.fori_loop(0, K // NB, outer, 0)
    scat_wait(K - 1, (K - 1) % NB)
    plsc.subcore_barrier()

    pltpu.sync_copy(agg_sh.at[pl.ds(s * rows, rows)], out_hbm.at[c, pl.ds(s * rows, rows)])


_agg_call = functools.partial(
    pl.kernel,
    out_type=jax.ShapeDtypeStruct((NC, NP, D), jnp.float32),
    mesh=_MESH,
    compiler_params=_SC_PARAMS,
    scratch_types=[
        pltpu.VMEM((K, CH), jnp.int32),
        pltpu.VMEM((K, CH), jnp.int32),
        pltpu.VMEM((NB, CH, D), jnp.float32),
        pltpu.SemaphoreType.DMA,
        pltpu.SemaphoreType.DMA,
        pltpu.SemaphoreType.DMA,
        pltpu.SemaphoreType.DMA,
        pltpu.SemaphoreType.DMA,
        pltpu.SemaphoreType.DMA,
        pltpu.VMEM_SHARED((NP, D), jnp.float32),
    ],
)(_agg_body)


BR = 1000


def _prep_body(x_ref, ns_ref, xs_ref):
    xs_ref[...] = x_ref[...] * ns_ref[...]


_col = pl.BlockSpec((BR, 1), lambda i: (i, 0))
_rowblk = pl.BlockSpec((BR, D), lambda i: (i, 0))

_prep_call = pl.pallas_call(
    _prep_body,
    grid=(N // BR,),
    in_specs=[_rowblk, _col],
    out_specs=_rowblk,
    out_shape=jax.ShapeDtypeStruct((N, D), jnp.float32),
)


def _dense_body(a_ref, nd, ns, w_ref, b_ref, o_ref, *, final):
    g = (a_ref[0] + a_ref[1]) * nd[...]
    h = jnp.dot(g, w_ref[...], preferred_element_type=jnp.float32) + b_ref[...]
    h = jnp.maximum(h, 0.0)
    o_ref[...] = h if final else h * ns[...]


def _make_dense(final):
    return pl.pallas_call(
        functools.partial(_dense_body, final=final),
        grid=(N // BR,),
        in_specs=[
            pl.BlockSpec((NC, BR, D), lambda i: (0, i, 0)),
            _col, _col,
            pl.BlockSpec((D, D), lambda i: (0, 0)),
            pl.BlockSpec((1, D), lambda i: (0, 0)),
        ],
        out_specs=_rowblk,
        out_shape=jax.ShapeDtypeStruct((N, D), jnp.float32),
    )


_dense_mid = _make_dense(False)
_dense_fin = _make_dense(True)


def kernel(x, edge_index, W1, b1, W2, b2):
    ns_f, nd_f, srcp_f, dstp_f = _deg_call(edge_index.astype(jnp.int32))
    ns = ns_f.reshape(NP, 1)
    nd = nd_f.reshape(NP, 1)
    xs1 = _prep_call(x, ns)

    srcp = srcp_f.reshape(NW, K, CH)
    dstp = dstp_f.reshape(NW, K, CH)

    agg1 = _agg_call(xs1, srcp, dstp)
    h1s = _dense_mid(agg1, nd, ns, W1, b1.reshape(1, D))
    agg2 = _agg_call(h1s, srcp, dstp)
    return _dense_fin(agg2, nd, ns, W2, b2.reshape(1, D))

# --- scband reference (transcript-rebuilt; emitter-appended) ---
"""Pipeline reference for scband-stochastic-two-layer-gcn-4793183502743 (READ-ONLY COPY).

The authoritative reference and input builder live on the scoring server;
editing this copy changes nothing except your own understanding.
"""

import jax, jax.numpy as jnp
import numpy as np

N_NODES = 10000
N_EDGES = 320000
D_IN = 128
D_HID = 128
D_OUT = 128


def setup_inputs(seed: int = 0) -> dict:
    key = jax.random.key(seed)
    k_x, k_e, k_w1, k_w2 = jax.random.split(key, 4)
    x = jax.random.normal(k_x, (N_NODES, D_IN), dtype=jnp.float32)
    edge_index = jax.random.randint(k_e, (2, N_EDGES), 0, N_NODES, dtype=jnp.int64)
    # GraphConv weights (DGL GraphConv: h = norm_agg(x) @ W + b)
    W1 = jax.random.normal(k_w1, (D_IN, D_HID), dtype=jnp.float32) * (1.0 / np.sqrt(D_IN))
    b1 = jnp.zeros((D_HID,), dtype=jnp.float32)
    W2 = jax.random.normal(k_w2, (D_HID, D_OUT), dtype=jnp.float32) * (1.0 / np.sqrt(D_HID))
    b2 = jnp.zeros((D_OUT,), dtype=jnp.float32)
    return {"x": x, "edge_index": edge_index, "W1": W1, "b1": b1, "W2": W2, "b2": b2}


def _graph_conv(x, src, dst, W, b, n_nodes):
    # DGL GraphConv with norm='both': D_dst^{-1/2} A D_src^{-1/2} X W + b
    ones = jnp.ones((src.shape[0],), dtype=jnp.float32)
    deg_out = jax.ops.segment_sum(ones, src, num_segments=n_nodes)
    deg_in = jax.ops.segment_sum(ones, dst, num_segments=n_nodes)
    norm_src = jnp.where(deg_out > 0, jax.lax.rsqrt(jnp.maximum(deg_out, 1.0)), 0.0)
    norm_dst = jnp.where(deg_in > 0, jax.lax.rsqrt(jnp.maximum(deg_in, 1.0)), 0.0)
    msg = x[src] * norm_src[src][:, None]            # gather + scale
    agg = jax.ops.segment_sum(msg, dst, num_segments=n_nodes)  # scatter-add
    h = agg * norm_dst[:, None]
    return h @ W + b


def reference(x, edge_index, W1, b1, W2, b2):
    n_nodes = x.shape[0]
    src = edge_index[0]
    dst = edge_index[1]
    # layer 1 (the torch forward reuses blocks[0] for every layer)
    h = jax.nn.relu(_graph_conv(x, src, dst, W1, b1, n_nodes))
    # layer 2
    h = jax.nn.relu(_graph_conv(h, src, dst, W2, b2, n_nodes))
    return h

if __name__ == "__main__":
    import jax
    _d = setup_inputs()
    print(jax.jit(kernel)(*tuple(_d.values())))

</pallas_src>

<mosaic_0001>
#map = affine_map<(d0, d1) -> (0, 0)>
#map1 = affine_map<(d0, d1) -> (0, 0, 0)>
module attributes {stable_mosaic.version = 14 : i64} {
  func.func @_agg_body(%arg0: i32, %arg1: i32, %arg2: memref<10000x128xf32, #tpu.memory_space<hbm>>, %arg3: memref<32x159x64xi32, #tpu.memory_space<hbm>>, %arg4: memref<32x159x64xi32, #tpu.memory_space<hbm>>, %arg5: memref<2x10240x128xf32, #tpu.memory_space<hbm>>, %arg6: memref<159x64xi32, #tpu.memory_space<vmem>>, %arg7: memref<159x64xi32, #tpu.memory_space<vmem>>, %arg8: memref<3x64x128xf32, #tpu.memory_space<vmem>>, %arg9: memref<!tpu.dma_semaphore, #tpu.memory_space<semaphore_mem>>, %arg10: memref<!tpu.dma_semaphore, #tpu.memory_space<semaphore_mem>>, %arg11: memref<!tpu.dma_semaphore, #tpu.memory_space<semaphore_mem>>, %arg12: memref<!tpu.dma_semaphore, #tpu.memory_space<semaphore_mem>>, %arg13: memref<!tpu.dma_semaphore, #tpu.memory_space<semaphore_mem>>, %arg14: memref<!tpu.dma_semaphore, #tpu.memory_space<semaphore_mem>>, %arg15: memref<10240x128xf32, #tpu.memory_space<vmem_shared>>) attributes {dimension_semantics = [#tpu.dimension_semantics<core_parallel>, #tpu.dimension_semantics<subcore_parallel>], iteration_bounds = array<i64: 2, 16>, scalar_prefetch = 0 : i64, scratch_operands = 10 : i64, tpu.core_type = #tpu.core_type<sc_vector_subcore>, window_params = [{transform_indices = #map}, {transform_indices = #map1}, {transform_indices = #map1}, {transform_indices = #map1}]} {
    %mul3A = arith.constant 2 : i32
    %mul3A_0 = arith.muli %arg1, %mul3A : i32
    %add3A = arith.addi %mul3A_0, %arg0 : i32
    %broadcast_in_dim3A = arith.constant 0.000000e+00 : f32
    %broadcast_in_dim3A_1 = vector.broadcast %broadcast_in_dim3A : f32 to vector<16xf32>
    %scan3A = arith.constant 0 : i32
    %scan3A_2 = arith.constant 0 : i32
    %scan3A_3 = arith.constant 512 : i32
    %scan3A_4 = arith.addi %scan3A_2, %scan3A_3 : i32
    %scan3A_5 = arith.constant 1 : i32
    scf.for %scan3A_101 = %scan3A_2 to %scan3A_4 step %scan3A_5  : i32 {
      %shift_right_arithmetic3A = arith.constant 3 : i32
      %shift_right_arithmetic3A_102 = arith.shrsi %scan3A_101, %shift_right_arithmetic3A : i32
      %and3A = arith.constant 7 : i32
      %and3A_103 = arith.andi %scan3A_101, %and3A : i32
      %mul3A_104 = arith.constant 16 : i32
      %mul3A_105 = arith.muli %and3A_103, %mul3A_104 : i32
      %swap3A = arith.constant 0 : i32
      %swap3A_106 = arith.index_cast %swap3A : i32 to index
      %swap3A_107 = arith.index_cast %shift_right_arithmetic3A_102 : i32 to index
      %swap3A_108 = arith.index_cast %mul3A_105 : i32 to index
      %swap3A_109 = tpu.vector_load %arg8[%swap3A_106, %swap3A_107, %swap3A_108] {strides = array<i32>} : memref<3x64x128xf32, #tpu.memory_space<vmem>>, vector<16xf32>,
      tpu.vector_store %arg8[%swap3A_106, %swap3A_107, %swap3A_108], %broadcast_in_dim3A_1 {strides = array<i32>} : memref<3x64x128xf32, #tpu.memory_space<vmem>>, vector<16xf32>,
    }
    %scan3A_6 = arith.constant 512 : i32
    %mul3A_7 = arith.constant 640 : i32
    %mul3A_8 = arith.muli %arg1, %mul3A_7 : i32
    %add3A_9 = arith.constant 0 : i32
    %add3A_10 = arith.addi %mul3A_8, %add3A_9 : i32
    %run_scoped3A = arith.constant 0 : i32
    "tpu.region"() ({
      %run_scoped3A_101 = tpu.sem_alloc : memref<!tpu.dma_semaphore, #tpu.memory_space<semaphore_mem>>
      %dma_start3A_102 = arith.constant 0 : i32
      %dma_start3A_103 = arith.constant 0 : i32
      %dma_start3A_104 = tpu.memref_slice %arg8[%run_scoped3A, %dma_start3A_102, %dma_start3A_103] : memref<3x64x128xf32, #tpu.memory_space<vmem>> -> memref<1x64x128xf32, #tpu.memory_space<vmem>>
      %dma_start3A_105 = tpu.memref_squeeze %dma_start3A_104 : memref<1x64x128xf32, #tpu.memory_space<vmem>> -> memref<64x128xf32, #tpu.memory_space<vmem>>
      %dma_start3A_106 = arith.constant 0 : i32
      %dma_start3A_107 = tpu.memref_slice %arg15[%add3A_10, %dma_start3A_106] : memref<10240x128xf32, #tpu.memory_space<vmem_shared>> -> memref<64x128xf32, #tpu.memory_space<vmem_shared>>
      %dma_start3A_108 = arith.constant 0 : i32
      %dma_start3A_109 = tpu.memref_slice %arg15[%add3A_10, %dma_start3A_108] : memref<10240x128xf32, #tpu.memory_space<vmem_shared>> -> memref<64x128xf32, #tpu.memory_space<vmem_shared>>
      %dma_start3A_110 = arith.constant 0 : i32
      %dma_start3A_111 = arith.constant 0 : i32
      %dma_start3A_112 = tpu.memref_slice %arg8[%run_scoped3A, %dma_start3A_110, %dma_start3A_111] : memref<3x64x128xf32, #tpu.memory_space<vmem>> -> memref<1x64x128xf32, #tpu.memory_space<vmem>>
      %dma_start3A_113 = tpu.memref_squeeze %dma_start3A_112 : memref<1x64x128xf32, #tpu.memory_space<vmem>> -> memref<64x128xf32, #tpu.memory_space<vmem>>
      tpu.enqueue_dma source(%dma_start3A_113 : memref<64x128xf32, #tpu.memory_space<vmem>>) target(%dma_start3A_109 : memref<64x128xf32, #tpu.memory_space<vmem_shared>>) target_semaphore(%run_scoped3A_101 : memref<!tpu.dma_semaphore, #tpu.memory_space<semaphore_mem>>)
      %dma_wait3A_114 = arith.constant 0 : i32
      %dma_wait3A_115 = arith.constant 0 : i32
      %dma_wait3A_116 = tpu.memref_slice %arg8[%run_scoped3A, %dma_wait3A_114, %dma_wait3A_115] : memref<3x64x128xf32, #tpu.memory_space<vmem>> -> memref<1x64x128xf32, #tpu.memory_space<vmem>>
      %dma_wait3A_117 = tpu.memref_squeeze %dma_wait3A_116 : memref<1x64x128xf32, #tpu.memory_space<vmem>> -> memref<64x128xf32, #tpu.memory_space<vmem>>
      %dma_wait3A_118 = arith.constant 0 : i32
      %dma_wait3A_119 = tpu.memref_slice %arg15[%add3A_10, %dma_wait3A_118] : memref<10240x128xf32, #tpu.memory_space<vmem_shared>> -> memref<64x128xf32, #tpu.memory_space<vmem_shared>>
      %dma_wait3A_120 = arith.constant 0 : i32
      %dma_wait3A_121 = tpu.memref_slice %arg15[%add3A_10, %dma_wait3A_120] : memref<10240x128xf32, #tpu.memory_space<vmem_shared>> -> memref<64x128xf32, #tpu.memory_space<vmem_shared>>
      %dma_wait3A_122 = arith.constant 0 : i32
      %dma_wait3A_123 = arith.constant 0 : i32
      %dma_wait3A_124 = tpu.memref_slice %arg8[%run_scoped3A, %dma_wait3A_122, %dma_wait3A_123] : memref<3x64x128xf32, #tpu.memory_space<vmem>> -> memref<1x64x128xf32, #tpu.memory_space<vmem>>
      %dma_wait3A_125 = tpu.memref_squeeze %dma_wait3A_124 : memref<1x64x128xf32, #tpu.memory_space<vmem>> -> memref<64x128xf32, #tpu.memory_space<vmem>>
      tpu.wait_dma2 semaphore(%run_scoped3A_101 : memref<!tpu.dma_semaphore, #tpu.memory_space<semaphore_mem>>) src(%dma_wait3A_125 : memref<64x128xf32, #tpu.memory_space<vmem>>) dst(%dma_wait3A_121 : memref<64x128xf32, #tpu.memory_space<vmem_shared>>)
      tpu.yield
    }) : () -> ()
    %mul3A_11 = arith.constant 640 : i32
    %mul3A_12 = arith.muli %arg1, %mul3A_11 : i32
    %add3A_13 = arith.constant 64 : i32
    %add3A_14 = arith.addi %mul3A_12, %add3A_13 : i32
    %run_scoped3A_15 = arith.constant 0 : i32
    "tpu.region"() ({
      %run_scoped3A_101 = tpu.sem_alloc : memref<!tpu.dma_semaphore, #tpu.memory_space<semaphore_mem>>
      %dma_start3A_102 = arith.constant 0 : i32
      %dma_start3A_103 = arith.constant 0 : i32
      %dma_start3A_104 = tpu.memref_slice %arg8[%run_scoped3A_15, %dma_start3A_102, %dma_start3A_103] : memref<3x64x128xf32, #tpu.memory_space<vmem>> -> memref<1x64x128xf32, #tpu.memory_space<vmem>>
      %dma_start3A_105 = tpu.memref_squeeze %dma_start3A_104 : memref<1x64x128xf32, #tpu.memory_space<vmem>> -> memref<64x128xf32, #tpu.memory_space<vmem>>
      %dma_start3A_106 = arith.constant 0 : i32
      %dma_start3A_107 = tpu.memref_slice %arg15[%add3A_14, %dma_start3A_106] : memref<10240x128xf32, #tpu.memory_space<vmem_shared>> -> memref<64x128xf32, #tpu.memory_space<vmem_shared>>
      %dma_start3A_108 = arith.constant 0 : i32
      %dma_start3A_109 = tpu.memref_slice %arg15[%add3A_14, %dma_start3A_108] : memref<10240x128xf32, #tpu.memory_space<vmem_shared>> -> memref<64x128xf32, #tpu.memory_space<vmem_shared>>
      %dma_start3A_110 = arith.constant 0 : i32
      %dma_start3A_111 = arith.constant 0 : i32
      %dma_start3A_112 = tpu.memref_slice %arg8[%run_scoped3A_15, %dma_start3A_110, %dma_start3A_111] : memref<3x64x128xf32, #tpu.memory_space<vmem>> -> memref<1x64x128xf32, #tpu.memory_space<vmem>>
      %dma_start3A_113 = tpu.memref_squeeze %dma_start3A_112 : memref<1x64x128xf32, #tpu.memory_space<vmem>> -> memref<64x128xf32, #tpu.memory_space<vmem>>
      tpu.enqueue_dma source(%dma_start3A_113 : memref<64x128xf32, #tpu.memory_space<vmem>>) target(%dma_start3A_109 : memref<64x128xf32, #tpu.memory_space<vmem_shared>>) target_semaphore(%run_scoped3A_101 : memref<!tpu.dma_semaphore, #tpu.memory_space<semaphore_mem>>)
      %dma_wait3A_114 = arith.constant 0 : i32
      %dma_wait3A_115 = arith.constant 0 : i32
      %dma_wait3A_116 = tpu.memref_slice %arg8[%run_scoped3A_15, %dma_wait3A_114, %dma_wait3A_115] : memref<3x64x128xf32, #tpu.memory_space<vmem>> -> memref<1x64x128xf32, #tpu.memory_space<vmem>>
      %dma_wait3A_117 = tpu.memref_squeeze %dma_wait3A_116 : memref<1x64x128xf32, #tpu.memory_space<vmem>> -> memref<64x128xf32, #tpu.memory_space<vmem>>
      %dma_wait3A_118 = arith.constant 0 : i32
      %dma_wait3A_119 = tpu.memref_slice %arg15[%add3A_14, %dma_wait3A_118] : memref<10240x128xf32, #tpu.memory_space<vmem_shared>> -> memref<64x128xf32, #tpu.memory_space<vmem_shared>>
      %dma_wait3A_120 = arith.constant 0 : i32
      %dma_wait3A_121 = tpu.memref_slice %arg15[%add3A_14, %dma_wait3A_120] : memref<10240x128xf32, #tpu.memory_space<vmem_shared>> -> memref<64x128xf32, #tpu.memory_space<vmem_shared>>
      %dma_wait3A_122 = arith.constant 0 : i32
      %dma_wait3A_123 = arith.constant 0 : i32
      %dma_wait3A_124 = tpu.memref_slice %arg8[%run_scoped3A_15, %dma_wait3A_122, %dma_wait3A_123] : memref<3x64x128xf32, #tpu.memory_space<vmem>> -> memref<1x64x128xf32, #tpu.memory_space<vmem>>
      %dma_wait3A_125 = tpu.memref_squeeze %dma_wait3A_124 : memref<1x64x128xf32, #tpu.memory_space<vmem>> -> memref<64x128xf32, #tpu.memory_space<vmem>>
      tpu.wait_dma2 semaphore(%run_scoped3A_101 : memref<!tpu.dma_semaphore, #tpu.memory_space<semaphore_mem>>) src(%dma_wait3A_125 : memref<64x128xf32, #tpu.memory_space<vmem>>) dst(%dma_wait3A_121 : memref<64x128xf32, #tpu.memory_space<vmem_shared>>)
      tpu.yield
    }) : () -> ()
    %mul3A_16 = arith.constant 640 : i32
    %mul3A_17 = arith.muli %arg1, %mul3A_16 : i32
    %add3A_18 = arith.constant 128 : i32
    %add3A_19 = arith.addi %mul3A_17, %add3A_18 : i32
    %run_scoped3A_20 = arith.constant 0 : i32
    "tpu.region"() ({
      %run_scoped3A_101 = tpu.sem_alloc : memref<!tpu.dma_semaphore, #tpu.memory_space<semaphore_mem>>
      %dma_start3A_102 = arith.constant 0 : i32
      %dma_start3A_103 = arith.constant 0 : i32
      %dma_start3A_104 = tpu.memref_slice %arg8[%run_scoped3A_20, %dma_start3A_102, %dma_start3A_103] : memref<3x64x128xf32, #tpu.memory_space<vmem>> -> memref<1x64x128xf32, #tpu.memory_space<vmem>>
      %dma_start3A_105 = tpu.memref_squeeze %dma_start3A_104 : memref<1x64x128xf32, #tpu.memory_space<vmem>> -> memref<64x128xf32, #tpu.memory_space<vmem>>
      %dma_start3A_106 = arith.constant 0 : i32
      %dma_start3A_107 = tpu.memref_slice %arg15[%add3A_19, %dma_start3A_106] : memref<10240x128xf32, #tpu.memory_space<vmem_shared>> -> memref<64x128xf32, #tpu.memory_space<vmem_shared>>
      %dma_start3A_108 = arith.constant 0 : i32
      %dma_start3A_109 = tpu.memref_slice %arg15[%add3A_19, %dma_start3A_108] : memref<10240x128xf32, #tpu.memory_space<vmem_shared>> -> memref<64x128xf32, #tpu.memory_space<vmem_shared>>
      %dma_start3A_110 = arith.constant 0 : i32
      %dma_start3A_111 = arith.constant 0 : i32
      %dma_start3A_112 = tpu.memref_slice %arg8[%run_scoped3A_20, %dma_start3A_110, %dma_start3A_111] : memref<3x64x128xf32, #tpu.memory_space<vmem>> -> memref<1x64x128xf32, #tpu.memory_space<vmem>>
      %dma_start3A_113 = tpu.memref_squeeze %dma_start3A_112 : memref<1x64x128xf32, #tpu.memory_space<vmem>> -> memref<64x128xf32, #tpu.memory_space<vmem>>
      tpu.enqueue_dma source(%dma_start3A_113 : memref<64x128xf32, #tpu.memory_space<vmem>>) target(%dma_start3A_109 : memref<64x128xf32, #tpu.memory_space<vmem_shared>>) target_semaphore(%run_scoped3A_101 : memref<!tpu.dma_semaphore, #tpu.memory_space<semaphore_mem>>)
      %dma_wait3A_114 = arith.constant 0 : i32
      %dma_wait3A_115 = arith.constant 0 : i32
      %dma_wait3A_116 = tpu.memref_slice %arg8[%run_scoped3A_20, %dma_wait3A_114, %dma_wait3A_115] : memref<3x64x128xf32, #tpu.memory_space<vmem>> -> memref<1x64x128xf32, #tpu.memory_space<vmem>>
      %dma_wait3A_117 = tpu.memref_squeeze %dma_wait3A_116 : memref<1x64x128xf32, #tpu.memory_space<vmem>> -> memref<64x128xf32, #tpu.memory_space<vmem>>
      %dma_wait3A_118 = arith.constant 0 : i32
      %dma_wait3A_119 = tpu.memref_slice %arg15[%add3A_19, %dma_wait3A_118] : memref<10240x128xf32, #tpu.memory_space<vmem_shared>> -> memref<64x128xf32, #tpu.memory_space<vmem_shared>>
      %dma_wait3A_120 = arith.constant 0 : i32
      %dma_wait3A_121 = tpu.memref_slice %arg15[%add3A_19, %dma_wait3A_120] : memref<10240x128xf32, #tpu.memory_space<vmem_shared>> -> memref<64x128xf32, #tpu.memory_space<vmem_shared>>
      %dma_wait3A_122 = arith.constant 0 : i32
      %dma_wait3A_123 = arith.constant 0 : i32
      %dma_wait3A_124 = tpu.memref_slice %arg8[%run_scoped3A_20, %dma_wait3A_122, %dma_wait3A_123] : memref<3x64x128xf32, #tpu.memory_space<vmem>> -> memref<1x64x128xf32, #tpu.memory_space<vmem>>
      %dma_wait3A_125 = tpu.memref_squeeze %dma_wait3A_124 : memref<1x64x128xf32, #tpu.memory_space<vmem>> -> memref<64x128xf32, #tpu.memory_space<vmem>>
      tpu.wait_dma2 semaphore(%run_scoped3A_101 : memref<!tpu.dma_semaphore, #tpu.memory_space<semaphore_mem>>) src(%dma_wait3A_125 : memref<64x128xf32, #tpu.memory_space<vmem>>) dst(%dma_wait3A_121 : memref<64x128xf32, #tpu.memory_space<vmem_shared>>)
      tpu.yield
    }) : () -> ()
    %mul3A_21 = arith.constant 640 : i32
    %mul3A_22 = arith.muli %arg1, %mul3A_21 : i32
    %add3A_23 = arith.constant 192 : i32
    %add3A_24 = arith.addi %mul3A_22, %add3A_23 : i32
    %run_scoped3A_25 = arith.constant 0 : i32
    "tpu.region"() ({
      %run_scoped3A_101 = tpu.sem_alloc : memref<!tpu.dma_semaphore, #tpu.memory_space<semaphore_mem>>
      %dma_start3A_102 = arith.constant 0 : i32
      %dma_start3A_103 = arith.constant 0 : i32
      %dma_start3A_104 = tpu.memref_slice %arg8[%run_scoped3A_25, %dma_start3A_102, %dma_start3A_103] : memref<3x64x128xf32, #tpu.memory_space<vmem>> -> memref<1x64x128xf32, #tpu.memory_space<vmem>>
      %dma_start3A_105 = tpu.memref_squeeze %dma_start3A_104 : memref<1x64x128xf32, #tpu.memory_space<vmem>> -> memref<64x128xf32, #tpu.memory_space<vmem>>
      %dma_start3A_106 = arith.constant 0 : i32
      %dma_start3A_107 = tpu.memref_slice %arg15[%add3A_24, %dma_start3A_106] : memref<10240x128xf32, #tpu.memory_space<vmem_shared>> -> memref<64x128xf32, #tpu.memory_space<vmem_shared>>
      %dma_start3A_108 = arith.constant 0 : i32
      %dma_start3A_109 = tpu.memref_slice %arg15[%add3A_24, %dma_start3A_108] : memref<10240x128xf32, #tpu.memory_space<vmem_shared>> -> memref<64x128xf32, #tpu.memory_space<vmem_shared>>
      %dma_start3A_110 = arith.constant 0 : i32
      %dma_start3A_111 = arith.constant 0 : i32
      %dma_start3A_112 = tpu.memref_slice %arg8[%run_scoped3A_25, %dma_start3A_110, %dma_start3A_111] : memref<3x64x128xf32, #tpu.memory_space<vmem>> -> memref<1x64x128xf32, #tpu.memory_space<vmem>>
      %dma_start3A_113 = tpu.memref_squeeze %dma_start3A_112 : memref<1x64x128xf32, #tpu.memory_space<vmem>> -> memref<64x128xf32, #tpu.memory_space<vmem>>
      tpu.enqueue_dma source(%dma_start3A_113 : memref<64x128xf32, #tpu.memory_space<vmem>>) target(%dma_start3A_109 : memref<64x128xf32, #tpu.memory_space<vmem_shared>>) target_semaphore(%run_scoped3A_101 : memref<!tpu.dma_semaphore, #tpu.memory_space<semaphore_mem>>)
      %dma_wait3A_114 = arith.constant 0 : i32
      %dma_wait3A_115 = arith.constant 0 : i32
      %dma_wait3A_116 = tpu.memref_slice %arg8[%run_scoped3A_25, %dma_wait3A_114, %dma_wait3A_115] : memref<3x64x128xf32, #tpu.memory_space<vmem>> -> memref<1x64x128xf32, #tpu.memory_space<vmem>>
      %dma_wait3A_117 = tpu.memref_squeeze %dma_wait3A_116 : memref<1x64x128xf32, #tpu.memory_space<vmem>> -> memref<64x128xf32, #tpu.memory_space<vmem>>
      %dma_wait3A_118 = arith.constant 0 : i32
      %dma_wait3A_119 = tpu.memref_slice %arg15[%add3A_24, %dma_wait3A_118] : memref<10240x128xf32, #tpu.memory_space<vmem_shared>> -> memref<64x128xf32, #tpu.memory_space<vmem_shared>>
      %dma_wait3A_120 = arith.constant 0 : i32
      %dma_wait3A_121 = tpu.memref_slice %arg15[%add3A_24, %dma_wait3A_120] : memref<10240x128xf32, #tpu.memory_space<vmem_shared>> -> memref<64x128xf32, #tpu.memory_space<vmem_shared>>
      %dma_wait3A_122 = arith.constant 0 : i32
      %dma_wait3A_123 = arith.constant 0 : i32
      %dma_wait3A_124 = tpu.memref_slice %arg8[%run_scoped3A_25, %dma_wait3A_122, %dma_wait3A_123] : memref<3x64x128xf32, #tpu.memory_space<vmem>> -> memref<1x64x128xf32, #tpu.memory_space<vmem>>
      %dma_wait3A_125 = tpu.memref_squeeze %dma_wait3A_124 : memref<1x64x128xf32, #tpu.memory_space<vmem>> -> memref<64x128xf32, #tpu.memory_space<vmem>>
      tpu.wait_dma2 semaphore(%run_scoped3A_101 : memref<!tpu.dma_semaphore, #tpu.memory_space<semaphore_mem>>) src(%dma_wait3A_125 : memref<64x128xf32, #tpu.memory_space<vmem>>) dst(%dma_wait3A_121 : memref<64x128xf32, #tpu.memory_space<vmem_shared>>)
      tpu.yield
    }) : () -> ()
    %mul3A_26 = arith.constant 640 : i32
    %mul3A_27 = arith.muli %arg1, %mul3A_26 : i32
    %add3A_28 = arith.constant 256 : i32
    %add3A_29 = arith.addi %mul3A_27, %add3A_28 : i32
    %run_scoped3A_30 = arith.constant 0 : i32
    "tpu.region"() ({
      %run_scoped3A_101 = tpu.sem_alloc : memref<!tpu.dma_semaphore, #tpu.memory_space<semaphore_mem>>
      %dma_start3A_102 = arith.constant 0 : i32
      %dma_start3A_103 = arith.constant 0 : i32
      %dma_start3A_104 = tpu.memref_slice %arg8[%run_scoped3A_30, %dma_start3A_102, %dma_start3A_103] : memref<3x64x128xf32, #tpu.memory_space<vmem>> -> memref<1x64x128xf32, #tpu.memory_space<vmem>>
      %dma_start3A_105 = tpu.memref_squeeze %dma_start3A_104 : memref<1x64x128xf32, #tpu.memory_space<vmem>> -> memref<64x128xf32, #tpu.memory_space<vmem>>
      %dma_start3A_106 = arith.constant 0 : i32
      %dma_start3A_107 = tpu.memref_slice %arg15[%add3A_29, %dma_start3A_106] : memref<10240x128xf32, #tpu.memory_space<vmem_shared>> -> memref<64x128xf32, #tpu.memory_space<vmem_shared>>
      %dma_start3A_108 = arith.constant 0 : i32
      %dma_start3A_109 = tpu.memref_slice %arg15[%add3A_29, %dma_start3A_108] : memref<10240x128xf32, #tpu.memory_space<vmem_shared>> -> memref<64x128xf32, #tpu.memory_space<vmem_shared>>
      %dma_start3A_110 = arith.constant 0 : i32
      %dma_start3A_111 = arith.constant 0 : i32
      %dma_start3A_112 = tpu.memref_slice %arg8[%run_scoped3A_30, %dma_start3A_110, %dma_start3A_111] : memref<3x64x128xf32, #tpu.memory_space<vmem>> -> memref<1x64x128xf32, #tpu.memory_space<vmem>>
      %dma_start3A_113 = tpu.memref_squeeze %dma_start3A_112 : memref<1x64x128xf32, #tpu.memory_space<vmem>> -> memref<64x128xf32, #tpu.memory_space<vmem>>
      tpu.enqueue_dma source(%dma_start3A_113 : memref<64x128xf32, #tpu.memory_space<vmem>>) target(%dma_start3A_109 : memref<64x128xf32, #tpu.memory_space<vmem_shared>>) target_semaphore(%run_scoped3A_101 : memref<!tpu.dma_semaphore, #tpu.memory_space<semaphore_mem>>)
      %dma_wait3A_114 = arith.constant 0 : i32
      %dma_wait3A_115 = arith.constant 0 : i32
      %dma_wait3A_116 = tpu.memref_slice %arg8[%run_scoped3A_30, %dma_wait3A_114, %dma_wait3A_115] : memref<3x64x128xf32, #tpu.memory_space<vmem>> -> memref<1x64x128xf32, #tpu.memory_space<vmem>>
      %dma_wait3A_117 = tpu.memref_squeeze %dma_wait3A_116 : memref<1x64x128xf32, #tpu.memory_space<vmem>> -> memref<64x128xf32, #tpu.memory_space<vmem>>
      %dma_wait3A_118 = arith.constant 0 : i32
      %dma_wait3A_119 = tpu.memref_slice %arg15[%add3A_29, %dma_wait3A_118] : memref<10240x128xf32, #tpu.memory_space<vmem_shared>> -> memref<64x128xf32, #tpu.memory_space<vmem_shared>>
      %dma_wait3A_120 = arith.constant 0 : i32
      %dma_wait3A_121 = tpu.memref_slice %arg15[%add3A_29, %dma_wait3A_120] : memref<10240x128xf32, #tpu.memory_space<vmem_shared>> -> memref<64x128xf32, #tpu.memory_space<vmem_shared>>
      %dma_wait3A_122 = arith.constant 0 : i32
      %dma_wait3A_123 = arith.constant 0 : i32
      %dma_wait3A_124 = tpu.memref_slice %arg8[%run_scoped3A_30, %dma_wait3A_122, %dma_wait3A_123] : memref<3x64x128xf32, #tpu.memory_space<vmem>> -> memref<1x64x128xf32, #tpu.memory_space<vmem>>
      %dma_wait3A_125 = tpu.memref_squeeze %dma_wait3A_124 : memref<1x64x128xf32, #tpu.memory_space<vmem>> -> memref<64x128xf32, #tpu.memory_space<vmem>>
      tpu.wait_dma2 semaphore(%run_scoped3A_101 : memref<!tpu.dma_semaphore, #tpu.memory_space<semaphore_mem>>) src(%dma_wait3A_125 : memref<64x128xf32, #tpu.memory_space<vmem>>) dst(%dma_wait3A_121 : memref<64x128xf32, #tpu.memory_space<vmem_shared>>)
      tpu.yield
    }) : () -> ()
    %mul3A_31 = arith.constant 640 : i32
    %mul3A_32 = arith.muli %arg1, %mul3A_31 : i32
    %add3A_33 = arith.constant 320 : i32
    %add3A_34 = arith.addi %mul3A_32, %add3A_33 : i32
    %run_scoped3A_35 = arith.constant 0 : i32
    "tpu.region"() ({
      %run_scoped3A_101 = tpu.sem_alloc : memref<!tpu.dma_semaphore, #tpu.memory_space<semaphore_mem>>
      %dma_start3A_102 = arith.constant 0 : i32
      %dma_start3A_103 = arith.constant 0 : i32
      %dma_start3A_104 = tpu.memref_slice %arg8[%run_scoped3A_35, %dma_start3A_102, %dma_start3A_103] : memref<3x64x128xf32, #tpu.memory_space<vmem>> -> memref<1x64x128xf32, #tpu.memory_space<vmem>>
      %dma_start3A_105 = tpu.memref_squeeze %dma_start3A_104 : memref<1x64x128xf32, #tpu.memory_space<vmem>> -> memref<64x128xf32, #tpu.memory_space<vmem>>
      %dma_start3A_106 = arith.constant 0 : i32
      %dma_start3A_107 = tpu.memref_slice %arg15[%add3A_34, %dma_start3A_106] : memref<10240x128xf32, #tpu.memory_space<vmem_shared>> -> memref<64x128xf32, #tpu.memory_space<vmem_shared>>
      %dma_start3A_108 = arith.constant 0 : i32
      %dma_start3A_109 = tpu.memref_slice %arg15[%add3A_34, %dma_start3A_108] : memref<10240x128xf32, #tpu.memory_space<vmem_shared>> -> memref<64x128xf32, #tpu.memory_space<vmem_shared>>
      %dma_start3A_110 = arith.constant 0 : i32
      %dma_start3A_111 = arith.constant 0 : i32
      %dma_start3A_112 = tpu.memref_slice %arg8[%run_scoped3A_35, %dma_start3A_110, %dma_start3A_111] : memref<3x64x128xf32, #tpu.memory_space<vmem>> -> memref<1x64x128xf32, #tpu.memory_space<vmem>>
      %dma_start3A_113 = tpu.memref_squeeze %dma_start3A_112 : memref<1x64x128xf32, #tpu.memory_space<vmem>> -> memref<64x128xf32, #tpu.memory_space<vmem>>
      tpu.enqueue_dma source(%dma_start3A_113 : memref<64x128xf32, #tpu.memory_space<vmem>>) target(%dma_start3A_109 : memref<64x128xf32, #tpu.memory_space<vmem_shared>>) target_semaphore(%run_scoped3A_101 : memref<!tpu.dma_semaphore, #tpu.memory_space<semaphore_mem>>)
      %dma_wait3A_114 = arith.constant 0 : i32
      %dma_wait3A_115 = arith.constant 0 : i32
      %dma_wait3A_116 = tpu.memref_slice %arg8[%run_scoped3A_35, %dma_wait3A_114, %dma_wait3A_115] : memref<3x64x128xf32, #tpu.memory_space<vmem>> -> memref<1x64x128xf32, #tpu.memory_space<vmem>>
      %dma_wait3A_117 = tpu.memref_squeeze %dma_wait3A_116 : memref<1x64x128xf32, #tpu.memory_space<vmem>> -> memref<64x128xf32, #tpu.memory_space<vmem>>
      %dma_wait3A_118 = arith.constant 0 : i32
      %dma_wait3A_119 = tpu.memref_slice %arg15[%add3A_34, %dma_wait3A_118] : memref<10240x128xf32, #tpu.memory_space<vmem_shared>> -> memref<64x128xf32, #tpu.memory_space<vmem_shared>>
      %dma_wait3A_120 = arith.constant 0 : i32
      %dma_wait3A_121 = tpu.memref_slice %arg15[%add3A_34, %dma_wait3A_120] : memref<10240x128xf32, #tpu.memory_space<vmem_shared>> -> memref<64x128xf32, #tpu.memory_space<vmem_shared>>
      %dma_wait3A_122 = arith.constant 0 : i32
      %dma_wait3A_123 = arith.constant 0 : i32
      %dma_wait3A_124 = tpu.memref_slice %arg8[%run_scoped3A_35, %dma_wait3A_122, %dma_wait3A_123] : memref<3x64x128xf32, #tpu.memory_space<vmem>> -> memref<1x64x128xf32, #tpu.memory_space<vmem>>
      %dma_wait3A_125 = tpu.memref_squeeze %dma_wait3A_124 : memref<1x64x128xf32, #tpu.memory_space<vmem>> -> memref<64x128xf32, #tpu.memory_space<vmem>>
      tpu.wait_dma2 semaphore(%run_scoped3A_101 : memref<!tpu.dma_semaphore, #tpu.memory_space<semaphore_mem>>) src(%dma_wait3A_125 : memref<64x128xf32, #tpu.memory_space<vmem>>) dst(%dma_wait3A_121 : memref<64x128xf32, #tpu.memory_space<vmem_shared>>)
      tpu.yield
    }) : () -> ()
    %mul3A_36 = arith.constant 640 : i32
    %mul3A_37 = arith.muli %arg1, %mul3A_36 : i32
    %add3A_38 = arith.constant 384 : i32
    %add3A_39 = arith.addi %mul3A_37, %add3A_38 : i32
    %run_scoped3A_40 = arith.constant 0 : i32
    "tpu.region"() ({
      %run_scoped3A_101 = tpu.sem_alloc : memref<!tpu.dma_semaphore, #tpu.memory_space<semaphore_mem>>
      %dma_start3A_102 = arith.constant 0 : i32
      %dma_start3A_103 = arith.constant 0 : i32
      %dma_start3A_104 = tpu.memref_slice %arg8[%run_scoped3A_40, %dma_start3A_102, %dma_start3A_103] : memref<3x64x128xf32, #tpu.memory_space<vmem>> -> memref<1x64x128xf32, #tpu.memory_space<vmem>>
      %dma_start3A_105 = tpu.memref_squeeze %dma_start3A_104 : memref<1x64x128xf32, #tpu.memory_space<vmem>> -> memref<64x128xf32, #tpu.memory_space<vmem>>
      %dma_start3A_106 = arith.constant 0 : i32
      %dma_start3A_107 = tpu.memref_slice %arg15[%add3A_39, %dma_start3A_106] : memref<10240x128xf32, #tpu.memory_space<vmem_shared>> -> memref<64x128xf32, #tpu.memory_space<vmem_shared>>
      %dma_start3A_108 = arith.constant 0 : i32
      %dma_start3A_109 = tpu.memref_slice %arg15[%add3A_39, %dma_start3A_108] : memref<10240x128xf32, #tpu.memory_space<vmem_shared>> -> memref<64x128xf32, #tpu.memory_space<vmem_shared>>
      %dma_start3A_110 = arith.constant 0 : i32
      %dma_start3A_111 = arith.constant 0 : i32
      %dma_start3A_112 = tpu.memref_slice %arg8[%run_scoped3A_40, %dma_start3A_110, %dma_start3A_111] : memref<3x64x128xf32, #tpu.memory_space<vmem>> -> memref<1x64x128xf32, #tpu.memory_space<vmem>>
      %dma_start3A_113 = tpu.memref_squeeze %dma_start3A_112 : memref<1x64x128xf32, #tpu.memory_space<vmem>> -> memref<64x128xf32, #tpu.memory_space<vmem>>
      tpu.enqueue_dma source(%dma_start3A_113 : memref<64x128xf32, #tpu.memory_space<vmem>>) target(%dma_start3A_109 : memref<64x128xf32, #tpu.memory_space<vmem_shared>>) target_semaphore(%run_scoped3A_101 : memref<!tpu.dma_semaphore, #tpu.memory_space<semaphore_mem>>)
      %dma_wait3A_114 = arith.constant 0 : i32
      %dma_wait3A_115 = arith.constant 0 : i32
      %dma_wait3A_116 = tpu.memref_slice %arg8[%run_scoped3A_40, %dma_wait3A_114, %dma_wait3A_115] : memref<3x64x128xf32, #tpu.memory_space<vmem>> -> memref<1x64x128xf32, #tpu.memory_space<vmem>>
      %dma_wait3A_117 = tpu.memref_squeeze %dma_wait3A_116 : memref<1x64x128xf32, #tpu.memory_space<vmem>> -> memref<64x128xf32, #tpu.memory_space<vmem>>
      %dma_wait3A_118 = arith.constant 0 : i32
      %dma_wait3A_119 = tpu.memref_slice %arg15[%add3A_39, %dma_wait3A_118] : memref<10240x128xf32, #tpu.memory_space<vmem_shared>> -> memref<64x128xf32, #tpu.memory_space<vmem_shared>>
      %dma_wait3A_120 = arith.constant 0 : i32
      %dma_wait3A_121 = tpu.memref_slice %arg15[%add3A_39, %dma_wait3A_120] : memref<10240x128xf32, #tpu.memory_space<vmem_shared>> -> memref<64x128xf32, #tpu.memory_space<vmem_shared>>
      %dma_wait3A_122 = arith.constant 0 : i32
      %dma_wait3A_123 = arith.constant 0 : i32
      %dma_wait3A_124 = tpu.memref_slice %arg8[%run_scoped3A_40, %dma_wait3A_122, %dma_wait3A_123] : memref<3x64x128xf32, #tpu.memory_space<vmem>> -> memref<1x64x128xf32, #tpu.memory_space<vmem>>
      %dma_wait3A_125 = tpu.memref_squeeze %dma_wait3A_124 : memref<1x64x128xf32, #tpu.memory_space<vmem>> -> memref<64x128xf32, #tpu.memory_space<vmem>>
      tpu.wait_dma2 semaphore(%run_scoped3A_101 : memref<!tpu.dma_semaphore, #tpu.memory_space<semaphore_mem>>) src(%dma_wait3A_125 : memref<64x128xf32, #tpu.memory_space<vmem>>) dst(%dma_wait3A_121 : memref<64x128xf32, #tpu.memory_space<vmem_shared>>)
      tpu.yield
    }) : () -> ()
    %mul3A_41 = arith.constant 640 : i32
    %mul3A_42 = arith.muli %arg1, %mul3A_41 : i32
    %add3A_43 = arith.constant 448 : i32
    %add3A_44 = arith.addi %mul3A_42, %add3A_43 : i32
    %run_scoped3A_45 = arith.constant 0 : i32
    "tpu.region"() ({
      %run_scoped3A_101 = tpu.sem_alloc : memref<!tpu.dma_semaphore, #tpu.memory_space<semaphore_mem>>
      %dma_start3A_102 = arith.constant 0 : i32
      %dma_start3A_103 = arith.constant 0 : i32
      %dma_start3A_104 = tpu.memref_slice %arg8[%run_scoped3A_45, %dma_start3A_102, %dma_start3A_103] : memref<3x64x128xf32, #tpu.memory_space<vmem>> -> memref<1x64x128xf32, #tpu.memory_space<vmem>>
      %dma_start3A_105 = tpu.memref_squeeze %dma_start3A_104 : memref<1x64x128xf32, #tpu.memory_space<vmem>> -> memref<64x128xf32, #tpu.memory_space<vmem>>
      %dma_start3A_106 = arith.constant 0 : i32
      %dma_start3A_107 = tpu.memref_slice %arg15[%add3A_44, %dma_start3A_106] : memref<10240x128xf32, #tpu.memory_space<vmem_shared>> -> memref<64x128xf32, #tpu.memory_space<vmem_shared>>
      %dma_start3A_108 = arith.constant 0 : i32
      %dma_start3A_109 = tpu.memref_slice %arg15[%add3A_44, %dma_start3A_108] : memref<10240x128xf32, #tpu.memory_space<vmem_shared>> -> memref<64x128xf32, #tpu.memory_space<vmem_shared>>
      %dma_start3A_110 = arith.constant 0 : i32
      %dma_start3A_111 = arith.constant 0 : i32
      %dma_start3A_112 = tpu.memref_slice %arg8[%run_scoped3A_45, %dma_start3A_110, %dma_start3A_111] : memref<3x64x128xf32, #tpu.memory_space<vmem>> -> memref<1x64x128xf32, #tpu.memory_space<vmem>>
      %dma_start3A_113 = tpu.memref_squeeze %dma_start3A_112 : memref<1x64x128xf32, #tpu.memory_space<vmem>> -> memref<64x128xf32, #tpu.memory_space<vmem>>
      tpu.enqueue_dma source(%dma_start3A_113 : memref<64x128xf32, #tpu.memory_space<vmem>>) target(%dma_start3A_109 : memref<64x128xf32, #tpu.memory_space<vmem_shared>>) target_semaphore(%run_scoped3A_101 : memref<!tpu.dma_semaphore, #tpu.memory_space<semaphore_mem>>)
      %dma_wait3A_114 = arith.constant 0 : i32
      %dma_wait3A_115 = arith.constant 0 : i32
      %dma_wait3A_116 = tpu.memref_slice %arg8[%run_scoped3A_45, %dma_wait3A_114, %dma_wait3A_115] : memref<3x64x128xf32, #tpu.memory_space<vmem>> -> memref<1x64x128xf32, #tpu.memory_space<vmem>>
      %dma_wait3A_117 = tpu.memref_squeeze %dma_wait3A_116 : memref<1x64x128xf32, #tpu.memory_space<vmem>> -> memref<64x128xf32, #tpu.memory_space<vmem>>
      %dma_wait3A_118 = arith.constant 0 : i32
      %dma_wait3A_119 = tpu.memref_slice %arg15[%add3A_44, %dma_wait3A_118] : memref<10240x128xf32, #tpu.memory_space<vmem_shared>> -> memref<64x128xf32, #tpu.memory_space<vmem_shared>>
      %dma_wait3A_120 = arith.constant 0 : i32
      %dma_wait3A_121 = tpu.memref_slice %arg15[%add3A_44, %dma_wait3A_120] : memref<10240x128xf32, #tpu.memory_space<vmem_shared>> -> memref<64x128xf32, #tpu.memory_space<vmem_shared>>
      %dma_wait3A_122 = arith.constant 0 : i32
      %dma_wait3A_123 = arith.constant 0 : i32
      %dma_wait3A_124 = tpu.memref_slice %arg8[%run_scoped3A_45, %dma_wait3A_122, %dma_wait3A_123] : memref<3x64x128xf32, #tpu.memory_space<vmem>> -> memref<1x64x128xf32, #tpu.memory_space<vmem>>
      %dma_wait3A_125 = tpu.memref_squeeze %dma_wait3A_124 : memref<1x64x128xf32, #tpu.memory_space<vmem>> -> memref<64x128xf32, #tpu.memory_space<vmem>>
      tpu.wait_dma2 semaphore(%run_scoped3A_101 : memref<!tpu.dma_semaphore, #tpu.memory_space<semaphore_mem>>) src(%dma_wait3A_125 : memref<64x128xf32, #tpu.memory_space<vmem>>) dst(%dma_wait3A_121 : memref<64x128xf32, #tpu.memory_space<vmem_shared>>)
      tpu.yield
    }) : () -> ()
    %mul3A_46 = arith.constant 640 : i32
    %mul3A_47 = arith.muli %arg1, %mul3A_46 : i32
    %add3A_48 = arith.constant 512 : i32
    %add3A_49 = arith.addi %mul3A_47, %add3A_48 : i32
    %run_scoped3A_50 = arith.constant 0 : i32
    "tpu.region"() ({
      %run_scoped3A_101 = tpu.sem_alloc : memref<!tpu.dma_semaphore, #tpu.memory_space<semaphore_mem>>
      %dma_start3A_102 = arith.constant 0 : i32
      %dma_start3A_103 = arith.constant 0 : i32
      %dma_start3A_104 = tpu.memref_slice %arg8[%run_scoped3A_50, %dma_start3A_102, %dma_start3A_103] : memref<3x64x128xf32, #tpu.memory_space<vmem>> -> memref<1x64x128xf32, #tpu.memory_space<vmem>>
      %dma_start3A_105 = tpu.memref_squeeze %dma_start3A_104 : memref<1x64x128xf32, #tpu.memory_space<vmem>> -> memref<64x128xf32, #tpu.memory_space<vmem>>
      %dma_start3A_106 = arith.constant 0 : i32
      %dma_start3A_107 = tpu.memref_slice %arg15[%add3A_49, %dma_start3A_106] : memref<10240x128xf32, #tpu.memory_space<vmem_shared>> -> memref<64x128xf32, #tpu.memory_space<vmem_shared>>
      %dma_start3A_108 = arith.constant 0 : i32
      %dma_start3A_109 = tpu.memref_slice %arg15[%add3A_49, %dma_start3A_108] : memref<10240x128xf32, #tpu.memory_space<vmem_shared>> -> memref<64x128xf32, #tpu.memory_space<vmem_shared>>
      %dma_start3A_110 = arith.constant 0 : i32
      %dma_start3A_111 = arith.constant 0 : i32
      %dma_start3A_112 = tpu.memref_slice %arg8[%run_scoped3A_50, %dma_start3A_110, %dma_start3A_111] : memref<3x64x128xf32, #tpu.memory_space<vmem>> -> memref<1x64x128xf32, #tpu.memory_space<vmem>>
      %dma_start3A_113 = tpu.memref_squeeze %dma_start3A_112 : memref<1x64x128xf32, #tpu.memory_space<vmem>> -> memref<64x128xf32, #tpu.memory_space<vmem>>
      tpu.enqueue_dma source(%dma_start3A_113 : memref<64x128xf32, #tpu.memory_space<vmem>>) target(%dma_start3A_109 : memref<64x128xf32, #tpu.memory_space<vmem_shared>>) target_semaphore(%run_scoped3A_101 : memref<!tpu.dma_semaphore, #tpu.memory_space<semaphore_mem>>)
      %dma_wait3A_114 = arith.constant 0 : i32
      %dma_wait3A_115 = arith.constant 0 : i32
      %dma_wait3A_116 = tpu.memref_slice %arg8[%run_scoped3A_50, %dma_wait3A_114, %dma_wait3A_115] : memref<3x64x128xf32, #tpu.memory_space<vmem>> -> memref<1x64x128xf32, #tpu.memory_space<vmem>>
      %dma_wait3A_117 = tpu.memref_squeeze %dma_wait3A_116 : memref<1x64x128xf32, #tpu.memory_space<vmem>> -> memref<64x128xf32, #tpu.memory_space<vmem>>
      %dma_wait3A_118 = arith.constant 0 : i32
      %dma_wait3A_119 = tpu.memref_slice %arg15[%add3A_49, %dma_wait3A_118] : memref<10240x128xf32, #tpu.memory_space<vmem_shared>> -> memref<64x128xf32, #tpu.memory_space<vmem_shared>>
      %dma_wait3A_120 = arith.constant 0 : i32
      %dma_wait3A_121 = tpu.memref_slice %arg15[%add3A_49, %dma_wait3A_120] : memref<10240x128xf32, #tpu.memory_space<vmem_shared>> -> memref<64x128xf32, #tpu.memory_space<vmem_shared>>
      %dma_wait3A_122 = arith.constant 0 : i32
      %dma_wait3A_123 = arith.constant 0 : i32
      %dma_wait3A_124 = tpu.memref_slice %arg8[%run_scoped3A_50, %dma_wait3A_122, %dma_wait3A_123] : memref<3x64x128xf32, #tpu.memory_space<vmem>> -> memref<1x64x128xf32, #tpu.memory_space<vmem>>
      %dma_wait3A_125 = tpu.memref_squeeze %dma_wait3A_124 : memref<1x64x128xf32, #tpu.memory_space<vmem>> -> memref<64x128xf32, #tpu.memory_space<vmem>>
      tpu.wait_dma2 semaphore(%run_scoped3A_101 : memref<!tpu.dma_semaphore, #tpu.memory_space<semaphore_mem>>) src(%dma_wait3A_125 : memref<64x128xf32, #tpu.memory_space<vmem>>) dst(%dma_wait3A_121 : memref<64x128xf32, #tpu.memory_space<vmem_shared>>)
      tpu.yield
    }) : () -> ()
    %mul3A_51 = arith.constant 640 : i32
    %mul3A_52 = arith.muli %arg1, %mul3A_51 : i32
    %add3A_53 = arith.constant 576 : i32
    %add3A_54 = arith.addi %mul3A_52, %add3A_53 : i32
    %run_scoped3A_55 = arith.constant 0 : i32
    "tpu.region"() ({
      %run_scoped3A_101 = tpu.sem_alloc : memref<!tpu.dma_semaphore, #tpu.memory_space<semaphore_mem>>
      %dma_start3A_102 = arith.constant 0 : i32
      %dma_start3A_103 = arith.constant 0 : i32
      %dma_start3A_104 = tpu.memref_slice %arg8[%run_scoped3A_55, %dma_start3A_102, %dma_start3A_103] : memref<3x64x128xf32, #tpu.memory_space<vmem>> -> memref<1x64x128xf32, #tpu.memory_space<vmem>>
      %dma_start3A_105 = tpu.memref_squeeze %dma_start3A_104 : memref<1x64x128xf32, #tpu.memory_space<vmem>> -> memref<64x128xf32, #tpu.memory_space<vmem>>
      %dma_start3A_106 = arith.constant 0 : i32
      %dma_start3A_107 = tpu.memref_slice %arg15[%add3A_54, %dma_start3A_106] : memref<10240x128xf32, #tpu.memory_space<vmem_shared>> -> memref<64x128xf32, #tpu.memory_space<vmem_shared>>
      %dma_start3A_108 = arith.constant 0 : i32
      %dma_start3A_109 = tpu.memref_slice %arg15[%add3A_54, %dma_start3A_108] : memref<10240x128xf32, #tpu.memory_space<vmem_shared>> -> memref<64x128xf32, #tpu.memory_space<vmem_shared>>
      %dma_start3A_110 = arith.constant 0 : i32
      %dma_start3A_111 = arith.constant 0 : i32
      %dma_start3A_112 = tpu.memref_slice %arg8[%run_scoped3A_55, %dma_start3A_110, %dma_start3A_111] : memref<3x64x128xf32, #tpu.memory_space<vmem>> -> memref<1x64x128xf32, #tpu.memory_space<vmem>>
      %dma_start3A_113 = tpu.memref_squeeze %dma_start3A_112 : memref<1x64x128xf32, #tpu.memory_space<vmem>> -> memref<64x128xf32, #tpu.memory_space<vmem>>
      tpu.enqueue_dma source(%dma_start3A_113 : memref<64x128xf32, #tpu.memory_space<vmem>>) target(%dma_start3A_109 : memref<64x128xf32, #tpu.memory_space<vmem_shared>>) target_semaphore(%run_scoped3A_101 : memref<!tpu.dma_semaphore, #tpu.memory_space<semaphore_mem>>)
      %dma_wait3A_114 = arith.constant 0 : i32
      %dma_wait3A_115 = arith.constant 0 : i32
      %dma_wait3A_116 = tpu.memref_slice %arg8[%run_scoped3A_55, %dma_wait3A_114, %dma_wait3A_115] : memref<3x64x128xf32, #tpu.memory_space<vmem>> -> memref<1x64x128xf32, #tpu.memory_space<vmem>>
      %dma_wait3A_117 = tpu.memref_squeeze %dma_wait3A_116 : memref<1x64x128xf32, #tpu.memory_space<vmem>> -> memref<64x128xf32, #tpu.memory_space<vmem>>
      %dma_wait3A_118 = arith.constant 0 : i32
      %dma_wait3A_119 = tpu.memref_slice %arg15[%add3A_54, %dma_wait3A_118] : memref<10240x128xf32, #tpu.memory_space<vmem_shared>> -> memref<64x128xf32, #tpu.memory_space<vmem_shared>>
      %dma_wait3A_120 = arith.constant 0 : i32
      %dma_wait3A_121 = tpu.memref_slice %arg15[%add3A_54, %dma_wait3A_120] : memref<10240x128xf32, #tpu.memory_space<vmem_shared>> -> memref<64x128xf32, #tpu.memory_space<vmem_shared>>
      %dma_wait3A_122 = arith.constant 0 : i32
      %dma_wait3A_123 = arith.constant 0 : i32
      %dma_wait3A_124 = tpu.memref_slice %arg8[%run_scoped3A_55, %dma_wait3A_122, %dma_wait3A_123] : memref<3x64x128xf32, #tpu.memory_space<vmem>> -> memref<1x64x128xf32, #tpu.memory_space<vmem>>
      %dma_wait3A_125 = tpu.memref_squeeze %dma_wait3A_124 : memref<1x64x128xf32, #tpu.memory_space<vmem>> -> memref<64x128xf32, #tpu.memory_space<vmem>>
      tpu.wait_dma2 semaphore(%run_scoped3A_101 : memref<!tpu.dma_semaphore, #tpu.memory_space<semaphore_mem>>) src(%dma_wait3A_125 : memref<64x128xf32, #tpu.memory_space<vmem>>) dst(%dma_wait3A_121 : memref<64x128xf32, #tpu.memory_space<vmem_shared>>)
      tpu.yield
    }) : () -> ()
    "tpu.region"() ({
      %run_scoped3A_101 = tpu.sem_alloc : memref<!tpu.dma_semaphore, #tpu.memory_space<semaphore_mem>>
      %dma_start3A_102 = arith.constant 0 : i32
      %dma_start3A_103 = arith.constant 0 : i32
      %dma_start3A_104 = tpu.memref_slice %arg3[%add3A, %dma_start3A_102, %dma_start3A_103] : memref<32x159x64xi32, #tpu.memory_space<hbm>> -> memref<1x159x64xi32, #tpu.memory_space<hbm>>
      %dma_start3A_105 = tpu.memref_squeeze %dma_start3A_104 : memref<1x159x64xi32, #tpu.memory_space<hbm>> -> memref<159x64xi32, #tpu.memory_space<hbm>>
      %dma_start3A_106 = arith.constant 0 : i32
      %dma_start3A_107 = arith.constant 0 : i32
      %dma_start3A_108 = tpu.memref_slice %arg3[%add3A, %dma_start3A_106, %dma_start3A_107] : memref<32x159x64xi32, #tpu.memory_space<hbm>> -> memref<1x159x64xi32, #tpu.memory_space<hbm>>
      %dma_start3A_109 = tpu.memref_squeeze %dma_start3A_108 : memref<1x159x64xi32, #tpu.memory_space<hbm>> -> memref<159x64xi32, #tpu.memory_space<hbm>>
      tpu.enqueue_dma source(%dma_start3A_109 : memref<159x64xi32, #tpu.memory_space<hbm>>) target(%arg6 : memref<159x64xi32, #tpu.memory_space<vmem>>) target_semaphore(%run_scoped3A_101 : memref<!tpu.dma_semaphore, #tpu.memory_space<semaphore_mem>>)
      %dma_wait3A_110 = arith.constant 0 : i32
      %dma_wait3A_111 = arith.constant 0 : i32
      %dma_wait3A_112 = tpu.memref_slice %arg3[%add3A, %dma_wait3A_110, %dma_wait3A_111] : memref<32x159x64xi32, #tpu.memory_space<hbm>> -> memref<1x159x64xi32, #tpu.memory_space<hbm>>
      %dma_wait3A_113 = tpu.memref_squeeze %dma_wait3A_112 : memref<1x159x64xi32, #tpu.memory_space<hbm>> -> memref<159x64xi32, #tpu.memory_space<hbm>>
      %dma_wait3A_114 = arith.constant 0 : i32
      %dma_wait3A_115 = arith.constant 0 : i32
      %dma_wait3A_116 = tpu.memref_slice %arg3[%add3A, %dma_wait3A_114, %dma_wait3A_115] : memref<32x159x64xi32, #tpu.memory_space<hbm>> -> memref<1x159x64xi32, #tpu.memory_space<hbm>>
      %dma_wait3A_117 = tpu.memref_squeeze %dma_wait3A_116 : memref<1x159x64xi32, #tpu.memory_space<hbm>> -> memref<159x64xi32, #tpu.memory_space<hbm>>
      tpu.wait_dma2 semaphore(%run_scoped3A_101 : memref<!tpu.dma_semaphore, #tpu.memory_space<semaphore_mem>>) src(%dma_wait3A_117 : memref<159x64xi32, #tpu.memory_space<hbm>>) dst(%arg6 : memref<159x64xi32, #tpu.memory_space<vmem>>)
      tpu.yield
    }) : () -> ()
    "tpu.region"() ({
      %run_scoped3A_101 = tpu.sem_alloc : memref<!tpu.dma_semaphore, #tpu.memory_space<semaphore_mem>>
      %dma_start3A_102 = arith.constant 0 : i32
      %dma_start3A_103 = arith.constant 0 : i32
      %dma_start3A_104 = tpu.memref_slice %arg4[%add3A, %dma_start3A_102, %dma_start3A_103] : memref<32x159x64xi32, #tpu.memory_space<hbm>> -> memref<1x159x64xi32, #tpu.memory_space<hbm>>
      %dma_start3A_105 = tpu.memref_squeeze %dma_start3A_104 : memref<1x159x64xi32, #tpu.memory_space<hbm>> -> memref<159x64xi32, #tpu.memory_space<hbm>>
      %dma_start3A_106 = arith.constant 0 : i32
      %dma_start3A_107 = arith.constant 0 : i32
      %dma_start3A_108 = tpu.memref_slice %arg4[%add3A, %dma_start3A_106, %dma_start3A_107] : memref<32x159x64xi32, #tpu.memory_space<hbm>> -> memref<1x159x64xi32, #tpu.memory_space<hbm>>
      %dma_start3A_109 = tpu.memref_squeeze %dma_start3A_108 : memref<1x159x64xi32, #tpu.memory_space<hbm>> -> memref<159x64xi32, #tpu.memory_space<hbm>>
      tpu.enqueue_dma source(%dma_start3A_109 : memref<159x64xi32, #tpu.memory_space<hbm>>) target(%arg7 : memref<159x64xi32, #tpu.memory_space<vmem>>) target_semaphore(%run_scoped3A_101 : memref<!tpu.dma_semaphore, #tpu.memory_space<semaphore_mem>>)
      %dma_wait3A_110 = arith.constant 0 : i32
      %dma_wait3A_111 = arith.constant 0 : i32
      %dma_wait3A_112 = tpu.memref_slice %arg4[%add3A, %dma_wait3A_110, %dma_wait3A_111] : memref<32x159x64xi32, #tpu.memory_space<hbm>> -> memref<1x159x64xi32, #tpu.memory_space<hbm>>
      %dma_wait3A_113 = tpu.memref_squeeze %dma_wait3A_112 : memref<1x159x64xi32, #tpu.memory_space<hbm>> -> memref<159x64xi32, #tpu.memory_space<hbm>>
      %dma_wait3A_114 = arith.constant 0 : i32
      %dma_wait3A_115 = arith.constant 0 : i32
      %dma_wait3A_116 = tpu.memref_slice %arg4[%add3A, %dma_wait3A_114, %dma_wait3A_115] : memref<32x159x64xi32, #tpu.memory_space<hbm>> -> memref<1x159x64xi32, #tpu.memory_space<hbm>>
      %dma_wait3A_117 = tpu.memref_squeeze %dma_wait3A_116 : memref<1x159x64xi32, #tpu.memory_space<hbm>> -> memref<159x64xi32, #tpu.memory_space<hbm>>
      tpu.wait_dma2 semaphore(%run_scoped3A_101 : memref<!tpu.dma_semaphore, #tpu.memory_space<semaphore_mem>>) src(%dma_wait3A_117 : memref<159x64xi32, #tpu.memory_space<hbm>>) dst(%arg7 : memref<159x64xi32, #tpu.memory_space<vmem>>)
      tpu.yield
    }) : () -> ()
    %barrier3A = arith.constant 0 : index
    tpu.barrier barrier_id(%barrier3A)
    %dma_start3A = arith.constant 0 : i32
    %dma_start3A_56 = arith.constant 0 : i32
    %dma_start3A_57 = arith.constant 0 : i32
    %dma_start3A_58 = arith.constant 0 : i32
    %dma_start3A_59 = tpu.memref_slice %arg8[%dma_start3A_56, %dma_start3A_57, %dma_start3A_58] : memref<3x64x128xf32, #tpu.memory_space<vmem>> -> memref<1x64x128xf32, #tpu.memory_space<vmem>>
    %dma_start3A_60 = tpu.memref_squeeze %dma_start3A_59 : memref<1x64x128xf32, #tpu.memory_space<vmem>> -> memref<64x128xf32, #tpu.memory_space<vmem>>
    %dma_start3A_61 = arith.constant 0 : i32
    %dma_start3A_62 = tpu.memref_slice %arg6[%dma_start3A, %dma_start3A_61] : memref<159x64xi32, #tpu.memory_space<vmem>> -> memref<1x64xi32, #tpu.memory_space<vmem>>
    %dma_start3A_63 = tpu.memref_squeeze %dma_start3A_62 : memref<1x64xi32, #tpu.memory_space<vmem>> -> memref<64xi32, #tpu.memory_space<vmem>>
    %dma_start3A_64 = arith.constant 0 : i32
    %dma_start3A_65 = arith.constant 0 : i32
    %dma_start3A_66 = tpu.memref_slice %arg2[%dma_start3A_64, %dma_start3A_65] : memref<10000x128xf32, #tpu.memory_space<hbm>> -> memref<10000x128xf32, #tpu.memory_space<hbm>>
    tpu.enqueue_indirect_dma source(%dma_start3A_66 : memref<10000x128xf32, #tpu.memory_space<hbm>>) target(%dma_start3A_60 : memref<64x128xf32, #tpu.memory_space<vmem>>) offsets(%dma_start3A_63 : memref<64xi32, #tpu.memory_space<vmem>>) semaphore(%arg9 : memref<!tpu.dma_semaphore, #tpu.memory_space<semaphore_mem>>)
    %dma_start3A_67 = arith.constant 1 : i32
    %dma_start3A_68 = arith.constant 1 : i32
    %dma_start3A_69 = arith.constant 0 : i32
    %dma_start3A_70 = arith.constant 0 : i32
    %dma_start3A_71 = tpu.memref_slice %arg8[%dma_start3A_68, %dma_start3A_69, %dma_start3A_70] : memref<3x64x128xf32, #tpu.memory_space<vmem>> -> memref<1x64x128xf32, #tpu.memory_space<vmem>>
    %dma_start3A_72 = tpu.memref_squeeze %dma_start3A_71 : memref<1x64x128xf32, #tpu.memory_space<vmem>> -> memref<64x128xf32, #tpu.memory_space<vmem>>
    %dma_start3A_73 = arith.constant 0 : i32
    %dma_start3A_74 = tpu.memref_slice %arg6[%dma_start3A_67, %dma_start3A_73] : memref<159x64xi32, #tpu.memory_space<vmem>> -> memref<1x64xi32, #tpu.memory_space<vmem>>
    %dma_start3A_75 = tpu.memref_squeeze %dma_start3A_74 : memref<1x64xi32, #tpu.memory_space<vmem>> -> memref<64xi32, #tpu.memory_space<vmem>>
    %dma_start3A_76 = arith.constant 0 : i32
    %dma_start3A_77 = arith.constant 0 : i32
    %dma_start3A_78 = tpu.memref_slice %arg2[%dma_start3A_76, %dma_start3A_77] : memref<10000x128xf32, #tpu.memory_space<hbm>> -> memref<10000x128xf32, #tpu.memory_space<hbm>>
    tpu.enqueue_indirect_dma source(%dma_start3A_78 : memref<10000x128xf32, #tpu.memory_space<hbm>>) target(%dma_start3A_72 : memref<64x128xf32, #tpu.memory_space<vmem>>) offsets(%dma_start3A_75 : memref<64xi32, #tpu.memory_space<vmem>>) semaphore(%arg10 : memref<!tpu.dma_semaphore, #tpu.memory_space<semaphore_mem>>)
    %scan3A_79 = arith.constant 0 : i32
    %scan3A_80 = arith.constant 0 : i32
    %scan3A_81 = arith.constant 53 : i32
    %scan3A_82 = arith.addi %scan3A_80, %scan3A_81 : i32
    %scan3A_83 = arith.constant 1 : i32
    scf.for %scan3A_101 = %scan3A_80 to %scan3A_82 step %scan3A_83  : i32 {
      %mul3A_102 = arith.constant 3 : i32
      %mul3A_103 = arith.muli %scan3A_101, %mul3A_102 : i32
      %add3A_104 = arith.constant 0 : i32
      %add3A_105 = arith.addi %mul3A_103, %add3A_104 : i32
      %dma_wait3A_106 = arith.constant 0 : i32
      %dma_wait3A_107 = arith.constant 0 : i32
      %dma_wait3A_108 = arith.constant 0 : i32
      %dma_wait3A_109 = tpu.memref_slice %arg8[%dma_wait3A_106, %dma_wait3A_107, %dma_wait3A_108] : memref<3x64x128xf32, #tpu.memory_space<vmem>> -> memref<1x64x128xf32, #tpu.memory_space<vmem>>
      %dma_wait3A_110 = tpu.memref_squeeze %dma_wait3A_109 : memref<1x64x128xf32, #tpu.memory_space<vmem>> -> memref<64x128xf32, #tpu.memory_space<vmem>>
      %dma_wait3A_111 = arith.constant 0 : i32
      %dma_wait3A_112 = tpu.memref_slice %arg6[%add3A_105, %dma_wait3A_111] : memref<159x64xi32, #tpu.memory_space<vmem>> -> memref<1x64xi32, #tpu.memory_space<vmem>>
      %dma_wait3A_113 = tpu.memref_squeeze %dma_wait3A_112 : memref<1x64xi32, #tpu.memory_space<vmem>> -> memref<64xi32, #tpu.memory_space<vmem>>
      %dma_wait3A_114 = arith.constant 0 : i32
      %dma_wait3A_115 = arith.constant 0 : i32
      %dma_wait3A_116 = tpu.memref_slice %arg2[%dma_wait3A_114, %dma_wait3A_115] : memref<10000x128xf32, #tpu.memory_space<hbm>> -> memref<10000x128xf32, #tpu.memory_space<hbm>>
      tpu.wait_indirect_dma semaphore(%arg9 : memref<!tpu.dma_semaphore, #tpu.memory_space<semaphore_mem>>) src(%dma_wait3A_116 : memref<10000x128xf32, #tpu.memory_space<hbm>>) dst(%dma_wait3A_110 : memref<64x128xf32, #tpu.memory_space<vmem>>)
      %dma_start3A_117 = arith.constant 0 : i32
      %dma_start3A_118 = arith.constant 0 : i32
      %dma_start3A_119 = arith.constant 0 : i32
      %dma_start3A_120 = tpu.memref_slice %arg8[%dma_start3A_117, %dma_start3A_118, %dma_start3A_119] : memref<3x64x128xf32, #tpu.memory_space<vmem>> -> memref<1x64x128xf32, #tpu.memory_space<vmem>>
      %dma_start3A_121 = tpu.memref_squeeze %dma_start3A_120 : memref<1x64x128xf32, #tpu.memory_space<vmem>> -> memref<64x128xf32, #tpu.memory_space<vmem>>
      %dma_start3A_122 = arith.constant 0 : i32
      %dma_start3A_123 = tpu.memref_slice %arg7[%add3A_105, %dma_start3A_122] : memref<159x64xi32, #tpu.memory_space<vmem>> -> memref<1x64xi32, #tpu.memory_space<vmem>>
      %dma_start3A_124 = tpu.memref_squeeze %dma_start3A_123 : memref<1x64xi32, #tpu.memory_space<vmem>> -> memref<64xi32, #tpu.memory_space<vmem>>
      %dma_start3A_125 = arith.constant 0 : i32
      %dma_start3A_126 = arith.constant 0 : i32
      %dma_start3A_127 = tpu.memref_slice %arg15[%dma_start3A_125, %dma_start3A_126] : memref<10240x128xf32, #tpu.memory_space<vmem_shared>> -> memref<10240x128xf32, #tpu.memory_space<vmem_shared>>
      tpu.enqueue_indirect_dma source(%dma_start3A_121 : memref<64x128xf32, #tpu.memory_space<vmem>>) target(%dma_start3A_127 : memref<10240x128xf32, #tpu.memory_space<vmem_shared>>) offsets(%dma_start3A_124 : memref<64xi32, #tpu.memory_space<vmem>>) semaphore(%arg12 : memref<!tpu.dma_semaphore, #tpu.memory_space<semaphore_mem>>) {add = true}
      %ge3A = arith.constant 1 : i32
      %ge3A_128 = arith.cmpi sge, %add3A_105, %ge3A : i32
      %convert_element_type3A = arith.extui %ge3A_128 : i1 to i32
      %cond3A = arith.constant 0 : i32
      %cond3A_129 = arith.cmpi ne, %convert_element_type3A, %cond3A : i32
      scf.if %cond3A_129 {
        %sub3A = arith.constant 1 : i32
        %sub3A_212 = arith.subi %add3A_105, %sub3A : i32
        %dma_wait3A_213 = arith.constant 2 : i32
        %dma_wait3A_214 = arith.constant 0 : i32
        %dma_wait3A_215 = arith.constant 0 : i32
        %dma_wait3A_216 = tpu.memref_slice %arg8[%dma_wait3A_213, %dma_wait3A_214, %dma_wait3A_215] : memref<3x64x128xf32, #tpu.memory_space<vmem>> -> memref<1x64x128xf32, #tpu.memory_space<vmem>>
        %dma_wait3A_217 = tpu.memref_squeeze %dma_wait3A_216 : memref<1x64x128xf32, #tpu.memory_space<vmem>> -> memref<64x128xf32, #tpu.memory_space<vmem>>
        %dma_wait3A_218 = arith.constant 0 : i32
        %dma_wait3A_219 = tpu.memref_slice %arg7[%sub3A_212, %dma_wait3A_218] : memref<159x64xi32, #tpu.memory_space<vmem>> -> memref<1x64xi32, #tpu.memory_space<vmem>>
        %dma_wait3A_220 = tpu.memref_squeeze %dma_wait3A_219 : memref<1x64xi32, #tpu.memory_space<vmem>> -> memref<64xi32, #tpu.memory_space<vmem>>
        %dma_wait3A_221 = arith.constant 0 : i32
        %dma_wait3A_222 = arith.constant 0 : i32
        %dma_wait3A_223 = tpu.memref_slice %arg15[%dma_wait3A_221, %dma_wait3A_222] : memref<10240x128xf32, #tpu.memory_space<vmem_shared>> -> memref<10240x128xf32, #tpu.memory_space<vmem_shared>>
        tpu.wait_indirect_dma semaphore(%arg14 : memref<!tpu.dma_semaphore, #tpu.memory_space<semaphore_mem>>) src(%dma_wait3A_217 : memref<64x128xf32, #tpu.memory_space<vmem>>) dst(%dma_wait3A_223 : memref<10240x128xf32, #tpu.memory_space<vmem_shared>>)
      } else {
      }
      %add3A_130 = arith.constant 2 : i32
      %add3A_131 = arith.addi %add3A_105, %add3A_130 : i32
      %lt3A = arith.constant 159 : i32
      %lt3A_132 = arith.cmpi slt, %add3A_131, %lt3A : i32
      %convert_element_type3A_133 = arith.extui %lt3A_132 : i1 to i32
      %cond3A_134 = arith.constant 0 : i32
      %cond3A_135 = arith.cmpi ne, %convert_element_type3A_133, %cond3A_134 : i32
      scf.if %cond3A_135 {
        %add3A_212 = arith.constant 2 : i32
        %add3A_213 = arith.addi %add3A_105, %add3A_212 : i32
        %dma_start3A_214 = arith.constant 2 : i32
        %dma_start3A_215 = arith.constant 0 : i32
        %dma_start3A_216 = arith.constant 0 : i32
        %dma_start3A_217 = tpu.memref_slice %arg8[%dma_start3A_214, %dma_start3A_215, %dma_start3A_216] : memref<3x64x128xf32, #tpu.memory_space<vmem>> -> memref<1x64x128xf32, #tpu.memory_space<vmem>>
        %dma_start3A_218 = tpu.memref_squeeze %dma_start3A_217 : memref<1x64x128xf32, #tpu.memory_space<vmem>> -> memref<64x128xf32, #tpu.memory_space<vmem>>
        %dma_start3A_219 = arith.constant 0 : i32
        %dma_start3A_220 = tpu.memref_slice %arg6[%add3A_213, %dma_start3A_219] : memref<159x64xi32, #tpu.memory_space<vmem>> -> memref<1x64xi32, #tpu.memory_space<vmem>>
        %dma_start3A_221 = tpu.memref_squeeze %dma_start3A_220 : memref<1x64xi32, #tpu.memory_space<vmem>> -> memref<64xi32, #tpu.memory_space<vmem>>
        %dma_start3A_222 = arith.constant 0 : i32
        %dma_start3A_223 = arith.constant 0 : i32
        %dma_start3A_224 = tpu.memref_slice %arg2[%dma_start3A_222, %dma_start3A_223] : memref<10000x128xf32, #tpu.memory_space<hbm>> -> memref<10000x128xf32, #tpu.memory_space<hbm>>
        tpu.enqueue_indirect_dma source(%dma_start3A_224 : memref<10000x128xf32, #tpu.memory_space<hbm>>) target(%dma_start3A_218 : memref<64x128xf32, #tpu.memory_space<vmem>>) offsets(%dma_start3A_221 : memref<64xi32, #tpu.memory_space<vmem>>) semaphore(%arg11 : memref<!tpu.dma_semaphore, #tpu.memory_space<semaphore_mem>>)
      } else {
      }
      %mul3A_136 = arith.constant 3 : i32
      %mul3A_137 = arith.muli %scan3A_101, %mul3A_136 : i32
      %add3A_138 = arith.constant 1 : i32
      %add3A_139 = arith.addi %mul3A_137, %add3A_138 : i32
      %dma_wait3A_140 = arith.constant 1 : i32
      %dma_wait3A_141 = arith.constant 0 : i32
      %dma_wait3A_142 = arith.constant 0 : i32
      %dma_wait3A_143 = tpu.memref_slice %arg8[%dma_wait3A_140, %dma_wait3A_141, %dma_wait3A_142] : memref<3x64x128xf32, #tpu.memory_space<vmem>> -> memref<1x64x128xf32, #tpu.memory_space<vmem>>
      %dma_wait3A_144 = tpu.memref_squeeze %dma_wait3A_143 : memref<1x64x128xf32, #tpu.memory_space<vmem>> -> memref<64x128xf32, #tpu.memory_space<vmem>>
      %dma_wait3A_145 = arith.constant 0 : i32
      %dma_wait3A_146 = tpu.memref_slice %arg6[%add3A_139, %dma_wait3A_145] : memref<159x64xi32, #tpu.memory_space<vmem>> -> memref<1x64xi32, #tpu.memory_space<vmem>>
      %dma_wait3A_147 = tpu.memref_squeeze %dma_wait3A_146 : memref<1x64xi32, #tpu.memory_space<vmem>> -> memref<64xi32, #tpu.memory_space<vmem>>
      %dma_wait3A_148 = arith.constant 0 : i32
      %dma_wait3A_149 = arith.constant 0 : i32
      %dma_wait3A_150 = tpu.memref_slice %arg2[%dma_wait3A_148, %dma_wait3A_149] : memref<10000x128xf32, #tpu.memory_space<hbm>> -> memref<10000x128xf32, #tpu.memory_space<hbm>>
      tpu.wait_indirect_dma semaphore(%arg10 : memref<!tpu.dma_semaphore, #tpu.memory_space<semaphore_mem>>) src(%dma_wait3A_150 : memref<10000x128xf32, #tpu.memory_space<hbm>>) dst(%dma_wait3A_144 : memref<64x128xf32, #tpu.memory_space<vmem>>)
      %dma_start3A_151 = arith.constant 1 : i32
      %dma_start3A_152 = arith.constant 0 : i32
      %dma_start3A_153 = arith.constant 0 : i32
      %dma_start3A_154 = tpu.memref_slice %arg8[%dma_start3A_151, %dma_start3A_152, %dma_start3A_153] : memref<3x64x128xf32, #tpu.memory_space<vmem>> -> memref<1x64x128xf32, #tpu.memory_space<vmem>>
      %dma_start3A_155 = tpu.memref_squeeze %dma_start3A_154 : memref<1x64x128xf32, #tpu.memory_space<vmem>> -> memref<64x128xf32, #tpu.memory_space<vmem>>
      %dma_start3A_156 = arith.constant 0 : i32
      %dma_start3A_157 = tpu.memref_slice %arg7[%add3A_139, %dma_start3A_156] : memref<159x64xi32, #tpu.memory_space<vmem>> -> memref<1x64xi32, #tpu.memory_space<vmem>>
      %dma_start3A_158 = tpu.memref_squeeze %dma_start3A_157 : memref<1x64xi32, #tpu.memory_space<vmem>> -> memref<64xi32, #tpu.memory_space<vmem>>
      %dma_start3A_159 = arith.constant 0 : i32
      %dma_start3A_160 = arith.constant 0 : i32
      %dma_start3A_161 = tpu.memref_slice %arg15[%dma_start3A_159, %dma_start3A_160] : memref<10240x128xf32, #tpu.memory_space<vmem_shared>> -> memref<10240x128xf32, #tpu.memory_space<vmem_shared>>
      tpu.enqueue_indirect_dma source(%dma_start3A_155 : memref<64x128xf32, #tpu.memory_space<vmem>>) target(%dma_start3A_161 : memref<10240x128xf32, #tpu.memory_space<vmem_shared>>) offsets(%dma_start3A_158 : memref<64xi32, #tpu.memory_space<vmem>>) semaphore(%arg13 : memref<!tpu.dma_semaphore, #tpu.memory_space<semaphore_mem>>) {add = true}
      %ge3A_162 = arith.constant 1 : i32
      %ge3A_163 = arith.cmpi sge, %add3A_139, %ge3A_162 : i32
      %convert_element_type3A_164 = arith.extui %ge3A_163 : i1 to i32
      %cond3A_165 = arith.constant 0 : i32
      %cond3A_166 = arith.cmpi ne, %convert_element_type3A_164, %cond3A_165 : i32
      scf.if %cond3A_166 {
        %sub3A = arith.constant 1 : i32
        %sub3A_212 = arith.subi %add3A_139, %sub3A : i32
        %dma_wait3A_213 = arith.constant 0 : i32
        %dma_wait3A_214 = arith.constant 0 : i32
        %dma_wait3A_215 = arith.constant 0 : i32
        %dma_wait3A_216 = tpu.memref_slice %arg8[%dma_wait3A_213, %dma_wait3A_214, %dma_wait3A_215] : memref<3x64x128xf32, #tpu.memory_space<vmem>> -> memref<1x64x128xf32, #tpu.memory_space<vmem>>
        %dma_wait3A_217 = tpu.memref_squeeze %dma_wait3A_216 : memref<1x64x128xf32, #tpu.memory_space<vmem>> -> memref<64x128xf32, #tpu.memory_space<vmem>>
        %dma_wait3A_218 = arith.constant 0 : i32
        %dma_wait3A_219 = tpu.memref_slice %arg7[%sub3A_212, %dma_wait3A_218] : memref<159x64xi32, #tpu.memory_space<vmem>> -> memref<1x64xi32, #tpu.memory_space<vmem>>
        %dma_wait3A_220 = tpu.memref_squeeze %dma_wait3A_219 : memref<1x64xi32, #tpu.memory_space<vmem>> -> memref<64xi32, #tpu.memory_space<vmem>>
        %dma_wait3A_221 = arith.constant 0 : i32
        %dma_wait3A_222 = arith.constant 0 : i32
        %dma_wait3A_223 = tpu.memref_slice %arg15[%dma_wait3A_221, %dma_wait3A_222] : memref<10240x128xf32, #tpu.memory_space<vmem_shared>> -> memref<10240x128xf32, #tpu.memory_space<vmem_shared>>
        tpu.wait_indirect_dma semaphore(%arg12 : memref<!tpu.dma_semaphore, #tpu.memory_space<semaphore_mem>>) src(%dma_wait3A_217 : memref<64x128xf32, #tpu.memory_space<vmem>>) dst(%dma_wait3A_223 : memref<10240x128xf32, #tpu.memory_space<vmem_shared>>)
      } else {
      }
      %add3A_167 = arith.constant 2 : i32
      %add3A_168 = arith.addi %add3A_139, %add3A_167 : i32
      %lt3A_169 = arith.constant 159 : i32
      %lt3A_170 = arith.cmpi slt, %add3A_168, %lt3A_169 : i32
      %convert_element_type3A_171 = arith.extui %lt3A_170 : i1 to i32
      %cond3A_172 = arith.constant 0 : i32
      %cond3A_173 = arith.cmpi ne, %convert_element_type3A_171, %cond3A_172 : i32
      scf.if %cond3A_173 {
        %add3A_212 = arith.constant 2 : i32
        %add3A_213 = arith.addi %add3A_139, %add3A_212 : i32
        %dma_start3A_214 = arith.constant 0 : i32
        %dma_start3A_215 = arith.constant 0 : i32
        %dma_start3A_216 = arith.constant 0 : i32
        %dma_start3A_217 = tpu.memref_slice %arg8[%dma_start3A_214, %dma_start3A_215, %dma_start3A_216] : memref<3x64x128xf32, #tpu.memory_space<vmem>> -> memref<1x64x128xf32, #tpu.memory_space<vmem>>
        %dma_start3A_218 = tpu.memref_squeeze %dma_start3A_217 : memref<1x64x128xf32, #tpu.memory_space<vmem>> -> memref<64x128xf32, #tpu.memory_space<vmem>>
        %dma_start3A_219 = arith.constant 0 : i32
        %dma_start3A_220 = tpu.memref_slice %arg6[%add3A_213, %dma_start3A_219] : memref<159x64xi32, #tpu.memory_space<vmem>> -> memref<1x64xi32, #tpu.memory_space<vmem>>
        %dma_start3A_221 = tpu.memref_squeeze %dma_start3A_220 : memref<1x64xi32, #tpu.memory_space<vmem>> -> memref<64xi32, #tpu.memory_space<vmem>>
        %dma_start3A_222 = arith.constant 0 : i32
        %dma_start3A_223 = arith.constant 0 : i32
        %dma_start3A_224 = tpu.memref_slice %arg2[%dma_start3A_222, %dma_start3A_223] : memref<10000x128xf32, #tpu.memory_space<hbm>> -> memref<10000x128xf32, #tpu.memory_space<hbm>>
        tpu.enqueue_indirect_dma source(%dma_start3A_224 : memref<10000x128xf32, #tpu.memory_space<hbm>>) target(%dma_start3A_218 : memref<64x128xf32, #tpu.memory_space<vmem>>) offsets(%dma_start3A_221 : memref<64xi32, #tpu.memory_space<vmem>>) semaphore(%arg9 : memref<!tpu.dma_semaphore, #tpu.memory_space<semaphore_mem>>)
      } else {
      }
      %mul3A_174 = arith.constant 3 : i32
      %mul3A_175 = arith.muli %scan3A_101, %mul3A_174 : i32
      %add3A_176 = arith.constant 2 : i32
      %add3A_177 = arith.addi %mul3A_175, %add3A_176 : i32
      %dma_wait3A_178 = arith.constant 2 : i32
      %dma_wait3A_179 = arith.constant 0 : i32
      %dma_wait3A_180 = arith.constant 0 : i32
      %dma_wait3A_181 = tpu.memref_slice %arg8[%dma_wait3A_178, %dma_wait3A_179, %dma_wait3A_180] : memref<3x64x128xf32, #tpu.memory_space<vmem>> -> memref<1x64x128xf32, #tpu.memory_space<vmem>>
      %dma_wait3A_182 = tpu.memref_squeeze %dma_wait3A_181 : memref<1x64x128xf32, #tpu.memory_space<vmem>> -> memref<64x128xf32, #tpu.memory_space<vmem>>
      %dma_wait3A_183 = arith.constant 0 : i32
      %dma_wait3A_184 = tpu.memref_slice %arg6[%add3A_177, %dma_wait3A_183] : memref<159x64xi32, #tpu.memory_space<vmem>> -> memref<1x64xi32, #tpu.memory_space<vmem>>
      %dma_wait3A_185 = tpu.memref_squeeze %dma_wait3A_184 : memref<1x64xi32, #tpu.memory_space<vmem>> -> memref<64xi32, #tpu.memory_space<vmem>>
      %dma_wait3A_186 = arith.constant 0 : i32
      %dma_wait3A_187 = arith.constant 0 : i32
      %dma_wait3A_188 = tpu.memref_slice %arg2[%dma_wait3A_186, %dma_wait3A_187] : memref<10000x128xf32, #tpu.memory_space<hbm>> -> memref<10000x128xf32, #tpu.memory_space<hbm>>
      tpu.wait_indirect_dma semaphore(%arg11 : memref<!tpu.dma_semaphore, #tpu.memory_space<semaphore_mem>>) src(%dma_wait3A_188 : memref<10000x128xf32, #tpu.memory_space<hbm>>) dst(%dma_wait3A_182 : memref<64x128xf32, #tpu.memory_space<vmem>>)
      %dma_start3A_189 = arith.constant 2 : i32
      %dma_start3A_190 = arith.constant 0 : i32
      %dma_start3A_191 = arith.constant 0 : i32
      %dma_start3A_192 = tpu.memref_slice %arg8[%dma_start3A_189, %dma_start3A_190, %dma_start3A_191] : memref<3x64x128xf32, #tpu.memory_space<vmem>> -> memref<1x64x128xf32, #tpu.memory_space<vmem>>
      %dma_start3A_193 = tpu.memref_squeeze %dma_start3A_192 : memref<1x64x128xf32, #tpu.memory_space<vmem>> -> memref<64x128xf32, #tpu.memory_space<vmem>>
      %dma_start3A_194 = arith.constant 0 : i32
      %dma_start3A_195 = tpu.memref_slice %arg7[%add3A_177, %dma_start3A_194] : memref<159x64xi32, #tpu.memory_space<vmem>> -> memref<1x64xi32, #tpu.memory_space<vmem>>
      %dma_start3A_196 = tpu.memref_squeeze %dma_start3A_195 : memref<1x64xi32, #tpu.memory_space<vmem>> -> memref<64xi32, #tpu.memory_space<vmem>>
      %dma_start3A_197 = arith.constant 0 : i32
      %dma_start3A_198 = arith.constant 0 : i32
      %dma_start3A_199 = tpu.memref_slice %arg15[%dma_start3A_197, %dma_start3A_198] : memref<10240x128xf32, #tpu.memory_space<vmem_shared>> -> memref<10240x128xf32, #tpu.memory_space<vmem_shared>>
      tpu.enqueue_indirect_dma source(%dma_start3A_193 : memref<64x128xf32, #tpu.memory_space<vmem>>) target(%dma_start3A_199 : memref<10240x128xf32, #tpu.memory_space<vmem_shared>>) offsets(%dma_start3A_196 : memref<64xi32, #tpu.memory_space<vmem>>) semaphore(%arg14 : memref<!tpu.dma_semaphore, #tpu.memory_space<semaphore_mem>>) {add = true}
      %ge3A_200 = arith.constant 1 : i32
      %ge3A_201 = arith.cmpi sge, %add3A_177, %ge3A_200 : i32
      %convert_element_type3A_202 = arith.extui %ge3A_201 : i1 to i32
      %cond3A_203 = arith.constant 0 : i32
      %cond3A_204 = arith.cmpi ne, %convert_element_type3A_202, %cond3A_203 : i32
      scf.if %cond3A_204 {
        %sub3A = arith.constant 1 : i32
        %sub3A_212 = arith.subi %add3A_177, %sub3A : i32
        %dma_wait3A_213 = arith.constant 1 : i32
        %dma_wait3A_214 = arith.constant 0 : i32
        %dma_wait3A_215 = arith.constant 0 : i32
        %dma_wait3A_216 = tpu.memref_slice %arg8[%dma_wait3A_213, %dma_wait3A_214, %dma_wait3A_215] : memref<3x64x128xf32, #tpu.memory_space<vmem>> -> memref<1x64x128xf32, #tpu.memory_space<vmem>>
        %dma_wait3A_217 = tpu.memref_squeeze %dma_wait3A_216 : memref<1x64x128xf32, #tpu.memory_space<vmem>> -> memref<64x128xf32, #tpu.memory_space<vmem>>
        %dma_wait3A_218 = arith.constant 0 : i32
        %dma_wait3A_219 = tpu.memref_slice %arg7[%sub3A_212, %dma_wait3A_218] : memref<159x64xi32, #tpu.memory_space<vmem>> -> memref<1x64xi32, #tpu.memory_space<vmem>>
        %dma_wait3A_220 = tpu.memref_squeeze %dma_wait3A_219 : memref<1x64xi32, #tpu.memory_space<vmem>> -> memref<64xi32, #tpu.memory_space<vmem>>
        %dma_wait3A_221 = arith.constant 0 : i32
        %dma_wait3A_222 = arith.constant 0 : i32
        %dma_wait3A_223 = tpu.memref_slice %arg15[%dma_wait3A_221, %dma_wait3A_222] : memref<10240x128xf32, #tpu.memory_space<vmem_shared>> -> memref<10240x128xf32, #tpu.memory_space<vmem_shared>>
        tpu.wait_indirect_dma semaphore(%arg13 : memref<!tpu.dma_semaphore, #tpu.memory_space<semaphore_mem>>) src(%dma_wait3A_217 : memref<64x128xf32, #tpu.memory_space<vmem>>) dst(%dma_wait3A_223 : memref<10240x128xf32, #tpu.memory_space<vmem_shared>>)
      } else {
      }
      %add3A_205 = arith.constant 2 : i32
      %add3A_206 = arith.addi %add3A_177, %add3A_205 : i32
      %lt3A_207 = arith.constant 159 : i32
      %lt3A_208 = arith.cmpi slt, %add3A_206, %lt3A_207 : i32
      %convert_element_type3A_209 = arith.extui %lt3A_208 : i1 to i32
      %cond3A_210 = arith.constant 0 : i32
      %cond3A_211 = arith.cmpi ne, %convert_element_type3A_209, %cond3A_210 : i32
      scf.if %cond3A_211 {
        %add3A_212 = arith.constant 2 : i32
        %add3A_213 = arith.addi %add3A_177, %add3A_212 : i32
        %dma_start3A_214 = arith.constant 1 : i32
        %dma_start3A_215 = arith.constant 0 : i32
        %dma_start3A_216 = arith.constant 0 : i32
        %dma_start3A_217 = tpu.memref_slice %arg8[%dma_start3A_214, %dma_start3A_215, %dma_start3A_216] : memref<3x64x128xf32, #tpu.memory_space<vmem>> -> memref<1x64x128xf32, #tpu.memory_space<vmem>>
        %dma_start3A_218 = tpu.memref_squeeze %dma_start3A_217 : memref<1x64x128xf32, #tpu.memory_space<vmem>> -> memref<64x128xf32, #tpu.memory_space<vmem>>
        %dma_start3A_219 = arith.constant 0 : i32
        %dma_start3A_220 = tpu.memref_slice %arg6[%add3A_213, %dma_start3A_219] : memref<159x64xi32, #tpu.memory_space<vmem>> -> memref<1x64xi32, #tpu.memory_space<vmem>>
        %dma_start3A_221 = tpu.memref_squeeze %dma_start3A_220 : memref<1x64xi32, #tpu.memory_space<vmem>> -> memref<64xi32, #tpu.memory_space<vmem>>
        %dma_start3A_222 = arith.constant 0 : i32
        %dma_start3A_223 = arith.constant 0 : i32
        %dma_start3A_224 = tpu.memref_slice %arg2[%dma_start3A_222, %dma_start3A_223] : memref<10000x128xf32, #tpu.memory_space<hbm>> -> memref<10000x128xf32, #tpu.memory_space<hbm>>
        tpu.enqueue_indirect_dma source(%dma_start3A_224 : memref<10000x128xf32, #tpu.memory_space<hbm>>) target(%dma_start3A_218 : memref<64x128xf32, #tpu.memory_space<vmem>>) offsets(%dma_start3A_221 : memref<64xi32, #tpu.memory_space<vmem>>) semaphore(%arg10 : memref<!tpu.dma_semaphore, #tpu.memory_space<semaphore_mem>>)
      } else {
      }
    }
    %scan3A_84 = arith.constant 53 : i32
    %dma_wait3A = arith.constant 2 : i32
    %dma_wait3A_85 = arith.constant 158 : i32
    %dma_wait3A_86 = arith.constant 0 : i32
    %dma_wait3A_87 = arith.constant 0 : i32
    %dma_wait3A_88 = tpu.memref_slice %arg8[%dma_wait3A, %dma_wait3A_86, %dma_wait3A_87] : memref<3x64x128xf32, #tpu.memory_space<vmem>> -> memref<1x64x128xf32, #tpu.memory_space<vmem>>
    %dma_wait3A_89 = tpu.memref_squeeze %dma_wait3A_88 : memref<1x64x128xf32, #tpu.memory_space<vmem>> -> memref<64x128xf32, #tpu.memory_space<vmem>>
    %dma_wait3A_90 = arith.constant 0 : i32
    %dma_wait3A_91 = tpu.memref_slice %arg7[%dma_wait3A_85, %dma_wait3A_90] : memref<159x64xi32, #tpu.memory_space<vmem>> -> memref<1x64xi32, #tpu.memory_space<vmem>>
    %dma_wait3A_92 = tpu.memref_squeeze %dma_wait3A_91 : memref<1x64xi32, #tpu.memory_space<vmem>> -> memref<64xi32, #tpu.memory_space<vmem>>
    %dma_wait3A_93 = arith.constant 0 : i32
    %dma_wait3A_94 = arith.constant 0 : i32
    %dma_wait3A_95 = tpu.memref_slice %arg15[%dma_wait3A_93, %dma_wait3A_94] : memref<10240x128xf32, #tpu.memory_space<vmem_shared>> -> memref<10240x128xf32, #tpu.memory_space<vmem_shared>>
    tpu.wait_indirect_dma semaphore(%arg14 : memref<!tpu.dma_semaphore, #tpu.memory_space<semaphore_mem>>) src(%dma_wait3A_89 : memref<64x128xf32, #tpu.memory_space<vmem>>) dst(%dma_wait3A_95 : memref<10240x128xf32, #tpu.memory_space<vmem_shared>>)
    %barrier3A_96 = arith.constant 0 : index
    tpu.barrier barrier_id(%barrier3A_96)
    %mul3A_97 = arith.constant 640 : i32
    %mul3A_98 = arith.muli %arg1, %mul3A_97 : i32
    %mul3A_99 = arith.constant 640 : i32
    %mul3A_100 = arith.muli %arg1, %mul3A_99 : i32
    "tpu.region"() ({
      %run_scoped3A_101 = tpu.sem_alloc : memref<!tpu.dma_semaphore, #tpu.memory_space<semaphore_mem>>
      %dma_start3A_102 = arith.constant 0 : i32
      %dma_start3A_103 = tpu.memref_slice %arg5[%arg0, %mul3A_100, %dma_start3A_102] : memref<2x10240x128xf32, #tpu.memory_space<hbm>> -> memref<1x640x128xf32, #tpu.memory_space<hbm>>
      %dma_start3A_104 = tpu.memref_squeeze %dma_start3A_103 : memref<1x640x128xf32, #tpu.memory_space<hbm>> -> memref<640x128xf32, #tpu.memory_space<hbm>>
      %dma_start3A_105 = arith.constant 0 : i32
      %dma_start3A_106 = tpu.memref_slice %arg15[%mul3A_98, %dma_start3A_105] : memref<10240x128xf32, #tpu.memory_space<vmem_shared>> -> memref<640x128xf32, #tpu.memory_space<vmem_shared>>
      tpu.enqueue_dma source(%dma_start3A_106 : memref<640x128xf32, #tpu.memory_space<vmem_shared>>) target(%dma_start3A_104 : memref<640x128xf32, #tpu.memory_space<hbm>>) target_semaphore(%run_scoped3A_101 : memref<!tpu.dma_semaphore, #tpu.memory_space<semaphore_mem>>)
      %dma_wait3A_107 = arith.constant 0 : i32
      %dma_wait3A_108 = tpu.memref_slice %arg5[%arg0, %mul3A_100, %dma_wait3A_107] : memref<2x10240x128xf32, #tpu.memory_space<hbm>> -> memref<1x640x128xf32, #tpu.memory_space<hbm>>
      %dma_wait3A_109 = tpu.memref_squeeze %dma_wait3A_108 : memref<1x640x128xf32, #tpu.memory_space<hbm>> -> memref<640x128xf32, #tpu.memory_space<hbm>>
      %dma_wait3A_110 = arith.constant 0 : i32
      %dma_wait3A_111 = tpu.memref_slice %arg15[%mul3A_98, %dma_wait3A_110] : memref<10240x128xf32, #tpu.memory_space<vmem_shared>> -> memref<640x128xf32, #tpu.memory_space<vmem_shared>>
      tpu.wait_dma2 semaphore(%run_scoped3A_101 : memref<!tpu.dma_semaphore, #tpu.memory_space<semaphore_mem>>) src(%dma_wait3A_111 : memref<640x128xf32, #tpu.memory_space<vmem_shared>>) dst(%dma_wait3A_109 : memref<640x128xf32, #tpu.memory_space<hbm>>)
      tpu.yield
    }) : () -> ()
    return
  }
}

#map = affine_map<(d0, d1) -> (0, 0)>
#map1 = affine_map<(d0, d1) -> (0, 0, 0)>
module attributes {stable_mosaic.version = 14 : i64} {
  func.func @_agg_body(%arg0: i32, %arg1: i32, %arg2: memref<10000x128xf32, #tpu.memory_space<hbm>>, %arg3: memref<32x159x64xi32, #tpu.memory_space<hbm>>, %arg4: memref<32x159x64xi32, #tpu.memory_space<hbm>>, %arg5: memref<2x10240x128xf32, #tpu.memory_space<hbm>>, %arg6: memref<159x64xi32, #tpu.memory_space<vmem>>, %arg7: memref<159x64xi32, #tpu.memory_space<vmem>>, %arg8: memref<3x64x128xf32, #tpu.memory_space<vmem>>, %arg9: memref<!tpu.dma_semaphore, #tpu.memory_space<semaphore_mem>>, %arg10: memref<!tpu.dma_semaphore, #tpu.memory_space<semaphore_mem>>, %arg11: memref<!tpu.dma_semaphore, #tpu.memory_space<semaphore_mem>>, %arg12: memref<!tpu.dma_semaphore, #tpu.memory_space<semaphore_mem>>, %arg13: memref<!tpu.dma_semaphore, #tpu.memory_space<semaphore_mem>>, %arg14: memref<!tpu.dma_semaphore, #tpu.memory_space<semaphore_mem>>, %arg15: memref<10240x128xf32, #tpu.memory_space<vmem_shared>>) attributes {dimension_semantics = [#tpu.dimension_semantics<core_parallel>, #tpu.dimension_semantics<subcore_parallel>], iteration_bounds = array<i64: 2, 16>, scalar_prefetch = 0 : i64, scratch_operands = 10 : i64, tpu.core_type = #tpu.core_type<sc_vector_subcore>, window_params = [{transform_indices = #map}, {transform_indices = #map1}, {transform_indices = #map1}, {transform_indices = #map1}]} {
    %mul3A = arith.constant 2 : i32
    %mul3A_0 = arith.muli %arg1, %mul3A : i32
    %add3A = arith.addi %mul3A_0, %arg0 : i32
    %broadcast_in_dim3A = arith.constant 0.000000e+00 : f32
    %broadcast_in_dim3A_1 = vector.broadcast %broadcast_in_dim3A : f32 to vector<16xf32>
    %scan3A = arith.constant 0 : i32
    %scan3A_2 = arith.constant 0 : i32
    %scan3A_3 = arith.constant 512 : i32
    %scan3A_4 = arith.addi %scan3A_2, %scan3A_3 : i32
    %scan3A_5 = arith.constant 1 : i32
    scf.for %scan3A_101 = %scan3A_2 to %scan3A_4 step %scan3A_5  : i32 {
      %shift_right_arithmetic3A = arith.constant 3 : i32
      %shift_right_arithmetic3A_102 = arith.shrsi %scan3A_101, %shift_right_arithmetic3A : i32
      %and3A = arith.constant 7 : i32
      %and3A_103 = arith.andi %scan3A_101, %and3A : i32
      %mul3A_104 = arith.constant 16 : i32
      %mul3A_105 = arith.muli %and3A_103, %mul3A_104 : i32
      %swap3A = arith.constant 0 : i32
      %swap3A_106 = arith.index_cast %swap3A : i32 to index
      %swap3A_107 = arith.index_cast %shift_right_arithmetic3A_102 : i32 to index
      %swap3A_108 = arith.index_cast %mul3A_105 : i32 to index
      %swap3A_109 = tpu.vector_load %arg8[%swap3A_106, %swap3A_107, %swap3A_108] {strides = array<i32>} : memref<3x64x128xf32, #tpu.memory_space<vmem>>, vector<16xf32>,
      tpu.vector_store %arg8[%swap3A_106, %swap3A_107, %swap3A_108], %broadcast_in_dim3A_1 {strides = array<i32>} : memref<3x64x128xf32, #tpu.memory_space<vmem>>, vector<16xf32>,
    }
    %scan3A_6 = arith.constant 512 : i32
    %mul3A_7 = arith.constant 640 : i32
    %mul3A_8 = arith.muli %arg1, %mul3A_7 : i32
    %add3A_9 = arith.constant 0 : i32
    %add3A_10 = arith.addi %mul3A_8, %add3A_9 : i32
    %run_scoped3A = arith.constant 0 : i32
    "tpu.region"() ({
      %run_scoped3A_101 = tpu.sem_alloc : memref<!tpu.dma_semaphore, #tpu.memory_space<semaphore_mem>>
      %dma_start3A_102 = arith.constant 0 : i32
      %dma_start3A_103 = arith.constant 0 : i32
      %dma_start3A_104 = tpu.memref_slice %arg8[%run_scoped3A, %dma_start3A_102, %dma_start3A_103] : memref<3x64x128xf32, #tpu.memory_space<vmem>> -> memref<1x64x128xf32, #tpu.memory_space<vmem>>
      %dma_start3A_105 = tpu.memref_squeeze %dma_start3A_104 : memref<1x64x128xf32, #tpu.memory_space<vmem>> -> memref<64x128xf32, #tpu.memory_space<vmem>>
      %dma_start3A_106 = arith.constant 0 : i32
      %dma_start3A_107 = tpu.memref_slice %arg15[%add3A_10, %dma_start3A_106] : memref<10240x128xf32, #tpu.memory_space<vmem_shared>> -> memref<64x128xf32, #tpu.memory_space<vmem_shared>>
      %dma_start3A_108 = arith.constant 0 : i32
      %dma_start3A_109 = tpu.memref_slice %arg15[%add3A_10, %dma_start3A_108] : memref<10240x128xf32, #tpu.memory_space<vmem_shared>> -> memref<64x128xf32, #tpu.memory_space<vmem_shared>>
      %dma_start3A_110 = arith.constant 0 : i32
      %dma_start3A_111 = arith.constant 0 : i32
      %dma_start3A_112 = tpu.memref_slice %arg8[%run_scoped3A, %dma_start3A_110, %dma_start3A_111] : memref<3x64x128xf32, #tpu.memory_space<vmem>> -> memref<1x64x128xf32, #tpu.memory_space<vmem>>
      %dma_start3A_113 = tpu.memref_squeeze %dma_start3A_112 : memref<1x64x128xf32, #tpu.memory_space<vmem>> -> memref<64x128xf32, #tpu.memory_space<vmem>>
      tpu.enqueue_dma source(%dma_start3A_113 : memref<64x128xf32, #tpu.memory_space<vmem>>) target(%dma_start3A_109 : memref<64x128xf32, #tpu.memory_space<vmem_shared>>) target_semaphore(%run_scoped3A_101 : memref<!tpu.dma_semaphore, #tpu.memory_space<semaphore_mem>>)
      %dma_wait3A_114 = arith.constant 0 : i32
      %dma_wait3A_115 = arith.constant 0 : i32
      %dma_wait3A_116 = tpu.memref_slice %arg8[%run_scoped3A, %dma_wait3A_114, %dma_wait3A_115] : memref<3x64x128xf32, #tpu.memory_space<vmem>> -> memref<1x64x128xf32, #tpu.memory_space<vmem>>
      %dma_wait3A_117 = tpu.memref_squeeze %dma_wait3A_116 : memref<1x64x128xf32, #tpu.memory_space<vmem>> -> memref<64x128xf32, #tpu.memory_space<vmem>>
      %dma_wait3A_118 = arith.constant 0 : i32
      %dma_wait3A_119 = tpu.memref_slice %arg15[%add3A_10, %dma_wait3A_118] : memref<10240x128xf32, #tpu.memory_space<vmem_shared>> -> memref<64x128xf32, #tpu.memory_space<vmem_shared>>
      %dma_wait3A_120 = arith.constant 0 : i32
      %dma_wait3A_121 = tpu.memref_slice %arg15[%add3A_10, %dma_wait3A_120] : memref<10240x128xf32, #tpu.memory_space<vmem_shared>> -> memref<64x128xf32, #tpu.memory_space<vmem_shared>>
      %dma_wait3A_122 = arith.constant 0 : i32
      %dma_wait3A_123 = arith.constant 0 : i32
      %dma_wait3A_124 = tpu.memref_slice %arg8[%run_scoped3A, %dma_wait3A_122, %dma_wait3A_123] : memref<3x64x128xf32, #tpu.memory_space<vmem>> -> memref<1x64x128xf32, #tpu.memory_space<vmem>>
      %dma_wait3A_125 = tpu.memref_squeeze %dma_wait3A_124 : memref<1x64x128xf32, #tpu.memory_space<vmem>> -> memref<64x128xf32, #tpu.memory_space<vmem>>
      tpu.wait_dma2 semaphore(%run_scoped3A_101 : memref<!tpu.dma_semaphore, #tpu.memory_space<semaphore_mem>>) src(%dma_wait3A_125 : memref<64x128xf32, #tpu.memory_space<vmem>>) dst(%dma_wait3A_121 : memref<64x128xf32, #tpu.memory_space<vmem_shared>>)
      tpu.yield
    }) : () -> ()
    %mul3A_11 = arith.constant 640 : i32
    %mul3A_12 = arith.muli %arg1, %mul3A_11 : i32
    %add3A_13 = arith.constant 64 : i32
    %add3A_14 = arith.addi %mul3A_12, %add3A_13 : i32
    %run_scoped3A_15 = arith.constant 0 : i32
    "tpu.region"() ({
      %run_scoped3A_101 = tpu.sem_alloc : memref<!tpu.dma_semaphore, #tpu.memory_space<semaphore_mem>>
      %dma_start3A_102 = arith.constant 0 : i32
      %dma_start3A_103 = arith.constant 0 : i32
      %dma_start3A_104 = tpu.memref_slice %arg8[%run_scoped3A_15, %dma_start3A_102, %dma_start3A_103] : memref<3x64x128xf32, #tpu.memory_space<vmem>> -> memref<1x64x128xf32, #tpu.memory_space<vmem>>
      %dma_start3A_105 = tpu.memref_squeeze %dma_start3A_104 : memref<1x64x128xf32, #tpu.memory_space<vmem>> -> memref<64x128xf32, #tpu.memory_space<vmem>>
      %dma_start3A_106 = arith.constant 0 : i32
      %dma_start3A_107 = tpu.memref_slice %arg15[%add3A_14, %dma_start3A_106] : memref<10240x128xf32, #tpu.memory_space<vmem_shared>> -> memref<64x128xf32, #tpu.memory_space<vmem_shared>>
      %dma_start3A_108 = arith.constant 0 : i32
      %dma_start3A_109 = tpu.memref_slice %arg15[%add3A_14, %dma_start3A_108] : memref<10240x128xf32, #tpu.memory_space<vmem_shared>> -> memref<64x128xf32, #tpu.memory_space<vmem_shared>>
      %dma_start3A_110 = arith.constant 0 : i32
      %dma_start3A_111 = arith.constant 0 : i32
      %dma_start3A_112 = tpu.memref_slice %arg8[%run_scoped3A_15, %dma_start3A_110, %dma_start3A_111] : memref<3x64x128xf32, #tpu.memory_space<vmem>> -> memref<1x64x128xf32, #tpu.memory_space<vmem>>
      %dma_start3A_113 = tpu.memref_squeeze %dma_start3A_112 : memref<1x64x128xf32, #tpu.memory_space<vmem>> -> memref<64x128xf32, #tpu.memory_space<vmem>>
      tpu.enqueue_dma source(%dma_start3A_113 : memref<64x128xf32, #tpu.memory_space<vmem>>) target(%dma_start3A_109 : memref<64x128xf32, #tpu.memory_space<vmem_shared>>) target_semaphore(%run_scoped3A_101 : memref<!tpu.dma_semaphore, #tpu.memory_space<semaphore_mem>>)
      %dma_wait3A_114 = arith.constant 0 : i32
      %dma_wait3A_115 = arith.constant 0 : i32
      %dma_wait3A_116 = tpu.memref_slice %arg8[%run_scoped3A_15, %dma_wait3A_114, %dma_wait3A_115] : memref<3x64x128xf32, #tpu.memory_space<vmem>> -> memref<1x64x128xf32, #tpu.memory_space<vmem>>
      %dma_wait3A_117 = tpu.memref_squeeze %dma_wait3A_116 : memref<1x64x128xf32, #tpu.memory_space<vmem>> -> memref<64x128xf32, #tpu.memory_space<vmem>>
      %dma_wait3A_118 = arith.constant 0 : i32
      %dma_wait3A_119 = tpu.memref_slice %arg15[%add3A_14, %dma_wait3A_118] : memref<10240x128xf32, #tpu.memory_space<vmem_shared>> -> memref<64x128xf32, #tpu.memory_space<vmem_shared>>
      %dma_wait3A_120 = arith.constant 0 : i32
      %dma_wait3A_121 = tpu.memref_slice %arg15[%add3A_14, %dma_wait3A_120] : memref<10240x128xf32, #tpu.memory_space<vmem_shared>> -> memref<64x128xf32, #tpu.memory_space<vmem_shared>>
      %dma_wait3A_122 = arith.constant 0 : i32
      %dma_wait3A_123 = arith.constant 0 : i32
      %dma_wait3A_124 = tpu.memref_slice %arg8[%run_scoped3A_15, %dma_wait3A_122, %dma_wait3A_123] : memref<3x64x128xf32, #tpu.memory_space<vmem>> -> memref<1x64x128xf32, #tpu.memory_space<vmem>>
      %dma_wait3A_125 = tpu.memref_squeeze %dma_wait3A_124 : memref<1x64x128xf32, #tpu.memory_space<vmem>> -> memref<64x128xf32, #tpu.memory_space<vmem>>
      tpu.wait_dma2 semaphore(%run_scoped3A_101 : memref<!tpu.dma_semaphore, #tpu.memory_space<semaphore_mem>>) src(%dma_wait3A_125 : memref<64x128xf32, #tpu.memory_space<vmem>>) dst(%dma_wait3A_121 : memref<64x128xf32, #tpu.memory_space<vmem_shared>>)
      tpu.yield
    }) : () -> ()
    %mul3A_16 = arith.constant 640 : i32
    %mul3A_17 = arith.muli %arg1, %mul3A_16 : i32
    %add3A_18 = arith.constant 128 : i32
    %add3A_19 = arith.addi %mul3A_17, %add3A_18 : i32
    %run_scoped3A_20 = arith.constant 0 : i32
    "tpu.region"() ({
      %run_scoped3A_101 = tpu.sem_alloc : memref<!tpu.dma_semaphore, #tpu.memory_space<semaphore_mem>>
      %dma_start3A_102 = arith.constant 0 : i32
      %dma_start3A_103 = arith.constant 0 : i32
      %dma_start3A_104 = tpu.memref_slice %arg8[%run_scoped3A_20, %dma_start3A_102, %dma_start3A_103] : memref<3x64x128xf32, #tpu.memory_space<vmem>> -> memref<1x64x128xf32, #tpu.memory_space<vmem>>
      %dma_start3A_105 = tpu.memref_squeeze %dma_start3A_104 : memref<1x64x128xf32, #tpu.memory_space<vmem>> -> memref<64x128xf32, #tpu.memory_space<vmem>>
      %dma_start3A_106 = arith.constant 0 : i32
      %dma_start3A_107 = tpu.memref_slice %arg15[%add3A_19, %dma_start3A_106] : memref<10240x128xf32, #tpu.memory_space<vmem_shared>> -> memref<64x128xf32, #tpu.memory_space<vmem_shared>>
      %dma_start3A_108 = arith.constant 0 : i32
      %dma_start3A_109 = tpu.memref_slice %arg15[%add3A_19, %dma_start3A_108] : memref<10240x128xf32, #tpu.memory_space<vmem_shared>> -> memref<64x128xf32, #tpu.memory_space<vmem_shared>>
      %dma_start3A_110 = arith.constant 0 : i32
      %dma_start3A_111 = arith.constant 0 : i32
      %dma_start3A_112 = tpu.memref_slice %arg8[%run_scoped3A_20, %dma_start3A_110, %dma_start3A_111] : memref<3x64x128xf32, #tpu.memory_space<vmem>> -> memref<1x64x128xf32, #tpu.memory_space<vmem>>
      %dma_start3A_113 = tpu.memref_squeeze %dma_start3A_112 : memref<1x64x128xf32, #tpu.memory_space<vmem>> -> memref<64x128xf32, #tpu.memory_space<vmem>>
      tpu.enqueue_dma source(%dma_start3A_113 : memref<64x128xf32, #tpu.memory_space<vmem>>) target(%dma_start3A_109 : memref<64x128xf32, #tpu.memory_space<vmem_shared>>) target_semaphore(%run_scoped3A_101 : memref<!tpu.dma_semaphore, #tpu.memory_space<semaphore_mem>>)
      %dma_wait3A_114 = arith.constant 0 : i32
      %dma_wait3A_115 = arith.constant 0 : i32
      %dma_wait3A_116 = tpu.memref_slice %arg8[%run_scoped3A_20, %dma_wait3A_114, %dma_wait3A_115] : memref<3x64x128xf32, #tpu.memory_space<vmem>> -> memref<1x64x128xf32, #tpu.memory_space<vmem>>
      %dma_wait3A_117 = tpu.memref_squeeze %dma_wait3A_116 : memref<1x64x128xf32, #tpu.memory_space<vmem>> -> memref<64x128xf32, #tpu.memory_space<vmem>>
      %dma_wait3A_118 = arith.constant 0 : i32
      %dma_wait3A_119 = tpu.memref_slice %arg15[%add3A_19, %dma_wait3A_118] : memref<10240x128xf32, #tpu.memory_space<vmem_shared>> -> memref<64x128xf32, #tpu.memory_space<vmem_shared>>
      %dma_wait3A_120 = arith.constant 0 : i32
      %dma_wait3A_121 = tpu.memref_slice %arg15[%add3A_19, %dma_wait3A_120] : memref<10240x128xf32, #tpu.memory_space<vmem_shared>> -> memref<64x128xf32, #tpu.memory_space<vmem_shared>>
      %dma_wait3A_122 = arith.constant 0 : i32
      %dma_wait3A_123 = arith.constant 0 : i32
      %dma_wait3A_124 = tpu.memref_slice %arg8[%run_scoped3A_20, %dma_wait3A_122, %dma_wait3A_123] : memref<3x64x128xf32, #tpu.memory_space<vmem>> -> memref<1x64x128xf32, #tpu.memory_space<vmem>>
      %dma_wait3A_125 = tpu.memref_squeeze %dma_wait3A_124 : memref<1x64x128xf32, #tpu.memory_space<vmem>> -> memref<64x128xf32, #tpu.memory_space<vmem>>
      tpu.wait_dma2 semaphore(%run_scoped3A_101 : memref<!tpu.dma_semaphore, #tpu.memory_space<semaphore_mem>>) src(%dma_wait3A_125 : memref<64x128xf32, #tpu.memory_space<vmem>>) dst(%dma_wait3A_121 : memref<64x128xf32, #tpu.memory_space<vmem_shared>>)
      tpu.yield
    }) : () -> ()
    %mul3A_21 = arith.constant 640 : i32
    %mul3A_22 = arith.muli %arg1, %mul3A_21 : i32
    %add3A_23 = arith.constant 192 : i32
    %add3A_24 = arith.addi %mul3A_22, %add3A_23 : i32
    %run_scoped3A_25 = arith.constant 0 : i32
    "tpu.region"() ({
      %run_scoped3A_101 = tpu.sem_alloc : memref<!tpu.dma_semaphore, #tpu.memory_space<semaphore_mem>>
      %dma_start3A_102 = arith.constant 0 : i32
      %dma_start3A_103 = arith.constant 0 : i32
      %dma_start3A_104 = tpu.memref_slice %arg8[%run_scoped3A_25, %dma_start3A_102, %dma_start3A_103] : memref<3x64x128xf32, #tpu.memory_space<vmem>> -> memref<1x64x128xf32, #tpu.memory_space<vmem>>
      %dma_start3A_105 = tpu.memref_squeeze %dma_start3A_104 : memref<1x64x128xf32, #tpu.memory_space<vmem>> -> memref<64x128xf32, #tpu.memory_space<vmem>>
      %dma_start3A_106 = arith.constant 0 : i32
      %dma_start3A_107 = tpu.memref_slice %arg15[%add3A_24, %dma_start3A_106] : memref<10240x128xf32, #tpu.memory_space<vmem_shared>> -> memref<64x128xf32, #tpu.memory_space<vmem_shared>>
      %dma_start3A_108 = arith.constant 0 : i32
      %dma_start3A_109 = tpu.memref_slice %arg15[%add3A_24, %dma_start3A_108] : memref<10240x128xf32, #tpu.memory_space<vmem_shared>> -> memref<64x128xf32, #tpu.memory_space<vmem_shared>>
      %dma_start3A_110 = arith.constant 0 : i32
      %dma_start3A_111 = arith.constant 0 : i32
      %dma_start3A_112 = tpu.memref_slice %arg8[%run_scoped3A_25, %dma_start3A_110, %dma_start3A_111] : memref<3x64x128xf32, #tpu.memory_space<vmem>> -> memref<1x64x128xf32, #tpu.memory_space<vmem>>
      %dma_start3A_113 = tpu.memref_squeeze %dma_start3A_112 : memref<1x64x128xf32, #tpu.memory_space<vmem>> -> memref<64x128xf32, #tpu.memory_space<vmem>>
      tpu.enqueue_dma source(%dma_start3A_113 : memref<64x128xf32, #tpu.memory_space<vmem>>) target(%dma_start3A_109 : memref<64x128xf32, #tpu.memory_space<vmem_shared>>) target_semaphore(%run_scoped3A_101 : memref<!tpu.dma_semaphore, #tpu.memory_space<semaphore_mem>>)
      %dma_wait3A_114 = arith.constant 0 : i32
      %dma_wait3A_115 = arith.constant 0 : i32
      %dma_wait3A_116 = tpu.memref_slice %arg8[%run_scoped3A_25, %dma_wait3A_114, %dma_wait3A_115] : memref<3x64x128xf32, #tpu.memory_space<vmem>> -> memref<1x64x128xf32, #tpu.memory_space<vmem>>
      %dma_wait3A_117 = tpu.memref_squeeze %dma_wait3A_116 : memref<1x64x128xf32, #tpu.memory_space<vmem>> -> memref<64x128xf32, #tpu.memory_space<vmem>>
      %dma_wait3A_118 = arith.constant 0 : i32
      %dma_wait3A_119 = tpu.memref_slice %arg15[%add3A_24, %dma_wait3A_118] : memref<10240x128xf32, #tpu.memory_space<vmem_shared>> -> memref<64x128xf32, #tpu.memory_space<vmem_shared>>
      %dma_wait3A_120 = arith.constant 0 : i32
      %dma_wait3A_121 = tpu.memref_slice %arg15[%add3A_24, %dma_wait3A_120] : memref<10240x128xf32, #tpu.memory_space<vmem_shared>> -> memref<64x128xf32, #tpu.memory_space<vmem_shared>>
      %dma_wait3A_122 = arith.constant 0 : i32
      %dma_wait3A_123 = arith.constant 0 : i32
      %dma_wait3A_124 = tpu.memref_slice %arg8[%run_scoped3A_25, %dma_wait3A_122, %dma_wait3A_123] : memref<3x64x128xf32, #tpu.memory_space<vmem>> -> memref<1x64x128xf32, #tpu.memory_space<vmem>>
      %dma_wait3A_125 = tpu.memref_squeeze %dma_wait3A_124 : memref<1x64x128xf32, #tpu.memory_space<vmem>> -> memref<64x128xf32, #tpu.memory_space<vmem>>
      tpu.wait_dma2 semaphore(%run_scoped3A_101 : memref<!tpu.dma_semaphore, #tpu.memory_space<semaphore_mem>>) src(%dma_wait3A_125 : memref<64x128xf32, #tpu.memory_space<vmem>>) dst(%dma_wait3A_121 : memref<64x128xf32, #tpu.memory_space<vmem_shared>>)
      tpu.yield
    }) : () -> ()
    %mul3A_26 = arith.constant 640 : i32
    %mul3A_27 = arith.muli %arg1, %mul3A_26 : i32
    %add3A_28 = arith.constant 256 : i32
    %add3A_29 = arith.addi %mul3A_27, %add3A_28 : i32
    %run_scoped3A_30 = arith.constant 0 : i32
    "tpu.region"() ({
      %run_scoped3A_101 = tpu.sem_alloc : memref<!tpu.dma_semaphore, #tpu.memory_space<semaphore_mem>>
      %dma_start3A_102 = arith.constant 0 : i32
      %dma_start3A_103 = arith.constant 0 : i32
      %dma_start3A_104 = tpu.memref_slice %arg8[%run_scoped3A_30, %dma_start3A_102, %dma_start3A_103] : memref<3x64x128xf32, #tpu.memory_space<vmem>> -> memref<1x64x128xf32, #tpu.memory_space<vmem>>
      %dma_start3A_105 = tpu.memref_squeeze %dma_start3A_104 : memref<1x64x128xf32, #tpu.memory_space<vmem>> -> memref<64x128xf32, #tpu.memory_space<vmem>>
      %dma_start3A_106 = arith.constant 0 : i32
      %dma_start3A_107 = tpu.memref_slice %arg15[%add3A_29, %dma_start3A_106] : memref<10240x128xf32, #tpu.memory_space<vmem_shared>> -> memref<64x128xf32, #tpu.memory_space<vmem_shared>>
      %dma_start3A_108 = arith.constant 0 : i32
      %dma_start3A_109 = tpu.memref_slice %arg15[%add3A_29, %dma_start3A_108] : memref<10240x128xf32, #tpu.memory_space<vmem_shared>> -> memref<64x128xf32, #tpu.memory_space<vmem_shared>>
      %dma_start3A_110 = arith.constant 0 : i32
      %dma_start3A_111 = arith.constant 0 : i32
      %dma_start3A_112 = tpu.memref_slice %arg8[%run_scoped3A_30, %dma_start3A_110, %dma_start3A_111] : memref<3x64x128xf32, #tpu.memory_space<vmem>> -> memref<1x64x128xf32, #tpu.memory_space<vmem>>
      %dma_start3A_113 = tpu.memref_squeeze %dma_start3A_112 : memref<1x64x128xf32, #tpu.memory_space<vmem>> -> memref<64x128xf32, #tpu.memory_space<vmem>>
      tpu.enqueue_dma source(%dma_start3A_113 : memref<64x128xf32, #tpu.memory_space<vmem>>) target(%dma_start3A_109 : memref<64x128xf32, #tpu.memory_space<vmem_shared>>) target_semaphore(%run_scoped3A_101 : memref<!tpu.dma_semaphore, #tpu.memory_space<semaphore_mem>>)
      %dma_wait3A_114 = arith.constant 0 : i32
      %dma_wait3A_115 = arith.constant 0 : i32
      %dma_wait3A_116 = tpu.memref_slice %arg8[%run_scoped3A_30, %dma_wait3A_114, %dma_wait3A_115] : memref<3x64x128xf32, #tpu.memory_space<vmem>> -> memref<1x64x128xf32, #tpu.memory_space<vmem>>
      %dma_wait3A_117 = tpu.memref_squeeze %dma_wait3A_116 : memref<1x64x128xf32, #tpu.memory_space<vmem>> -> memref<64x128xf32, #tpu.memory_space<vmem>>
      %dma_wait3A_118 = arith.constant 0 : i32
      %dma_wait3A_119 = tpu.memref_slice %arg15[%add3A_29, %dma_wait3A_118] : memref<10240x128xf32, #tpu.memory_space<vmem_shared>> -> memref<64x128xf32, #tpu.memory_space<vmem_shared>>
      %dma_wait3A_120 = arith.constant 0 : i32
      %dma_wait3A_121 = tpu.memref_slice %arg15[%add3A_29, %dma_wait3A_120] : memref<10240x128xf32, #tpu.memory_space<vmem_shared>> -> memref<64x128xf32, #tpu.memory_space<vmem_shared>>
      %dma_wait3A_122 = arith.constant 0 : i32
      %dma_wait3A_123 = arith.constant 0 : i32
      %dma_wait3A_124 = tpu.memref_slice %arg8[%run_scoped3A_30, %dma_wait3A_122, %dma_wait3A_123] : memref<3x64x128xf32, #tpu.memory_space<vmem>> -> memref<1x64x128xf32, #tpu.memory_space<vmem>>
      %dma_wait3A_125 = tpu.memref_squeeze %dma_wait3A_124 : memref<1x64x128xf32, #tpu.memory_space<vmem>> -> memref<64x128xf32, #tpu.memory_space<vmem>>
      tpu.wait_dma2 semaphore(%run_scoped3A_101 : memref<!tpu.dma_semaphore, #tpu.memory_space<semaphore_mem>>) src(%dma_wait3A_125 : memref<64x128xf32, #tpu.memory_space<vmem>>) dst(%dma_wait3A_121 : memref<64x128xf32, #tpu.memory_space<vmem_shared>>)
      tpu.yield
    }) : () -> ()
    %mul3A_31 = arith.constant 640 : i32
    %mul3A_32 = arith.muli %arg1, %mul3A_31 : i32
    %add3A_33 = arith.constant 320 : i32
    %add3A_34 = arith.addi %mul3A_32, %add3A_33 : i32
    %run_scoped3A_35 = arith.constant 0 : i32
    "tpu.region"() ({
      %run_scoped3A_101 = tpu.sem_alloc : memref<!tpu.dma_semaphore, #tpu.memory_space<semaphore_mem>>
      %dma_start3A_102 = arith.constant 0 : i32
      %dma_start3A_103 = arith.constant 0 : i32
      %dma_start3A_104 = tpu.memref_slice %arg8[%run_scoped3A_35, %dma_start3A_102, %dma_start3A_103] : memref<3x64x128xf32, #tpu.memory_space<vmem>> -> memref<1x64x128xf32, #tpu.memory_space<vmem>>
      %dma_start3A_105 = tpu.memref_squeeze %dma_start3A_104 : memref<1x64x128xf32, #tpu.memory_space<vmem>> -> memref<64x128xf32, #tpu.memory_space<vmem>>
      %dma_start3A_106 = arith.constant 0 : i32
      %dma_start3A_107 = tpu.memref_slice %arg15[%add3A_34, %dma_start3A_106] : memref<10240x128xf32, #tpu.memory_space<vmem_shared>> -> memref<64x128xf32, #tpu.memory_space<vmem_shared>>
      %dma_start3A_108 = arith.constant 0 : i32
      %dma_start3A_109 = tpu.memref_slice %arg15[%add3A_34, %dma_start3A_108] : memref<10240x128xf32, #tpu.memory_space<vmem_shared>> -> memref<64x128xf32, #tpu.memory_space<vmem_shared>>
      %dma_start3A_110 = arith.constant 0 : i32
      %dma_start3A_111 = arith.constant 0 : i32
      %dma_start3A_112 = tpu.memref_slice %arg8[%run_scoped3A_35, %dma_start3A_110, %dma_start3A_111] : memref<3x64x128xf32, #tpu.memory_space<vmem>> -> memref<1x64x128xf32, #tpu.memory_space<vmem>>
      %dma_start3A_113 = tpu.memref_squeeze %dma_start3A_112 : memref<1x64x128xf32, #tpu.memory_space<vmem>> -> memref<64x128xf32, #tpu.memory_space<vmem>>
      tpu.enqueue_dma source(%dma_start3A_113 : memref<64x128xf32, #tpu.memory_space<vmem>>) target(%dma_start3A_109 : memref<64x128xf32, #tpu.memory_space<vmem_shared>>) target_semaphore(%run_scoped3A_101 : memref<!tpu.dma_semaphore, #tpu.memory_space<semaphore_mem>>)
      %dma_wait3A_114 = arith.constant 0 : i32
      %dma_wait3A_115 = arith.constant 0 : i32
      %dma_wait3A_116 = tpu.memref_slice %arg8[%run_scoped3A_35, %dma_wait3A_114, %dma_wait3A_115] : memref<3x64x128xf32, #tpu.memory_space<vmem>> -> memref<1x64x128xf32, #tpu.memory_space<vmem>>
      %dma_wait3A_117 = tpu.memref_squeeze %dma_wait3A_116 : memref<1x64x128xf32, #tpu.memory_space<vmem>> -> memref<64x128xf32, #tpu.memory_space<vmem>>
      %dma_wait3A_118 = arith.constant 0 : i32
      %dma_wait3A_119 = tpu.memref_slice %arg15[%add3A_34, %dma_wait3A_118] : memref<10240x128xf32, #tpu.memory_space<vmem_shared>> -> memref<64x128xf32, #tpu.memory_space<vmem_shared>>
      %dma_wait3A_120 = arith.constant 0 : i32
      %dma_wait3A_121 = tpu.memref_slice %arg15[%add3A_34, %dma_wait3A_120] : memref<10240x128xf32, #tpu.memory_space<vmem_shared>> -> memref<64x128xf32, #tpu.memory_space<vmem_shared>>
      %dma_wait3A_122 = arith.constant 0 : i32
      %dma_wait3A_123 = arith.constant 0 : i32
      %dma_wait3A_124 = tpu.memref_slice %arg8[%run_scoped3A_35, %dma_wait3A_122, %dma_wait3A_123] : memref<3x64x128xf32, #tpu.memory_space<vmem>> -> memref<1x64x128xf32, #tpu.memory_space<vmem>>
      %dma_wait3A_125 = tpu.memref_squeeze %dma_wait3A_124 : memref<1x64x128xf32, #tpu.memory_space<vmem>> -> memref<64x128xf32, #tpu.memory_space<vmem>>
      tpu.wait_dma2 semaphore(%run_scoped3A_101 : memref<!tpu.dma_semaphore, #tpu.memory_space<semaphore_mem>>) src(%dma_wait3A_125 : memref<64x128xf32, #tpu.memory_space<vmem>>) dst(%dma_wait3A_121 : memref<64x128xf32, #tpu.memory_space<vmem_shared>>)
      tpu.yield
    }) : () -> ()
    %mul3A_36 = arith.constant 640 : i32
    %mul3A_37 = arith.muli %arg1, %mul3A_36 : i32
    %add3A_38 = arith.constant 384 : i32
    %add3A_39 = arith.addi %mul3A_37, %add3A_38 : i32
    %run_scoped3A_40 = arith.constant 0 : i32
    "tpu.region"() ({
      %run_scoped3A_101 = tpu.sem_alloc : memref<!tpu.dma_semaphore, #tpu.memory_space<semaphore_mem>>
      %dma_start3A_102 = arith.constant 0 : i32
      %dma_start3A_103 = arith.constant 0 : i32
      %dma_start3A_104 = tpu.memref_slice %arg8[%run_scoped3A_40, %dma_start3A_102, %dma_start3A_103] : memref<3x64x128xf32, #tpu.memory_space<vmem>> -> memref<1x64x128xf32, #tpu.memory_space<vmem>>
      %dma_start3A_105 = tpu.memref_squeeze %dma_start3A_104 : memref<1x64x128xf32, #tpu.memory_space<vmem>> -> memref<64x128xf32, #tpu.memory_space<vmem>>
      %dma_start3A_106 = arith.constant 0 : i32
      %dma_start3A_107 = tpu.memref_slice %arg15[%add3A_39, %dma_start3A_106] : memref<10240x128xf32, #tpu.memory_space<vmem_shared>> -> memref<64x128xf32, #tpu.memory_space<vmem_shared>>
      %dma_start3A_108 = arith.constant 0 : i32
      %dma_start3A_109 = tpu.memref_slice %arg15[%add3A_39, %dma_start3A_108] : memref<10240x128xf32, #tpu.memory_space<vmem_shared>> -> memref<64x128xf32, #tpu.memory_space<vmem_shared>>
      %dma_start3A_110 = arith.constant 0 : i32
      %dma_start3A_111 = arith.constant 0 : i32
      %dma_start3A_112 = tpu.memref_slice %arg8[%run_scoped3A_40, %dma_start3A_110, %dma_start3A_111] : memref<3x64x128xf32, #tpu.memory_space<vmem>> -> memref<1x64x128xf32, #tpu.memory_space<vmem>>
      %dma_start3A_113 = tpu.memref_squeeze %dma_start3A_112 : memref<1x64x128xf32, #tpu.memory_space<vmem>> -> memref<64x128xf32, #tpu.memory_space<vmem>>
      tpu.enqueue_dma source(%dma_start3A_113 : memref<64x128xf32, #tpu.memory_space<vmem>>) target(%dma_start3A_109 : memref<64x128xf32, #tpu.memory_space<vmem_shared>>) target_semaphore(%run_scoped3A_101 : memref<!tpu.dma_semaphore, #tpu.memory_space<semaphore_mem>>)
      %dma_wait3A_114 = arith.constant 0 : i32
      %dma_wait3A_115 = arith.constant 0 : i32
      %dma_wait3A_116 = tpu.memref_slice %arg8[%run_scoped3A_40, %dma_wait3A_114, %dma_wait3A_115] : memref<3x64x128xf32, #tpu.memory_space<vmem>> -> memref<1x64x128xf32, #tpu.memory_space<vmem>>
      %dma_wait3A_117 = tpu.memref_squeeze %dma_wait3A_116 : memref<1x64x128xf32, #tpu.memory_space<vmem>> -> memref<64x128xf32, #tpu.memory_space<vmem>>
      %dma_wait3A_118 = arith.constant 0 : i32
      %dma_wait3A_119 = tpu.memref_slice %arg15[%add3A_39, %dma_wait3A_118] : memref<10240x128xf32, #tpu.memory_space<vmem_shared>> -> memref<64x128xf32, #tpu.memory_space<vmem_shared>>
      %dma_wait3A_120 = arith.constant 0 : i32
      %dma_wait3A_121 = tpu.memref_slice %arg15[%add3A_39, %dma_wait3A_120] : memref<10240x128xf32, #tpu.memory_space<vmem_shared>> -> memref<64x128xf32, #tpu.memory_space<vmem_shared>>
      %dma_wait3A_122 = arith.constant 0 : i32
      %dma_wait3A_123 = arith.constant 0 : i32
      %dma_wait3A_124 = tpu.memref_slice %arg8[%run_scoped3A_40, %dma_wait3A_122, %dma_wait3A_123] : memref<3x64x128xf32, #tpu.memory_space<vmem>> -> memref<1x64x128xf32, #tpu.memory_space<vmem>>
      %dma_wait3A_125 = tpu.memref_squeeze %dma_wait3A_124 : memref<1x64x128xf32, #tpu.memory_space<vmem>> -> memref<64x128xf32, #tpu.memory_space<vmem>>
      tpu.wait_dma2 semaphore(%run_scoped3A_101 : memref<!tpu.dma_semaphore, #tpu.memory_space<semaphore_mem>>) src(%dma_wait3A_125 : memref<64x128xf32, #tpu.memory_space<vmem>>) dst(%dma_wait3A_121 : memref<64x128xf32, #tpu.memory_space<vmem_shared>>)
      tpu.yield
    }) : () -> ()
    %mul3A_41 = arith.constant 640 : i32
    %mul3A_42 = arith.muli %arg1, %mul3A_41 : i32
    %add3A_43 = arith.constant 448 : i32
    %add3A_44 = arith.addi %mul3A_42, %add3A_43 : i32
    %run_scoped3A_45 = arith.constant 0 : i32
    "tpu.region"() ({
      %run_scoped3A_101 = tpu.sem_alloc : memref<!tpu.dma_semaphore, #tpu.memory_space<semaphore_mem>>
      %dma_start3A_102 = arith.constant 0 : i32
      %dma_start3A_103 = arith.constant 0 : i32
      %dma_start3A_104 = tpu.memref_slice %arg8[%run_scoped3A_45, %dma_start3A_102, %dma_start3A_103] : memref<3x64x128xf32, #tpu.memory_space<vmem>> -> memref<1x64x128xf32, #tpu.memory_space<vmem>>
      %dma_start3A_105 = tpu.memref_squeeze %dma_start3A_104 : memref<1x64x128xf32, #tpu.memory_space<vmem>> -> memref<64x128xf32, #tpu.memory_space<vmem>>
      %dma_start3A_106 = arith.constant 0 : i32
      %dma_start3A_107 = tpu.memref_slice %arg15[%add3A_44, %dma_start3A_106] : memref<10240x128xf32, #tpu.memory_space<vmem_shared>> -> memref<64x128xf32, #tpu.memory_space<vmem_shared>>
      %dma_start3A_108 = arith.constant 0 : i32
      %dma_start3A_109 = tpu.memref_slice %arg15[%add3A_44, %dma_start3A_108] : memref<10240x128xf32, #tpu.memory_space<vmem_shared>> -> memref<64x128xf32, #tpu.memory_space<vmem_shared>>
      %dma_start3A_110 = arith.constant 0 : i32
      %dma_start3A_111 = arith.constant 0 : i32
      %dma_start3A_112 = tpu.memref_slice %arg8[%run_scoped3A_45, %dma_start3A_110, %dma_start3A_111] : memref<3x64x128xf32, #tpu.memory_space<vmem>> -> memref<1x64x128xf32, #tpu.memory_space<vmem>>
      %dma_start3A_113 = tpu.memref_squeeze %dma_start3A_112 : memref<1x64x128xf32, #tpu.memory_space<vmem>> -> memref<64x128xf32, #tpu.memory_space<vmem>>
      tpu.enqueue_dma source(%dma_start3A_113 : memref<64x128xf32, #tpu.memory_space<vmem>>) target(%dma_start3A_109 : memref<64x128xf32, #tpu.memory_space<vmem_shared>>) target_semaphore(%run_scoped3A_101 : memref<!tpu.dma_semaphore, #tpu.memory_space<semaphore_mem>>)
      %dma_wait3A_114 = arith.constant 0 : i32
      %dma_wait3A_115 = arith.constant 0 : i32
      %dma_wait3A_116 = tpu.memref_slice %arg8[%run_scoped3A_45, %dma_wait3A_114, %dma_wait3A_115] : memref<3x64x128xf32, #tpu.memory_space<vmem>> -> memref<1x64x128xf32, #tpu.memory_space<vmem>>
      %dma_wait3A_117 = tpu.memref_squeeze %dma_wait3A_116 : memref<1x64x128xf32, #tpu.memory_space<vmem>> -> memref<64x128xf32, #tpu.memory_space<vmem>>
      %dma_wait3A_118 = arith.constant 0 : i32
      %dma_wait3A_119 = tpu.memref_slice %arg15[%add3A_44, %dma_wait3A_118] : memref<10240x128xf32, #tpu.memory_space<vmem_shared>> -> memref<64x128xf32, #tpu.memory_space<vmem_shared>>
      %dma_wait3A_120 = arith.constant 0 : i32
      %dma_wait3A_121 = tpu.memref_slice %arg15[%add3A_44, %dma_wait3A_120] : memref<10240x128xf32, #tpu.memory_space<vmem_shared>> -> memref<64x128xf32, #tpu.memory_space<vmem_shared>>
      %dma_wait3A_122 = arith.constant 0 : i32
      %dma_wait3A_123 = arith.constant 0 : i32
      %dma_wait3A_124 = tpu.memref_slice %arg8[%run_scoped3A_45, %dma_wait3A_122, %dma_wait3A_123] : memref<3x64x128xf32, #tpu.memory_space<vmem>> -> memref<1x64x128xf32, #tpu.memory_space<vmem>>
      %dma_wait3A_125 = tpu.memref_squeeze %dma_wait3A_124 : memref<1x64x128xf32, #tpu.memory_space<vmem>> -> memref<64x128xf32, #tpu.memory_space<vmem>>
      tpu.wait_dma2 semaphore(%run_scoped3A_101 : memref<!tpu.dma_semaphore, #tpu.memory_space<semaphore_mem>>) src(%dma_wait3A_125 : memref<64x128xf32, #tpu.memory_space<vmem>>) dst(%dma_wait3A_121 : memref<64x128xf32, #tpu.memory_space<vmem_shared>>)
      tpu.yield
    }) : () -> ()
    %mul3A_46 = arith.constant 640 : i32
    %mul3A_47 = arith.muli %arg1, %mul3A_46 : i32
    %add3A_48 = arith.constant 512 : i32
    %add3A_49 = arith.addi %mul3A_47, %add3A_48 : i32
    %run_scoped3A_50 = arith.constant 0 : i32
    "tpu.region"() ({
      %run_scoped3A_101 = tpu.sem_alloc : memref<!tpu.dma_semaphore, #tpu.memory_space<semaphore_mem>>
      %dma_start3A_102 = arith.constant 0 : i32
      %dma_start3A_103 = arith.constant 0 : i32
      %dma_start3A_104 = tpu.memref_slice %arg8[%run_scoped3A_50, %dma_start3A_102, %dma_start3A_103] : memref<3x64x128xf32, #tpu.memory_space<vmem>> -> memref<1x64x128xf32, #tpu.memory_space<vmem>>
      %dma_start3A_105 = tpu.memref_squeeze %dma_start3A_104 : memref<1x64x128xf32, #tpu.memory_space<vmem>> -> memref<64x128xf32, #tpu.memory_space<vmem>>
      %dma_start3A_106 = arith.constant 0 : i32
      %dma_start3A_107 = tpu.memref_slice %arg15[%add3A_49, %dma_start3A_106] : memref<10240x128xf32, #tpu.memory_space<vmem_shared>> -> memref<64x128xf32, #tpu.memory_space<vmem_shared>>
      %dma_start3A_108 = arith.constant 0 : i32
      %dma_start3A_109 = tpu.memref_slice %arg15[%add3A_49, %dma_start3A_108] : memref<10240x128xf32, #tpu.memory_space<vmem_shared>> -> memref<64x128xf32, #tpu.memory_space<vmem_shared>>
      %dma_start3A_110 = arith.constant 0 : i32
      %dma_start3A_111 = arith.constant 0 : i32
      %dma_start3A_112 = tpu.memref_slice %arg8[%run_scoped3A_50, %dma_start3A_110, %dma_start3A_111] : memref<3x64x128xf32, #tpu.memory_space<vmem>> -> memref<1x64x128xf32, #tpu.memory_space<vmem>>
      %dma_start3A_113 = tpu.memref_squeeze %dma_start3A_112 : memref<1x64x128xf32, #tpu.memory_space<vmem>> -> memref<64x128xf32, #tpu.memory_space<vmem>>
      tpu.enqueue_dma source(%dma_start3A_113 : memref<64x128xf32, #tpu.memory_space<vmem>>) target(%dma_start3A_109 : memref<64x128xf32, #tpu.memory_space<vmem_shared>>) target_semaphore(%run_scoped3A_101 : memref<!tpu.dma_semaphore, #tpu.memory_space<semaphore_mem>>)
      %dma_wait3A_114 = arith.constant 0 : i32
      %dma_wait3A_115 = arith.constant 0 : i32
      %dma_wait3A_116 = tpu.memref_slice %arg8[%run_scoped3A_50, %dma_wait3A_114, %dma_wait3A_115] : memref<3x64x128xf32, #tpu.memory_space<vmem>> -> memref<1x64x128xf32, #tpu.memory_space<vmem>>
      %dma_wait3A_117 = tpu.memref_squeeze %dma_wait3A_116 : memref<1x64x128xf32, #tpu.memory_space<vmem>> -> memref<64x128xf32, #tpu.memory_space<vmem>>
      %dma_wait3A_118 = arith.constant 0 : i32
      %dma_wait3A_119 = tpu.memref_slice %arg15[%add3A_49, %dma_wait3A_118] : memref<10240x128xf32, #tpu.memory_space<vmem_shared>> -> memref<64x128xf32, #tpu.memory_space<vmem_shared>>
      %dma_wait3A_120 = arith.constant 0 : i32
      %dma_wait3A_121 = tpu.memref_slice %arg15[%add3A_49, %dma_wait3A_120] : memref<10240x128xf32, #tpu.memory_space<vmem_shared>> -> memref<64x128xf32, #tpu.memory_space<vmem_shared>>
      %dma_wait3A_122 = arith.constant 0 : i32
      %dma_wait3A_123 = arith.constant 0 : i32
      %dma_wait3A_124 = tpu.memref_slice %arg8[%run_scoped3A_50, %dma_wait3A_122, %dma_wait3A_123] : memref<3x64x128xf32, #tpu.memory_space<vmem>> -> memref<1x64x128xf32, #tpu.memory_space<vmem>>
      %dma_wait3A_125 = tpu.memref_squeeze %dma_wait3A_124 : memref<1x64x128xf32, #tpu.memory_space<vmem>> -> memref<64x128xf32, #tpu.memory_space<vmem>>
      tpu.wait_dma2 semaphore(%run_scoped3A_101 : memref<!tpu.dma_semaphore, #tpu.memory_space<semaphore_mem>>) src(%dma_wait3A_125 : memref<64x128xf32, #tpu.memory_space<vmem>>) dst(%dma_wait3A_121 : memref<64x128xf32, #tpu.memory_space<vmem_shared>>)
      tpu.yield
    }) : () -> ()
    %mul3A_51 = arith.constant 640 : i32
    %mul3A_52 = arith.muli %arg1, %mul3A_51 : i32
    %add3A_53 = arith.constant 576 : i32
    %add3A_54 = arith.addi %mul3A_52, %add3A_53 : i32
    %run_scoped3A_55 = arith.constant 0 : i32
    "tpu.region"() ({
      %run_scoped3A_101 = tpu.sem_alloc : memref<!tpu.dma_semaphore, #tpu.memory_space<semaphore_mem>>
      %dma_start3A_102 = arith.constant 0 : i32
      %dma_start3A_103 = arith.constant 0 : i32
      %dma_start3A_104 = tpu.memref_slice %arg8[%run_scoped3A_55, %dma_start3A_102, %dma_start3A_103] : memref<3x64x128xf32, #tpu.memory_space<vmem>> -> memref<1x64x128xf32, #tpu.memory_space<vmem>>
      %dma_start3A_105 = tpu.memref_squeeze %dma_start3A_104 : memref<1x64x128xf32, #tpu.memory_space<vmem>> -> memref<64x128xf32, #tpu.memory_space<vmem>>
      %dma_start3A_106 = arith.constant 0 : i32
      %dma_start3A_107 = tpu.memref_slice %arg15[%add3A_54, %dma_start3A_106] : memref<10240x128xf32, #tpu.memory_space<vmem_shared>> -> memref<64x128xf32, #tpu.memory_space<vmem_shared>>
      %dma_start3A_108 = arith.constant 0 : i32
      %dma_start3A_109 = tpu.memref_slice %arg15[%add3A_54, %dma_start3A_108] : memref<10240x128xf32, #tpu.memory_space<vmem_shared>> -> memref<64x128xf32, #tpu.memory_space<vmem_shared>>
      %dma_start3A_110 = arith.constant 0 : i32
      %dma_start3A_111 = arith.constant 0 : i32
      %dma_start3A_112 = tpu.memref_slice %arg8[%run_scoped3A_55, %dma_start3A_110, %dma_start3A_111] : memref<3x64x128xf32, #tpu.memory_space<vmem>> -> memref<1x64x128xf32, #tpu.memory_space<vmem>>
      %dma_start3A_113 = tpu.memref_squeeze %dma_start3A_112 : memref<1x64x128xf32, #tpu.memory_space<vmem>> -> memref<64x128xf32, #tpu.memory_space<vmem>>
      tpu.enqueue_dma source(%dma_start3A_113 : memref<64x128xf32, #tpu.memory_space<vmem>>) target(%dma_start3A_109 : memref<64x128xf32, #tpu.memory_space<vmem_shared>>) target_semaphore(%run_scoped3A_101 : memref<!tpu.dma_semaphore, #tpu.memory_space<semaphore_mem>>)
      %dma_wait3A_114 = arith.constant 0 : i32
      %dma_wait3A_115 = arith.constant 0 : i32
      %dma_wait3A_116 = tpu.memref_slice %arg8[%run_scoped3A_55, %dma_wait3A_114, %dma_wait3A_115] : memref<3x64x128xf32, #tpu.memory_space<vmem>> -> memref<1x64x128xf32, #tpu.memory_space<vmem>>
      %dma_wait3A_117 = tpu.memref_squeeze %dma_wait3A_116 : memref<1x64x128xf32, #tpu.memory_space<vmem>> -> memref<64x128xf32, #tpu.memory_space<vmem>>
      %dma_wait3A_118 = arith.constant 0 : i32
      %dma_wait3A_119 = tpu.memref_slice %arg15[%add3A_54, %dma_wait3A_118] : memref<10240x128xf32, #tpu.memory_space<vmem_shared>> -> memref<64x128xf32, #tpu.memory_space<vmem_shared>>
      %dma_wait3A_120 = arith.constant 0 : i32
      %dma_wait3A_121 = tpu.memref_slice %arg15[%add3A_54, %dma_wait3A_120] : memref<10240x128xf32, #tpu.memory_space<vmem_shared>> -> memref<64x128xf32, #tpu.memory_space<vmem_shared>>
      %dma_wait3A_122 = arith.constant 0 : i32
      %dma_wait3A_123 = arith.constant 0 : i32
      %dma_wait3A_124 = tpu.memref_slice %arg8[%run_scoped3A_55, %dma_wait3A_122, %dma_wait3A_123] : memref<3x64x128xf32, #tpu.memory_space<vmem>> -> memref<1x64x128xf32, #tpu.memory_space<vmem>>
      %dma_wait3A_125 = tpu.memref_squeeze %dma_wait3A_124 : memref<1x64x128xf32, #tpu.memory_space<vmem>> -> memref<64x128xf32, #tpu.memory_space<vmem>>
      tpu.wait_dma2 semaphore(%run_scoped3A_101 : memref<!tpu.dma_semaphore, #tpu.memory_space<semaphore_mem>>) src(%dma_wait3A_125 : memref<64x128xf32, #tpu.memory_space<vmem>>) dst(%dma_wait3A_121 : memref<64x128xf32, #tpu.memory_space<vmem_shared>>)
      tpu.yield
    }) : () -> ()
    "tpu.region"() ({
      %run_scoped3A_101 = tpu.sem_alloc : memref<!tpu.dma_semaphore, #tpu.memory_space<semaphore_mem>>
      %dma_start3A_102 = arith.constant 0 : i32
      %dma_start3A_103 = arith.constant 0 : i32
      %dma_start3A_104 = tpu.memref_slice %arg3[%add3A, %dma_start3A_102, %dma_start3A_103] : memref<32x159x64xi32, #tpu.memory_space<hbm>> -> memref<1x159x64xi32, #tpu.memory_space<hbm>>
      %dma_start3A_105 = tpu.memref_squeeze %dma_start3A_104 : memref<1x159x64xi32, #tpu.memory_space<hbm>> -> memref<159x64xi32, #tpu.memory_space<hbm>>
      %dma_start3A_106 = arith.constant 0 : i32
      %dma_start3A_107 = arith.constant 0 : i32
      %dma_start3A_108 = tpu.memref_slice %arg3[%add3A, %dma_start3A_106, %dma_start3A_107] : memref<32x159x64xi32, #tpu.memory_space<hbm>> -> memref<1x159x64xi32, #tpu.memory_space<hbm>>
      %dma_start3A_109 = tpu.memref_squeeze %dma_start3A_108 : memref<1x159x64xi32, #tpu.memory_space<hbm>> -> memref<159x64xi32, #tpu.memory_space<hbm>>
      tpu.enqueue_dma source(%dma_start3A_109 : memref<159x64xi32, #tpu.memory_space<hbm>>) target(%arg6 : memref<159x64xi32, #tpu.memory_space<vmem>>) target_semaphore(%run_scoped3A_101 : memref<!tpu.dma_semaphore, #tpu.memory_space<semaphore_mem>>)
      %dma_wait3A_110 = arith.constant 0 : i32
      %dma_wait3A_111 = arith.constant 0 : i32
      %dma_wait3A_112 = tpu.memref_slice %arg3[%add3A, %dma_wait3A_110, %dma_wait3A_111] : memref<32x159x64xi32, #tpu.memory_space<hbm>> -> memref<1x159x64xi32, #tpu.memory_space<hbm>>
      %dma_wait3A_113 = tpu.memref_squeeze %dma_wait3A_112 : memref<1x159x64xi32, #tpu.memory_space<hbm>> -> memref<159x64xi32, #tpu.memory_space<hbm>>
      %dma_wait3A_114 = arith.constant 0 : i32
      %dma_wait3A_115 = arith.constant 0 : i32
      %dma_wait3A_116 = tpu.memref_slice %arg3[%add3A, %dma_wait3A_114, %dma_wait3A_115] : memref<32x159x64xi32, #tpu.memory_space<hbm>> -> memref<1x159x64xi32, #tpu.memory_space<hbm>>
      %dma_wait3A_117 = tpu.memref_squeeze %dma_wait3A_116 : memref<1x159x64xi32, #tpu.memory_space<hbm>> -> memref<159x64xi32, #tpu.memory_space<hbm>>
      tpu.wait_dma2 semaphore(%run_scoped3A_101 : memref<!tpu.dma_semaphore, #tpu.memory_space<semaphore_mem>>) src(%dma_wait3A_117 : memref<159x64xi32, #tpu.memory_space<hbm>>) dst(%arg6 : memref<159x64xi32, #tpu.memory_space<vmem>>)
      tpu.yield
    }) : () -> ()
    "tpu.region"() ({
      %run_scoped3A_101 = tpu.sem_alloc : memref<!tpu.dma_semaphore, #tpu.memory_space<semaphore_mem>>
      %dma_start3A_102 = arith.constant 0 : i32
      %dma_start3A_103 = arith.constant 0 : i32
      %dma_start3A_104 = tpu.memref_slice %arg4[%add3A, %dma_start3A_102, %dma_start3A_103] : memref<32x159x64xi32, #tpu.memory_space<hbm>> -> memref<1x159x64xi32, #tpu.memory_space<hbm>>
      %dma_start3A_105 = tpu.memref_squeeze %dma_start3A_104 : memref<1x159x64xi32, #tpu.memory_space<hbm>> -> memref<159x64xi32, #tpu.memory_space<hbm>>
      %dma_start3A_106 = arith.constant 0 : i32
      %dma_start3A_107 = arith.constant 0 : i32
      %dma_start3A_108 = tpu.memref_slice %arg4[%add3A, %dma_start3A_106, %dma_start3A_107] : memref<32x159x64xi32, #tpu.memory_space<hbm>> -> memref<1x159x64xi32, #tpu.memory_space<hbm>>
      %dma_start3A_109 = tpu.memref_squeeze %dma_start3A_108 : memref<1x159x64xi32, #tpu.memory_space<hbm>> -> memref<159x64xi32, #tpu.memory_space<hbm>>
      tpu.enqueue_dma source(%dma_start3A_109 : memref<159x64xi32, #tpu.memory_space<hbm>>) target(%arg7 : memref<159x64xi32, #tpu.memory_space<vmem>>) target_semaphore(%run_scoped3A_101 : memref<!tpu.dma_semaphore, #tpu.memory_space<semaphore_mem>>)
      %dma_wait3A_110 = arith.constant 0 : i32
      %dma_wait3A_111 = arith.constant 0 : i32
      %dma_wait3A_112 = tpu.memref_slice %arg4[%add3A, %dma_wait3A_110, %dma_wait3A_111] : memref<32x159x64xi32, #tpu.memory_space<hbm>> -> memref<1x159x64xi32, #tpu.memory_space<hbm>>
      %dma_wait3A_113 = tpu.memref_squeeze %dma_wait3A_112 : memref<1x159x64xi32, #tpu.memory_space<hbm>> -> memref<159x64xi32, #tpu.memory_space<hbm>>
      %dma_wait3A_114 = arith.constant 0 : i32
      %dma_wait3A_115 = arith.constant 0 : i32
      %dma_wait3A_116 = tpu.memref_slice %arg4[%add3A, %dma_wait3A_114, %dma_wait3A_115] : memref<32x159x64xi32, #tpu.memory_space<hbm>> -> memref<1x159x64xi32, #tpu.memory_space<hbm>>
      %dma_wait3A_117 = tpu.memref_squeeze %dma_wait3A_116 : memref<1x159x64xi32, #tpu.memory_space<hbm>> -> memref<159x64xi32, #tpu.memory_space<hbm>>
      tpu.wait_dma2 semaphore(%run_scoped3A_101 : memref<!tpu.dma_semaphore, #tpu.memory_space<semaphore_mem>>) src(%dma_wait3A_117 : memref<159x64xi32, #tpu.memory_space<hbm>>) dst(%arg7 : memref<159x64xi32, #tpu.memory_space<vmem>>)
      tpu.yield
    }) : () -> ()
    %barrier3A = arith.constant 0 : index
    tpu.barrier barrier_id(%barrier3A)
    %dma_start3A = arith.constant 0 : i32
    %dma_start3A_56 = arith.constant 0 : i32
    %dma_start3A_57 = arith.constant 0 : i32
    %dma_start3A_58 = arith.constant 0 : i32
    %dma_start3A_59 = tpu.memref_slice %arg8[%dma_start3A_56, %dma_start3A_57, %dma_start3A_58] : memref<3x64x128xf32, #tpu.memory_space<vmem>> -> memref<1x64x128xf32, #tpu.memory_space<vmem>>
    %dma_start3A_60 = tpu.memref_squeeze %dma_start3A_59 : memref<1x64x128xf32, #tpu.memory_space<vmem>> -> memref<64x128xf32, #tpu.memory_space<vmem>>
    %dma_start3A_61 = arith.constant 0 : i32
    %dma_start3A_62 = tpu.memref_slice %arg6[%dma_start3A, %dma_start3A_61] : memref<159x64xi32, #tpu.memory_space<vmem>> -> memref<1x64xi32, #tpu.memory_space<vmem>>
    %dma_start3A_63 = tpu.memref_squeeze %dma_start3A_62 : memref<1x64xi32, #tpu.memory_space<vmem>> -> memref<64xi32, #tpu.memory_space<vmem>>
    %dma_start3A_64 = arith.constant 0 : i32
    %dma_start3A_65 = arith.constant 0 : i32
    %dma_start3A_66 = tpu.memref_slice %arg2[%dma_start3A_64, %dma_start3A_65] : memref<10000x128xf32, #tpu.memory_space<hbm>> -> memref<10000x128xf32, #tpu.memory_space<hbm>>
    tpu.enqueue_indirect_dma source(%dma_start3A_66 : memref<10000x128xf32, #tpu.memory_space<hbm>>) target(%dma_start3A_60 : memref<64x128xf32, #tpu.memory_space<vmem>>) offsets(%dma_start3A_63 : memref<64xi32, #tpu.memory_space<vmem>>) semaphore(%arg9 : memref<!tpu.dma_semaphore, #tpu.memory_space<semaphore_mem>>)
    %dma_start3A_67 = arith.constant 1 : i32
    %dma_start3A_68 = arith.constant 1 : i32
    %dma_start3A_69 = arith.constant 0 : i32
    %dma_start3A_70 = arith.constant 0 : i32
    %dma_start3A_71 = tpu.memref_slice %arg8[%dma_start3A_68, %dma_start3A_69, %dma_start3A_70] : memref<3x64x128xf32, #tpu.memory_space<vmem>> -> memref<1x64x128xf32, #tpu.memory_space<vmem>>
    %dma_start3A_72 = tpu.memref_squeeze %dma_start3A_71 : memref<1x64x128xf32, #tpu.memory_space<vmem>> -> memref<64x128xf32, #tpu.memory_space<vmem>>
    %dma_start3A_73 = arith.constant 0 : i32
    %dma_start3A_74 = tpu.memref_slice %arg6[%dma_start3A_67, %dma_start3A_73] : memref<159x64xi32, #tpu.memory_space<vmem>> -> memref<1x64xi32, #tpu.memory_space<vmem>>
    %dma_start3A_75 = tpu.memref_squeeze %dma_start3A_74 : memref<1x64xi32, #tpu.memory_space<vmem>> -> memref<64xi32, #tpu.memory_space<vmem>>
    %dma_start3A_76 = arith.constant 0 : i32
    %dma_start3A_77 = arith.constant 0 : i32
    %dma_start3A_78 = tpu.memref_slice %arg2[%dma_start3A_76, %dma_start3A_77] : memref<10000x128xf32, #tpu.memory_space<hbm>> -> memref<10000x128xf32, #tpu.memory_space<hbm>>
    tpu.enqueue_indirect_dma source(%dma_start3A_78 : memref<10000x128xf32, #tpu.memory_space<hbm>>) target(%dma_start3A_72 : memref<64x128xf32, #tpu.memory_space<vmem>>) offsets(%dma_start3A_75 : memref<64xi32, #tpu.memory_space<vmem>>) semaphore(%arg10 : memref<!tpu.dma_semaphore, #tpu.memory_space<semaphore_mem>>)
    %scan3A_79 = arith.constant 0 : i32
    %scan3A_80 = arith.constant 0 : i32
    %scan3A_81 = arith.constant 53 : i32
    %scan3A_82 = arith.addi %scan3A_80, %scan3A_81 : i32
    %scan3A_83 = arith.constant 1 : i32
    scf.for %scan3A_101 = %scan3A_80 to %scan3A_82 step %scan3A_83  : i32 {
      %mul3A_102 = arith.constant 3 : i32
      %mul3A_103 = arith.muli %scan3A_101, %mul3A_102 : i32
      %add3A_104 = arith.constant 0 : i32
      %add3A_105 = arith.addi %mul3A_103, %add3A_104 : i32
      %dma_wait3A_106 = arith.constant 0 : i32
      %dma_wait3A_107 = arith.constant 0 : i32
      %dma_wait3A_108 = arith.constant 0 : i32
      %dma_wait3A_109 = tpu.memref_slice %arg8[%dma_wait3A_106, %dma_wait3A_107, %dma_wait3A_108] : memref<3x64x128xf32, #tpu.memory_space<vmem>> -> memref<1x64x128xf32, #tpu.memory_space<vmem>>
      %dma_wait3A_110 = tpu.memref_squeeze %dma_wait3A_109 : memref<1x64x128xf32, #tpu.memory_space<vmem>> -> memref<64x128xf32, #tpu.memory_space<vmem>>
      %dma_wait3A_111 = arith.constant 0 : i32
      %dma_wait3A_112 = tpu.memref_slice %arg6[%add3A_105, %dma_wait3A_111] : memref<159x64xi32, #tpu.memory_space<vmem>> -> memref<1x64xi32, #tpu.memory_space<vmem>>
      %dma_wait3A_113 = tpu.memref_squeeze %dma_wait3A_112 : memref<1x64xi32, #tpu.memory_space<vmem>> -> memref<64xi32, #tpu.memory_space<vmem>>
      %dma_wait3A_114 = arith.constant 0 : i32
      %dma_wait3A_115 = arith.constant 0 : i32
      %dma_wait3A_116 = tpu.memref_slice %arg2[%dma_wait3A_114, %dma_wait3A_115] : memref<10000x128xf32, #tpu.memory_space<hbm>> -> memref<10000x128xf32, #tpu.memory_space<hbm>>
      tpu.wait_indirect_dma semaphore(%arg9 : memref<!tpu.dma_semaphore, #tpu.memory_space<semaphore_mem>>) src(%dma_wait3A_116 : memref<10000x128xf32, #tpu.memory_space<hbm>>) dst(%dma_wait3A_110 : memref<64x128xf32, #tpu.memory_space<vmem>>)
      %dma_start3A_117 = arith.constant 0 : i32
      %dma_start3A_118 = arith.constant 0 : i32
      %dma_start3A_119 = arith.constant 0 : i32
      %dma_start3A_120 = tpu.memref_slice %arg8[%dma_start3A_117, %dma_start3A_118, %dma_start3A_119] : memref<3x64x128xf32, #tpu.memory_space<vmem>> -> memref<1x64x128xf32, #tpu.memory_space<vmem>>
      %dma_start3A_121 = tpu.memref_squeeze %dma_start3A_120 : memref<1x64x128xf32, #tpu.memory_space<vmem>> -> memref<64x128xf32, #tpu.memory_space<vmem>>
      %dma_start3A_122 = arith.constant 0 : i32
      %dma_start3A_123 = tpu.memref_slice %arg7[%add3A_105, %dma_start3A_122] : memref<159x64xi32, #tpu.memory_space<vmem>> -> memref<1x64xi32, #tpu.memory_space<vmem>>
      %dma_start3A_124 = tpu.memref_squeeze %dma_start3A_123 : memref<1x64xi32, #tpu.memory_space<vmem>> -> memref<64xi32, #tpu.memory_space<vmem>>
      %dma_start3A_125 = arith.constant 0 : i32
      %dma_start3A_126 = arith.constant 0 : i32
      %dma_start3A_127 = tpu.memref_slice %arg15[%dma_start3A_125, %dma_start3A_126] : memref<10240x128xf32, #tpu.memory_space<vmem_shared>> -> memref<10240x128xf32, #tpu.memory_space<vmem_shared>>
      tpu.enqueue_indirect_dma source(%dma_start3A_121 : memref<64x128xf32, #tpu.memory_space<vmem>>) target(%dma_start3A_127 : memref<10240x128xf32, #tpu.memory_space<vmem_shared>>) offsets(%dma_start3A_124 : memref<64xi32, #tpu.memory_space<vmem>>) semaphore(%arg12 : memref<!tpu.dma_semaphore, #tpu.memory_space<semaphore_mem>>) {add = true}
      %ge3A = arith.constant 1 : i32
      %ge3A_128 = arith.cmpi sge, %add3A_105, %ge3A : i32
      %convert_element_type3A = arith.extui %ge3A_128 : i1 to i32
      %cond3A = arith.constant 0 : i32
      %cond3A_129 = arith.cmpi ne, %convert_element_type3A, %cond3A : i32
      scf.if %cond3A_129 {
        %sub3A = arith.constant 1 : i32
        %sub3A_212 = arith.subi %add3A_105, %sub3A : i32
        %dma_wait3A_213 = arith.constant 2 : i32
        %dma_wait3A_214 = arith.constant 0 : i32
        %dma_wait3A_215 = arith.constant 0 : i32
        %dma_wait3A_216 = tpu.memref_slice %arg8[%dma_wait3A_213, %dma_wait3A_214, %dma_wait3A_215] : memref<3x64x128xf32, #tpu.memory_space<vmem>> -> memref<1x64x128xf32, #tpu.memory_space<vmem>>
        %dma_wait3A_217 = tpu.memref_squeeze %dma_wait3A_216 : memref<1x64x128xf32, #tpu.memory_space<vmem>> -> memref<64x128xf32, #tpu.memory_space<vmem>>
        %dma_wait3A_218 = arith.constant 0 : i32
        %dma_wait3A_219 = tpu.memref_slice %arg7[%sub3A_212, %dma_wait3A_218] : memref<159x64xi32, #tpu.memory_space<vmem>> -> memref<1x64xi32, #tpu.memory_space<vmem>>
        %dma_wait3A_220 = tpu.memref_squeeze %dma_wait3A_219 : memref<1x64xi32, #tpu.memory_space<vmem>> -> memref<64xi32, #tpu.memory_space<vmem>>
        %dma_wait3A_221 = arith.constant 0 : i32
        %dma_wait3A_222 = arith.constant 0 : i32
        %dma_wait3A_223 = tpu.memref_slice %arg15[%dma_wait3A_221, %dma_wait3A_222] : memref<10240x128xf32, #tpu.memory_space<vmem_shared>> -> memref<10240x128xf32, #tpu.memory_space<vmem_shared>>
        tpu.wait_indirect_dma semaphore(%arg14 : memref<!tpu.dma_semaphore, #tpu.memory_space<semaphore_mem>>) src(%dma_wait3A_217 : memref<64x128xf32, #tpu.memory_space<vmem>>) dst(%dma_wait3A_223 : memref<10240x128xf32, #tpu.memory_space<vmem_shared>>)
      } else {
      }
      %add3A_130 = arith.constant 2 : i32
      %add3A_131 = arith.addi %add3A_105, %add3A_130 : i32
      %lt3A = arith.constant 159 : i32
      %lt3A_132 = arith.cmpi slt, %add3A_131, %lt3A : i32
      %convert_element_type3A_133 = arith.extui %lt3A_132 : i1 to i32
      %cond3A_134 = arith.constant 0 : i32
      %cond3A_135 = arith.cmpi ne, %convert_element_type3A_133, %cond3A_134 : i32
      scf.if %cond3A_135 {
        %add3A_212 = arith.constant 2 : i32
        %add3A_213 = arith.addi %add3A_105, %add3A_212 : i32
        %dma_start3A_214 = arith.constant 2 : i32
        %dma_start3A_215 = arith.constant 0 : i32
        %dma_start3A_216 = arith.constant 0 : i32
        %dma_start3A_217 = tpu.memref_slice %arg8[%dma_start3A_214, %dma_start3A_215, %dma_start3A_216] : memref<3x64x128xf32, #tpu.memory_space<vmem>> -> memref<1x64x128xf32, #tpu.memory_space<vmem>>
        %dma_start3A_218 = tpu.memref_squeeze %dma_start3A_217 : memref<1x64x128xf32, #tpu.memory_space<vmem>> -> memref<64x128xf32, #tpu.memory_space<vmem>>
        %dma_start3A_219 = arith.constant 0 : i32
        %dma_start3A_220 = tpu.memref_slice %arg6[%add3A_213, %dma_start3A_219] : memref<159x64xi32, #tpu.memory_space<vmem>> -> memref<1x64xi32, #tpu.memory_space<vmem>>
        %dma_start3A_221 = tpu.memref_squeeze %dma_start3A_220 : memref<1x64xi32, #tpu.memory_space<vmem>> -> memref<64xi32, #tpu.memory_space<vmem>>
        %dma_start3A_222 = arith.constant 0 : i32
        %dma_start3A_223 = arith.constant 0 : i32
        %dma_start3A_224 = tpu.memref_slice %arg2[%dma_start3A_222, %dma_start3A_223] : memref<10000x128xf32, #tpu.memory_space<hbm>> -> memref<10000x128xf32, #tpu.memory_space<hbm>>
        tpu.enqueue_indirect_dma source(%dma_start3A_224 : memref<10000x128xf32, #tpu.memory_space<hbm>>) target(%dma_start3A_218 : memref<64x128xf32, #tpu.memory_space<vmem>>) offsets(%dma_start3A_221 : memref<64xi32, #tpu.memory_space<vmem>>) semaphore(%arg11 : memref<!tpu.dma_semaphore, #tpu.memory_space<semaphore_mem>>)
      } else {
      }
      %mul3A_136 = arith.constant 3 : i32
      %mul3A_137 = arith.muli %scan3A_101, %mul3A_136 : i32
      %add3A_138 = arith.constant 1 : i32
      %add3A_139 = arith.addi %mul3A_137, %add3A_138 : i32
      %dma_wait3A_140 = arith.constant 1 : i32
      %dma_wait3A_141 = arith.constant 0 : i32
      %dma_wait3A_142 = arith.constant 0 : i32
      %dma_wait3A_143 = tpu.memref_slice %arg8[%dma_wait3A_140, %dma_wait3A_141, %dma_wait3A_142] : memref<3x64x128xf32, #tpu.memory_space<vmem>> -> memref<1x64x128xf32, #tpu.memory_space<vmem>>
      %dma_wait3A_144 = tpu.memref_squeeze %dma_wait3A_143 : memref<1x64x128xf32, #tpu.memory_space<vmem>> -> memref<64x128xf32, #tpu.memory_space<vmem>>
      %dma_wait3A_145 = arith.constant 0 : i32
      %dma_wait3A_146 = tpu.memref_slice %arg6[%add3A_139, %dma_wait3A_145] : memref<159x64xi32, #tpu.memory_space<vmem>> -> memref<1x64xi32, #tpu.memory_space<vmem>>
      %dma_wait3A_147 = tpu.memref_squeeze %dma_wait3A_146 : memref<1x64xi32, #tpu.memory_space<vmem>> -> memref<64xi32, #tpu.memory_space<vmem>>
      %dma_wait3A_148 = arith.constant 0 : i32
      %dma_wait3A_149 = arith.constant 0 : i32
      %dma_wait3A_150 = tpu.memref_slice %arg2[%dma_wait3A_148, %dma_wait3A_149] : memref<10000x128xf32, #tpu.memory_space<hbm>> -> memref<10000x128xf32, #tpu.memory_space<hbm>>
      tpu.wait_indirect_dma semaphore(%arg10 : memref<!tpu.dma_semaphore, #tpu.memory_space<semaphore_mem>>) src(%dma_wait3A_150 : memref<10000x128xf32, #tpu.memory_space<hbm>>) dst(%dma_wait3A_144 : memref<64x128xf32, #tpu.memory_space<vmem>>)
      %dma_start3A_151 = arith.constant 1 : i32
      %dma_start3A_152 = arith.constant 0 : i32
      %dma_start3A_153 = arith.constant 0 : i32
      %dma_start3A_154 = tpu.memref_slice %arg8[%dma_start3A_151, %dma_start3A_152, %dma_start3A_153] : memref<3x64x128xf32, #tpu.memory_space<vmem>> -> memref<1x64x128xf32, #tpu.memory_space<vmem>>
      %dma_start3A_155 = tpu.memref_squeeze %dma_start3A_154 : memref<1x64x128xf32, #tpu.memory_space<vmem>> -> memref<64x128xf32, #tpu.memory_space<vmem>>
      %dma_start3A_156 = arith.constant 0 : i32
      %dma_start3A_157 = tpu.memref_slice %arg7[%add3A_139, %dma_start3A_156] : memref<159x64xi32, #tpu.memory_space<vmem>> -> memref<1x64xi32, #tpu.memory_space<vmem>>
      %dma_start3A_158 = tpu.memref_squeeze %dma_start3A_157 : memref<1x64xi32, #tpu.memory_space<vmem>> -> memref<64xi32, #tpu.memory_space<vmem>>
      %dma_start3A_159 = arith.constant 0 : i32
      %dma_start3A_160 = arith.constant 0 : i32
      %dma_start3A_161 = tpu.memref_slice %arg15[%dma_start3A_159, %dma_start3A_160] : memref<10240x128xf32, #tpu.memory_space<vmem_shared>> -> memref<10240x128xf32, #tpu.memory_space<vmem_shared>>
      tpu.enqueue_indirect_dma source(%dma_start3A_155 : memref<64x128xf32, #tpu.memory_space<vmem>>) target(%dma_start3A_161 : memref<10240x128xf32, #tpu.memory_space<vmem_shared>>) offsets(%dma_start3A_158 : memref<64xi32, #tpu.memory_space<vmem>>) semaphore(%arg13 : memref<!tpu.dma_semaphore, #tpu.memory_space<semaphore_mem>>) {add = true}
      %ge3A_162 = arith.constant 1 : i32
      %ge3A_163 = arith.cmpi sge, %add3A_139, %ge3A_162 : i32
      %convert_element_type3A_164 = arith.extui %ge3A_163 : i1 to i32
      %cond3A_165 = arith.constant 0 : i32
      %cond3A_166 = arith.cmpi ne, %convert_element_type3A_164, %cond3A_165 : i32
      scf.if %cond3A_166 {
        %sub3A = arith.constant 1 : i32
        %sub3A_212 = arith.subi %add3A_139, %sub3A : i32
        %dma_wait3A_213 = arith.constant 0 : i32
        %dma_wait3A_214 = arith.constant 0 : i32
        %dma_wait3A_215 = arith.constant 0 : i32
        %dma_wait3A_216 = tpu.memref_slice %arg8[%dma_wait3A_213, %dma_wait3A_214, %dma_wait3A_215] : memref<3x64x128xf32, #tpu.memory_space<vmem>> -> memref<1x64x128xf32, #tpu.memory_space<vmem>>
        %dma_wait3A_217 = tpu.memref_squeeze %dma_wait3A_216 : memref<1x64x128xf32, #tpu.memory_space<vmem>> -> memref<64x128xf32, #tpu.memory_space<vmem>>
        %dma_wait3A_218 = arith.constant 0 : i32
        %dma_wait3A_219 = tpu.memref_slice %arg7[%sub3A_212, %dma_wait3A_218] : memref<159x64xi32, #tpu.memory_space<vmem>> -> memref<1x64xi32, #tpu.memory_space<vmem>>
        %dma_wait3A_220 = tpu.memref_squeeze %dma_wait3A_219 : memref<1x64xi32, #tpu.memory_space<vmem>> -> memref<64xi32, #tpu.memory_space<vmem>>
        %dma_wait3A_221 = arith.constant 0 : i32
        %dma_wait3A_222 = arith.constant 0 : i32
        %dma_wait3A_223 = tpu.memref_slice %arg15[%dma_wait3A_221, %dma_wait3A_222] : memref<10240x128xf32, #tpu.memory_space<vmem_shared>> -> memref<10240x128xf32, #tpu.memory_space<vmem_shared>>
        tpu.wait_indirect_dma semaphore(%arg12 : memref<!tpu.dma_semaphore, #tpu.memory_space<semaphore_mem>>) src(%dma_wait3A_217 : memref<64x128xf32, #tpu.memory_space<vmem>>) dst(%dma_wait3A_223 : memref<10240x128xf32, #tpu.memory_space<vmem_shared>>)
      } else {
      }
      %add3A_167 = arith.constant 2 : i32
      %add3A_168 = arith.addi %add3A_139, %add3A_167 : i32
      %lt3A_169 = arith.constant 159 : i32
      %lt3A_170 = arith.cmpi slt, %add3A_168, %lt3A_169 : i32
      %convert_element_type3A_171 = arith.extui %lt3A_170 : i1 to i32
      %cond3A_172 = arith.constant 0 : i32
      %cond3A_173 = arith.cmpi ne, %convert_element_type3A_171, %cond3A_172 : i32
      scf.if %cond3A_173 {
        %add3A_212 = arith.constant 2 : i32
        %add3A_213 = arith.addi %add3A_139, %add3A_212 : i32
        %dma_start3A_214 = arith.constant 0 : i32
        %dma_start3A_215 = arith.constant 0 : i32
        %dma_start3A_216 = arith.constant 0 : i32
        %dma_start3A_217 = tpu.memref_slice %arg8[%dma_start3A_214, %dma_start3A_215, %dma_start3A_216] : memref<3x64x128xf32, #tpu.memory_space<vmem>> -> memref<1x64x128xf32, #tpu.memory_space<vmem>>
        %dma_start3A_218 = tpu.memref_squeeze %dma_start3A_217 : memref<1x64x128xf32, #tpu.memory_space<vmem>> -> memref<64x128xf32, #tpu.memory_space<vmem>>
        %dma_start3A_219 = arith.constant 0 : i32
        %dma_start3A_220 = tpu.memref_slice %arg6[%add3A_213, %dma_start3A_219] : memref<159x64xi32, #tpu.memory_space<vmem>> -> memref<1x64xi32, #tpu.memory_space<vmem>>
        %dma_start3A_221 = tpu.memref_squeeze %dma_start3A_220 : memref<1x64xi32, #tpu.memory_space<vmem>> -> memref<64xi32, #tpu.memory_space<vmem>>
        %dma_start3A_222 = arith.constant 0 : i32
        %dma_start3A_223 = arith.constant 0 : i32
        %dma_start3A_224 = tpu.memref_slice %arg2[%dma_start3A_222, %dma_start3A_223] : memref<10000x128xf32, #tpu.memory_space<hbm>> -> memref<10000x128xf32, #tpu.memory_space<hbm>>
        tpu.enqueue_indirect_dma source(%dma_start3A_224 : memref<10000x128xf32, #tpu.memory_space<hbm>>) target(%dma_start3A_218 : memref<64x128xf32, #tpu.memory_space<vmem>>) offsets(%dma_start3A_221 : memref<64xi32, #tpu.memory_space<vmem>>) semaphore(%arg9 : memref<!tpu.dma_semaphore, #tpu.memory_space<semaphore_mem>>)
      } else {
      }
      %mul3A_174 = arith.constant 3 : i32
      %mul3A_175 = arith.muli %scan3A_101, %mul3A_174 : i32
      %add3A_176 = arith.constant 2 : i32
      %add3A_177 = arith.addi %mul3A_175, %add3A_176 : i32
      %dma_wait3A_178 = arith.constant 2 : i32
      %dma_wait3A_179 = arith.constant 0 : i32
      %dma_wait3A_180 = arith.constant 0 : i32
      %dma_wait3A_181 = tpu.memref_slice %arg8[%dma_wait3A_178, %dma_wait3A_179, %dma_wait3A_180] : memref<3x64x128xf32, #tpu.memory_space<vmem>> -> memref<1x64x128xf32, #tpu.memory_space<vmem>>
      %dma_wait3A_182 = tpu.memref_squeeze %dma_wait3A_181 : memref<1x64x128xf32, #tpu.memory_space<vmem>> -> memref<64x128xf32, #tpu.memory_space<vmem>>
      %dma_wait3A_183 = arith.constant 0 : i32
      %dma_wait3A_184 = tpu.memref_slice %arg6[%add3A_177, %dma_wait3A_183] : memref<159x64xi32, #tpu.memory_space<vmem>> -> memref<1x64xi32, #tpu.memory_space<vmem>>
      %dma_wait3A_185 = tpu.memref_squeeze %dma_wait3A_184 : memref<1x64xi32, #tpu.memory_space<vmem>> -> memref<64xi32, #tpu.memory_space<vmem>>
      %dma_wait3A_186 = arith.constant 0 : i32
      %dma_wait3A_187 = arith.constant 0 : i32
      %dma_wait3A_188 = tpu.memref_slice %arg2[%dma_wait3A_186, %dma_wait3A_187] : memref<10000x128xf32, #tpu.memory_space<hbm>> -> memref<10000x128xf32, #tpu.memory_space<hbm>>
      tpu.wait_indirect_dma semaphore(%arg11 : memref<!tpu.dma_semaphore, #tpu.memory_space<semaphore_mem>>) src(%dma_wait3A_188 : memref<10000x128xf32, #tpu.memory_space<hbm>>) dst(%dma_wait3A_182 : memref<64x128xf32, #tpu.memory_space<vmem>>)
      %dma_start3A_189 = arith.constant 2 : i32
      %dma_start3A_190 = arith.constant 0 : i32
      %dma_start3A_191 = arith.constant 0 : i32
      %dma_start3A_192 = tpu.memref_slice %arg8[%dma_start3A_189, %dma_start3A_190, %dma_start3A_191] : memref<3x64x128xf32, #tpu.memory_space<vmem>> -> memref<1x64x128xf32, #tpu.memory_space<vmem>>
      %dma_start3A_193 = tpu.memref_squeeze %dma_start3A_192 : memref<1x64x128xf32, #tpu.memory_space<vmem>> -> memref<64x128xf32, #tpu.memory_space<vmem>>
      %dma_start3A_194 = arith.constant 0 : i32
      %dma_start3A_195 = tpu.memref_slice %arg7[%add3A_177, %dma_start3A_194] : memref<159x64xi32, #tpu.memory_space<vmem>> -> memref<1x64xi32, #tpu.memory_space<vmem>>
      %dma_start3A_196 = tpu.memref_squeeze %dma_start3A_195 : memref<1x64xi32, #tpu.memory_space<vmem>> -> memref<64xi32, #tpu.memory_space<vmem>>
      %dma_start3A_197 = arith.constant 0 : i32
      %dma_start3A_198 = arith.constant 0 : i32
      %dma_start3A_199 = tpu.memref_slice %arg15[%dma_start3A_197, %dma_start3A_198] : memref<10240x128xf32, #tpu.memory_space<vmem_shared>> -> memref<10240x128xf32, #tpu.memory_space<vmem_shared>>
      tpu.enqueue_indirect_dma source(%dma_start3A_193 : memref<64x128xf32, #tpu.memory_space<vmem>>) target(%dma_start3A_199 : memref<10240x128xf32, #tpu.memory_space<vmem_shared>>) offsets(%dma_start3A_196 : memref<64xi32, #tpu.memory_space<vmem>>) semaphore(%arg14 : memref<!tpu.dma_semaphore, #tpu.memory_space<semaphore_mem>>) {add = true}
      %ge3A_200 = arith.constant 1 : i32
      %ge3A_201 = arith.cmpi sge, %add3A_177, %ge3A_200 : i32
      %convert_element_type3A_202 = arith.extui %ge3A_201 : i1 to i32
      %cond3A_203 = arith.constant 0 : i32
      %cond3A_204 = arith.cmpi ne, %convert_element_type3A_202, %cond3A_203 : i32
      scf.if %cond3A_204 {
        %sub3A = arith.constant 1 : i32
        %sub3A_212 = arith.subi %add3A_177, %sub3A : i32
        %dma_wait3A_213 = arith.constant 1 : i32
        %dma_wait3A_214 = arith.constant 0 : i32
        %dma_wait3A_215 = arith.constant 0 : i32
        %dma_wait3A_216 = tpu.memref_slice %arg8[%dma_wait3A_213, %dma_wait3A_214, %dma_wait3A_215] : memref<3x64x128xf32, #tpu.memory_space<vmem>> -> memref<1x64x128xf32, #tpu.memory_space<vmem>>
        %dma_wait3A_217 = tpu.memref_squeeze %dma_wait3A_216 : memref<1x64x128xf32, #tpu.memory_space<vmem>> -> memref<64x128xf32, #tpu.memory_space<vmem>>
        %dma_wait3A_218 = arith.constant 0 : i32
        %dma_wait3A_219 = tpu.memref_slice %arg7[%sub3A_212, %dma_wait3A_218] : memref<159x64xi32, #tpu.memory_space<vmem>> -> memref<1x64xi32, #tpu.memory_space<vmem>>
        %dma_wait3A_220 = tpu.memref_squeeze %dma_wait3A_219 : memref<1x64xi32, #tpu.memory_space<vmem>> -> memref<64xi32, #tpu.memory_space<vmem>>
        %dma_wait3A_221 = arith.constant 0 : i32
        %dma_wait3A_222 = arith.constant 0 : i32
        %dma_wait3A_223 = tpu.memref_slice %arg15[%dma_wait3A_221, %dma_wait3A_222] : memref<10240x128xf32, #tpu.memory_space<vmem_shared>> -> memref<10240x128xf32, #tpu.memory_space<vmem_shared>>
        tpu.wait_indirect_dma semaphore(%arg13 : memref<!tpu.dma_semaphore, #tpu.memory_space<semaphore_mem>>) src(%dma_wait3A_217 : memref<64x128xf32, #tpu.memory_space<vmem>>) dst(%dma_wait3A_223 : memref<10240x128xf32, #tpu.memory_space<vmem_shared>>)
      } else {
      }
      %add3A_205 = arith.constant 2 : i32
      %add3A_206 = arith.addi %add3A_177, %add3A_205 : i32
      %lt3A_207 = arith.constant 159 : i32
      %lt3A_208 = arith.cmpi slt, %add3A_206, %lt3A_207 : i32
      %convert_element_type3A_209 = arith.extui %lt3A_208 : i1 to i32
      %cond3A_210 = arith.constant 0 : i32
      %cond3A_211 = arith.cmpi ne, %convert_element_type3A_209, %cond3A_210 : i32
      scf.if %cond3A_211 {
        %add3A_212 = arith.constant 2 : i32
        %add3A_213 = arith.addi %add3A_177, %add3A_212 : i32
        %dma_start3A_214 = arith.constant 1 : i32
        %dma_start3A_215 = arith.constant 0 : i32
        %dma_start3A_216 = arith.constant 0 : i32
        %dma_start3A_217 = tpu.memref_slice %arg8[%dma_start3A_214, %dma_start3A_215, %dma_start3A_216] : memref<3x64x128xf32, #tpu.memory_space<vmem>> -> memref<1x64x128xf32, #tpu.memory_space<vmem>>
        %dma_start3A_218 = tpu.memref_squeeze %dma_start3A_217 : memref<1x64x128xf32, #tpu.memory_space<vmem>> -> memref<64x128xf32, #tpu.memory_space<vmem>>
        %dma_start3A_219 = arith.constant 0 : i32
        %dma_start3A_220 = tpu.memref_slice %arg6[%add3A_213, %dma_start3A_219] : memref<159x64xi32, #tpu.memory_space<vmem>> -> memref<1x64xi32, #tpu.memory_space<vmem>>
        %dma_start3A_221 = tpu.memref_squeeze %dma_start3A_220 : memref<1x64xi32, #tpu.memory_space<vmem>> -> memref<64xi32, #tpu.memory_space<vmem>>
        %dma_start3A_222 = arith.constant 0 : i32
        %dma_start3A_223 = arith.constant 0 : i32
        %dma_start3A_224 = tpu.memref_slice %arg2[%dma_start3A_222, %dma_start3A_223] : memref<10000x128xf32, #tpu.memory_space<hbm>> -> memref<10000x128xf32, #tpu.memory_space<hbm>>
        tpu.enqueue_indirect_dma source(%dma_start3A_224 : memref<10000x128xf32, #tpu.memory_space<hbm>>) target(%dma_start3A_218 : memref<64x128xf32, #tpu.memory_space<vmem>>) offsets(%dma_start3A_221 : memref<64xi32, #tpu.memory_space<vmem>>) semaphore(%arg10 : memref<!tpu.dma_semaphore, #tpu.memory_space<semaphore_mem>>)
      } else {
      }
    }
    %scan3A_84 = arith.constant 53 : i32
    %dma_wait3A = arith.constant 2 : i32
    %dma_wait3A_85 = arith.constant 158 : i32
    %dma_wait3A_86 = arith.constant 0 : i32
    %dma_wait3A_87 = arith.constant 0 : i32
    %dma_wait3A_88 = tpu.memref_slice %arg8[%dma_wait3A, %dma_wait3A_86, %dma_wait3A_87] : memref<3x64x128xf32, #tpu.memory_space<vmem>> -> memref<1x64x128xf32, #tpu.memory_space<vmem>>
    %dma_wait3A_89 = tpu.memref_squeeze %dma_wait3A_88 : memref<1x64x128xf32, #tpu.memory_space<vmem>> -> memref<64x128xf32, #tpu.memory_space<vmem>>
    %dma_wait3A_90 = arith.constant 0 : i32
    %dma_wait3A_91 = tpu.memref_slice %arg7[%dma_wait3A_85, %dma_wait3A_90] : memref<159x64xi32, #tpu.memory_space<vmem>> -> memref<1x64xi32, #tpu.memory_space<vmem>>
    %dma_wait3A_92 = tpu.memref_squeeze %dma_wait3A_91 : memref<1x64xi32, #tpu.memory_space<vmem>> -> memref<64xi32, #tpu.memory_space<vmem>>
    %dma_wait3A_93 = arith.constant 0 : i32
    %dma_wait3A_94 = arith.constant 0 : i32
    %dma_wait3A_95 = tpu.memref_slice %arg15[%dma_wait3A_93, %dma_wait3A_94] : memref<10240x128xf32, #tpu.memory_space<vmem_shared>> -> memref<10240x128xf32, #tpu.memory_space<vmem_shared>>
    tpu.wait_indirect_dma semaphore(%arg14 : memref<!tpu.dma_semaphore, #tpu.memory_space<semaphore_mem>>) src(%dma_wait3A_89 : memref<64x128xf32, #tpu.memory_space<vmem>>) dst(%dma_wait3A_95 : memref<10240x128xf32, #tpu.memory_space<vmem_shared>>)
    %barrier3A_96 = arith.constant 0 : index
    tpu.barrier barrier_id(%barrier3A_96)
    %mul3A_97 = arith.constant 640 : i32
    %mul3A_98 = arith.muli %arg1, %mul3A_97 : i32
    %mul3A_99 = arith.constant 640 : i32
    %mul3A_100 = arith.muli %arg1, %mul3A_99 : i32
    "tpu.region"() ({
      %run_scoped3A_101 = tpu.sem_alloc : memref<!tpu.dma_semaphore, #tpu.memory_space<semaphore_mem>>
      %dma_start3A_102 = arith.constant 0 : i32
      %dma_start3A_103 = tpu.memref_slice %arg5[%arg0, %mul3A_100, %dma_start3A_102] : memref<2x10240x128xf32, #tpu.memory_space<hbm>> -> memref<1x640x128xf32, #tpu.memory_space<hbm>>
      %dma_start3A_104 = tpu.memref_squeeze %dma_start3A_103 : memref<1x640x128xf32, #tpu.memory_space<hbm>> -> memref<640x128xf32, #tpu.memory_space<hbm>>
      %dma_start3A_105 = arith.constant 0 : i32
      %dma_start3A_106 = tpu.memref_slice %arg15[%mul3A_98, %dma_start3A_105] : memref<10240x128xf32, #tpu.memory_space<vmem_shared>> -> memref<640x128xf32, #tpu.memory_space<vmem_shared>>
      tpu.enqueue_dma source(%dma_start3A_106 : memref<640x128xf32, #tpu.memory_space<vmem_shared>>) target(%dma_start3A_104 : memref<640x128xf32, #tpu.memory_space<hbm>>) target_semaphore(%run_scoped3A_101 : memref<!tpu.dma_semaphore, #tpu.memory_space<semaphore_mem>>)
      %dma_wait3A_107 = arith.constant 0 : i32
      %dma_wait3A_108 = tpu.memref_slice %arg5[%arg0, %mul3A_100, %dma_wait3A_107] : memref<2x10240x128xf32, #tpu.memory_space<hbm>> -> memref<1x640x128xf32, #tpu.memory_space<hbm>>
      %dma_wait3A_109 = tpu.memref_squeeze %dma_wait3A_108 : memref<1x640x128xf32, #tpu.memory_space<hbm>> -> memref<640x128xf32, #tpu.memory_space<hbm>>
      %dma_wait3A_110 = arith.constant 0 : i32
      %dma_wait3A_111 = tpu.memref_slice %arg15[%mul3A_98, %dma_wait3A_110] : memref<10240x128xf32, #tpu.memory_space<vmem_shared>> -> memref<640x128xf32, #tpu.memory_space<vmem_shared>>
      tpu.wait_dma2 semaphore(%run_scoped3A_101 : memref<!tpu.dma_semaphore, #tpu.memory_space<semaphore_mem>>) src(%dma_wait3A_111 : memref<640x128xf32, #tpu.memory_space<vmem_shared>>) dst(%dma_wait3A_109 : memref<640x128xf32, #tpu.memory_space<hbm>>)
      tpu.yield
    }) : () -> ()
    return
  }
}

#map = affine_map<(d0, d1) -> (0, 0)>
#map1 = affine_map<(d0, d1) -> (0)>
module attributes {stable_mosaic.version = 14 : i64} {
  func.func @_deg_body(%arg0: i32, %arg1: i32, %arg2: memref<2x320000xi32, #tpu.memory_space<hbm>>, %arg3: memref<10240xf32, #tpu.memory_space<hbm>>, %arg4: memref<10240xf32, #tpu.memory_space<hbm>>, %arg5: memref<32x10176xi32, #tpu.memory_space<hbm>>, %arg6: memref<32x10176xi32, #tpu.memory_space<hbm>>, %arg7: memref<20000xi32, #tpu.memory_space<vmem>>, %arg8: memref<640x16xf32, #tpu.memory_space<vmem>>, %arg9: memref<5x128xi32, #tpu.memory_space<vmem>>, %arg10: memref<40x16xf32, #tpu.memory_space<vmem>>, %arg11: memref<640xf32, #tpu.memory_space<vmem>>, %arg12: memref<176xi32, #tpu.memory_space<vmem>>, %arg13: memref<640x16xf32, #tpu.memory_space<vmem_shared>>) attributes {dimension_semantics = [#tpu.dimension_semantics<core_parallel>, #tpu.dimension_semantics<subcore_parallel>], iteration_bounds = array<i64: 2, 16>, scalar_prefetch = 0 : i64, scratch_operands = 7 : i64, tpu.core_type = #tpu.core_type<sc_vector_subcore>, window_params = [{transform_indices = #map}, {transform_indices = #map1}, {transform_indices = #map1}, {transform_indices = #map}, {transform_indices = #map}]} {
    %iota3A = tpu.iota {dimensions = array<i32: 0>} : vector<16xi32>
    %broadcast_in_dim3A = arith.constant 0.000000e+00 : f32
    %broadcast_in_dim3A_0 = vector.broadcast %broadcast_in_dim3A : f32 to vector<16xf32>
    %scan3A = arith.constant 0 : i32
    %scan3A_1 = arith.constant 0 : i32
    %scan3A_2 = arith.constant 640 : i32
    %scan3A_3 = arith.addi %scan3A_1, %scan3A_2 : i32
    %scan3A_4 = arith.constant 1 : i32
    scf.for %scan3A_337 = %scan3A_1 to %scan3A_3 step %scan3A_4  : i32 {
      %swap3A_338 = arith.index_cast %scan3A_337 : i32 to index
      %swap3A_339 = arith.constant 0 : index
      %swap3A_340 = tpu.vector_load %arg8[%swap3A_338, %swap3A_339] {strides = array<i32>} : memref<640x16xf32, #tpu.memory_space<vmem>>, vector<16xf32>,
      tpu.vector_store %arg8[%swap3A_338, %swap3A_339], %broadcast_in_dim3A_0 {strides = array<i32>} : memref<640x16xf32, #tpu.memory_space<vmem>>, vector<16xf32>,
    }
    %scan3A_5 = arith.constant 640 : i32
    %mul3A = arith.constant 40 : i32
    %mul3A_6 = arith.muli %arg1, %mul3A : i32
    %mul3A_7 = arith.constant 40 : i32
    %mul3A_8 = arith.muli %arg1, %mul3A_7 : i32
    "tpu.region"() ({
      %run_scoped3A_337 = tpu.sem_alloc : memref<!tpu.dma_semaphore, #tpu.memory_space<semaphore_mem>>
      %dma_start3A = arith.constant 0 : i32
      %dma_start3A_338 = tpu.memref_slice %arg8[%mul3A_6, %dma_start3A] : memref<640x16xf32, #tpu.memory_space<vmem>> -> memref<40x16xf32, #tpu.memory_space<vmem>>
      %dma_start3A_339 = arith.constant 0 : i32
      %dma_start3A_340 = tpu.memref_slice %arg13[%mul3A_8, %dma_start3A_339] : memref<640x16xf32, #tpu.memory_space<vmem_shared>> -> memref<40x16xf32, #tpu.memory_space<vmem_shared>>
      %dma_start3A_341 = arith.constant 0 : i32
      %dma_start3A_342 = tpu.memref_slice %arg13[%mul3A_8, %dma_start3A_341] : memref<640x16xf32, #tpu.memory_space<vmem_shared>> -> memref<40x16xf32, #tpu.memory_space<vmem_shared>>
      %dma_start3A_343 = arith.constant 0 : i32
      %dma_start3A_344 = tpu.memref_slice %arg8[%mul3A_6, %dma_start3A_343] : memref<640x16xf32, #tpu.memory_space<vmem>> -> memref<40x16xf32, #tpu.memory_space<vmem>>
      tpu.enqueue_dma source(%dma_start3A_344 : memref<40x16xf32, #tpu.memory_space<vmem>>) target(%dma_start3A_342 : memref<40x16xf32, #tpu.memory_space<vmem_shared>>) target_semaphore(%run_scoped3A_337 : memref<!tpu.dma_semaphore, #tpu.memory_space<semaphore_mem>>)
      %dma_wait3A = arith.constant 0 : i32
      %dma_wait3A_345 = tpu.memref_slice %arg8[%mul3A_6, %dma_wait3A] : memref<640x16xf32, #tpu.memory_space<vmem>> -> memref<40x16xf32, #tpu.memory_space<vmem>>
      %dma_wait3A_346 = arith.constant 0 : i32
      %dma_wait3A_347 = tpu.memref_slice %arg13[%mul3A_8, %dma_wait3A_346] : memref<640x16xf32, #tpu.memory_space<vmem_shared>> -> memref<40x16xf32, #tpu.memory_space<vmem_shared>>
      %dma_wait3A_348 = arith.constant 0 : i32
      %dma_wait3A_349 = tpu.memref_slice %arg13[%mul3A_8, %dma_wait3A_348] : memref<640x16xf32, #tpu.memory_space<vmem_shared>> -> memref<40x16xf32, #tpu.memory_space<vmem_shared>>
      %dma_wait3A_350 = arith.constant 0 : i32
      %dma_wait3A_351 = tpu.memref_slice %arg8[%mul3A_6, %dma_wait3A_350] : memref<640x16xf32, #tpu.memory_space<vmem>> -> memref<40x16xf32, #tpu.memory_space<vmem>>
      tpu.wait_dma2 semaphore(%run_scoped3A_337 : memref<!tpu.dma_semaphore, #tpu.memory_space<semaphore_mem>>) src(%dma_wait3A_351 : memref<40x16xf32, #tpu.memory_space<vmem>>) dst(%dma_wait3A_349 : memref<40x16xf32, #tpu.memory_space<vmem_shared>>)
      tpu.yield
    }) : () -> ()
    %eq3A = arith.constant 0 : i32
    %eq3A_9 = arith.cmpi eq, %arg0, %eq3A : i32
    %convert_element_type3A = arith.extui %eq3A_9 : i1 to i32
    %cond3A = arith.constant 0 : i32
    %cond3A_10 = arith.cmpi ne, %convert_element_type3A, %cond3A : i32
    scf.if %cond3A_10 {
      %mul3A_337 = arith.constant 20000 : i32
      %mul3A_338 = arith.muli %arg1, %mul3A_337 : i32
      %run_scoped3A_339 = arith.constant 0 : i32
      "tpu.region"() ({
        %run_scoped3A_340 = tpu.sem_alloc : memref<!tpu.dma_semaphore, #tpu.memory_space<semaphore_mem>>
        %dma_start3A = tpu.memref_slice %arg2[%run_scoped3A_339, %mul3A_338] : memref<2x320000xi32, #tpu.memory_space<hbm>> -> memref<1x20000xi32, #tpu.memory_space<hbm>>
        %dma_start3A_341 = tpu.memref_squeeze %dma_start3A : memref<1x20000xi32, #tpu.memory_space<hbm>> -> memref<20000xi32, #tpu.memory_space<hbm>>
        %dma_start3A_342 = tpu.memref_slice %arg2[%run_scoped3A_339, %mul3A_338] : memref<2x320000xi32, #tpu.memory_space<hbm>> -> memref<1x20000xi32, #tpu.memory_space<hbm>>
        %dma_start3A_343 = tpu.memref_squeeze %dma_start3A_342 : memref<1x20000xi32, #tpu.memory_space<hbm>> -> memref<20000xi32, #tpu.memory_space<hbm>>
        tpu.enqueue_dma source(%dma_start3A_343 : memref<20000xi32, #tpu.memory_space<hbm>>) target(%arg7 : memref<20000xi32, #tpu.memory_space<vmem>>) target_semaphore(%run_scoped3A_340 : memref<!tpu.dma_semaphore, #tpu.memory_space<semaphore_mem>>)
        %dma_wait3A = tpu.memref_slice %arg2[%run_scoped3A_339, %mul3A_338] : memref<2x320000xi32, #tpu.memory_space<hbm>> -> memref<1x20000xi32, #tpu.memory_space<hbm>>
        %dma_wait3A_344 = tpu.memref_squeeze %dma_wait3A : memref<1x20000xi32, #tpu.memory_space<hbm>> -> memref<20000xi32, #tpu.memory_space<hbm>>
        %dma_wait3A_345 = tpu.memref_slice %arg2[%run_scoped3A_339, %mul3A_338] : memref<2x320000xi32, #tpu.memory_space<hbm>> -> memref<1x20000xi32, #tpu.memory_space<hbm>>
        %dma_wait3A_346 = tpu.memref_squeeze %dma_wait3A_345 : memref<1x20000xi32, #tpu.memory_space<hbm>> -> memref<20000xi32, #tpu.memory_space<hbm>>
        tpu.wait_dma2 semaphore(%run_scoped3A_340 : memref<!tpu.dma_semaphore, #tpu.memory_space<semaphore_mem>>) src(%dma_wait3A_346 : memref<20000xi32, #tpu.memory_space<hbm>>) dst(%arg7 : memref<20000xi32, #tpu.memory_space<vmem>>)
        tpu.yield
      }) : () -> ()
    } else {
    }
    %eq3A_11 = arith.constant 1 : i32
    %eq3A_12 = arith.cmpi eq, %arg0, %eq3A_11 : i32
    %convert_element_type3A_13 = arith.extui %eq3A_12 : i1 to i32
    %cond3A_14 = arith.constant 0 : i32
    %cond3A_15 = arith.cmpi ne, %convert_element_type3A_13, %cond3A_14 : i32
    scf.if %cond3A_15 {
      %mul3A_337 = arith.constant 20000 : i32
      %mul3A_338 = arith.muli %arg1, %mul3A_337 : i32
      %run_scoped3A_339 = arith.constant 1 : i32
      "tpu.region"() ({
        %run_scoped3A_340 = tpu.sem_alloc : memref<!tpu.dma_semaphore, #tpu.memory_space<semaphore_mem>>
        %dma_start3A = tpu.memref_slice %arg2[%run_scoped3A_339, %mul3A_338] : memref<2x320000xi32, #tpu.memory_space<hbm>> -> memref<1x20000xi32, #tpu.memory_space<hbm>>
        %dma_start3A_341 = tpu.memref_squeeze %dma_start3A : memref<1x20000xi32, #tpu.memory_space<hbm>> -> memref<20000xi32, #tpu.memory_space<hbm>>
        %dma_start3A_342 = tpu.memref_slice %arg2[%run_scoped3A_339, %mul3A_338] : memref<2x320000xi32, #tpu.memory_space<hbm>> -> memref<1x20000xi32, #tpu.memory_space<hbm>>
        %dma_start3A_343 = tpu.memref_squeeze %dma_start3A_342 : memref<1x20000xi32, #tpu.memory_space<hbm>> -> memref<20000xi32, #tpu.memory_space<hbm>>
        tpu.enqueue_dma source(%dma_start3A_343 : memref<20000xi32, #tpu.memory_space<hbm>>) target(%arg7 : memref<20000xi32, #tpu.memory_space<vmem>>) target_semaphore(%run_scoped3A_340 : memref<!tpu.dma_semaphore, #tpu.memory_space<semaphore_mem>>)
        %dma_wait3A = tpu.memref_slice %arg2[%run_scoped3A_339, %mul3A_338] : memref<2x320000xi32, #tpu.memory_space<hbm>> -> memref<1x20000xi32, #tpu.memory_space<hbm>>
        %dma_wait3A_344 = tpu.memref_squeeze %dma_wait3A : memref<1x20000xi32, #tpu.memory_space<hbm>> -> memref<20000xi32, #tpu.memory_space<hbm>>
        %dma_wait3A_345 = tpu.memref_slice %arg2[%run_scoped3A_339, %mul3A_338] : memref<2x320000xi32, #tpu.memory_space<hbm>> -> memref<1x20000xi32, #tpu.memory_space<hbm>>
        %dma_wait3A_346 = tpu.memref_squeeze %dma_wait3A_345 : memref<1x20000xi32, #tpu.memory_space<hbm>> -> memref<20000xi32, #tpu.memory_space<hbm>>
        tpu.wait_dma2 semaphore(%run_scoped3A_340 : memref<!tpu.dma_semaphore, #tpu.memory_space<semaphore_mem>>) src(%dma_wait3A_346 : memref<20000xi32, #tpu.memory_space<hbm>>) dst(%arg7 : memref<20000xi32, #tpu.memory_space<vmem>>)
        tpu.yield
      }) : () -> ()
    } else {
    }
    %add3A = arith.constant 0 : i32
    %add3A_16 = vector.broadcast %add3A : i32 to vector<16xi32>
    %add3A_17 = arith.addi %iota3A, %add3A_16 : vector<16xi32>
    %swap3A = arith.constant 0 : i32
    %swap3A_18 = arith.index_cast %swap3A : i32 to index
    %swap3A_19 = arith.constant 0 : index
    %swap3A_20 = tpu.vector_load %arg9[%swap3A_18, %swap3A_19] {strides = array<i32>} : memref<5x128xi32, #tpu.memory_space<vmem>>, vector<16xi32>,
    tpu.vector_store %arg9[%swap3A_18, %swap3A_19], %add3A_17 {strides = array<i32>} : memref<5x128xi32, #tpu.memory_space<vmem>>, vector<16xi32>,
    %add3A_21 = arith.constant 16 : i32
    %add3A_22 = vector.broadcast %add3A_21 : i32 to vector<16xi32>
    %add3A_23 = arith.addi %iota3A, %add3A_22 : vector<16xi32>
    %swap3A_24 = arith.constant 0 : i32
    %swap3A_25 = arith.index_cast %swap3A_24 : i32 to index
    %swap3A_26 = arith.constant 16 : index
    %swap3A_27 = tpu.vector_load %arg9[%swap3A_25, %swap3A_26] {strides = array<i32>} : memref<5x128xi32, #tpu.memory_space<vmem>>, vector<16xi32>,
    tpu.vector_store %arg9[%swap3A_25, %swap3A_26], %add3A_23 {strides = array<i32>} : memref<5x128xi32, #tpu.memory_space<vmem>>, vector<16xi32>,
    %add3A_28 = arith.constant 32 : i32
    %add3A_29 = vector.broadcast %add3A_28 : i32 to vector<16xi32>
    %add3A_30 = arith.addi %iota3A, %add3A_29 : vector<16xi32>
    %swap3A_31 = arith.constant 0 : i32
    %swap3A_32 = arith.index_cast %swap3A_31 : i32 to index
    %swap3A_33 = arith.constant 32 : index
    %swap3A_34 = tpu.vector_load %arg9[%swap3A_32, %swap3A_33] {strides = array<i32>} : memref<5x128xi32, #tpu.memory_space<vmem>>, vector<16xi32>,
    tpu.vector_store %arg9[%swap3A_32, %swap3A_33], %add3A_30 {strides = array<i32>} : memref<5x128xi32, #tpu.memory_space<vmem>>, vector<16xi32>,
    %add3A_35 = arith.constant 48 : i32
    %add3A_36 = vector.broadcast %add3A_35 : i32 to vector<16xi32>
    %add3A_37 = arith.addi %iota3A, %add3A_36 : vector<16xi32>
    %swap3A_38 = arith.constant 0 : i32
    %swap3A_39 = arith.index_cast %swap3A_38 : i32 to index
    %swap3A_40 = arith.constant 48 : index
    %swap3A_41 = tpu.vector_load %arg9[%swap3A_39, %swap3A_40] {strides = array<i32>} : memref<5x128xi32, #tpu.memory_space<vmem>>, vector<16xi32>,
    tpu.vector_store %arg9[%swap3A_39, %swap3A_40], %add3A_37 {strides = array<i32>} : memref<5x128xi32, #tpu.memory_space<vmem>>, vector<16xi32>,
    %add3A_42 = arith.constant 64 : i32
    %add3A_43 = vector.broadcast %add3A_42 : i32 to vector<16xi32>
    %add3A_44 = arith.addi %iota3A, %add3A_43 : vector<16xi32>
    %swap3A_45 = arith.constant 0 : i32
    %swap3A_46 = arith.index_cast %swap3A_45 : i32 to index
    %swap3A_47 = arith.constant 64 : index
    %swap3A_48 = tpu.vector_load %arg9[%swap3A_46, %swap3A_47] {strides = array<i32>} : memref<5x128xi32, #tpu.memory_space<vmem>>, vector<16xi32>,
    tpu.vector_store %arg9[%swap3A_46, %swap3A_47], %add3A_44 {strides = array<i32>} : memref<5x128xi32, #tpu.memory_space<vmem>>, vector<16xi32>,
    %add3A_49 = arith.constant 80 : i32
    %add3A_50 = vector.broadcast %add3A_49 : i32 to vector<16xi32>
    %add3A_51 = arith.addi %iota3A, %add3A_50 : vector<16xi32>
    %swap3A_52 = arith.constant 0 : i32
    %swap3A_53 = arith.index_cast %swap3A_52 : i32 to index
    %swap3A_54 = arith.constant 80 : index
    %swap3A_55 = tpu.vector_load %arg9[%swap3A_53, %swap3A_54] {strides = array<i32>} : memref<5x128xi32, #tpu.memory_space<vmem>>, vector<16xi32>,
    tpu.vector_store %arg9[%swap3A_53, %swap3A_54], %add3A_51 {strides = array<i32>} : memref<5x128xi32, #tpu.memory_space<vmem>>, vector<16xi32>,
    %add3A_56 = arith.constant 96 : i32
    %add3A_57 = vector.broadcast %add3A_56 : i32 to vector<16xi32>
    %add3A_58 = arith.addi %iota3A, %add3A_57 : vector<16xi32>
    %swap3A_59 = arith.constant 0 : i32
    %swap3A_60 = arith.index_cast %swap3A_59 : i32 to index
    %swap3A_61 = arith.constant 96 : index
    %swap3A_62 = tpu.vector_load %arg9[%swap3A_60, %swap3A_61] {strides = array<i32>} : memref<5x128xi32, #tpu.memory_space<vmem>>, vector<16xi32>,
    tpu.vector_store %arg9[%swap3A_60, %swap3A_61], %add3A_58 {strides = array<i32>} : memref<5x128xi32, #tpu.memory_space<vmem>>, vector<16xi32>,
    %add3A_63 = arith.constant 112 : i32
    %add3A_64 = vector.broadcast %add3A_63 : i32 to vector<16xi32>
    %add3A_65 = arith.addi %iota3A, %add3A_64 : vector<16xi32>
    %swap3A_66 = arith.constant 0 : i32
    %swap3A_67 = arith.index_cast %swap3A_66 : i32 to index
    %swap3A_68 = arith.constant 112 : index
    %swap3A_69 = tpu.vector_load %arg9[%swap3A_67, %swap3A_68] {strides = array<i32>} : memref<5x128xi32, #tpu.memory_space<vmem>>, vector<16xi32>,
    tpu.vector_store %arg9[%swap3A_67, %swap3A_68], %add3A_65 {strides = array<i32>} : memref<5x128xi32, #tpu.memory_space<vmem>>, vector<16xi32>,
    %add3A_70 = arith.constant 128 : i32
    %add3A_71 = vector.broadcast %add3A_70 : i32 to vector<16xi32>
    %add3A_72 = arith.addi %iota3A, %add3A_71 : vector<16xi32>
    %swap3A_73 = arith.constant 1 : i32
    %swap3A_74 = arith.index_cast %swap3A_73 : i32 to index
    %swap3A_75 = arith.constant 0 : index
    %swap3A_76 = tpu.vector_load %arg9[%swap3A_74, %swap3A_75] {strides = array<i32>} : memref<5x128xi32, #tpu.memory_space<vmem>>, vector<16xi32>,
    tpu.vector_store %arg9[%swap3A_74, %swap3A_75], %add3A_72 {strides = array<i32>} : memref<5x128xi32, #tpu.memory_space<vmem>>, vector<16xi32>,
    %add3A_77 = arith.constant 144 : i32
    %add3A_78 = vector.broadcast %add3A_77 : i32 to vector<16xi32>
    %add3A_79 = arith.addi %iota3A, %add3A_78 : vector<16xi32>
    %swap3A_80 = arith.constant 1 : i32
    %swap3A_81 = arith.index_cast %swap3A_80 : i32 to index
    %swap3A_82 = arith.constant 16 : index
    %swap3A_83 = tpu.vector_load %arg9[%swap3A_81, %swap3A_82] {strides = array<i32>} : memref<5x128xi32, #tpu.memory_space<vmem>>, vector<16xi32>,
    tpu.vector_store %arg9[%swap3A_81, %swap3A_82], %add3A_79 {strides = array<i32>} : memref<5x128xi32, #tpu.memory_space<vmem>>, vector<16xi32>,
    %add3A_84 = arith.constant 160 : i32
    %add3A_85 = vector.broadcast %add3A_84 : i32 to vector<16xi32>
    %add3A_86 = arith.addi %iota3A, %add3A_85 : vector<16xi32>
    %swap3A_87 = arith.constant 1 : i32
    %swap3A_88 = arith.index_cast %swap3A_87 : i32 to index
    %swap3A_89 = arith.constant 32 : index
    %swap3A_90 = tpu.vector_load %arg9[%swap3A_88, %swap3A_89] {strides = array<i32>} : memref<5x128xi32, #tpu.memory_space<vmem>>, vector<16xi32>,
    tpu.vector_store %arg9[%swap3A_88, %swap3A_89], %add3A_86 {strides = array<i32>} : memref<5x128xi32, #tpu.memory_space<vmem>>, vector<16xi32>,
    %add3A_91 = arith.constant 176 : i32
    %add3A_92 = vector.broadcast %add3A_91 : i32 to vector<16xi32>
    %add3A_93 = arith.addi %iota3A, %add3A_92 : vector<16xi32>
    %swap3A_94 = arith.constant 1 : i32
    %swap3A_95 = arith.index_cast %swap3A_94 : i32 to index
    %swap3A_96 = arith.constant 48 : index
    %swap3A_97 = tpu.vector_load %arg9[%swap3A_95, %swap3A_96] {strides = array<i32>} : memref<5x128xi32, #tpu.memory_space<vmem>>, vector<16xi32>,
    tpu.vector_store %arg9[%swap3A_95, %swap3A_96], %add3A_93 {strides = array<i32>} : memref<5x128xi32, #tpu.memory_space<vmem>>, vector<16xi32>,
    %add3A_98 = arith.constant 192 : i32
    %add3A_99 = vector.broadcast %add3A_98 : i32 to vector<16xi32>
    %add3A_100 = arith.addi %iota3A, %add3A_99 : vector<16xi32>
    %swap3A_101 = arith.constant 1 : i32
    %swap3A_102 = arith.index_cast %swap3A_101 : i32 to index
    %swap3A_103 = arith.constant 64 : index
    %swap3A_104 = tpu.vector_load %arg9[%swap3A_102, %swap3A_103] {strides = array<i32>} : memref<5x128xi32, #tpu.memory_space<vmem>>, vector<16xi32>,
    tpu.vector_store %arg9[%swap3A_102, %swap3A_103], %add3A_100 {strides = array<i32>} : memref<5x128xi32, #tpu.memory_space<vmem>>, vector<16xi32>,
    %add3A_105 = arith.constant 208 : i32
    %add3A_106 = vector.broadcast %add3A_105 : i32 to vector<16xi32>
    %add3A_107 = arith.addi %iota3A, %add3A_106 : vector<16xi32>
    %swap3A_108 = arith.constant 1 : i32
    %swap3A_109 = arith.index_cast %swap3A_108 : i32 to index
    %swap3A_110 = arith.constant 80 : index
    %swap3A_111 = tpu.vector_load %arg9[%swap3A_109, %swap3A_110] {strides = array<i32>} : memref<5x128xi32, #tpu.memory_space<vmem>>, vector<16xi32>,
    tpu.vector_store %arg9[%swap3A_109, %swap3A_110], %add3A_107 {strides = array<i32>} : memref<5x128xi32, #tpu.memory_space<vmem>>, vector<16xi32>,
    %add3A_112 = arith.constant 224 : i32
    %add3A_113 = vector.broadcast %add3A_112 : i32 to vector<16xi32>
    %add3A_114 = arith.addi %iota3A, %add3A_113 : vector<16xi32>
    %swap3A_115 = arith.constant 1 : i32
    %swap3A_116 = arith.index_cast %swap3A_115 : i32 to index
    %swap3A_117 = arith.constant 96 : index
    %swap3A_118 = tpu.vector_load %arg9[%swap3A_116, %swap3A_117] {strides = array<i32>} : memref<5x128xi32, #tpu.memory_space<vmem>>, vector<16xi32>,
    tpu.vector_store %arg9[%swap3A_116, %swap3A_117], %add3A_114 {strides = array<i32>} : memref<5x128xi32, #tpu.memory_space<vmem>>, vector<16xi32>,
    %add3A_119 = arith.constant 240 : i32
    %add3A_120 = vector.broadcast %add3A_119 : i32 to vector<16xi32>
    %add3A_121 = arith.addi %iota3A, %add3A_120 : vector<16xi32>
    %swap3A_122 = arith.constant 1 : i32
    %swap3A_123 = arith.index_cast %swap3A_122 : i32 to index
    %swap3A_124 = arith.constant 112 : index
    %swap3A_125 = tpu.vector_load %arg9[%swap3A_123, %swap3A_124] {strides = array<i32>} : memref<5x128xi32, #tpu.memory_space<vmem>>, vector<16xi32>,
    tpu.vector_store %arg9[%swap3A_123, %swap3A_124], %add3A_121 {strides = array<i32>} : memref<5x128xi32, #tpu.memory_space<vmem>>, vector<16xi32>,
    %add3A_126 = arith.constant 256 : i32
    %add3A_127 = vector.broadcast %add3A_126 : i32 to vector<16xi32>
    %add3A_128 = arith.addi %iota3A, %add3A_127 : vector<16xi32>
    %swap3A_129 = arith.constant 2 : i32
    %swap3A_130 = arith.index_cast %swap3A_129 : i32 to index
    %swap3A_131 = arith.constant 0 : index
    %swap3A_132 = tpu.vector_load %arg9[%swap3A_130, %swap3A_131] {strides = array<i32>} : memref<5x128xi32, #tpu.memory_space<vmem>>, vector<16xi32>,
    tpu.vector_store %arg9[%swap3A_130, %swap3A_131], %add3A_128 {strides = array<i32>} : memref<5x128xi32, #tpu.memory_space<vmem>>, vector<16xi32>,
    %add3A_133 = arith.constant 272 : i32
    %add3A_134 = vector.broadcast %add3A_133 : i32 to vector<16xi32>
    %add3A_135 = arith.addi %iota3A, %add3A_134 : vector<16xi32>
    %swap3A_136 = arith.constant 2 : i32
    %swap3A_137 = arith.index_cast %swap3A_136 : i32 to index
    %swap3A_138 = arith.constant 16 : index
    %swap3A_139 = tpu.vector_load %arg9[%swap3A_137, %swap3A_138] {strides = array<i32>} : memref<5x128xi32, #tpu.memory_space<vmem>>, vector<16xi32>,
    tpu.vector_store %arg9[%swap3A_137, %swap3A_138], %add3A_135 {strides = array<i32>} : memref<5x128xi32, #tpu.memory_space<vmem>>, vector<16xi32>,
    %add3A_140 = arith.constant 288 : i32
    %add3A_141 = vector.broadcast %add3A_140 : i32 to vector<16xi32>
    %add3A_142 = arith.addi %iota3A, %add3A_141 : vector<16xi32>
    %swap3A_143 = arith.constant 2 : i32
    %swap3A_144 = arith.index_cast %swap3A_143 : i32 to index
    %swap3A_145 = arith.constant 32 : index
    %swap3A_146 = tpu.vector_load %arg9[%swap3A_144, %swap3A_145] {strides = array<i32>} : memref<5x128xi32, #tpu.memory_space<vmem>>, vector<16xi32>,
    tpu.vector_store %arg9[%swap3A_144, %swap3A_145], %add3A_142 {strides = array<i32>} : memref<5x128xi32, #tpu.memory_space<vmem>>, vector<16xi32>,
    %add3A_147 = arith.constant 304 : i32
    %add3A_148 = vector.broadcast %add3A_147 : i32 to vector<16xi32>
    %add3A_149 = arith.addi %iota3A, %add3A_148 : vector<16xi32>
    %swap3A_150 = arith.constant 2 : i32
    %swap3A_151 = arith.index_cast %swap3A_150 : i32 to index
    %swap3A_152 = arith.constant 48 : index
    %swap3A_153 = tpu.vector_load %arg9[%swap3A_151, %swap3A_152] {strides = array<i32>} : memref<5x128xi32, #tpu.memory_space<vmem>>, vector<16xi32>,
    tpu.vector_store %arg9[%swap3A_151, %swap3A_152], %add3A_149 {strides = array<i32>} : memref<5x128xi32, #tpu.memory_space<vmem>>, vector<16xi32>,
    %add3A_154 = arith.constant 320 : i32
    %add3A_155 = vector.broadcast %add3A_154 : i32 to vector<16xi32>
    %add3A_156 = arith.addi %iota3A, %add3A_155 : vector<16xi32>
    %swap3A_157 = arith.constant 2 : i32
    %swap3A_158 = arith.index_cast %swap3A_157 : i32 to index
    %swap3A_159 = arith.constant 64 : index
    %swap3A_160 = tpu.vector_load %arg9[%swap3A_158, %swap3A_159] {strides = array<i32>} : memref<5x128xi32, #tpu.memory_space<vmem>>, vector<16xi32>,
    tpu.vector_store %arg9[%swap3A_158, %swap3A_159], %add3A_156 {strides = array<i32>} : memref<5x128xi32, #tpu.memory_space<vmem>>, vector<16xi32>,
    %add3A_161 = arith.constant 336 : i32
    %add3A_162 = vector.broadcast %add3A_161 : i32 to vector<16xi32>
    %add3A_163 = arith.addi %iota3A, %add3A_162 : vector<16xi32>
    %swap3A_164 = arith.constant 2 : i32
    %swap3A_165 = arith.index_cast %swap3A_164 : i32 to index
    %swap3A_166 = arith.constant 80 : index
    %swap3A_167 = tpu.vector_load %arg9[%swap3A_165, %swap3A_166] {strides = array<i32>} : memref<5x128xi32, #tpu.memory_space<vmem>>, vector<16xi32>,
    tpu.vector_store %arg9[%swap3A_165, %swap3A_166], %add3A_163 {strides = array<i32>} : memref<5x128xi32, #tpu.memory_space<vmem>>, vector<16xi32>,
    %add3A_168 = arith.constant 352 : i32
    %add3A_169 = vector.broadcast %add3A_168 : i32 to vector<16xi32>
    %add3A_170 = arith.addi %iota3A, %add3A_169 : vector<16xi32>
    %swap3A_171 = arith.constant 2 : i32
    %swap3A_172 = arith.index_cast %swap3A_171 : i32 to index
    %swap3A_173 = arith.constant 96 : index
    %swap3A_174 = tpu.vector_load %arg9[%swap3A_172, %swap3A_173] {strides = array<i32>} : memref<5x128xi32, #tpu.memory_space<vmem>>, vector<16xi32>,
    tpu.vector_store %arg9[%swap3A_172, %swap3A_173], %add3A_170 {strides = array<i32>} : memref<5x128xi32, #tpu.memory_space<vmem>>, vector<16xi32>,
    %add3A_175 = arith.constant 368 : i32
    %add3A_176 = vector.broadcast %add3A_175 : i32 to vector<16xi32>
    %add3A_177 = arith.addi %iota3A, %add3A_176 : vector<16xi32>
    %swap3A_178 = arith.constant 2 : i32
    %swap3A_179 = arith.index_cast %swap3A_178 : i32 to index
    %swap3A_180 = arith.constant 112 : index
    %swap3A_181 = tpu.vector_load %arg9[%swap3A_179, %swap3A_180] {strides = array<i32>} : memref<5x128xi32, #tpu.memory_space<vmem>>, vector<16xi32>,
    tpu.vector_store %arg9[%swap3A_179, %swap3A_180], %add3A_177 {strides = array<i32>} : memref<5x128xi32, #tpu.memory_space<vmem>>, vector<16xi32>,
    %add3A_182 = arith.constant 384 : i32
    %add3A_183 = vector.broadcast %add3A_182 : i32 to vector<16xi32>
    %add3A_184 = arith.addi %iota3A, %add3A_183 : vector<16xi32>
    %swap3A_185 = arith.constant 3 : i32
    %swap3A_186 = arith.index_cast %swap3A_185 : i32 to index
    %swap3A_187 = arith.constant 0 : index
    %swap3A_188 = tpu.vector_load %arg9[%swap3A_186, %swap3A_187] {strides = array<i32>} : memref<5x128xi32, #tpu.memory_space<vmem>>, vector<16xi32>,
    tpu.vector_store %arg9[%swap3A_186, %swap3A_187], %add3A_184 {strides = array<i32>} : memref<5x128xi32, #tpu.memory_space<vmem>>, vector<16xi32>,
    %add3A_189 = arith.constant 400 : i32
    %add3A_190 = vector.broadcast %add3A_189 : i32 to vector<16xi32>
    %add3A_191 = arith.addi %iota3A, %add3A_190 : vector<16xi32>
    %swap3A_192 = arith.constant 3 : i32
    %swap3A_193 = arith.index_cast %swap3A_192 : i32 to index
    %swap3A_194 = arith.constant 16 : index
    %swap3A_195 = tpu.vector_load %arg9[%swap3A_193, %swap3A_194] {strides = array<i32>} : memref<5x128xi32, #tpu.memory_space<vmem>>, vector<16xi32>,
    tpu.vector_store %arg9[%swap3A_193, %swap3A_194], %add3A_191 {strides = array<i32>} : memref<5x128xi32, #tpu.memory_space<vmem>>, vector<16xi32>,
    %add3A_196 = arith.constant 416 : i32
    %add3A_197 = vector.broadcast %add3A_196 : i32 to vector<16xi32>
    %add3A_198 = arith.addi %iota3A, %add3A_197 : vector<16xi32>
    %swap3A_199 = arith.constant 3 : i32
    %swap3A_200 = arith.index_cast %swap3A_199 : i32 to index
    %swap3A_201 = arith.constant 32 : index
    %swap3A_202 = tpu.vector_load %arg9[%swap3A_200, %swap3A_201] {strides = array<i32>} : memref<5x128xi32, #tpu.memory_space<vmem>>, vector<16xi32>,
    tpu.vector_store %arg9[%swap3A_200, %swap3A_201], %add3A_198 {strides = array<i32>} : memref<5x128xi32, #tpu.memory_space<vmem>>, vector<16xi32>,
    %add3A_203 = arith.constant 432 : i32
    %add3A_204 = vector.broadcast %add3A_203 : i32 to vector<16xi32>
    %add3A_205 = arith.addi %iota3A, %add3A_204 : vector<16xi32>
    %swap3A_206 = arith.constant 3 : i32
    %swap3A_207 = arith.index_cast %swap3A_206 : i32 to index
    %swap3A_208 = arith.constant 48 : index
    %swap3A_209 = tpu.vector_load %arg9[%swap3A_207, %swap3A_208] {strides = array<i32>} : memref<5x128xi32, #tpu.memory_space<vmem>>, vector<16xi32>,
    tpu.vector_store %arg9[%swap3A_207, %swap3A_208], %add3A_205 {strides = array<i32>} : memref<5x128xi32, #tpu.memory_space<vmem>>, vector<16xi32>,
    %add3A_210 = arith.constant 448 : i32
    %add3A_211 = vector.broadcast %add3A_210 : i32 to vector<16xi32>
    %add3A_212 = arith.addi %iota3A, %add3A_211 : vector<16xi32>
    %swap3A_213 = arith.constant 3 : i32
    %swap3A_214 = arith.index_cast %swap3A_213 : i32 to index
    %swap3A_215 = arith.constant 64 : index
    %swap3A_216 = tpu.vector_load %arg9[%swap3A_214, %swap3A_215] {strides = array<i32>} : memref<5x128xi32, #tpu.memory_space<vmem>>, vector<16xi32>,
    tpu.vector_store %arg9[%swap3A_214, %swap3A_215], %add3A_212 {strides = array<i32>} : memref<5x128xi32, #tpu.memory_space<vmem>>, vector<16xi32>,
    %add3A_217 = arith.constant 464 : i32
    %add3A_218 = vector.broadcast %add3A_217 : i32 to vector<16xi32>
    %add3A_219 = arith.addi %iota3A, %add3A_218 : vector<16xi32>
    %swap3A_220 = arith.constant 3 : i32
    %swap3A_221 = arith.index_cast %swap3A_220 : i32 to index
    %swap3A_222 = arith.constant 80 : index
    %swap3A_223 = tpu.vector_load %arg9[%swap3A_221, %swap3A_222] {strides = array<i32>} : memref<5x128xi32, #tpu.memory_space<vmem>>, vector<16xi32>,
    tpu.vector_store %arg9[%swap3A_221, %swap3A_222], %add3A_219 {strides = array<i32>} : memref<5x128xi32, #tpu.memory_space<vmem>>, vector<16xi32>,
    %add3A_224 = arith.constant 480 : i32
    %add3A_225 = vector.broadcast %add3A_224 : i32 to vector<16xi32>
    %add3A_226 = arith.addi %iota3A, %add3A_225 : vector<16xi32>
    %swap3A_227 = arith.constant 3 : i32
    %swap3A_228 = arith.index_cast %swap3A_227 : i32 to index
    %swap3A_229 = arith.constant 96 : index
    %swap3A_230 = tpu.vector_load %arg9[%swap3A_228, %swap3A_229] {strides = array<i32>} : memref<5x128xi32, #tpu.memory_space<vmem>>, vector<16xi32>,
    tpu.vector_store %arg9[%swap3A_228, %swap3A_229], %add3A_226 {strides = array<i32>} : memref<5x128xi32, #tpu.memory_space<vmem>>, vector<16xi32>,
    %add3A_231 = arith.constant 496 : i32
    %add3A_232 = vector.broadcast %add3A_231 : i32 to vector<16xi32>
    %add3A_233 = arith.addi %iota3A, %add3A_232 : vector<16xi32>
    %swap3A_234 = arith.constant 3 : i32
    %swap3A_235 = arith.index_cast %swap3A_234 : i32 to index
    %swap3A_236 = arith.constant 112 : index
    %swap3A_237 = tpu.vector_load %arg9[%swap3A_235, %swap3A_236] {strides = array<i32>} : memref<5x128xi32, #tpu.memory_space<vmem>>, vector<16xi32>,
    tpu.vector_store %arg9[%swap3A_235, %swap3A_236], %add3A_233 {strides = array<i32>} : memref<5x128xi32, #tpu.memory_space<vmem>>, vector<16xi32>,
    %add3A_238 = arith.constant 512 : i32
    %add3A_239 = vector.broadcast %add3A_238 : i32 to vector<16xi32>
    %add3A_240 = arith.addi %iota3A, %add3A_239 : vector<16xi32>
    %swap3A_241 = arith.constant 4 : i32
    %swap3A_242 = arith.index_cast %swap3A_241 : i32 to index
    %swap3A_243 = arith.constant 0 : index
    %swap3A_244 = tpu.vector_load %arg9[%swap3A_242, %swap3A_243] {strides = array<i32>} : memref<5x128xi32, #tpu.memory_space<vmem>>, vector<16xi32>,
    tpu.vector_store %arg9[%swap3A_242, %swap3A_243], %add3A_240 {strides = array<i32>} : memref<5x128xi32, #tpu.memory_space<vmem>>, vector<16xi32>,
    %add3A_245 = arith.constant 528 : i32
    %add3A_246 = vector.broadcast %add3A_245 : i32 to vector<16xi32>
    %add3A_247 = arith.addi %iota3A, %add3A_246 : vector<16xi32>
    %swap3A_248 = arith.constant 4 : i32
    %swap3A_249 = arith.index_cast %swap3A_248 : i32 to index
    %swap3A_250 = arith.constant 16 : index
    %swap3A_251 = tpu.vector_load %arg9[%swap3A_249, %swap3A_250] {strides = array<i32>} : memref<5x128xi32, #tpu.memory_space<vmem>>, vector<16xi32>,
    tpu.vector_store %arg9[%swap3A_249, %swap3A_250], %add3A_247 {strides = array<i32>} : memref<5x128xi32, #tpu.memory_space<vmem>>, vector<16xi32>,
    %add3A_252 = arith.constant 544 : i32
    %add3A_253 = vector.broadcast %add3A_252 : i32 to vector<16xi32>
    %add3A_254 = arith.addi %iota3A, %add3A_253 : vector<16xi32>
    %swap3A_255 = arith.constant 4 : i32
    %swap3A_256 = arith.index_cast %swap3A_255 : i32 to index
    %swap3A_257 = arith.constant 32 : index
    %swap3A_258 = tpu.vector_load %arg9[%swap3A_256, %swap3A_257] {strides = array<i32>} : memref<5x128xi32, #tpu.memory_space<vmem>>, vector<16xi32>,
    tpu.vector_store %arg9[%swap3A_256, %swap3A_257], %add3A_254 {strides = array<i32>} : memref<5x128xi32, #tpu.memory_space<vmem>>, vector<16xi32>,
    %add3A_259 = arith.constant 560 : i32
    %add3A_260 = vector.broadcast %add3A_259 : i32 to vector<16xi32>
    %add3A_261 = arith.addi %iota3A, %add3A_260 : vector<16xi32>
    %swap3A_262 = arith.constant 4 : i32
    %swap3A_263 = arith.index_cast %swap3A_262 : i32 to index
    %swap3A_264 = arith.constant 48 : index
    %swap3A_265 = tpu.vector_load %arg9[%swap3A_263, %swap3A_264] {strides = array<i32>} : memref<5x128xi32, #tpu.memory_space<vmem>>, vector<16xi32>,
    tpu.vector_store %arg9[%swap3A_263, %swap3A_264], %add3A_261 {strides = array<i32>} : memref<5x128xi32, #tpu.memory_space<vmem>>, vector<16xi32>,
    %add3A_266 = arith.constant 576 : i32
    %add3A_267 = vector.broadcast %add3A_266 : i32 to vector<16xi32>
    %add3A_268 = arith.addi %iota3A, %add3A_267 : vector<16xi32>
    %swap3A_269 = arith.constant 4 : i32
    %swap3A_270 = arith.index_cast %swap3A_269 : i32 to index
    %swap3A_271 = arith.constant 64 : index
    %swap3A_272 = tpu.vector_load %arg9[%swap3A_270, %swap3A_271] {strides = array<i32>} : memref<5x128xi32, #tpu.memory_space<vmem>>, vector<16xi32>,
    tpu.vector_store %arg9[%swap3A_270, %swap3A_271], %add3A_268 {strides = array<i32>} : memref<5x128xi32, #tpu.memory_space<vmem>>, vector<16xi32>,
    %add3A_273 = arith.constant 592 : i32
    %add3A_274 = vector.broadcast %add3A_273 : i32 to vector<16xi32>
    %add3A_275 = arith.addi %iota3A, %add3A_274 : vector<16xi32>
    %swap3A_276 = arith.constant 4 : i32
    %swap3A_277 = arith.index_cast %swap3A_276 : i32 to index
    %swap3A_278 = arith.constant 80 : index
    %swap3A_279 = tpu.vector_load %arg9[%swap3A_277, %swap3A_278] {strides = array<i32>} : memref<5x128xi32, #tpu.memory_space<vmem>>, vector<16xi32>,
    tpu.vector_store %arg9[%swap3A_277, %swap3A_278], %add3A_275 {strides = array<i32>} : memref<5x128xi32, #tpu.memory_space<vmem>>, vector<16xi32>,
    %add3A_280 = arith.constant 608 : i32
    %add3A_281 = vector.broadcast %add3A_280 : i32 to vector<16xi32>
    %add3A_282 = arith.addi %iota3A, %add3A_281 : vector<16xi32>
    %swap3A_283 = arith.constant 4 : i32
    %swap3A_284 = arith.index_cast %swap3A_283 : i32 to index
    %swap3A_285 = arith.constant 96 : index
    %swap3A_286 = tpu.vector_load %arg9[%swap3A_284, %swap3A_285] {strides = array<i32>} : memref<5x128xi32, #tpu.memory_space<vmem>>, vector<16xi32>,
    tpu.vector_store %arg9[%swap3A_284, %swap3A_285], %add3A_282 {strides = array<i32>} : memref<5x128xi32, #tpu.memory_space<vmem>>, vector<16xi32>,
    %add3A_287 = arith.constant 624 : i32
    %add3A_288 = vector.broadcast %add3A_287 : i32 to vector<16xi32>
    %add3A_289 = arith.addi %iota3A, %add3A_288 : vector<16xi32>
    %swap3A_290 = arith.constant 4 : i32
    %swap3A_291 = arith.index_cast %swap3A_290 : i32 to index
    %swap3A_292 = arith.constant 112 : index
    %swap3A_293 = tpu.vector_load %arg9[%swap3A_291, %swap3A_292] {strides = array<i32>} : memref<5x128xi32, #tpu.memory_space<vmem>>, vector<16xi32>,
    tpu.vector_store %arg9[%swap3A_291, %swap3A_292], %add3A_289 {strides = array<i32>} : memref<5x128xi32, #tpu.memory_space<vmem>>, vector<16xi32>,
    %broadcast_in_dim3A_294 = arith.constant 1.000000e+00 : f32
    %broadcast_in_dim3A_295 = vector.broadcast %broadcast_in_dim3A_294 : f32 to vector<16xf32>
    %scan3A_296 = arith.constant 0 : i32
    %scan3A_297 = arith.constant 0 : i32
    %scan3A_298 = arith.constant 1250 : i32
    %scan3A_299 = arith.addi %scan3A_297, %scan3A_298 : i32
    %scan3A_300 = arith.constant 1 : i32
    scf.for %scan3A_337 = %scan3A_297 to %scan3A_299 step %scan3A_300  : i32 {
      %mul3A_338 = arith.constant 16 : i32
      %mul3A_339 = arith.muli %scan3A_337, %mul3A_338 : i32
      %get3A = arith.index_cast %mul3A_339 : i32 to index
      %get3A_340 = tpu.vector_load %arg7[%get3A] {strides = array<i32>} : memref<20000xi32, #tpu.memory_space<vmem>>, vector<16xi32>,
      %shift_right_arithmetic3A = arith.constant 4 : i32
      %shift_right_arithmetic3A_341 = vector.broadcast %shift_right_arithmetic3A : i32 to vector<16xi32>
      %shift_right_arithmetic3A_342 = arith.shrsi %get3A_340, %shift_right_arithmetic3A_341 : vector<16xi32>
      %and3A = arith.constant 15 : i32
      %and3A_343 = vector.broadcast %and3A : i32 to vector<16xi32>
      %and3A_344 = arith.andi %get3A_340, %and3A_343 : vector<16xi32>
      tpu.vector_store_idx %arg8[%shift_right_arithmetic3A_342, %and3A_344], %broadcast_in_dim3A_295 {add = true} : memref<640x16xf32, #tpu.memory_space<vmem>>[vector<16xi32>, vector<16xi32>], vector<16xf32>,
    }
    %scan3A_301 = arith.constant 1250 : i32
    %eq3A_302 = arith.constant 0 : i32
    %eq3A_303 = arith.cmpi eq, %arg0, %eq3A_302 : i32
    %convert_element_type3A_304 = arith.extui %eq3A_303 : i1 to i32
    %cond3A_305 = arith.constant 0 : i32
    %cond3A_306 = arith.cmpi ne, %convert_element_type3A_304, %cond3A_305 : i32
    scf.if %cond3A_306 {
      %add3A_337 = arith.constant 0 : i32
      %add3A_338 = vector.broadcast %add3A_337 : i32 to vector<16xi32>
      %add3A_339 = arith.addi %iota3A, %add3A_338 : vector<16xi32>
      %swap3A_340 = arith.constant 0 : index
      %swap3A_341 = tpu.vector_load %arg12[%swap3A_340] {strides = array<i32>} : memref<176xi32, #tpu.memory_space<vmem>>, vector<16xi32>,
      tpu.vector_store %arg12[%swap3A_340], %add3A_339 {strides = array<i32>} : memref<176xi32, #tpu.memory_space<vmem>>, vector<16xi32>,
      %add3A_342 = arith.constant 16 : i32
      %add3A_343 = vector.broadcast %add3A_342 : i32 to vector<16xi32>
      %add3A_344 = arith.addi %iota3A, %add3A_343 : vector<16xi32>
      %swap3A_345 = arith.constant 16 : index
      %swap3A_346 = tpu.vector_load %arg12[%swap3A_345] {strides = array<i32>} : memref<176xi32, #tpu.memory_space<vmem>>, vector<16xi32>,
      tpu.vector_store %arg12[%swap3A_345], %add3A_344 {strides = array<i32>} : memref<176xi32, #tpu.memory_space<vmem>>, vector<16xi32>,
      %add3A_347 = arith.constant 32 : i32
      %add3A_348 = vector.broadcast %add3A_347 : i32 to vector<16xi32>
      %add3A_349 = arith.addi %iota3A, %add3A_348 : vector<16xi32>
      %swap3A_350 = arith.constant 32 : index
      %swap3A_351 = tpu.vector_load %arg12[%swap3A_350] {strides = array<i32>} : memref<176xi32, #tpu.memory_space<vmem>>, vector<16xi32>,
      tpu.vector_store %arg12[%swap3A_350], %add3A_349 {strides = array<i32>} : memref<176xi32, #tpu.memory_space<vmem>>, vector<16xi32>,
      %add3A_352 = arith.constant 48 : i32
      %add3A_353 = vector.broadcast %add3A_352 : i32 to vector<16xi32>
      %add3A_354 = arith.addi %iota3A, %add3A_353 : vector<16xi32>
      %swap3A_355 = arith.constant 48 : index
      %swap3A_356 = tpu.vector_load %arg12[%swap3A_355] {strides = array<i32>} : memref<176xi32, #tpu.memory_space<vmem>>, vector<16xi32>,
      tpu.vector_store %arg12[%swap3A_355], %add3A_354 {strides = array<i32>} : memref<176xi32, #tpu.memory_space<vmem>>, vector<16xi32>,
      %add3A_357 = arith.constant 64 : i32
      %add3A_358 = vector.broadcast %add3A_357 : i32 to vector<16xi32>
      %add3A_359 = arith.addi %iota3A, %add3A_358 : vector<16xi32>
      %swap3A_360 = arith.constant 64 : index
      %swap3A_361 = tpu.vector_load %arg12[%swap3A_360] {strides = array<i32>} : memref<176xi32, #tpu.memory_space<vmem>>, vector<16xi32>,
      tpu.vector_store %arg12[%swap3A_360], %add3A_359 {strides = array<i32>} : memref<176xi32, #tpu.memory_space<vmem>>, vector<16xi32>,
      %add3A_362 = arith.constant 80 : i32
      %add3A_363 = vector.broadcast %add3A_362 : i32 to vector<16xi32>
      %add3A_364 = arith.addi %iota3A, %add3A_363 : vector<16xi32>
      %swap3A_365 = arith.constant 80 : index
      %swap3A_366 = tpu.vector_load %arg12[%swap3A_365] {strides = array<i32>} : memref<176xi32, #tpu.memory_space<vmem>>, vector<16xi32>,
      tpu.vector_store %arg12[%swap3A_365], %add3A_364 {strides = array<i32>} : memref<176xi32, #tpu.memory_space<vmem>>, vector<16xi32>,
      %add3A_367 = arith.constant 96 : i32
      %add3A_368 = vector.broadcast %add3A_367 : i32 to vector<16xi32>
      %add3A_369 = arith.addi %iota3A, %add3A_368 : vector<16xi32>
      %swap3A_370 = arith.constant 96 : index
      %swap3A_371 = tpu.vector_load %arg12[%swap3A_370] {strides = array<i32>} : memref<176xi32, #tpu.memory_space<vmem>>, vector<16xi32>,
      tpu.vector_store %arg12[%swap3A_370], %add3A_369 {strides = array<i32>} : memref<176xi32, #tpu.memory_space<vmem>>, vector<16xi32>,
      %add3A_372 = arith.constant 112 : i32
      %add3A_373 = vector.broadcast %add3A_372 : i32 to vector<16xi32>
      %add3A_374 = arith.addi %iota3A, %add3A_373 : vector<16xi32>
      %swap3A_375 = arith.constant 112 : index
      %swap3A_376 = tpu.vector_load %arg12[%swap3A_375] {strides = array<i32>} : memref<176xi32, #tpu.memory_space<vmem>>, vector<16xi32>,
      tpu.vector_store %arg12[%swap3A_375], %add3A_374 {strides = array<i32>} : memref<176xi32, #tpu.memory_space<vmem>>, vector<16xi32>,
      %add3A_377 = arith.constant 128 : i32
      %add3A_378 = vector.broadcast %add3A_377 : i32 to vector<16xi32>
      %add3A_379 = arith.addi %iota3A, %add3A_378 : vector<16xi32>
      %swap3A_380 = arith.constant 128 : index
      %swap3A_381 = tpu.vector_load %arg12[%swap3A_380] {strides = array<i32>} : memref<176xi32, #tpu.memory_space<vmem>>, vector<16xi32>,
      tpu.vector_store %arg12[%swap3A_380], %add3A_379 {strides = array<i32>} : memref<176xi32, #tpu.memory_space<vmem>>, vector<16xi32>,
      %add3A_382 = arith.constant 144 : i32
      %add3A_383 = vector.broadcast %add3A_382 : i32 to vector<16xi32>
      %add3A_384 = arith.addi %iota3A, %add3A_383 : vector<16xi32>
      %swap3A_385 = arith.constant 144 : index
      %swap3A_386 = tpu.vector_load %arg12[%swap3A_385] {strides = array<i32>} : memref<176xi32, #tpu.memory_space<vmem>>, vector<16xi32>,
      tpu.vector_store %arg12[%swap3A_385], %add3A_384 {strides = array<i32>} : memref<176xi32, #tpu.memory_space<vmem>>, vector<16xi32>,
      %add3A_387 = arith.constant 160 : i32
      %add3A_388 = vector.broadcast %add3A_387 : i32 to vector<16xi32>
      %add3A_389 = arith.addi %iota3A, %add3A_388 : vector<16xi32>
      %swap3A_390 = arith.constant 160 : index
      %swap3A_391 = tpu.vector_load %arg12[%swap3A_390] {strides = array<i32>} : memref<176xi32, #tpu.memory_space<vmem>>, vector<16xi32>,
      tpu.vector_store %arg12[%swap3A_390], %add3A_389 {strides = array<i32>} : memref<176xi32, #tpu.memory_space<vmem>>, vector<16xi32>,
      %mul3A_392 = arith.constant 2 : i32
      %mul3A_393 = arith.muli %mul3A_392, %arg1 : i32
      %add3A_394 = arith.constant 0 : i32
      %add3A_395 = arith.addi %mul3A_393, %add3A_394 : i32
      "tpu.region"() ({
        %run_scoped3A_400 = tpu.sem_alloc : memref<!tpu.dma_semaphore, #tpu.memory_space<semaphore_mem>>
        %dma_start3A = arith.constant 0 : i32
        %dma_start3A_401 = tpu.memref_slice %arg7[%dma_start3A] : memref<20000xi32, #tpu.memory_space<vmem>> -> memref<10000xi32, #tpu.memory_space<vmem>>
        %dma_start3A_402 = arith.constant 0 : i32
        %dma_start3A_403 = tpu.memref_slice %arg5[%add3A_395, %dma_start3A_402] : memref<32x10176xi32, #tpu.memory_space<hbm>> -> memref<1x10000xi32, #tpu.memory_space<hbm>>
        %dma_start3A_404 = tpu.memref_squeeze %dma_start3A_403 : memref<1x10000xi32, #tpu.memory_space<hbm>> -> memref<10000xi32, #tpu.memory_space<hbm>>
        %dma_start3A_405 = arith.constant 0 : i32
        %dma_start3A_406 = tpu.memref_slice %arg5[%add3A_395, %dma_start3A_405] : memref<32x10176xi32, #tpu.memory_space<hbm>> -> memref<1x10000xi32, #tpu.memory_space<hbm>>
        %dma_start3A_407 = tpu.memref_squeeze %dma_start3A_406 : memref<1x10000xi32, #tpu.memory_space<hbm>> -> memref<10000xi32, #tpu.memory_space<hbm>>
        %dma_start3A_408 = arith.constant 0 : i32
        %dma_start3A_409 = tpu.memref_slice %arg7[%dma_start3A_408] : memref<20000xi32, #tpu.memory_space<vmem>> -> memref<10000xi32, #tpu.memory_space<vmem>>
        tpu.enqueue_dma source(%dma_start3A_409 : memref<10000xi32, #tpu.memory_space<vmem>>) target(%dma_start3A_407 : memref<10000xi32, #tpu.memory_space<hbm>>) target_semaphore(%run_scoped3A_400 : memref<!tpu.dma_semaphore, #tpu.memory_space<semaphore_mem>>)
        %dma_wait3A = arith.constant 0 : i32
        %dma_wait3A_410 = tpu.memref_slice %arg7[%dma_wait3A] : memref<20000xi32, #tpu.memory_space<vmem>> -> memref<10000xi32, #tpu.memory_space<vmem>>
        %dma_wait3A_411 = arith.constant 0 : i32
        %dma_wait3A_412 = tpu.memref_slice %arg5[%add3A_395, %dma_wait3A_411] : memref<32x10176xi32, #tpu.memory_space<hbm>> -> memref<1x10000xi32, #tpu.memory_space<hbm>>
        %dma_wait3A_413 = tpu.memref_squeeze %dma_wait3A_412 : memref<1x10000xi32, #tpu.memory_space<hbm>> -> memref<10000xi32, #tpu.memory_space<hbm>>
        %dma_wait3A_414 = arith.constant 0 : i32
        %dma_wait3A_415 = tpu.memref_slice %arg5[%add3A_395, %dma_wait3A_414] : memref<32x10176xi32, #tpu.memory_space<hbm>> -> memref<1x10000xi32, #tpu.memory_space<hbm>>
        %dma_wait3A_416 = tpu.memref_squeeze %dma_wait3A_415 : memref<1x10000xi32, #tpu.memory_space<hbm>> -> memref<10000xi32, #tpu.memory_space<hbm>>
        %dma_wait3A_417 = arith.constant 0 : i32
        %dma_wait3A_418 = tpu.memref_slice %arg7[%dma_wait3A_417] : memref<20000xi32, #tpu.memory_space<vmem>> -> memref<10000xi32, #tpu.memory_space<vmem>>
        tpu.wait_dma2 semaphore(%run_scoped3A_400 : memref<!tpu.dma_semaphore, #tpu.memory_space<semaphore_mem>>) src(%dma_wait3A_418 : memref<10000xi32, #tpu.memory_space<vmem>>) dst(%dma_wait3A_416 : memref<10000xi32, #tpu.memory_space<hbm>>)
        tpu.yield
      }) : () -> ()
      "tpu.region"() ({
        %run_scoped3A_400 = tpu.sem_alloc : memref<!tpu.dma_semaphore, #tpu.memory_space<semaphore_mem>>
        %dma_start3A = arith.constant 10000 : i32
        %dma_start3A_401 = tpu.memref_slice %arg5[%add3A_395, %dma_start3A] : memref<32x10176xi32, #tpu.memory_space<hbm>> -> memref<1x176xi32, #tpu.memory_space<hbm>>
        %dma_start3A_402 = tpu.memref_squeeze %dma_start3A_401 : memref<1x176xi32, #tpu.memory_space<hbm>> -> memref<176xi32, #tpu.memory_space<hbm>>
        %dma_start3A_403 = arith.constant 10000 : i32
        %dma_start3A_404 = tpu.memref_slice %arg5[%add3A_395, %dma_start3A_403] : memref<32x10176xi32, #tpu.memory_space<hbm>> -> memref<1x176xi32, #tpu.memory_space<hbm>>
        %dma_start3A_405 = tpu.memref_squeeze %dma_start3A_404 : memref<1x176xi32, #tpu.memory_space<hbm>> -> memref<176xi32, #tpu.memory_space<hbm>>
        tpu.enqueue_dma source(%arg12 : memref<176xi32, #tpu.memory_space<vmem>>) target(%dma_start3A_405 : memref<176xi32, #tpu.memory_space<hbm>>) target_semaphore(%run_scoped3A_400 : memref<!tpu.dma_semaphore, #tpu.memory_space<semaphore_mem>>)
        %dma_wait3A = arith.constant 10000 : i32
        %dma_wait3A_406 = tpu.memref_slice %arg5[%add3A_395, %dma_wait3A] : memref<32x10176xi32, #tpu.memory_space<hbm>> -> memref<1x176xi32, #tpu.memory_space<hbm>>
        %dma_wait3A_407 = tpu.memref_squeeze %dma_wait3A_406 : memref<1x176xi32, #tpu.memory_space<hbm>> -> memref<176xi32, #tpu.memory_space<hbm>>
        %dma_wait3A_408 = arith.constant 10000 : i32
        %dma_wait3A_409 = tpu.memref_slice %arg5[%add3A_395, %dma_wait3A_408] : memref<32x10176xi32, #tpu.memory_space<hbm>> -> memref<1x176xi32, #tpu.memory_space<hbm>>
        %dma_wait3A_410 = tpu.memref_squeeze %dma_wait3A_409 : memref<1x176xi32, #tpu.memory_space<hbm>> -> memref<176xi32, #tpu.memory_space<hbm>>
        tpu.wait_dma2 semaphore(%run_scoped3A_400 : memref<!tpu.dma_semaphore, #tpu.memory_space<semaphore_mem>>) src(%arg12 : memref<176xi32, #tpu.memory_space<vmem>>) dst(%dma_wait3A_410 : memref<176xi32, #tpu.memory_space<hbm>>)
        tpu.yield
      }) : () -> ()
      %mul3A_396 = arith.constant 2 : i32
      %mul3A_397 = arith.muli %mul3A_396, %arg1 : i32
      %add3A_398 = arith.constant 1 : i32
      %add3A_399 = arith.addi %mul3A_397, %add3A_398 : i32
      "tpu.region"() ({
        %run_scoped3A_400 = tpu.sem_alloc : memref<!tpu.dma_semaphore, #tpu.memory_space<semaphore_mem>>
        %dma_start3A = arith.constant 10000 : i32
        %dma_start3A_401 = tpu.memref_slice %arg7[%dma_start3A] : memref<20000xi32, #tpu.memory_space<vmem>> -> memref<10000xi32, #tpu.memory_space<vmem>>
        %dma_start3A_402 = arith.constant 0 : i32
        %dma_start3A_403 = tpu.memref_slice %arg5[%add3A_399, %dma_start3A_402] : memref<32x10176xi32, #tpu.memory_space<hbm>> -> memref<1x10000xi32, #tpu.memory_space<hbm>>
        %dma_start3A_404 = tpu.memref_squeeze %dma_start3A_403 : memref<1x10000xi32, #tpu.memory_space<hbm>> -> memref<10000xi32, #tpu.memory_space<hbm>>
        %dma_start3A_405 = arith.constant 0 : i32
        %dma_start3A_406 = tpu.memref_slice %arg5[%add3A_399, %dma_start3A_405] : memref<32x10176xi32, #tpu.memory_space<hbm>> -> memref<1x10000xi32, #tpu.memory_space<hbm>>
        %dma_start3A_407 = tpu.memref_squeeze %dma_start3A_406 : memref<1x10000xi32, #tpu.memory_space<hbm>> -> memref<10000xi32, #tpu.memory_space<hbm>>
        %dma_start3A_408 = arith.constant 10000 : i32
        %dma_start3A_409 = tpu.memref_slice %arg7[%dma_start3A_408] : memref<20000xi32, #tpu.memory_space<vmem>> -> memref<10000xi32, #tpu.memory_space<vmem>>
        tpu.enqueue_dma source(%dma_start3A_409 : memref<10000xi32, #tpu.memory_space<vmem>>) target(%dma_start3A_407 : memref<10000xi32, #tpu.memory_space<hbm>>) target_semaphore(%run_scoped3A_400 : memref<!tpu.dma_semaphore, #tpu.memory_space<semaphore_mem>>)
        %dma_wait3A = arith.constant 10000 : i32
        %dma_wait3A_410 = tpu.memref_slice %arg7[%dma_wait3A] : memref<20000xi32, #tpu.memory_space<vmem>> -> memref<10000xi32, #tpu.memory_space<vmem>>
        %dma_wait3A_411 = arith.constant 0 : i32
        %dma_wait3A_412 = tpu.memref_slice %arg5[%add3A_399, %dma_wait3A_411] : memref<32x10176xi32, #tpu.memory_space<hbm>> -> memref<1x10000xi32, #tpu.memory_space<hbm>>
        %dma_wait3A_413 = tpu.memref_squeeze %dma_wait3A_412 : memref<1x10000xi32, #tpu.memory_space<hbm>> -> memref<10000xi32, #tpu.memory_space<hbm>>
        %dma_wait3A_414 = arith.constant 0 : i32
        %dma_wait3A_415 = tpu.memref_slice %arg5[%add3A_399, %dma_wait3A_414] : memref<32x10176xi32, #tpu.memory_space<hbm>> -> memref<1x10000xi32, #tpu.memory_space<hbm>>
        %dma_wait3A_416 = tpu.memref_squeeze %dma_wait3A_415 : memref<1x10000xi32, #tpu.memory_space<hbm>> -> memref<10000xi32, #tpu.memory_space<hbm>>
        %dma_wait3A_417 = arith.constant 10000 : i32
        %dma_wait3A_418 = tpu.memref_slice %arg7[%dma_wait3A_417] : memref<20000xi32, #tpu.memory_space<vmem>> -> memref<10000xi32, #tpu.memory_space<vmem>>
        tpu.wait_dma2 semaphore(%run_scoped3A_400 : memref<!tpu.dma_semaphore, #tpu.memory_space<semaphore_mem>>) src(%dma_wait3A_418 : memref<10000xi32, #tpu.memory_space<vmem>>) dst(%dma_wait3A_416 : memref<10000xi32, #tpu.memory_space<hbm>>)
        tpu.yield
      }) : () -> ()
      "tpu.region"() ({
        %run_scoped3A_400 = tpu.sem_alloc : memref<!tpu.dma_semaphore, #tpu.memory_space<semaphore_mem>>
        %dma_start3A = arith.constant 10000 : i32
        %dma_start3A_401 = tpu.memref_slice %arg5[%add3A_399, %dma_start3A] : memref<32x10176xi32, #tpu.memory_space<hbm>> -> memref<1x176xi32, #tpu.memory_space<hbm>>
        %dma_start3A_402 = tpu.memref_squeeze %dma_start3A_401 : memref<1x176xi32, #tpu.memory_space<hbm>> -> memref<176xi32, #tpu.memory_space<hbm>>
        %dma_start3A_403 = arith.constant 10000 : i32
        %dma_start3A_404 = tpu.memref_slice %arg5[%add3A_399, %dma_start3A_403] : memref<32x10176xi32, #tpu.memory_space<hbm>> -> memref<1x176xi32, #tpu.memory_space<hbm>>
        %dma_start3A_405 = tpu.memref_squeeze %dma_start3A_404 : memref<1x176xi32, #tpu.memory_space<hbm>> -> memref<176xi32, #tpu.memory_space<hbm>>
        tpu.enqueue_dma source(%arg12 : memref<176xi32, #tpu.memory_space<vmem>>) target(%dma_start3A_405 : memref<176xi32, #tpu.memory_space<hbm>>) target_semaphore(%run_scoped3A_400 : memref<!tpu.dma_semaphore, #tpu.memory_space<semaphore_mem>>)
        %dma_wait3A = arith.constant 10000 : i32
        %dma_wait3A_406 = tpu.memref_slice %arg5[%add3A_399, %dma_wait3A] : memref<32x10176xi32, #tpu.memory_space<hbm>> -> memref<1x176xi32, #tpu.memory_space<hbm>>
        %dma_wait3A_407 = tpu.memref_squeeze %dma_wait3A_406 : memref<1x176xi32, #tpu.memory_space<hbm>> -> memref<176xi32, #tpu.memory_space<hbm>>
        %dma_wait3A_408 = arith.constant 10000 : i32
        %dma_wait3A_409 = tpu.memref_slice %arg5[%add3A_399, %dma_wait3A_408] : memref<32x10176xi32, #tpu.memory_space<hbm>> -> memref<1x176xi32, #tpu.memory_space<hbm>>
        %dma_wait3A_410 = tpu.memref_squeeze %dma_wait3A_409 : memref<1x176xi32, #tpu.memory_space<hbm>> -> memref<176xi32, #tpu.memory_space<hbm>>
        tpu.wait_dma2 semaphore(%run_scoped3A_400 : memref<!tpu.dma_semaphore, #tpu.memory_space<semaphore_mem>>) src(%arg12 : memref<176xi32, #tpu.memory_space<vmem>>) dst(%dma_wait3A_410 : memref<176xi32, #tpu.memory_space<hbm>>)
        tpu.yield
      }) : () -> ()
    } else {
    }
    %eq3A_307 = arith.constant 1 : i32
    %eq3A_308 = arith.cmpi eq, %arg0, %eq3A_307 : i32
    %convert_element_type3A_309 = arith.extui %eq3A_308 : i1 to i32
    %cond3A_310 = arith.constant 0 : i32
    %cond3A_311 = arith.cmpi ne, %convert_element_type3A_309, %cond3A_310 : i32
    scf.if %cond3A_311 {
      %add3A_337 = arith.constant 10000 : i32
      %add3A_338 = vector.broadcast %add3A_337 : i32 to vector<16xi32>
      %add3A_339 = arith.addi %iota3A, %add3A_338 : vector<16xi32>
      %swap3A_340 = arith.constant 0 : index
      %swap3A_341 = tpu.vector_load %arg12[%swap3A_340] {strides = array<i32>} : memref<176xi32, #tpu.memory_space<vmem>>, vector<16xi32>,
      tpu.vector_store %arg12[%swap3A_340], %add3A_339 {strides = array<i32>} : memref<176xi32, #tpu.memory_space<vmem>>, vector<16xi32>,
      %add3A_342 = arith.constant 10016 : i32
      %add3A_343 = vector.broadcast %add3A_342 : i32 to vector<16xi32>
      %add3A_344 = arith.addi %iota3A, %add3A_343 : vector<16xi32>
      %swap3A_345 = arith.constant 16 : index
      %swap3A_346 = tpu.vector_load %arg12[%swap3A_345] {strides = array<i32>} : memref<176xi32, #tpu.memory_space<vmem>>, vector<16xi32>,
      tpu.vector_store %arg12[%swap3A_345], %add3A_344 {strides = array<i32>} : memref<176xi32, #tpu.memory_space<vmem>>, vector<16xi32>,
      %add3A_347 = arith.constant 10032 : i32
      %add3A_348 = vector.broadcast %add3A_347 : i32 to vector<16xi32>
      %add3A_349 = arith.addi %iota3A, %add3A_348 : vector<16xi32>
      %swap3A_350 = arith.constant 32 : index
      %swap3A_351 = tpu.vector_load %arg12[%swap3A_350] {strides = array<i32>} : memref<176xi32, #tpu.memory_space<vmem>>, vector<16xi32>,
      tpu.vector_store %arg12[%swap3A_350], %add3A_349 {strides = array<i32>} : memref<176xi32, #tpu.memory_space<vmem>>, vector<16xi32>,
      %add3A_352 = arith.constant 10048 : i32
      %add3A_353 = vector.broadcast %add3A_352 : i32 to vector<16xi32>
      %add3A_354 = arith.addi %iota3A, %add3A_353 : vector<16xi32>
      %swap3A_355 = arith.constant 48 : index
      %swap3A_356 = tpu.vector_load %arg12[%swap3A_355] {strides = array<i32>} : memref<176xi32, #tpu.memory_space<vmem>>, vector<16xi32>,
      tpu.vector_store %arg12[%swap3A_355], %add3A_354 {strides = array<i32>} : memref<176xi32, #tpu.memory_space<vmem>>, vector<16xi32>,
      %add3A_357 = arith.constant 10064 : i32
      %add3A_358 = vector.broadcast %add3A_357 : i32 to vector<16xi32>
      %add3A_359 = arith.addi %iota3A, %add3A_358 : vector<16xi32>
      %swap3A_360 = arith.constant 64 : index
      %swap3A_361 = tpu.vector_load %arg12[%swap3A_360] {strides = array<i32>} : memref<176xi32, #tpu.memory_space<vmem>>, vector<16xi32>,
      tpu.vector_store %arg12[%swap3A_360], %add3A_359 {strides = array<i32>} : memref<176xi32, #tpu.memory_space<vmem>>, vector<16xi32>,
      %add3A_362 = arith.constant 10080 : i32
      %add3A_363 = vector.broadcast %add3A_362 : i32 to vector<16xi32>
      %add3A_364 = arith.addi %iota3A, %add3A_363 : vector<16xi32>
      %swap3A_365 = arith.constant 80 : index
      %swap3A_366 = tpu.vector_load %arg12[%swap3A_365] {strides = array<i32>} : memref<176xi32, #tpu.memory_space<vmem>>, vector<16xi32>,
      tpu.vector_store %arg12[%swap3A_365], %add3A_364 {strides = array<i32>} : memref<176xi32, #tpu.memory_space<vmem>>, vector<16xi32>,
      %add3A_367 = arith.constant 10096 : i32
      %add3A_368 = vector.broadcast %add3A_367 : i32 to vector<16xi32>
      %add3A_369 = arith.addi %iota3A, %add3A_368 : vector<16xi32>
      %swap3A_370 = arith.constant 96 : index
      %swap3A_371 = tpu.vector_load %arg12[%swap3A_370] {strides = array<i32>} : memref<176xi32, #tpu.memory_space<vmem>>, vector<16xi32>,
      tpu.vector_store %arg12[%swap3A_370], %add3A_369 {strides = array<i32>} : memref<176xi32, #tpu.memory_space<vmem>>, vector<16xi32>,
      %add3A_372 = arith.constant 10112 : i32
      %add3A_373 = vector.broadcast %add3A_372 : i32 to vector<16xi32>
      %add3A_374 = arith.addi %iota3A, %add3A_373 : vector<16xi32>
      %swap3A_375 = arith.constant 112 : index
      %swap3A_376 = tpu.vector_load %arg12[%swap3A_375] {strides = array<i32>} : memref<176xi32, #tpu.memory_space<vmem>>, vector<16xi32>,
      tpu.vector_store %arg12[%swap3A_375], %add3A_374 {strides = array<i32>} : memref<176xi32, #tpu.memory_space<vmem>>, vector<16xi32>,
      %add3A_377 = arith.constant 10128 : i32
      %add3A_378 = vector.broadcast %add3A_377 : i32 to vector<16xi32>
      %add3A_379 = arith.addi %iota3A, %add3A_378 : vector<16xi32>
      %swap3A_380 = arith.constant 128 : index
      %swap3A_381 = tpu.vector_load %arg12[%swap3A_380] {strides = array<i32>} : memref<176xi32, #tpu.memory_space<vmem>>, vector<16xi32>,
      tpu.vector_store %arg12[%swap3A_380], %add3A_379 {strides = array<i32>} : memref<176xi32, #tpu.memory_space<vmem>>, vector<16xi32>,
      %add3A_382 = arith.constant 10144 : i32
      %add3A_383 = vector.broadcast %add3A_382 : i32 to vector<16xi32>
      %add3A_384 = arith.addi %iota3A, %add3A_383 : vector<16xi32>
      %swap3A_385 = arith.constant 144 : index
      %swap3A_386 = tpu.vector_load %arg12[%swap3A_385] {strides = array<i32>} : memref<176xi32, #tpu.memory_space<vmem>>, vector<16xi32>,
      tpu.vector_store %arg12[%swap3A_385], %add3A_384 {strides = array<i32>} : memref<176xi32, #tpu.memory_space<vmem>>, vector<16xi32>,
      %add3A_387 = arith.constant 10160 : i32
      %add3A_388 = vector.broadcast %add3A_387 : i32 to vector<16xi32>
      %add3A_389 = arith.addi %iota3A, %add3A_388 : vector<16xi32>
      %swap3A_390 = arith.constant 160 : index
      %swap3A_391 = tpu.vector_load %arg12[%swap3A_390] {strides = array<i32>} : memref<176xi32, #tpu.memory_space<vmem>>, vector<16xi32>,
      tpu.vector_store %arg12[%swap3A_390], %add3A_389 {strides = array<i32>} : memref<176xi32, #tpu.memory_space<vmem>>, vector<16xi32>,
      %mul3A_392 = arith.constant 2 : i32
      %mul3A_393 = arith.muli %mul3A_392, %arg1 : i32
      %add3A_394 = arith.constant 0 : i32
      %add3A_395 = arith.addi %mul3A_393, %add3A_394 : i32
      "tpu.region"() ({
        %run_scoped3A_400 = tpu.sem_alloc : memref<!tpu.dma_semaphore, #tpu.memory_space<semaphore_mem>>
        %dma_start3A = arith.constant 0 : i32
        %dma_start3A_401 = tpu.memref_slice %arg7[%dma_start3A] : memref<20000xi32, #tpu.memory_space<vmem>> -> memref<10000xi32, #tpu.memory_space<vmem>>
        %dma_start3A_402 = arith.constant 0 : i32
        %dma_start3A_403 = tpu.memref_slice %arg6[%add3A_395, %dma_start3A_402] : memref<32x10176xi32, #tpu.memory_space<hbm>> -> memref<1x10000xi32, #tpu.memory_space<hbm>>
        %dma_start3A_404 = tpu.memref_squeeze %dma_start3A_403 : memref<1x10000xi32, #tpu.memory_space<hbm>> -> memref<10000xi32, #tpu.memory_space<hbm>>
        %dma_start3A_405 = arith.constant 0 : i32
        %dma_start3A_406 = tpu.memref_slice %arg6[%add3A_395, %dma_start3A_405] : memref<32x10176xi32, #tpu.memory_space<hbm>> -> memref<1x10000xi32, #tpu.memory_space<hbm>>
        %dma_start3A_407 = tpu.memref_squeeze %dma_start3A_406 : memref<1x10000xi32, #tpu.memory_space<hbm>> -> memref<10000xi32, #tpu.memory_space<hbm>>
        %dma_start3A_408 = arith.constant 0 : i32
        %dma_start3A_409 = tpu.memref_slice %arg7[%dma_start3A_408] : memref<20000xi32, #tpu.memory_space<vmem>> -> memref<10000xi32, #tpu.memory_space<vmem>>
        tpu.enqueue_dma source(%dma_start3A_409 : memref<10000xi32, #tpu.memory_space<vmem>>) target(%dma_start3A_407 : memref<10000xi32, #tpu.memory_space<hbm>>) target_semaphore(%run_scoped3A_400 : memref<!tpu.dma_semaphore, #tpu.memory_space<semaphore_mem>>)
        %dma_wait3A = arith.constant 0 : i32
        %dma_wait3A_410 = tpu.memref_slice %arg7[%dma_wait3A] : memref<20000xi32, #tpu.memory_space<vmem>> -> memref<10000xi32, #tpu.memory_space<vmem>>
        %dma_wait3A_411 = arith.constant 0 : i32
        %dma_wait3A_412 = tpu.memref_slice %arg6[%add3A_395, %dma_wait3A_411] : memref<32x10176xi32, #tpu.memory_space<hbm>> -> memref<1x10000xi32, #tpu.memory_space<hbm>>
        %dma_wait3A_413 = tpu.memref_squeeze %dma_wait3A_412 : memref<1x10000xi32, #tpu.memory_space<hbm>> -> memref<10000xi32, #tpu.memory_space<hbm>>
        %dma_wait3A_414 = arith.constant 0 : i32
        %dma_wait3A_415 = tpu.memref_slice %arg6[%add3A_395, %dma_wait3A_414] : memref<32x10176xi32, #tpu.memory_space<hbm>> -> memref<1x10000xi32, #tpu.memory_space<hbm>>
        %dma_wait3A_416 = tpu.memref_squeeze %dma_wait3A_415 : memref<1x10000xi32, #tpu.memory_space<hbm>> -> memref<10000xi32, #tpu.memory_space<hbm>>
        %dma_wait3A_417 = arith.constant 0 : i32
        %dma_wait3A_418 = tpu.memref_slice %arg7[%dma_wait3A_417] : memref<20000xi32, #tpu.memory_space<vmem>> -> memref<10000xi32, #tpu.memory_space<vmem>>
        tpu.wait_dma2 semaphore(%run_scoped3A_400 : memref<!tpu.dma_semaphore, #tpu.memory_space<semaphore_mem>>) src(%dma_wait3A_418 : memref<10000xi32, #tpu.memory_space<vmem>>) dst(%dma_wait3A_416 : memref<10000xi32, #tpu.memory_space<hbm>>)
        tpu.yield
      }) : () -> ()
      "tpu.region"() ({
        %run_scoped3A_400 = tpu.sem_alloc : memref<!tpu.dma_semaphore, #tpu.memory_space<semaphore_mem>>
        %dma_start3A = arith.constant 10000 : i32
        %dma_start3A_401 = tpu.memref_slice %arg6[%add3A_395, %dma_start3A] : memref<32x10176xi32, #tpu.memory_space<hbm>> -> memref<1x176xi32, #tpu.memory_space<hbm>>
        %dma_start3A_402 = tpu.memref_squeeze %dma_start3A_401 : memref<1x176xi32, #tpu.memory_space<hbm>> -> memref<176xi32, #tpu.memory_space<hbm>>
        %dma_start3A_403 = arith.constant 10000 : i32
        %dma_start3A_404 = tpu.memref_slice %arg6[%add3A_395, %dma_start3A_403] : memref<32x10176xi32, #tpu.memory_space<hbm>> -> memref<1x176xi32, #tpu.memory_space<hbm>>
        %dma_start3A_405 = tpu.memref_squeeze %dma_start3A_404 : memref<1x176xi32, #tpu.memory_space<hbm>> -> memref<176xi32, #tpu.memory_space<hbm>>
        tpu.enqueue_dma source(%arg12 : memref<176xi32, #tpu.memory_space<vmem>>) target(%dma_start3A_405 : memref<176xi32, #tpu.memory_space<hbm>>) target_semaphore(%run_scoped3A_400 : memref<!tpu.dma_semaphore, #tpu.memory_space<semaphore_mem>>)
        %dma_wait3A = arith.constant 10000 : i32
        %dma_wait3A_406 = tpu.memref_slice %arg6[%add3A_395, %dma_wait3A] : memref<32x10176xi32, #tpu.memory_space<hbm>> -> memref<1x176xi32, #tpu.memory_space<hbm>>
        %dma_wait3A_407 = tpu.memref_squeeze %dma_wait3A_406 : memref<1x176xi32, #tpu.memory_space<hbm>> -> memref<176xi32, #tpu.memory_space<hbm>>
        %dma_wait3A_408 = arith.constant 10000 : i32
        %dma_wait3A_409 = tpu.memref_slice %arg6[%add3A_395, %dma_wait3A_408] : memref<32x10176xi32, #tpu.memory_space<hbm>> -> memref<1x176xi32, #tpu.memory_space<hbm>>
        %dma_wait3A_410 = tpu.memref_squeeze %dma_wait3A_409 : memref<1x176xi32, #tpu.memory_space<hbm>> -> memref<176xi32, #tpu.memory_space<hbm>>
        tpu.wait_dma2 semaphore(%run_scoped3A_400 : memref<!tpu.dma_semaphore, #tpu.memory_space<semaphore_mem>>) src(%arg12 : memref<176xi32, #tpu.memory_space<vmem>>) dst(%dma_wait3A_410 : memref<176xi32, #tpu.memory_space<hbm>>)
        tpu.yield
      }) : () -> ()
      %mul3A_396 = arith.constant 2 : i32
      %mul3A_397 = arith.muli %mul3A_396, %arg1 : i32
      %add3A_398 = arith.constant 1 : i32
      %add3A_399 = arith.addi %mul3A_397, %add3A_398 : i32
      "tpu.region"() ({
        %run_scoped3A_400 = tpu.sem_alloc : memref<!tpu.dma_semaphore, #tpu.memory_space<semaphore_mem>>
        %dma_start3A = arith.constant 10000 : i32
        %dma_start3A_401 = tpu.memref_slice %arg7[%dma_start3A] : memref<20000xi32, #tpu.memory_space<vmem>> -> memref<10000xi32, #tpu.memory_space<vmem>>
        %dma_start3A_402 = arith.constant 0 : i32
        %dma_start3A_403 = tpu.memref_slice %arg6[%add3A_399, %dma_start3A_402] : memref<32x10176xi32, #tpu.memory_space<hbm>> -> memref<1x10000xi32, #tpu.memory_space<hbm>>
        %dma_start3A_404 = tpu.memref_squeeze %dma_start3A_403 : memref<1x10000xi32, #tpu.memory_space<hbm>> -> memref<10000xi32, #tpu.memory_space<hbm>>
        %dma_start3A_405 = arith.constant 0 : i32
        %dma_start3A_406 = tpu.memref_slice %arg6[%add3A_399, %dma_start3A_405] : memref<32x10176xi32, #tpu.memory_space<hbm>> -> memref<1x10000xi32, #tpu.memory_space<hbm>>
        %dma_start3A_407 = tpu.memref_squeeze %dma_start3A_406 : memref<1x10000xi32, #tpu.memory_space<hbm>> -> memref<10000xi32, #tpu.memory_space<hbm>>
        %dma_start3A_408 = arith.constant 10000 : i32
        %dma_start3A_409 = tpu.memref_slice %arg7[%dma_start3A_408] : memref<20000xi32, #tpu.memory_space<vmem>> -> memref<10000xi32, #tpu.memory_space<vmem>>
        tpu.enqueue_dma source(%dma_start3A_409 : memref<10000xi32, #tpu.memory_space<vmem>>) target(%dma_start3A_407 : memref<10000xi32, #tpu.memory_space<hbm>>) target_semaphore(%run_scoped3A_400 : memref<!tpu.dma_semaphore, #tpu.memory_space<semaphore_mem>>)
        %dma_wait3A = arith.constant 10000 : i32
        %dma_wait3A_410 = tpu.memref_slice %arg7[%dma_wait3A] : memref<20000xi32, #tpu.memory_space<vmem>> -> memref<10000xi32, #tpu.memory_space<vmem>>
        %dma_wait3A_411 = arith.constant 0 : i32
        %dma_wait3A_412 = tpu.memref_slice %arg6[%add3A_399, %dma_wait3A_411] : memref<32x10176xi32, #tpu.memory_space<hbm>> -> memref<1x10000xi32, #tpu.memory_space<hbm>>
        %dma_wait3A_413 = tpu.memref_squeeze %dma_wait3A_412 : memref<1x10000xi32, #tpu.memory_space<hbm>> -> memref<10000xi32, #tpu.memory_space<hbm>>
        %dma_wait3A_414 = arith.constant 0 : i32
        %dma_wait3A_415 = tpu.memref_slice %arg6[%add3A_399, %dma_wait3A_414] : memref<32x10176xi32, #tpu.memory_space<hbm>> -> memref<1x10000xi32, #tpu.memory_space<hbm>>
        %dma_wait3A_416 = tpu.memref_squeeze %dma_wait3A_415 : memref<1x10000xi32, #tpu.memory_space<hbm>> -> memref<10000xi32, #tpu.memory_space<hbm>>
        %dma_wait3A_417 = arith.constant 10000 : i32
        %dma_wait3A_418 = tpu.memref_slice %arg7[%dma_wait3A_417] : memref<20000xi32, #tpu.memory_space<vmem>> -> memref<10000xi32, #tpu.memory_space<vmem>>
        tpu.wait_dma2 semaphore(%run_scoped3A_400 : memref<!tpu.dma_semaphore, #tpu.memory_space<semaphore_mem>>) src(%dma_wait3A_418 : memref<10000xi32, #tpu.memory_space<vmem>>) dst(%dma_wait3A_416 : memref<10000xi32, #tpu.memory_space<hbm>>)
        tpu.yield
      }) : () -> ()
      "tpu.region"() ({
        %run_scoped3A_400 = tpu.sem_alloc : memref<!tpu.dma_semaphore, #tpu.memory_space<semaphore_mem>>
        %dma_start3A = arith.constant 10000 : i32
        %dma_start3A_401 = tpu.memref_slice %arg6[%add3A_399, %dma_start3A] : memref<32x10176xi32, #tpu.memory_space<hbm>> -> memref<1x176xi32, #tpu.memory_space<hbm>>
        %dma_start3A_402 = tpu.memref_squeeze %dma_start3A_401 : memref<1x176xi32, #tpu.memory_space<hbm>> -> memref<176xi32, #tpu.memory_space<hbm>>
        %dma_start3A_403 = arith.constant 10000 : i32
        %dma_start3A_404 = tpu.memref_slice %arg6[%add3A_399, %dma_start3A_403] : memref<32x10176xi32, #tpu.memory_space<hbm>> -> memref<1x176xi32, #tpu.memory_space<hbm>>
        %dma_start3A_405 = tpu.memref_squeeze %dma_start3A_404 : memref<1x176xi32, #tpu.memory_space<hbm>> -> memref<176xi32, #tpu.memory_space<hbm>>
        tpu.enqueue_dma source(%arg12 : memref<176xi32, #tpu.memory_space<vmem>>) target(%dma_start3A_405 : memref<176xi32, #tpu.memory_space<hbm>>) target_semaphore(%run_scoped3A_400 : memref<!tpu.dma_semaphore, #tpu.memory_space<semaphore_mem>>)
        %dma_wait3A = arith.constant 10000 : i32
        %dma_wait3A_406 = tpu.memref_slice %arg6[%add3A_399, %dma_wait3A] : memref<32x10176xi32, #tpu.memory_space<hbm>> -> memref<1x176xi32, #tpu.memory_space<hbm>>
        %dma_wait3A_407 = tpu.memref_squeeze %dma_wait3A_406 : memref<1x176xi32, #tpu.memory_space<hbm>> -> memref<176xi32, #tpu.memory_space<hbm>>
        %dma_wait3A_408 = arith.constant 10000 : i32
        %dma_wait3A_409 = tpu.memref_slice %arg6[%add3A_399, %dma_wait3A_408] : memref<32x10176xi32, #tpu.memory_space<hbm>> -> memref<1x176xi32, #tpu.memory_space<hbm>>
        %dma_wait3A_410 = tpu.memref_squeeze %dma_wait3A_409 : memref<1x176xi32, #tpu.memory_space<hbm>> -> memref<176xi32, #tpu.memory_space<hbm>>
        tpu.wait_dma2 semaphore(%run_scoped3A_400 : memref<!tpu.dma_semaphore, #tpu.memory_space<semaphore_mem>>) src(%arg12 : memref<176xi32, #tpu.memory_space<vmem>>) dst(%dma_wait3A_410 : memref<176xi32, #tpu.memory_space<hbm>>)
        tpu.yield
      }) : () -> ()
    } else {
    }
    %barrier3A = arith.constant 0 : index
    tpu.barrier barrier_id(%barrier3A)
    %run_scoped3A = arith.constant 0 : i32
    "tpu.region"() ({
      %run_scoped3A_337 = tpu.sem_alloc : memref<!tpu.dma_semaphore, #tpu.memory_space<semaphore_mem>>
      %dma_start3A = arith.constant 0 : i32
      %dma_start3A_338 = arith.constant 0 : i32
      %dma_start3A_339 = tpu.memref_slice %arg8[%dma_start3A, %dma_start3A_338] : memref<640x16xf32, #tpu.memory_space<vmem>> -> memref<128x16xf32, #tpu.memory_space<vmem>>
      %dma_start3A_340 = arith.constant 0 : i32
      %dma_start3A_341 = tpu.memref_slice %arg9[%run_scoped3A, %dma_start3A_340] : memref<5x128xi32, #tpu.memory_space<vmem>> -> memref<1x128xi32, #tpu.memory_space<vmem>>
      %dma_start3A_342 = tpu.memref_squeeze %dma_start3A_341 : memref<1x128xi32, #tpu.memory_space<vmem>> -> memref<128xi32, #tpu.memory_space<vmem>>
      %dma_start3A_343 = arith.constant 0 : i32
      %dma_start3A_344 = arith.constant 0 : i32
      %dma_start3A_345 = tpu.memref_slice %arg13[%dma_start3A_343, %dma_start3A_344] : memref<640x16xf32, #tpu.memory_space<vmem_shared>> -> memref<640x16xf32, #tpu.memory_space<vmem_shared>>
      tpu.enqueue_indirect_dma source(%dma_start3A_339 : memref<128x16xf32, #tpu.memory_space<vmem>>) target(%dma_start3A_345 : memref<640x16xf32, #tpu.memory_space<vmem_shared>>) offsets(%dma_start3A_342 : memref<128xi32, #tpu.memory_space<vmem>>) semaphore(%run_scoped3A_337 : memref<!tpu.dma_semaphore, #tpu.memory_space<semaphore_mem>>) {add = true}
      %dma_wait3A = arith.constant 0 : i32
      %dma_wait3A_346 = arith.constant 0 : i32
      %dma_wait3A_347 = tpu.memref_slice %arg8[%dma_wait3A, %dma_wait3A_346] : memref<640x16xf32, #tpu.memory_space<vmem>> -> memref<128x16xf32, #tpu.memory_space<vmem>>
      %dma_wait3A_348 = arith.constant 0 : i32
      %dma_wait3A_349 = tpu.memref_slice %arg9[%run_scoped3A, %dma_wait3A_348] : memref<5x128xi32, #tpu.memory_space<vmem>> -> memref<1x128xi32, #tpu.memory_space<vmem>>
      %dma_wait3A_350 = tpu.memref_squeeze %dma_wait3A_349 : memref<1x128xi32, #tpu.memory_space<vmem>> -> memref<128xi32, #tpu.memory_space<vmem>>
      %dma_wait3A_351 = arith.constant 0 : i32
      %dma_wait3A_352 = arith.constant 0 : i32
      %dma_wait3A_353 = tpu.memref_slice %arg13[%dma_wait3A_351, %dma_wait3A_352] : memref<640x16xf32, #tpu.memory_space<vmem_shared>> -> memref<640x16xf32, #tpu.memory_space<vmem_shared>>
      tpu.wait_indirect_dma semaphore(%run_scoped3A_337 : memref<!tpu.dma_semaphore, #tpu.memory_space<semaphore_mem>>) src(%dma_wait3A_347 : memref<128x16xf32, #tpu.memory_space<vmem>>) dst(%dma_wait3A_353 : memref<640x16xf32, #tpu.memory_space<vmem_shared>>)
      tpu.yield
    }) : () -> ()
    %run_scoped3A_312 = arith.constant 1 : i32
    "tpu.region"() ({
      %run_scoped3A_337 = tpu.sem_alloc : memref<!tpu.dma_semaphore, #tpu.memory_space<semaphore_mem>>
      %dma_start3A = arith.constant 128 : i32
      %dma_start3A_338 = arith.constant 0 : i32
      %dma_start3A_339 = tpu.memref_slice %arg8[%dma_start3A, %dma_start3A_338] : memref<640x16xf32, #tpu.memory_space<vmem>> -> memref<128x16xf32, #tpu.memory_space<vmem>>
      %dma_start3A_340 = arith.constant 0 : i32
      %dma_start3A_341 = tpu.memref_slice %arg9[%run_scoped3A_312, %dma_start3A_340] : memref<5x128xi32, #tpu.memory_space<vmem>> -> memref<1x128xi32, #tpu.memory_space<vmem>>
      %dma_start3A_342 = tpu.memref_squeeze %dma_start3A_341 : memref<1x128xi32, #tpu.memory_space<vmem>> -> memref<128xi32, #tpu.memory_space<vmem>>
      %dma_start3A_343 = arith.constant 0 : i32
      %dma_start3A_344 = arith.constant 0 : i32
      %dma_start3A_345 = tpu.memref_slice %arg13[%dma_start3A_343, %dma_start3A_344] : memref<640x16xf32, #tpu.memory_space<vmem_shared>> -> memref<640x16xf32, #tpu.memory_space<vmem_shared>>
      tpu.enqueue_indirect_dma source(%dma_start3A_339 : memref<128x16xf32, #tpu.memory_space<vmem>>) target(%dma_start3A_345 : memref<640x16xf32, #tpu.memory_space<vmem_shared>>) offsets(%dma_start3A_342 : memref<128xi32, #tpu.memory_space<vmem>>) semaphore(%run_scoped3A_337 : memref<!tpu.dma_semaphore, #tpu.memory_space<semaphore_mem>>) {add = true}
      %dma_wait3A = arith.constant 128 : i32
      %dma_wait3A_346 = arith.constant 0 : i32
      %dma_wait3A_347 = tpu.memref_slice %arg8[%dma_wait3A, %dma_wait3A_346] : memref<640x16xf32, #tpu.memory_space<vmem>> -> memref<128x16xf32, #tpu.memory_space<vmem>>
      %dma_wait3A_348 = arith.constant 0 : i32
      %dma_wait3A_349 = tpu.memref_slice %arg9[%run_scoped3A_312, %dma_wait3A_348] : memref<5x128xi32, #tpu.memory_space<vmem>> -> memref<1x128xi32, #tpu.memory_space<vmem>>
      %dma_wait3A_350 = tpu.memref_squeeze %dma_wait3A_349 : memref<1x128xi32, #tpu.memory_space<vmem>> -> memref<128xi32, #tpu.memory_space<vmem>>
      %dma_wait3A_351 = arith.constant 0 : i32
      %dma_wait3A_352 = arith.constant 0 : i32
      %dma_wait3A_353 = tpu.memref_slice %arg13[%dma_wait3A_351, %dma_wait3A_352] : memref<640x16xf32, #tpu.memory_space<vmem_shared>> -> memref<640x16xf32, #tpu.memory_space<vmem_shared>>
      tpu.wait_indirect_dma semaphore(%run_scoped3A_337 : memref<!tpu.dma_semaphore, #tpu.memory_space<semaphore_mem>>) src(%dma_wait3A_347 : memref<128x16xf32, #tpu.memory_space<vmem>>) dst(%dma_wait3A_353 : memref<640x16xf32, #tpu.memory_space<vmem_shared>>)
      tpu.yield
    }) : () -> ()
    %run_scoped3A_313 = arith.constant 2 : i32
    "tpu.region"() ({
      %run_scoped3A_337 = tpu.sem_alloc : memref<!tpu.dma_semaphore, #tpu.memory_space<semaphore_mem>>
      %dma_start3A = arith.constant 256 : i32
      %dma_start3A_338 = arith.constant 0 : i32
      %dma_start3A_339 = tpu.memref_slice %arg8[%dma_start3A, %dma_start3A_338] : memref<640x16xf32, #tpu.memory_space<vmem>> -> memref<128x16xf32, #tpu.memory_space<vmem>>
      %dma_start3A_340 = arith.constant 0 : i32
      %dma_start3A_341 = tpu.memref_slice %arg9[%run_scoped3A_313, %dma_start3A_340] : memref<5x128xi32, #tpu.memory_space<vmem>> -> memref<1x128xi32, #tpu.memory_space<vmem>>
      %dma_start3A_342 = tpu.memref_squeeze %dma_start3A_341 : memref<1x128xi32, #tpu.memory_space<vmem>> -> memref<128xi32, #tpu.memory_space<vmem>>
      %dma_start3A_343 = arith.constant 0 : i32
      %dma_start3A_344 = arith.constant 0 : i32
      %dma_start3A_345 = tpu.memref_slice %arg13[%dma_start3A_343, %dma_start3A_344] : memref<640x16xf32, #tpu.memory_space<vmem_shared>> -> memref<640x16xf32, #tpu.memory_space<vmem_shared>>
      tpu.enqueue_indirect_dma source(%dma_start3A_339 : memref<128x16xf32, #tpu.memory_space<vmem>>) target(%dma_start3A_345 : memref<640x16xf32, #tpu.memory_space<vmem_shared>>) offsets(%dma_start3A_342 : memref<128xi32, #tpu.memory_space<vmem>>) semaphore(%run_scoped3A_337 : memref<!tpu.dma_semaphore, #tpu.memory_space<semaphore_mem>>) {add = true}
      %dma_wait3A = arith.constant 256 : i32
      %dma_wait3A_346 = arith.constant 0 : i32
      %dma_wait3A_347 = tpu.memref_slice %arg8[%dma_wait3A, %dma_wait3A_346] : memref<640x16xf32, #tpu.memory_space<vmem>> -> memref<128x16xf32, #tpu.memory_space<vmem>>
      %dma_wait3A_348 = arith.constant 0 : i32
      %dma_wait3A_349 = tpu.memref_slice %arg9[%run_scoped3A_313, %dma_wait3A_348] : memref<5x128xi32, #tpu.memory_space<vmem>> -> memref<1x128xi32, #tpu.memory_space<vmem>>
      %dma_wait3A_350 = tpu.memref_squeeze %dma_wait3A_349 : memref<1x128xi32, #tpu.memory_space<vmem>> -> memref<128xi32, #tpu.memory_space<vmem>>
      %dma_wait3A_351 = arith.constant 0 : i32
      %dma_wait3A_352 = arith.constant 0 : i32
      %dma_wait3A_353 = tpu.memref_slice %arg13[%dma_wait3A_351, %dma_wait3A_352] : memref<640x16xf32, #tpu.memory_space<vmem_shared>> -> memref<640x16xf32, #tpu.memory_space<vmem_shared>>
      tpu.wait_indirect_dma semaphore(%run_scoped3A_337 : memref<!tpu.dma_semaphore, #tpu.memory_space<semaphore_mem>>) src(%dma_wait3A_347 : memref<128x16xf32, #tpu.memory_space<vmem>>) dst(%dma_wait3A_353 : memref<640x16xf32, #tpu.memory_space<vmem_shared>>)
      tpu.yield
    }) : () -> ()
    %run_scoped3A_314 = arith.constant 3 : i32
    "tpu.region"() ({
      %run_scoped3A_337 = tpu.sem_alloc : memref<!tpu.dma_semaphore, #tpu.memory_space<semaphore_mem>>
      %dma_start3A = arith.constant 384 : i32
      %dma_start3A_338 = arith.constant 0 : i32
      %dma_start3A_339 = tpu.memref_slice %arg8[%dma_start3A, %dma_start3A_338] : memref<640x16xf32, #tpu.memory_space<vmem>> -> memref<128x16xf32, #tpu.memory_space<vmem>>
      %dma_start3A_340 = arith.constant 0 : i32
      %dma_start3A_341 = tpu.memref_slice %arg9[%run_scoped3A_314, %dma_start3A_340] : memref<5x128xi32, #tpu.memory_space<vmem>> -> memref<1x128xi32, #tpu.memory_space<vmem>>
      %dma_start3A_342 = tpu.memref_squeeze %dma_start3A_341 : memref<1x128xi32, #tpu.memory_space<vmem>> -> memref<128xi32, #tpu.memory_space<vmem>>
      %dma_start3A_343 = arith.constant 0 : i32
      %dma_start3A_344 = arith.constant 0 : i32
      %dma_start3A_345 = tpu.memref_slice %arg13[%dma_start3A_343, %dma_start3A_344] : memref<640x16xf32, #tpu.memory_space<vmem_shared>> -> memref<640x16xf32, #tpu.memory_space<vmem_shared>>
      tpu.enqueue_indirect_dma source(%dma_start3A_339 : memref<128x16xf32, #tpu.memory_space<vmem>>) target(%dma_start3A_345 : memref<640x16xf32, #tpu.memory_space<vmem_shared>>) offsets(%dma_start3A_342 : memref<128xi32, #tpu.memory_space<vmem>>) semaphore(%run_scoped3A_337 : memref<!tpu.dma_semaphore, #tpu.memory_space<semaphore_mem>>) {add = true}
      %dma_wait3A = arith.constant 384 : i32
      %dma_wait3A_346 = arith.constant 0 : i32
      %dma_wait3A_347 = tpu.memref_slice %arg8[%dma_wait3A, %dma_wait3A_346] : memref<640x16xf32, #tpu.memory_space<vmem>> -> memref<128x16xf32, #tpu.memory_space<vmem>>
      %dma_wait3A_348 = arith.constant 0 : i32
      %dma_wait3A_349 = tpu.memref_slice %arg9[%run_scoped3A_314, %dma_wait3A_348] : memref<5x128xi32, #tpu.memory_space<vmem>> -> memref<1x128xi32, #tpu.memory_space<vmem>>
      %dma_wait3A_350 = tpu.memref_squeeze %dma_wait3A_349 : memref<1x128xi32, #tpu.memory_space<vmem>> -> memref<128xi32, #tpu.memory_space<vmem>>
      %dma_wait3A_351 = arith.constant 0 : i32
      %dma_wait3A_352 = arith.constant 0 : i32
      %dma_wait3A_353 = tpu.memref_slice %arg13[%dma_wait3A_351, %dma_wait3A_352] : memref<640x16xf32, #tpu.memory_space<vmem_shared>> -> memref<640x16xf32, #tpu.memory_space<vmem_shared>>
      tpu.wait_indirect_dma semaphore(%run_scoped3A_337 : memref<!tpu.dma_semaphore, #tpu.memory_space<semaphore_mem>>) src(%dma_wait3A_347 : memref<128x16xf32, #tpu.memory_space<vmem>>) dst(%dma_wait3A_353 : memref<640x16xf32, #tpu.memory_space<vmem_shared>>)
      tpu.yield
    }) : () -> ()
    %run_scoped3A_315 = arith.constant 4 : i32
    "tpu.region"() ({
      %run_scoped3A_337 = tpu.sem_alloc : memref<!tpu.dma_semaphore, #tpu.memory_space<semaphore_mem>>
      %dma_start3A = arith.constant 512 : i32
      %dma_start3A_338 = arith.constant 0 : i32
      %dma_start3A_339 = tpu.memref_slice %arg8[%dma_start3A, %dma_start3A_338] : memref<640x16xf32, #tpu.memory_space<vmem>> -> memref<128x16xf32, #tpu.memory_space<vmem>>
      %dma_start3A_340 = arith.constant 0 : i32
      %dma_start3A_341 = tpu.memref_slice %arg9[%run_scoped3A_315, %dma_start3A_340] : memref<5x128xi32, #tpu.memory_space<vmem>> -> memref<1x128xi32, #tpu.memory_space<vmem>>
      %dma_start3A_342 = tpu.memref_squeeze %dma_start3A_341 : memref<1x128xi32, #tpu.memory_space<vmem>> -> memref<128xi32, #tpu.memory_space<vmem>>
      %dma_start3A_343 = arith.constant 0 : i32
      %dma_start3A_344 = arith.constant 0 : i32
      %dma_start3A_345 = tpu.memref_slice %arg13[%dma_start3A_343, %dma_start3A_344] : memref<640x16xf32, #tpu.memory_space<vmem_shared>> -> memref<640x16xf32, #tpu.memory_space<vmem_shared>>
      tpu.enqueue_indirect_dma source(%dma_start3A_339 : memref<128x16xf32, #tpu.memory_space<vmem>>) target(%dma_start3A_345 : memref<640x16xf32, #tpu.memory_space<vmem_shared>>) offsets(%dma_start3A_342 : memref<128xi32, #tpu.memory_space<vmem>>) semaphore(%run_scoped3A_337 : memref<!tpu.dma_semaphore, #tpu.memory_space<semaphore_mem>>) {add = true}
      %dma_wait3A = arith.constant 512 : i32
      %dma_wait3A_346 = arith.constant 0 : i32
      %dma_wait3A_347 = tpu.memref_slice %arg8[%dma_wait3A, %dma_wait3A_346] : memref<640x16xf32, #tpu.memory_space<vmem>> -> memref<128x16xf32, #tpu.memory_space<vmem>>
      %dma_wait3A_348 = arith.constant 0 : i32
      %dma_wait3A_349 = tpu.memref_slice %arg9[%run_scoped3A_315, %dma_wait3A_348] : memref<5x128xi32, #tpu.memory_space<vmem>> -> memref<1x128xi32, #tpu.memory_space<vmem>>
      %dma_wait3A_350 = tpu.memref_squeeze %dma_wait3A_349 : memref<1x128xi32, #tpu.memory_space<vmem>> -> memref<128xi32, #tpu.memory_space<vmem>>
      %dma_wait3A_351 = arith.constant 0 : i32
      %dma_wait3A_352 = arith.constant 0 : i32
      %dma_wait3A_353 = tpu.memref_slice %arg13[%dma_wait3A_351, %dma_wait3A_352] : memref<640x16xf32, #tpu.memory_space<vmem_shared>> -> memref<640x16xf32, #tpu.memory_space<vmem_shared>>
      tpu.wait_indirect_dma semaphore(%run_scoped3A_337 : memref<!tpu.dma_semaphore, #tpu.memory_space<semaphore_mem>>) src(%dma_wait3A_347 : memref<128x16xf32, #tpu.memory_space<vmem>>) dst(%dma_wait3A_353 : memref<640x16xf32, #tpu.memory_space<vmem_shared>>)
      tpu.yield
    }) : () -> ()
    %barrier3A_316 = arith.constant 0 : index
    tpu.barrier barrier_id(%barrier3A_316)
    %mul3A_317 = arith.constant 40 : i32
    %mul3A_318 = arith.muli %arg1, %mul3A_317 : i32
    "tpu.region"() ({
      %run_scoped3A_337 = tpu.sem_alloc : memref<!tpu.dma_semaphore, #tpu.memory_space<semaphore_mem>>
      %dma_start3A = arith.constant 0 : i32
      %dma_start3A_338 = tpu.memref_slice %arg13[%mul3A_318, %dma_start3A] : memref<640x16xf32, #tpu.memory_space<vmem_shared>> -> memref<40x16xf32, #tpu.memory_space<vmem_shared>>
      %dma_start3A_339 = arith.constant 0 : i32
      %dma_start3A_340 = tpu.memref_slice %arg13[%mul3A_318, %dma_start3A_339] : memref<640x16xf32, #tpu.memory_space<vmem_shared>> -> memref<40x16xf32, #tpu.memory_space<vmem_shared>>
      tpu.enqueue_dma source(%dma_start3A_340 : memref<40x16xf32, #tpu.memory_space<vmem_shared>>) target(%arg10 : memref<40x16xf32, #tpu.memory_space<vmem>>) target_semaphore(%run_scoped3A_337 : memref<!tpu.dma_semaphore, #tpu.memory_space<semaphore_mem>>)
      %dma_wait3A = arith.constant 0 : i32
      %dma_wait3A_341 = tpu.memref_slice %arg13[%mul3A_318, %dma_wait3A] : memref<640x16xf32, #tpu.memory_space<vmem_shared>> -> memref<40x16xf32, #tpu.memory_space<vmem_shared>>
      %dma_wait3A_342 = arith.constant 0 : i32
      %dma_wait3A_343 = tpu.memref_slice %arg13[%mul3A_318, %dma_wait3A_342] : memref<640x16xf32, #tpu.memory_space<vmem_shared>> -> memref<40x16xf32, #tpu.memory_space<vmem_shared>>
      tpu.wait_dma2 semaphore(%run_scoped3A_337 : memref<!tpu.dma_semaphore, #tpu.memory_space<semaphore_mem>>) src(%dma_wait3A_343 : memref<40x16xf32, #tpu.memory_space<vmem_shared>>) dst(%arg10 : memref<40x16xf32, #tpu.memory_space<vmem>>)
      tpu.yield
    }) : () -> ()
    %broadcast_in_dim3A_319 = arith.constant 1.500000e+00 : f32
    %broadcast_in_dim3A_320 = vector.broadcast %broadcast_in_dim3A_319 : f32 to vector<16xf32>
    %scan3A_321 = arith.constant 0 : i32
    %scan3A_322 = arith.constant 0 : i32
    %scan3A_323 = arith.constant 40 : i32
    %scan3A_324 = arith.addi %scan3A_322, %scan3A_323 : i32
    %scan3A_325 = arith.constant 1 : i32
    scf.for %scan3A_337 = %scan3A_322 to %scan3A_324 step %scan3A_325  : i32 {
      %get3A = arith.index_cast %scan3A_337 : i32 to index
      %get3A_338 = arith.constant 0 : index
      %get3A_339 = tpu.vector_load %arg10[%get3A, %get3A_338] {strides = array<i32>} : memref<40x16xf32, #tpu.memory_space<vmem>>, vector<16xf32>,
      %max3A = arith.constant 1.000000e+00 : f32
      %max3A_340 = vector.broadcast %max3A : f32 to vector<16xf32>
      %max3A_341 = arith.maximumf %get3A_339, %max3A_340 : vector<16xf32>
      %broadcast_in_dim3A_342 = arith.constant 1597463007 : i32
      %broadcast_in_dim3A_343 = vector.broadcast %broadcast_in_dim3A_342 : i32 to vector<16xi32>
      %bitcast3A = vector.bitcast %max3A_341 : vector<16xf32> to vector<16xi32>
      %shift_right_arithmetic3A = arith.constant 1 : i32
      %shift_right_arithmetic3A_344 = vector.broadcast %shift_right_arithmetic3A : i32 to vector<16xi32>
      %shift_right_arithmetic3A_345 = arith.shrsi %bitcast3A, %shift_right_arithmetic3A_344 : vector<16xi32>
      %sub3A = arith.subi %broadcast_in_dim3A_343, %shift_right_arithmetic3A_345 : vector<16xi32>
      %bitcast3A_346 = vector.bitcast %sub3A : vector<16xi32> to vector<16xf32>
      %mul3A_347 = arith.constant 5.000000e-01 : f32
      %mul3A_348 = vector.broadcast %mul3A_347 : f32 to vector<16xf32>
      %mul3A_349 = arith.mulf %mul3A_348, %max3A_341 : vector<16xf32>
      %mul3A_350 = arith.mulf %mul3A_349, %bitcast3A_346 : vector<16xf32>
      %mul3A_351 = arith.mulf %mul3A_350, %bitcast3A_346 : vector<16xf32>
      %sub3A_352 = arith.subf %broadcast_in_dim3A_320, %mul3A_351 : vector<16xf32>
      %mul3A_353 = arith.mulf %bitcast3A_346, %sub3A_352 : vector<16xf32>
      %mul3A_354 = arith.mulf %mul3A_349, %mul3A_353 : vector<16xf32>
      %mul3A_355 = arith.mulf %mul3A_354, %mul3A_353 : vector<16xf32>
      %sub3A_356 = arith.subf %broadcast_in_dim3A_320, %mul3A_355 : vector<16xf32>
      %mul3A_357 = arith.mulf %mul3A_353, %sub3A_356 : vector<16xf32>
      %mul3A_358 = arith.mulf %mul3A_349, %mul3A_357 : vector<16xf32>
      %mul3A_359 = arith.mulf %mul3A_358, %mul3A_357 : vector<16xf32>
      %sub3A_360 = arith.subf %broadcast_in_dim3A_320, %mul3A_359 : vector<16xf32>
      %mul3A_361 = arith.mulf %mul3A_357, %sub3A_360 : vector<16xf32>
      %gt3A = arith.constant 0.000000e+00 : f32
      %gt3A_362 = vector.broadcast %gt3A : f32 to vector<16xf32>
      %gt3A_363 = arith.cmpf ogt, %get3A_339, %gt3A_362 : vector<16xf32>
      %jit3A = arith.constant 0.000000e+00 : f32
      %broadcast_in_dim3A_364 = vector.broadcast %jit3A : f32 to vector<16xf32>
      %select_n3A = arith.select %gt3A_363, %mul3A_361, %broadcast_in_dim3A_364 : vector<16xi1>, vector<16xf32>
      %mul3A_365 = arith.constant 16 : i32
      %mul3A_366 = arith.muli %scan3A_337, %mul3A_365 : i32
      %swap3A_367 = arith.index_cast %mul3A_366 : i32 to index
      %swap3A_368 = tpu.vector_load %arg11[%swap3A_367] {strides = array<i32>} : memref<640xf32, #tpu.memory_space<vmem>>, vector<16xf32>,
      tpu.vector_store %arg11[%swap3A_367], %select_n3A {strides = array<i32>} : memref<640xf32, #tpu.memory_space<vmem>>, vector<16xf32>,
    }
    %scan3A_326 = arith.constant 40 : i32
    %eq3A_327 = arith.constant 0 : i32
    %eq3A_328 = arith.cmpi eq, %arg0, %eq3A_327 : i32
    %convert_element_type3A_329 = arith.extui %eq3A_328 : i1 to i32
    %cond3A_330 = arith.constant 0 : i32
    %cond3A_331 = arith.cmpi ne, %convert_element_type3A_329, %cond3A_330 : i32
    scf.if %cond3A_331 {
      %mul3A_337 = arith.constant 640 : i32
      %mul3A_338 = arith.muli %arg1, %mul3A_337 : i32
      "tpu.region"() ({
        %run_scoped3A_339 = tpu.sem_alloc : memref<!tpu.dma_semaphore, #tpu.memory_space<semaphore_mem>>
        %dma_start3A = tpu.memref_slice %arg3[%mul3A_338] : memref<10240xf32, #tpu.memory_space<hbm>> -> memref<640xf32, #tpu.memory_space<hbm>>
        %dma_start3A_340 = tpu.memref_slice %arg3[%mul3A_338] : memref<10240xf32, #tpu.memory_space<hbm>> -> memref<640xf32, #tpu.memory_space<hbm>>
        tpu.enqueue_dma source(%arg11 : memref<640xf32, #tpu.memory_space<vmem>>) target(%dma_start3A_340 : memref<640xf32, #tpu.memory_space<hbm>>) target_semaphore(%run_scoped3A_339 : memref<!tpu.dma_semaphore, #tpu.memory_space<semaphore_mem>>)
        %dma_wait3A = tpu.memref_slice %arg3[%mul3A_338] : memref<10240xf32, #tpu.memory_space<hbm>> -> memref<640xf32, #tpu.memory_space<hbm>>
        %dma_wait3A_341 = tpu.memref_slice %arg3[%mul3A_338] : memref<10240xf32, #tpu.memory_space<hbm>> -> memref<640xf32, #tpu.memory_space<hbm>>
        tpu.wait_dma2 semaphore(%run_scoped3A_339 : memref<!tpu.dma_semaphore, #tpu.memory_space<semaphore_mem>>) src(%arg11 : memref<640xf32, #tpu.memory_space<vmem>>) dst(%dma_wait3A_341 : memref<640xf32, #tpu.memory_space<hbm>>)
        tpu.yield
      }) : () -> ()
    } else {
    }
    %eq3A_332 = arith.constant 1 : i32
    %eq3A_333 = arith.cmpi eq, %arg0, %eq3A_332 : i32
    %convert_element_type3A_334 = arith.extui %eq3A_333 : i1 to i32
    %cond3A_335 = arith.constant 0 : i32
    %cond3A_336 = arith.cmpi ne, %convert_element_type3A_334, %cond3A_335 : i32
    scf.if %cond3A_336 {
      %mul3A_337 = arith.constant 640 : i32
      %mul3A_338 = arith.muli %arg1, %mul3A_337 : i32
      "tpu.region"() ({
        %run_scoped3A_339 = tpu.sem_alloc : memref<!tpu.dma_semaphore, #tpu.memory_space<semaphore_mem>>
        %dma_start3A = tpu.memref_slice %arg4[%mul3A_338] : memref<10240xf32, #tpu.memory_space<hbm>> -> memref<640xf32, #tpu.memory_space<hbm>>
        %dma_start3A_340 = tpu.memref_slice %arg4[%mul3A_338] : memref<10240xf32, #tpu.memory_space<hbm>> -> memref<640xf32, #tpu.memory_space<hbm>>
        tpu.enqueue_dma source(%arg11 : memref<640xf32, #tpu.memory_space<vmem>>) target(%dma_start3A_340 : memref<640xf32, #tpu.memory_space<hbm>>) target_semaphore(%run_scoped3A_339 : memref<!tpu.dma_semaphore, #tpu.memory_space<semaphore_mem>>)
        %dma_wait3A = tpu.memref_slice %arg4[%mul3A_338] : memref<10240xf32, #tpu.memory_space<hbm>> -> memref<640xf32, #tpu.memory_space<hbm>>
        %dma_wait3A_341 = tpu.memref_slice %arg4[%mul3A_338] : memref<10240xf32, #tpu.memory_space<hbm>> -> memref<640xf32, #tpu.memory_space<hbm>>
        tpu.wait_dma2 semaphore(%run_scoped3A_339 : memref<!tpu.dma_semaphore, #tpu.memory_space<semaphore_mem>>) src(%arg11 : memref<640xf32, #tpu.memory_space<vmem>>) dst(%dma_wait3A_341 : memref<640xf32, #tpu.memory_space<hbm>>)
        tpu.yield
      }) : () -> ()
    } else {
    }
    return
  }
}

module attributes {stable_mosaic.version = 14 : i64} {
  func.func @_prep_body(%arg0: i32, %arg1: memref<1000x128xf32, #tpu.memory_space<vmem>>, %arg2: memref<1000x1xf32, #tpu.memory_space<vmem>>, %arg3: memref<1000x128xf32, #tpu.memory_space<vmem>>) attributes {dimension_semantics = [#tpu.dimension_semantics<arbitrary>], iteration_bounds = array<i64: 10>, scalar_prefetch = 0 : i64, scratch_operands = 0 : i64, tpu.core_type = #tpu.core_type<tc>, window_params = [{transform_indices = @transform_0, window_bounds = array<i64: 1000, 128>}, {transform_indices = @transform_1, window_bounds = array<i64: 1000, 1>}, {transform_indices = @transform_2, window_bounds = array<i64: 1000, 128>}]} {
    %get3A = arith.constant 0 : index
    %get3A_0 = arith.constant 0 : index
    %get3A_1 = vector.load %arg1[%get3A, %get3A_0] : memref<1000x128xf32, #tpu.memory_space<vmem>>, vector<1000x128xf32>
    %get3A_2 = arith.constant 0 : index
    %get3A_3 = arith.constant 0 : index
    %get3A_4 = vector.load %arg2[%get3A_2, %get3A_3] : memref<1000x1xf32, #tpu.memory_space<vmem>>, vector<1000x1xf32>
    %mul3A = vector.broadcast %get3A_4 : vector<1000x1xf32> to vector<1000x128xf32>
    %mul3A_5 = arith.mulf %get3A_1, %mul3A : vector<1000x128xf32>
    %swap3A = arith.constant 0 : index
    %swap3A_6 = arith.constant 0 : index
    %swap3A_7 = vector.load %arg3[%swap3A, %swap3A_6] : memref<1000x128xf32, #tpu.memory_space<vmem>>, vector<1000x128xf32>
    tpu.vector_store %arg3[%swap3A, %swap3A_6], %mul3A_5 {strides = array<i32>} : memref<1000x128xf32, #tpu.memory_space<vmem>>, vector<1000x128xf32>,
    return
  }
  func.func @transform_0(%arg0: i32) -> (i32, i32) {
    %c0_i32 = arith.constant 0 : i32
    %c0_i32_0 = arith.constant 0 : i32
    return %arg0, %c0_i32 : i32, i32
  }
  func.func @transform_1(%arg0: i32) -> (i32, i32) {
    %c0_i32 = arith.constant 0 : i32
    %c0_i32_0 = arith.constant 0 : i32
    return %arg0, %c0_i32 : i32, i32
  }
  func.func @transform_2(%arg0: i32) -> (i32, i32) {
    %c0_i32 = arith.constant 0 : i32
    %c0_i32_0 = arith.constant 0 : i32
    return %arg0, %c0_i32 : i32, i32
  }
}

module attributes {stable_mosaic.version = 14 : i64} {
  func.func @_dense_body(%arg0: i32, %arg1: memref<2x1000x128xf32, #tpu.memory_space<vmem>>, %arg2: memref<1000x1xf32, #tpu.memory_space<vmem>>, %arg3: memref<1000x1xf32, #tpu.memory_space<vmem>>, %arg4: memref<128x128xf32, #tpu.memory_space<vmem>>, %arg5: memref<1x128xf32, #tpu.memory_space<vmem>>, %arg6: memref<1000x128xf32, #tpu.memory_space<vmem>>) attributes {dimension_semantics = [#tpu.dimension_semantics<arbitrary>], iteration_bounds = array<i64: 10>, scalar_prefetch = 0 : i64, scratch_operands = 0 : i64, tpu.core_type = #tpu.core_type<tc>, window_params = [{transform_indices = @transform_0, window_bounds = array<i64: 2, 1000, 128>}, {transform_indices = @transform_1, window_bounds = array<i64: 1000, 1>}, {transform_indices = @transform_2, window_bounds = array<i64: 1000, 1>}, {pipeline_mode = #tpu.pipeline_mode<synchronous>, transform_indices = @transform_3, window_bounds = array<i64: 128, 128>}, {pipeline_mode = #tpu.pipeline_mode<synchronous>, transform_indices = @transform_4, window_bounds = array<i64: 1, 128>}, {transform_indices = @transform_5, window_bounds = array<i64: 1000, 128>}]} {
    %get3A = arith.constant 0 : index
    %get3A_0 = arith.constant 0 : index
    %get3A_1 = arith.constant 0 : index
    %get3A_2 = vector.load %arg1[%get3A, %get3A_0, %get3A_1] : memref<2x1000x128xf32, #tpu.memory_space<vmem>>, vector<1x1000x128xf32>
    %get3A_3 = vector.shape_cast %get3A_2 : vector<1x1000x128xf32> to vector<1000x128xf32>
    %get3A_4 = arith.constant 1 : index
    %get3A_5 = arith.constant 0 : index
    %get3A_6 = arith.constant 0 : index
    %get3A_7 = vector.load %arg1[%get3A_4, %get3A_5, %get3A_6] : memref<2x1000x128xf32, #tpu.memory_space<vmem>>, vector<1x1000x128xf32>
    %get3A_8 = vector.shape_cast %get3A_7 : vector<1x1000x128xf32> to vector<1000x128xf32>
    %add3A = arith.addf %get3A_3, %get3A_8 : vector<1000x128xf32>
    %get3A_9 = arith.constant 0 : index
    %get3A_10 = arith.constant 0 : index
    %get3A_11 = vector.load %arg2[%get3A_9, %get3A_10] : memref<1000x1xf32, #tpu.memory_space<vmem>>, vector<1000x1xf32>
    %mul3A = vector.broadcast %get3A_11 : vector<1000x1xf32> to vector<1000x128xf32>
    %mul3A_12 = arith.mulf %add3A, %mul3A : vector<1000x128xf32>
    %get3A_13 = arith.constant 0 : index
    %get3A_14 = arith.constant 0 : index
    %get3A_15 = vector.load %arg4[%get3A_13, %get3A_14] : memref<128x128xf32, #tpu.memory_space<vmem>>, vector<128x128xf32>
    %dot_general3A = arith.constant dense<0.000000e+00> : vector<1000x128xf32>
    %dot_general3A_16 = tpu.matmul %mul3A_12, %get3A_15, %dot_general3A {dimension_numbers = #tpu.dot_dimension_numbers<[1], [0], [0], [1], [0, 0, 1, 1], [], []>, transpose_lhs_hint = false} : vector<1000x128xf32>, vector<128x128xf32>, vector<1000x128xf32> -> vector<1000x128xf32>
    %get3A_17 = arith.constant 0 : index
    %get3A_18 = arith.constant 0 : index
    %get3A_19 = vector.load %arg5[%get3A_17, %get3A_18] : memref<1x128xf32, #tpu.memory_space<vmem>>, vector<1x128xf32>
    %add3A_20 = vector.broadcast %get3A_19 : vector<1x128xf32> to vector<1000x128xf32>
    %add3A_21 = arith.addf %dot_general3A_16, %add3A_20 : vector<1000x128xf32>
    %max3A = arith.constant 0.000000e+00 : f32
    %max3A_22 = vector.broadcast %max3A : f32 to vector<1000x128xf32>
    %max3A_23 = arith.maximumf %add3A_21, %max3A_22 : vector<1000x128xf32>
    %get3A_24 = arith.constant 0 : index
    %get3A_25 = arith.constant 0 : index
    %get3A_26 = vector.load %arg3[%get3A_24, %get3A_25] : memref<1000x1xf32, #tpu.memory_space<vmem>>, vector<1000x1xf32>
    %mul3A_27 = vector.broadcast %get3A_26 : vector<1000x1xf32> to vector<1000x128xf32>
    %mul3A_28 = arith.mulf %max3A_23, %mul3A_27 : vector<1000x128xf32>
    %swap3A = arith.constant 0 : index
    %swap3A_29 = arith.constant 0 : index
    %swap3A_30 = vector.load %arg6[%swap3A, %swap3A_29] : memref<1000x128xf32, #tpu.memory_space<vmem>>, vector<1000x128xf32>
    tpu.vector_store %arg6[%swap3A, %swap3A_29], %mul3A_28 {strides = array<i32>} : memref<1000x128xf32, #tpu.memory_space<vmem>>, vector<1000x128xf32>,
    return
  }
  func.func @transform_0(%arg0: i32) -> (i32, i32, i32) {
    %c0_i32 = arith.constant 0 : i32
    %c0_i32_0 = arith.constant 0 : i32
    %c0_i32_1 = arith.constant 0 : i32
    return %c0_i32, %arg0, %c0_i32_0 : i32, i32, i32
  }
  func.func @transform_1(%arg0: i32) -> (i32, i32) {
    %c0_i32 = arith.constant 0 : i32
    %c0_i32_0 = arith.constant 0 : i32
    return %arg0, %c0_i32 : i32, i32
  }
  func.func @transform_2(%arg0: i32) -> (i32, i32) {
    %c0_i32 = arith.constant 0 : i32
    %c0_i32_0 = arith.constant 0 : i32
    return %arg0, %c0_i32 : i32, i32
  }
  func.func @transform_3(%arg0: i32) -> (i32, i32) {
    %c0_i32 = arith.constant 0 : i32
    %c0_i32_0 = arith.constant 0 : i32
    %c0_i32_1 = arith.constant 0 : i32
    return %c0_i32, %c0_i32_0 : i32, i32
  }
  func.func @transform_4(%arg0: i32) -> (i32, i32) {
    %c0_i32 = arith.constant 0 : i32
    %c0_i32_0 = arith.constant 0 : i32
    %c0_i32_1 = arith.constant 0 : i32
    return %c0_i32, %c0_i32_0 : i32, i32
  }
  func.func @transform_5(%arg0: i32) -> (i32, i32) {
    %c0_i32 = arith.constant 0 : i32
    %c0_i32_0 = arith.constant 0 : i32
    return %arg0, %c0_i32 : i32, i32
  }
}

module attributes {stable_mosaic.version = 14 : i64} {
  func.func @_dense_body(%arg0: i32, %arg1: memref<2x1000x128xf32, #tpu.memory_space<vmem>>, %arg2: memref<1000x1xf32, #tpu.memory_space<vmem>>, %arg3: memref<1000x1xf32, #tpu.memory_space<vmem>>, %arg4: memref<128x128xf32, #tpu.memory_space<vmem>>, %arg5: memref<1x128xf32, #tpu.memory_space<vmem>>, %arg6: memref<1000x128xf32, #tpu.memory_space<vmem>>) attributes {dimension_semantics = [#tpu.dimension_semantics<arbitrary>], iteration_bounds = array<i64: 10>, scalar_prefetch = 0 : i64, scratch_operands = 0 : i64, tpu.core_type = #tpu.core_type<tc>, window_params = [{transform_indices = @transform_0, window_bounds = array<i64: 2, 1000, 128>}, {transform_indices = @transform_1, window_bounds = array<i64: 1000, 1>}, {transform_indices = @transform_2, window_bounds = array<i64: 1000, 1>}, {pipeline_mode = #tpu.pipeline_mode<synchronous>, transform_indices = @transform_3, window_bounds = array<i64: 128, 128>}, {pipeline_mode = #tpu.pipeline_mode<synchronous>, transform_indices = @transform_4, window_bounds = array<i64: 1, 128>}, {transform_indices = @transform_5, window_bounds = array<i64: 1000, 128>}]} {
    %get3A = arith.constant 0 : index
    %get3A_0 = arith.constant 0 : index
    %get3A_1 = arith.constant 0 : index
    %get3A_2 = vector.load %arg1[%get3A, %get3A_0, %get3A_1] : memref<2x1000x128xf32, #tpu.memory_space<vmem>>, vector<1x1000x128xf32>
    %get3A_3 = vector.shape_cast %get3A_2 : vector<1x1000x128xf32> to vector<1000x128xf32>
    %get3A_4 = arith.constant 1 : index
    %get3A_5 = arith.constant 0 : index
    %get3A_6 = arith.constant 0 : index
    %get3A_7 = vector.load %arg1[%get3A_4, %get3A_5, %get3A_6] : memref<2x1000x128xf32, #tpu.memory_space<vmem>>, vector<1x1000x128xf32>
    %get3A_8 = vector.shape_cast %get3A_7 : vector<1x1000x128xf32> to vector<1000x128xf32>
    %add3A = arith.addf %get3A_3, %get3A_8 : vector<1000x128xf32>
    %get3A_9 = arith.constant 0 : index
    %get3A_10 = arith.constant 0 : index
    %get3A_11 = vector.load %arg2[%get3A_9, %get3A_10] : memref<1000x1xf32, #tpu.memory_space<vmem>>, vector<1000x1xf32>
    %mul3A = vector.broadcast %get3A_11 : vector<1000x1xf32> to vector<1000x128xf32>
    %mul3A_12 = arith.mulf %add3A, %mul3A : vector<1000x128xf32>
    %get3A_13 = arith.constant 0 : index
    %get3A_14 = arith.constant 0 : index
    %get3A_15 = vector.load %arg4[%get3A_13, %get3A_14] : memref<128x128xf32, #tpu.memory_space<vmem>>, vector<128x128xf32>
    %dot_general3A = arith.constant dense<0.000000e+00> : vector<1000x128xf32>
    %dot_general3A_16 = tpu.matmul %mul3A_12, %get3A_15, %dot_general3A {dimension_numbers = #tpu.dot_dimension_numbers<[1], [0], [0], [1], [0, 0, 1, 1], [], []>, transpose_lhs_hint = false} : vector<1000x128xf32>, vector<128x128xf32>, vector<1000x128xf32> -> vector<1000x128xf32>
    %get3A_17 = arith.constant 0 : index
    %get3A_18 = arith.constant 0 : index
    %get3A_19 = vector.load %arg5[%get3A_17, %get3A_18] : memref<1x128xf32, #tpu.memory_space<vmem>>, vector<1x128xf32>
    %add3A_20 = vector.broadcast %get3A_19 : vector<1x128xf32> to vector<1000x128xf32>
    %add3A_21 = arith.addf %dot_general3A_16, %add3A_20 : vector<1000x128xf32>
    %max3A = arith.constant 0.000000e+00 : f32
    %max3A_22 = vector.broadcast %max3A : f32 to vector<1000x128xf32>
    %max3A_23 = arith.maximumf %add3A_21, %max3A_22 : vector<1000x128xf32>
    %swap3A = arith.constant 0 : index
    %swap3A_24 = arith.constant 0 : index
    %swap3A_25 = vector.load %arg6[%swap3A, %swap3A_24] : memref<1000x128xf32, #tpu.memory_space<vmem>>, vector<1000x128xf32>
    tpu.vector_store %arg6[%swap3A, %swap3A_24], %max3A_23 {strides = array<i32>} : memref<1000x128xf32, #tpu.memory_space<vmem>>, vector<1000x128xf32>,
    return
  }
  func.func @transform_0(%arg0: i32) -> (i32, i32, i32) {
    %c0_i32 = arith.constant 0 : i32
    %c0_i32_0 = arith.constant 0 : i32
    %c0_i32_1 = arith.constant 0 : i32
    return %c0_i32, %arg0, %c0_i32_0 : i32, i32, i32
  }
  func.func @transform_1(%arg0: i32) -> (i32, i32) {
    %c0_i32 = arith.constant 0 : i32
    %c0_i32_0 = arith.constant 0 : i32
    return %arg0, %c0_i32 : i32, i32
  }
  func.func @transform_2(%arg0: i32) -> (i32, i32) {
    %c0_i32 = arith.constant 0 : i32
    %c0_i32_0 = arith.constant 0 : i32
    return %arg0, %c0_i32 : i32, i32
  }
  func.func @transform_3(%arg0: i32) -> (i32, i32) {
    %c0_i32 = arith.constant 0 : i32
    %c0_i32_0 = arith.constant 0 : i32
    %c0_i32_1 = arith.constant 0 : i32
    return %c0_i32, %c0_i32_0 : i32, i32
  }
  func.func @transform_4(%arg0: i32) -> (i32, i32) {
    %c0_i32 = arith.constant 0 : i32
    %c0_i32_0 = arith.constant 0 : i32
    %c0_i32_1 = arith.constant 0 : i32
    return %c0_i32, %c0_i32_0 : i32, i32
  }
  func.func @transform_5(%arg0: i32) -> (i32, i32) {
    %c0_i32 = arith.constant 0 : i32
    %c0_i32_0 = arith.constant 0 : i32
    return %arg0, %c0_i32 : i32, i32
  }
}

</mosaic_0001>

<sc_bundles>
// kernel: kernel.11.cloned.1.call-start
scs
__scs_entry_jumppad:
0x0: {  	(pc) =	sbr.rel $0x88, $3  }
0x1: {  	(tag) =	ssettag $0x0;
	lr =	simm.s32 $0x1  }
0x2: {  	[smem:$0x3F9B] =	sst lr;
	_ =	strace $0xD0000000  }
0x3: {  	_ = 	snop  }
0x4: {  	_ = 	snop  }
0x5: {  	_ = 	snop  }
0x6: {  	_ = 	snop  }
0x7: {  	_ = 	snop  }
__scs_overlays_trampoline_lowered:
0x8: {  	[smem:$0x3FAA] =	sst s0  }
0x9: {  	[smem:$0x3FAB] =	sst s1  }
0xa: {  	[smem:$0x3FAC] =	sst s2  }
0xb: {  	[smem:$0x3FAD] =	sst s3  }
0xc: {  	[smem:$0x3FAE] =	sst s4  }
0xd: {  	[smem:$0x3FAF] =	sst s5  }
0xe: {  	[smem:$0x3FB0] =	sst s6  }
0xf: {  	[smem:$0x3FB1] =	sst s7  }
0x10: {  	[smem:$0x3FB2] =	sst s8  }
0x11: {  	[smem:$0x3FB3] =	sst s9;
	s0 =	simm.s32 @!p0 $0x0  }
0x12: {  	s1 =	sld [smem:$0x3F99];
	s0 =	simm.s32 @p0 $0x1  }
0x13: {  	[smem:$0x3FB4] =	sst s0;
	s0 =	simm.s32 @!p1 $0x0  }
0x14: {  	s2 =	sld [smem:$0x3F98];
	s0 =	simm.s32 @p1 $0x1  }
0x15: {  	[smem:$0x3FB5] =	sst s0;
	s0 =	simm.s32 @!p2 $0x0  }
0x16: {  	s3 =	sld [smem:$0x3FDB];
	s0 =	simm.s32 @p2 $0x1  }
0x17: {  	s4 =	simm.s32 $0x1BF5;
	[smem:$0x3FB7] =	sst s0  }
0x18: {  	s0 =	sld [smem:$0x3F9A];
	_ =	swait.ge [sflag:s4], $0x0  }
0x19: {  	s7 =	sld [smem:$0x3F9B]  }
0x1a: {  	s8 =	sadd.s32 $0xFFFFE003, lr  }
0x1b: {  	s9 =	sadd.s32 $0xFFFFFEF7, lr;
	s5 =	simm.s32 $0xFFFFFFFF;
	p2 =	slt.u32 s8, $0xFFFFF086  }
0x1c: {  	p1 =	slt.u32 s9, $0xF7A;
	s5 =	simm.s32 @!p2 $0x0  }
0x1d: {  	s5 =	simm.s32 @p1 $0x1;
	p0 =	seq.s32 s7, s2  }
0x1e: {  	s7 =	smul.u32 @!p0 $0xF7A, s2;
	p2 =	seq.s32 @!p0 s5, $0x0  }
0x1f: {  	s9 =	smul.u32 $0xF7A, s1;
	s8 =	simm.s32 @!p0 $0x1BF5;
	p2 =	por !p2, p0  }
0x20: {  	[sflag:s8] =	ssyncset.s32 @!p0 $0xFFFFF086;
	s6 =	sadd.s32 @!p0 s3, s7;
	s7 =	simm.s32 @!p0 $0x108  }
0x21: {  	s3 =	sadd.s32 s3, s9;
	s6 =	sadd.s32 @!p0 $0x88, s6;
	s7 =	simm.s32 @p2 $0x1082  }
0x22: {  	[simem:s7], [sflag:s8] =	dma.local @!p0 [hbm:s6], $0xF7A  }
0x23: {  	s9 =	sor.u32 $0xD0000000, s2;
	s6 =	simm.s32 $0x108;
	_ =	swait.ge @!p0 [sflag:s8], $0x0  }
0x24: {  	s3 =	sadd.s32 $0x88, s3;
	s6 =	simm.s32 @!p1 $0x1082;
	[sflag:s4] =	ssyncset.s32 $0xFFFFF086  }
0x25: {  	[simem:s6], [sflag:s4] =	dma.local [hbm:s3], $0xF7A  }
0x26: {  	[smem:$0x3F9B] =	sst s1;
	(tag) =	ssettag s2;
	_ =	strace s9  }
0x27: {  	s1 =	sld [smem:$0x3FAB]  }
0x28: {  	s2 =	sld [smem:$0x3FAC]  }
0x29: {  	s4 =	sld [smem:$0x3FAE]  }
0x2a: {  	p0 =	seq.s32 s5, $0x0;
	s5 =	sld [smem:$0x3FAF]  }
0x2b: {  	s6 =	sld [smem:$0x3FB0]  }
0x2c: {  	s7 =	sld [smem:$0x3FB1]  }
0x2d: {  	s3 =	simm.s32 $0x108;
	s8 =	sld [smem:$0x3FB2]  }
0x2e: {  	s3 =	simm.s32 @!p0 $0x1082;
	s9 =	sld [smem:$0x3FB3]  }
0x2f: {  	lr =	sadd.s32 s0, s3;
	s0 =	sld [smem:$0x3FAA]  }
0x30: {  	s3 =	sld [smem:$0x3FAD]  }
0x31: {  	[smem:$0x3FB6] =	sst s10  }
0x32: {  	s10 =	sld [smem:$0x3FB4];
	_ =	sdelay $0x3  }
0x33: {  	p0 =	seq.s32 s10, $0x1;
	s10 =	sld [smem:$0x3FB6];
	_ =	sdelay $0x3  }
0x34: {  	[smem:$0x3FB6] =	sst s10  }
0x35: {  	s10 =	sld [smem:$0x3FB5];
	_ =	sdelay $0x3  }
0x36: {  	p1 =	seq.s32 s10, $0x1;
	s10 =	sld [smem:$0x3FB6];
	_ =	sdelay $0x3  }
0x37: {  	[smem:$0x3FB6] =	sst s10  }
0x38: {  	s10 =	sld [smem:$0x3FB7]  }
0x39: {  	_ = 	snop;
	(pc) =	sbr.ind lr, $3  }
0x3a: {  	_ = 	snop  }
0x3b: {  	_ = 	snop  }
0x3c: {  	p2 =	seq.s32 s10, $0x1;
	s10 =	sld [smem:$0x3FB6]  }
0x3d: {  	_ =	shalt  }
0x3e: {  	_ =	shalt  }
0x3f: {  	_ =	shalt  }
0x40: {  	_ =	shalt  }
0x41: {  	_ =	shalt  }
0x42: {  	_ =	shalt  }
0x43: {  	_ =	shalt  }
0x44: {  	_ =	shalt  }
0x45: {  	_ =	shalt  }
0x46: {  	_ =	shalt  }
0x47: {  	_ =	shalt  }
0x48: {  	_ =	shalt  }
0x49: {  	_ =	shalt  }
0x4a: {  	_ =	shalt  }
0x4b: {  	_ =	shalt  }
0x4c: {  	_ =	shalt  }
0x4d: {  	_ =	shalt  }
0x4e: {  	_ =	shalt  }
0x4f: {  	_ =	shalt  }
0x50: {  	_ =	shalt  }
0x51: {  	_ =	shalt  }
0x52: {  	_ =	shalt  }
0x53: {  	_ =	shalt  }
0x54: {  	_ =	shalt  }
0x55: {  	_ =	shalt  }
0x56: {  	_ =	shalt  }
0x57: {  	_ =	shalt  }
0x58: {  	_ =	shalt  }
0x59: {  	_ =	shalt  }
0x5a: {  	_ =	shalt  }
0x5b: {  	_ =	shalt  }
0x5c: {  	_ =	shalt  }
0x5d: {  	_ =	shalt  }
0x5e: {  	_ =	shalt  }
0x5f: {  	_ =	shalt  }
0x60: {  	_ =	shalt  }
0x61: {  	_ =	shalt  }
0x62: {  	_ =	shalt  }
0x63: {  	_ =	shalt  }
0x64: {  	_ =	shalt  }
0x65: {  	_ =	shalt  }
0x66: {  	_ =	shalt  }
0x67: {  	_ =	shalt  }
0x68: {  	_ =	shalt  }
0x69: {  	_ =	shalt  }
0x6a: {  	_ =	shalt  }
0x6b: {  	_ =	shalt  }
0x6c: {  	_ =	shalt  }
0x6d: {  	_ =	shalt  }
0x6e: {  	_ =	shalt  }
0x6f: {  	_ =	shalt  }
0x70: {  	_ =	shalt  }
0x71: {  	_ =	shalt  }
0x72: {  	_ =	shalt  }
0x73: {  	_ =	shalt  }
0x74: {  	_ =	shalt  }
0x75: {  	_ =	shalt  }
0x76: {  	_ =	shalt  }
0x77: {  	_ =	shalt  }
0x78: {  	_ =	shalt  }
0x79: {  	_ =	shalt  }
0x7a: {  	_ =	shalt  }
0x7b: {  	_ =	shalt  }
0x7c: {  	_ =	shalt  }
0x7d: {  	_ =	shalt  }
0x7e: {  	_ =	shalt  }
0x7f: {  	_ =	shalt  }
0x80: {  	_ =	shalt  }
0x81: {  	_ =	shalt  }
0x82: {  	_ =	shalt  }
0x83: {  	_ =	shalt  }
0x84: {  	_ =	shalt  }
0x85: {  	_ =	shalt  }
0x86: {  	_ =	shalt  }
0x87: {  	_ =	shalt  }
.Lfunc_end0:
.L_simem_size_0:
called_computation.1_lowered:
.L_overlay_start_0:
0x88: {  	s2 =	sld [smem:$0x3FD9]  }
0x89: {  	s3 =	sld [smem:$0x3FFE];
	_ =	sdelay $0x1  }
0x8a: {  	s1 =	srdreg.scid  }
0x8b: {  	s0 =	sand.u32 $0x1, s1  }
0x8c: {  	s17 =	sshll.u32 s0, $0xA;
	s2 =	sadd.s32 s3, s2  }
0x8d: {  	s2 =	sadd.s32 s2, s17  }
0x8e: {  	[smem:$0x3FC2] =	sst s2  }
0x8f: {  	_ = 	snop  }
0x90: {  	s2 =	sld [smem:$0x3FD0];
	(tm) =	ssettm $0x1  }
0x91: {  	s18 =	sld [smem:$0x3FFB];
	_ =	sdelay $0x3  }
0x92: {  	_ =	strace s18  }
0x93: {  	s3 =	sld [smem:$0x3FFC];
	_ =	sdelay $0x3  }
0x94: {  	_ =	strace s3  }
0x95: {  	s3 =	sld [smem:$0x3FFD];
	_ =	sdelay $0x3  }
0x96: {  	_ =	strace s3  }
0x97: {  	_ =	strace $0x8FFFFFFF  }
0x98: {  	s19 =	sld [smem:$0x3FDB];
	_ =	sdelay $0x1  }
0x99: {  	s4 =	simm.s32 $_scs_section_size  }
0x9a: {  	s5 =	simm.s32 $_size__tile_overlayer_lowered;
	s6 =	simm.s32 $_tile_overlayer_lowered  }
0x9b: {  	s22 =	simm.s32 $0x1BFF;
	s21 =	sshll.u32 s6, $0x1;
	s3 =	sadd.s32 s4, s19  }
0x9c: {  	s7 =	simm.s32 $0x0;
	s20 =	sshll.u32 s5, $0x1;
	s5 =	sadd.s32 s21, s3  }
0x9d: {  	[timem:s7], [sflag:s22] =	dma.local [hbm:s5], s20  }
0x9e: {  	_ =	swait.ge [sflag:s22], s20  }
0x9f: {  	s4 =	ssub.s32 $0x0, s20;
	[sflag:s22] =	ssyncset.done $0x0  }
0xa0: {  	[sflag:s22] =	ssyncadd.s32 s4;
	_ =	sdelay $0x1  }
0xa1: {  	s23 =	simm.s32 $0x1B8B  }
0xa2: {  	_ =	swait.ge [sflag:s23], $0x1  }
0xa3: {  	[sflag:s23] =	ssyncset.done $0x0  }
0xa4: {  	s25 =	simm.s32 $0x1B8E;
	s24 =	sld [smem:$0x3FFE];
	[sflag:s23] =	ssyncadd.s32 $0xFFFFFFFF  }
0xa5: {  	s26 =	simm.s32 $execute0_lowered;
	[smem:$0x3FD2] =	sst s25  }
0xa6: {  	s5 =	sshll.u32 s26, $0x1;
	_ =	strace $0x80000049;
	[dreg:$0x1] =	wrdreg $0xFFFFFFFF  }
0xa7: {  	s28 =	simm.s32 $_size_execute0_lowered;
	s3 =	sadd.s32 s3, s5;
	[dreg:$0x0] =	wrdreg $0x0  }
0xa8: {  	s5 =	sshll.u32 s28, $0x1;
	[dreg:$0x2] =	wrdreg s3  }
0xa9: {  	[dreg:$0x3] =	wrdreg s5  }
0xaa: {  	[dreg:$0x4] =	wrdreg $0xC0  }
0xab: {  	_ =	task [dreg:s7], $0x5FFFF  }
0xac: {  	[dreg:$0x1] =	wrdreg $0xFFFFFFFF  }
0xad: {  	[dreg:$0x0] =	wrdreg $0x60  }
0xae: {  	[dreg:$0x2] =	wrdreg s2  }
0xaf: {  	[dreg:$0x3] =	wrdreg s24  }
0xb0: {  	[dreg:$0x4] =	wrdreg $0xAF800  }
0xb1: {  	[dreg:$0x5] =	wrdreg $0x9  }
0xb2: {  	_ =	task.clear_ibuf [dreg:s7], $0x6FFFF;
	_ =	strace $0x90000049  }
0xb3: {  	s29 =	simm.s32 $0x9;
	_ =	strace $0x8000004B  }
0xb4: {  	_ =	swait.ge [sflag:s29], $0x1  }
0xb5: {  	[sflag:s29] =	ssyncadd.s32 $0xFFFFFFFF  }
0xb6: {  	_ =	strace $0x9000004B  }
0xb7: {  	_ =	sfence  }
0xb8: {  	s30 =	sld [smem:$0x0];
	_ =	sdelay $0x2  }
0xb9: {  	s31 =	sshll.u32 s1, $0xD;
	s1 =	sshrl.u32 s1, $0x2  }
0xba: {  	s3 =	sand.u32 $0x4000, s31;
	s1 =	sadd.s32 s1, s30  }
0xbb: {  	s0 =	sor.u32 s3, s0;
	s1 =	sshll.u32 s1, $0x11  }
0xbc: {  	s0 =	sor.u32 s1, s0  }
0xbd: {  	s0 =	sadd.s32 $0x8F2B, s0  }
0xbe: {  	[sflag:s0] =	ssyncadd.remote.s32 $0x1  }
0xbf: {  	_ =	sfence.sel $0xFFFF  }
0xc0: {  	[dreg:$0x0] =	wrdreg $0xFFFFFFFF;
	(pc) =	sbr.abs _section_cstart, $3  }
0xc1: {  	[dreg:$0x1] =	wrdreg $0xFFFFFFFF  }
0xc2: {  	_ =	task.clear_ibuf [dreg:s7], $0x2FFFF;
	_ =	strace $0x9FFFFFFF  }
0xc3: {  	(tm) =	ssettm $0x7FFFFFFF  }
tec
execute0_lowered:
.L_overlay_start_1:
0x0: {  	(tag) =	ssettag $0x1  }
0x1: {  	s2 =	rddreg [dreg:$0x0]  }
0x2: {  	s0 =	srdreg.scid;
	s4 =	rddreg [dreg:$0x1]  }
0x3: {  	s7 =	stileid.u32;
	s3 =	rddreg [dreg:$0x2];
	s8 =	simm.s32 $0x0  }
0x4: {  	s19 =	simm.s32 $0x4F80;
	s20 =	simm.s32 $0x7;
	s21 =	simm.s32 $0x27C0  }
0x5: {  	s22 =	simm.s32 $0x40;
	s23 =	simm.s32 $0x6F80;
	s28 =	simm.s32 $0x2  }
0x6: {  	s30 =	simm.s32 $0x4;
	s29 =	simm.s32 $0x6;
	s31 =	simm.s32 $0x0  }
0x7: {  	s0 =	sand.u32 $0x1, s0;
	s1 =	sshll.u32 s7, $0x1;
	s5 =	smul.u32 $0x14000, s7  }
0x8: {  	[smem:$0x7FF] =	sst s8;
	s7 =	smul.u32 $0x50000, s7;
	s1 =	sor.u32 s0, s1  }
0x9: {  	s6 =	smul.u32 $0x140000, s0;
	_ =	strace $0x8000004A;
	s0 =	ssub.s32 $0x2, s0  }
0xa: {  	s1 =	smul.u32 $0x4F8, s1;
	s7 =	sshrl.u32 s7, $0x2;
	s24 =	sshrl.u32 s0, $0x1  }
0xb: {  	s6 =	sadd.s32 s5, s6;
	s14 =	sadd.s32 s7, s3;
	s0 =	ssub.s32 s0, s24  }
0xc: {  	s5 =	sadd.s32 s5, s3;
	s24 =	simm.s32 $0x1;
	s1 =	sadd.s32 s1, s4  }
0xd: {  	s6 =	sshrl.u32 s6, $0x3;
	s25 =	sadd.s32 $0x2000, s14;
	s26 =	sadd.s32 $0x4000, s14  }
0xe: {  	s8 =	sadd.s32 $0x6000, s14;
	s9 =	sadd.s32 $0x8000, s14;
	s10 =	sadd.s32 $0xA000, s14  }
.Ltmp0:
0xf: {  	s11 =	sadd.s32 $0xC000, s14;
	s12 =	sadd.s32 $0xE000, s14;
	(pc) =	sbr.rel .LBB2_1-.Ltmp0, $4  }
0x10: {  	s13 =	sadd.s32 $0x10000, s14;
	s14 =	sadd.s32 $0x12000, s14;
	s18 =	smax.u32 s0, $0x1  }
0x11: {  	s0 =	simm.s32 $0x5;
	s4 =	sadd.s32 s6, s4;
	[dreg:$0x4] =	wrdreg s25  }
0x12: {  	[dreg:$0x5] =	wrdreg s26;
	s15 =	sadd.s32 $0x3400, s1;
	s16 =	sadd.s32 $0xD400, s1  }
0x13: {  	v0 =	vimm.f32 $0.0e+00;
	s26 =	simm.s32 $0x8F80;
	s1 =	simm.s32 $0x3;
	s17 =	sadd.s32 $0x17400, s4  }
.LBB2_6:
0x14: {  	_ =	swait.ge [sflag:s1], $0x2000  }
0x15: {  	[sflag:s1] =	ssyncset.done $0x0  }
0x16: {  	[sflag:s1] =	ssyncadd.s32 $0xFFFFE000  }
0x17: {  	[spmem:s3] =	stream.indirect.scatter.add.f32 [tilespmem:s26], [sflag:$0x6], $0x80, s6, s22, $0xb8;
	[tilespmem:$0x1EF80] =	vst v63  }
0x18: {  	_ =	swait.ge [sflag:s0], $0x2000  }
0x19: {  	[sflag:s0] =	ssyncset.done $0x0  }
0x1a: {  	[sflag:s0] =	ssyncadd.s32 $0xFFFFE000  }
0x1b: {  	s4 =	stileid.u32;
	_ =	swait.ge [sflag:s29], $0x2000  }
0x1c: {  	s25 =	sshrl.u32 s5, $0x3;
	s31 =	sadd.s32 $0x1, s31;
	[sflag:s29] =	ssyncset.done $0x0  }
0x1d: {  	s4 =	sshll.u32 s4, $0x6;
	p0 =	sne.s32 s31, s18;
	[sflag:s29] =	ssyncadd.s32 $0xFFFFE000  }
.Ltmp1:
0x1e: {  	s4 =	sor.u32 $0x1C07, s4;
	[bflag:$0x0] =	sbarrier.arrive $0xFFFF;
	(pc) =	sbr.rel @!p0 .LBB2_7-.Ltmp1, $4  }
0x1f: {  	[hbm:s17], [sflag:s4] =	dma.local [spmem:s25], $0x2800  }
0x20: {  	_ =	swait.ge [sflag:s20], $0x2800  }
0x21: {  	[sflag:s20] =	ssyncset.done $0x0  }
0x22: {  	[sflag:s20] =	ssyncadd.s32 $0xFFFFD800  }
.LBB2_1:
0x23: {  	s6 =	simm.s32 $0x0  }
0x24: {  	s4 =	simm.s32 $0x10;
	s6 =	sand.u32 $0x1FF0, s6  }
.LBB2_2:
0x25: {  	p0 =	sne.s32 s4, $0x1FF0;
	[tilespmem:s6+$0x4F80] =	vst v0;
	s6 =	smov.u32 s4;
	s4 =	sadd.s32 $0x10, s4  }
.Ltmp2:
0x26: {  	(pc) =	sbr.rel @p0 .LBB2_2-.Ltmp2, $2  }
0x27: {  	_ =	sdelay $0x2  }
0x28: {  	s6 =	sand.u32 $0x1FF0, s6  }
0x29: {  	[tilespmem:s6+$0x4F80] =	vst v0  }
0x2a: {  	[spmem:s5] =	stream.linear.scatter [tilespmem:s19], [sflag:$0x7], $0x2000, $0x38;
	[tilespmem:$0x1EF80] =	vst v63  }
0x2b: {  	_ =	swait.ge [sflag:s20], $0x2000  }
0x2c: {  	[sflag:s20] =	ssyncset.done $0x0  }
0x2d: {  	s4 =	rddreg [dreg:$0x4];
	[sflag:s20] =	ssyncadd.s32 $0xFFFFE000  }
0x2e: {  	[spmem:s4] =	stream.linear.scatter [tilespmem:s19], [sflag:$0x7], $0x2000, $0x38;
	[tilespmem:$0x1EF80] =	vst v63  }
0x2f: {  	_ =	swait.ge [sflag:s20], $0x2000  }
0x30: {  	[sflag:s20] =	ssyncset.done $0x0  }
0x31: {  	s7 =	rddreg [dreg:$0x5];
	[sflag:s20] =	ssyncadd.s32 $0xFFFFE000  }
0x32: {  	[spmem:s7] =	stream.linear.scatter [tilespmem:s19], [sflag:$0x7], $0x2000, $0x38;
	[tilespmem:$0x1EF80] =	vst v63  }
0x33: {  	_ =	swait.ge [sflag:s20], $0x2000  }
0x34: {  	[sflag:s20] =	ssyncset.done $0x0  }
0x35: {  	[sflag:s20] =	ssyncadd.s32 $0xFFFFE000  }
0x36: {  	[spmem:s8] =	stream.linear.scatter [tilespmem:s19], [sflag:$0x7], $0x2000, $0x38;
	[tilespmem:$0x1EF80] =	vst v63  }
0x37: {  	_ =	swait.ge [sflag:s20], $0x2000  }
0x38: {  	[sflag:s20] =	ssyncset.done $0x0  }
0x39: {  	[sflag:s20] =	ssyncadd.s32 $0xFFFFE000  }
0x3a: {  	[spmem:s9] =	stream.linear.scatter [tilespmem:s19], [sflag:$0x7], $0x2000, $0x38;
	[tilespmem:$0x1EF80] =	vst v63  }
0x3b: {  	_ =	swait.ge [sflag:s20], $0x2000  }
0x3c: {  	[sflag:s20] =	ssyncset.done $0x0  }
0x3d: {  	[sflag:s20] =	ssyncadd.s32 $0xFFFFE000  }
0x3e: {  	[spmem:s10] =	stream.linear.scatter [tilespmem:s19], [sflag:$0x7], $0x2000, $0x38;
	[tilespmem:$0x1EF80] =	vst v63  }
0x3f: {  	_ =	swait.ge [sflag:s20], $0x2000  }
0x40: {  	[sflag:s20] =	ssyncset.done $0x0  }
0x41: {  	[sflag:s20] =	ssyncadd.s32 $0xFFFFE000  }
0x42: {  	[spmem:s11] =	stream.linear.scatter [tilespmem:s19], [sflag:$0x7], $0x2000, $0x38;
	[tilespmem:$0x1EF80] =	vst v63  }
0x43: {  	_ =	swait.ge [sflag:s20], $0x2000  }
0x44: {  	[sflag:s20] =	ssyncset.done $0x0  }
0x45: {  	[sflag:s20] =	ssyncadd.s32 $0xFFFFE000  }
0x46: {  	[spmem:s12] =	stream.linear.scatter [tilespmem:s19], [sflag:$0x7], $0x2000, $0x38;
	[tilespmem:$0x1EF80] =	vst v63  }
0x47: {  	_ =	swait.ge [sflag:s20], $0x2000  }
0x48: {  	[sflag:s20] =	ssyncset.done $0x0  }
0x49: {  	[sflag:s20] =	ssyncadd.s32 $0xFFFFE000  }
0x4a: {  	[spmem:s13] =	stream.linear.scatter [tilespmem:s19], [sflag:$0x7], $0x2000, $0x38;
	[tilespmem:$0x1EF80] =	vst v63  }
0x4b: {  	_ =	swait.ge [sflag:s20], $0x2000  }
0x4c: {  	[sflag:s20] =	ssyncset.done $0x0  }
0x4d: {  	[sflag:s20] =	ssyncadd.s32 $0xFFFFE000  }
0x4e: {  	[spmem:s14] =	stream.linear.scatter [tilespmem:s19], [sflag:$0x7], $0x2000, $0x38;
	[tilespmem:$0x1EF80] =	vst v63  }
0x4f: {  	_ =	swait.ge [sflag:s20], $0x2000  }
0x50: {  	[sflag:s20] =	ssyncset.done $0x0  }
0x51: {  	s4 =	simm.s32 $0x0;
	[sflag:s20] =	ssyncadd.s32 $0xFFFFE000  }
0x52: {  	[tilespmem:s4], [sflag:$0x7] =	stream.linear.gather [hbm4b:s15+s4], $0x27C0, $0x38;
	[tilespmem:$0x1EF80] =	vst v63  }
0x53: {  	_ =	swait.ge [sflag:s20], $0x27C0  }
0x54: {  	[sflag:s20] =	ssyncset.done $0x0  }
0x55: {  	[sflag:s20] =	ssyncadd.s32 $0xFFFFD840  }
0x56: {  	[tilespmem:s21], [sflag:$0x7] =	stream.linear.gather [hbm4b:s16+s4], $0x27C0, $0x38;
	[tilespmem:$0x1EF80] =	vst v63  }
0x57: {  	_ =	swait.ge [sflag:s20], $0x27C0  }
0x58: {  	[sflag:s20] =	ssyncset.done $0x0  }
0x59: {  	[sflag:s20] =	ssyncadd.s32 $0xFFFFD840  }
0x5a: {  	[bflag:$0x0] =	sbarrier.arrive $0xFFFF  }
0x5b: {  	[tilespmem:s19], [sflag:$0x1] =	stream.indirect.gather [hbm4b:s2+s22], $0x80, s4, s22, $0xb8;
	[tilespmem:$0x1EF80] =	vst v63  }
0x5c: {  	_ = 	snop  }
0x5d: {  	[tilespmem:s23], [sflag:$0x2] =	stream.indirect.gather [hbm4b:s2+s22], $0x80, s22, s22, $0xb8;
	[tilespmem:$0x1EF80] =	vst v63  }
0x5e: {  	_ =	swait.ge [sflag:s24], $0x2000  }
0x5f: {  	[sflag:s24] =	ssyncset.done $0x0  }
0x60: {  	[sflag:s24] =	ssyncadd.s32 $0xFFFFE000  }
0x61: {  	[spmem:s3] =	stream.indirect.scatter.add.f32 [tilespmem:s19], [sflag:$0x4], $0x80, s21, s22, $0xb8;
	[tilespmem:$0x1EF80] =	vst v63  }
0x62: {  	s25 =	simm.s32 $0x80  }
0x63: {  	[tilespmem:s26], [sflag:$0x3] =	stream.indirect.gather [hbm4b:s2+s22], $0x80, s25, s22, $0xb8;
	[tilespmem:$0x1EF80] =	vst v63  }
0x64: {  	_ =	swait.ge [sflag:s28], $0x2000  }
0x65: {  	[sflag:s28] =	ssyncset.done $0x0  }
0x66: {  	s7 =	simm.s32 $0x2800;
	[sflag:s28] =	ssyncadd.s32 $0xFFFFE000  }
0x67: {  	[spmem:s3] =	stream.indirect.scatter.add.f32 [tilespmem:s23], [sflag:$0x5], $0x80, s7, s22, $0xb8;
	[tilespmem:$0x1EF80] =	vst v63  }
0x68: {  	_ =	swait.ge [sflag:s30], $0x2000  }
0x69: {  	[sflag:s30] =	ssyncset.done $0x0  }
0x6a: {  	s25 =	simm.s32 $0xC0;
	[sflag:s30] =	ssyncadd.s32 $0xFFFFE000  }
0x6b: {  	[tilespmem:s19], [sflag:$0x1] =	stream.indirect.gather [hbm4b:s2+s22], $0x80, s25, s22, $0xb8;
	[tilespmem:$0x1EF80] =	vst v63  }
0x6c: {  	_ =	swait.ge [sflag:s1], $0x2000  }
0x6d: {  	[sflag:s1] =	ssyncset.done $0x0  }
0x6e: {  	s7 =	simm.s32 $0x2840;
	[sflag:s1] =	ssyncadd.s32 $0xFFFFE000  }
0x6f: {  	[spmem:s3] =	stream.indirect.scatter.add.f32 [tilespmem:s26], [sflag:$0x6], $0x80, s7, s22, $0xb8;
	[tilespmem:$0x1EF80] =	vst v63  }
0x70: {  	_ =	swait.ge [sflag:s0], $0x2000  }
0x71: {  	[sflag:s0] =	ssyncset.done $0x0  }
0x72: {  	s25 =	simm.s32 $0x100;
	[sflag:s0] =	ssyncadd.s32 $0xFFFFE000  }
0x73: {  	[tilespmem:s23], [sflag:$0x2] =	stream.indirect.gather [hbm4b:s2+s22], $0x80, s25, s22, $0xb8;
	[tilespmem:$0x1EF80] =	vst v63  }
.LBB2_4:
0x74: {  	_ =	swait.ge [sflag:s24], $0x2000  }
0x75: {  	s25 =	sshra.s32 s4, $0x2;
	[sflag:s24] =	ssyncset.done $0x0  }
0x76: {  	s6 =	sadd.s32 $0x2880, s25;
	[sflag:s24] =	ssyncadd.s32 $0xFFFFE000  }
0x77: {  	[spmem:s3] =	stream.indirect.scatter.add.f32 [tilespmem:s19], [sflag:$0x4], $0x80, s6, s22, $0xb8;
	[tilespmem:$0x1EF80] =	vst v63  }
0x78: {  	_ =	swait.ge [sflag:s29], $0x2000  }
0x79: {  	[sflag:s29] =	ssyncset.done $0x0  }
0x7a: {  	s7 =	sadd.s32 $0x140, s25;
	[sflag:s29] =	ssyncadd.s32 $0xFFFFE000  }
0x7b: {  	[tilespmem:s26], [sflag:$0x3] =	stream.indirect.gather [hbm4b:s2+s22], $0x80, s7, s22, $0xb8;
	[tilespmem:$0x1EF80] =	vst v63  }
0x7c: {  	_ =	swait.ge [sflag:s28], $0x2000  }
0x7d: {  	p0 =	seq.s32 s4, $0x9900;
	[sflag:s28] =	ssyncset.done $0x0  }
.Ltmp3:
0x7e: {  	s7 =	sadd.s32 $0x28C0, s25;
	[sflag:s28] =	ssyncadd.s32 $0xFFFFE000;
	(pc) =	sbr.rel @p0 .LBB2_6-.Ltmp3, $4  }
0x7f: {  	[spmem:s3] =	stream.indirect.scatter.add.f32 [tilespmem:s23], [sflag:$0x5], $0x80, s7, s22, $0xb8;
	[tilespmem:$0x1EF80] =	vst v63  }
0x80: {  	_ =	swait.ge [sflag:s30], $0x2000  }
0x81: {  	[sflag:s30] =	ssyncset.done $0x0  }
0x82: {  	s6 =	sadd.s32 $0x2900, s25;
	[sflag:s30] =	ssyncadd.s32 $0xFFFFE000  }
0x83: {  	s7 =	sadd.s32 $0x180, s25  }
0x84: {  	[tilespmem:s19], [sflag:$0x1] =	stream.indirect.gather [hbm4b:s2+s22], $0x80, s7, s22, $0xb8;
	[tilespmem:$0x1EF80] =	vst v63  }
0x85: {  	_ =	swait.ge [sflag:s1], $0x2000  }
0x86: {  	[sflag:s1] =	ssyncset.done $0x0  }
0x87: {  	[sflag:s1] =	ssyncadd.s32 $0xFFFFE000  }
0x88: {  	[spmem:s3] =	stream.indirect.scatter.add.f32 [tilespmem:s26], [sflag:$0x6], $0x80, s6, s22, $0xb8;
	[tilespmem:$0x1EF80] =	vst v63  }
.Ltmp4:
0x89: {  	_ = 	snop;
	(pc) =	sbr.rel .LBB2_4-.Ltmp4, $4  }
0x8a: {  	_ =	swait.ge [sflag:s0], $0x2000  }
0x8b: {  	[sflag:s0] =	ssyncset.done $0x0  }
0x8c: {  	s25 =	sadd.s32 $0x1C0, s25;
	s4 =	sadd.s32 $0x300, s4;
	[sflag:s0] =	ssyncadd.s32 $0xFFFFE000  }
0x8d: {  	[tilespmem:s23], [sflag:$0x2] =	stream.indirect.gather [hbm4b:s2+s22], $0x80, s25, s22, $0xb8;
	[tilespmem:$0x1EF80] =	vst v63  }
.LBB2_7:
0x8e: {  	_ =	sfence.sel $0x180000  }
0x8f: {  	[bflag:$0x0] =	sbarrier.arrive $0xFFFF  }
0x90: {  	_ =	strace $0x9000004A  }
0x91: {  	s0 =	stileid.u32;
	[bflag:$0x2] =	sbarrier.arrive $0xFFFF  }
0x92: {  	p0 =	sne.s32 s0, $0x0;
	s0 =	rddreg [dreg:$0x3]  }
0x93: {  	s0 =	sadd.s32 @!p0 $0x100000, s0  }
0x94: {  	[sflag:s0] =	ssyncadd.tile.s32 @!p0 $0x1;
	_ =	shalt  }
.Lfunc_end2:
_tile_overlayer_lowered:
.L_overlay_start_2:
0x95: {  	(tag) =	ssettag $0x2  }
0x96: {  	s0 =	rddreg [dreg:$0x0];
	s2 =	stileid.u32  }
0x97: {  	s1 =	rddreg [dreg:$0x1];
	p0 =	sne.s32 s2, $0x0  }
0x98: {  	s3 =	rddreg [dreg:$0x2];
	[bflag:$0x3] =	sbarrier.arrive $0xFFFF;
	s2 =	simm.s32 @!p0 $0x1C07  }
0x99: {  	[timem:s3], [sflag:s2] =	dma.local @!p0 [hbm:s0], s1  }
0x9a: {  	s0 =	simm.s32 @!p0 $0x7  }
0x9b: {  	_ =	swait.ge @!p0 [sflag:s0], s1  }
0x9c: {  	s1 =	ssub.s32 @!p0 $0x0, s1;
	[sflag:s0] =	ssyncset.done @!p0 $0x0  }
0x9d: {  	[sflag:s0] =	ssyncadd.s32 @!p0 s1  }
0x9e: {  	[bflag:$0x3] =	sbarrier.arrive $0xFFFF  }
0x9f: {  	_ =	shalt  }

// kernel: kernel.14.cloned.1.call-start
scs
__scs_entry_jumppad:
0x0: {  	(pc) =	sbr.rel $0x88, $3  }
0x1: {  	(tag) =	ssettag $0x0;
	lr =	simm.s32 $0x1  }
0x2: {  	[smem:$0x3F9B] =	sst lr;
	_ =	strace $0xD0000000  }
0x3: {  	_ = 	snop  }
0x4: {  	_ = 	snop  }
0x5: {  	_ = 	snop  }
0x6: {  	_ = 	snop  }
0x7: {  	_ = 	snop  }
__scs_overlays_trampoline_lowered:
0x8: {  	[smem:$0x3FAA] =	sst s0  }
0x9: {  	[smem:$0x3FAB] =	sst s1  }
0xa: {  	[smem:$0x3FAC] =	sst s2  }
0xb: {  	[smem:$0x3FAD] =	sst s3  }
0xc: {  	[smem:$0x3FAE] =	sst s4  }
0xd: {  	[smem:$0x3FAF] =	sst s5  }
0xe: {  	[smem:$0x3FB0] =	sst s6  }
0xf: {  	[smem:$0x3FB1] =	sst s7  }
0x10: {  	[smem:$0x3FB2] =	sst s8  }
0x11: {  	[smem:$0x3FB3] =	sst s9;
	s0 =	simm.s32 @!p0 $0x0  }
0x12: {  	s1 =	sld [smem:$0x3F99];
	s0 =	simm.s32 @p0 $0x1  }
0x13: {  	[smem:$0x3FB4] =	sst s0;
	s0 =	simm.s32 @!p1 $0x0  }
0x14: {  	s2 =	sld [smem:$0x3F98];
	s0 =	simm.s32 @p1 $0x1  }
0x15: {  	[smem:$0x3FB5] =	sst s0;
	s0 =	simm.s32 @!p2 $0x0  }
0x16: {  	s3 =	sld [smem:$0x3FDB];
	s0 =	simm.s32 @p2 $0x1  }
0x17: {  	s4 =	simm.s32 $0x1BF5;
	[smem:$0x3FB7] =	sst s0  }
0x18: {  	s0 =	sld [smem:$0x3F9A];
	_ =	swait.ge [sflag:s4], $0x0  }
0x19: {  	s7 =	sld [smem:$0x3F9B]  }
0x1a: {  	s8 =	sadd.s32 $0xFFFFE003, lr  }
0x1b: {  	s9 =	sadd.s32 $0xFFFFFEF7, lr;
	s5 =	simm.s32 $0xFFFFFFFF;
	p2 =	slt.u32 s8, $0xFFFFF086  }
0x1c: {  	p1 =	slt.u32 s9, $0xF7A;
	s5 =	simm.s32 @!p2 $0x0  }
0x1d: {  	s5 =	simm.s32 @p1 $0x1;
	p0 =	seq.s32 s7, s2  }
0x1e: {  	s7 =	smul.u32 @!p0 $0xF7A, s2;
	p2 =	seq.s32 @!p0 s5, $0x0  }
0x1f: {  	s9 =	smul.u32 $0xF7A, s1;
	s8 =	simm.s32 @!p0 $0x1BF5;
	p2 =	por !p2, p0  }
0x20: {  	[sflag:s8] =	ssyncset.s32 @!p0 $0xFFFFF086;
	s6 =	sadd.s32 @!p0 s3, s7;
	s7 =	simm.s32 @!p0 $0x108  }
0x21: {  	s3 =	sadd.s32 s3, s9;
	s6 =	sadd.s32 @!p0 $0x88, s6;
	s7 =	simm.s32 @p2 $0x1082  }
0x22: {  	[simem:s7], [sflag:s8] =	dma.local @!p0 [hbm:s6], $0xF7A  }
0x23: {  	s9 =	sor.u32 $0xD0000000, s2;
	s6 =	simm.s32 $0x108;
	_ =	swait.ge @!p0 [sflag:s8], $0x0  }
0x24: {  	s3 =	sadd.s32 $0x88, s3;
	s6 =	simm.s32 @!p1 $0x1082;
	[sflag:s4] =	ssyncset.s32 $0xFFFFF086  }
0x25: {  	[simem:s6], [sflag:s4] =	dma.local [hbm:s3], $0xF7A  }
0x26: {  	[smem:$0x3F9B] =	sst s1;
	(tag) =	ssettag s2;
	_ =	strace s9  }
0x27: {  	s1 =	sld [smem:$0x3FAB]  }
0x28: {  	s2 =	sld [smem:$0x3FAC]  }
0x29: {  	s4 =	sld [smem:$0x3FAE]  }
0x2a: {  	p0 =	seq.s32 s5, $0x0;
	s5 =	sld [smem:$0x3FAF]  }
0x2b: {  	s6 =	sld [smem:$0x3FB0]  }
0x2c: {  	s7 =	sld [smem:$0x3FB1]  }
0x2d: {  	s3 =	simm.s32 $0x108;
	s8 =	sld [smem:$0x3FB2]  }
0x2e: {  	s3 =	simm.s32 @!p0 $0x1082;
	s9 =	sld [smem:$0x3FB3]  }
0x2f: {  	lr =	sadd.s32 s0, s3;
	s0 =	sld [smem:$0x3FAA]  }
0x30: {  	s3 =	sld [smem:$0x3FAD]  }
0x31: {  	[smem:$0x3FB6] =	sst s10  }
0x32: {  	s10 =	sld [smem:$0x3FB4];
	_ =	sdelay $0x3  }
0x33: {  	p0 =	seq.s32 s10, $0x1;
	s10 =	sld [smem:$0x3FB6];
	_ =	sdelay $0x3  }
0x34: {  	[smem:$0x3FB6] =	sst s10  }
0x35: {  	s10 =	sld [smem:$0x3FB5];
	_ =	sdelay $0x3  }
0x36: {  	p1 =	seq.s32 s10, $0x1;
	s10 =	sld [smem:$0x3FB6];
	_ =	sdelay $0x3  }
0x37: {  	[smem:$0x3FB6] =	sst s10  }
0x38: {  	s10 =	sld [smem:$0x3FB7]  }
0x39: {  	_ = 	snop;
	(pc) =	sbr.ind lr, $3  }
0x3a: {  	_ = 	snop  }
0x3b: {  	_ = 	snop  }
0x3c: {  	p2 =	seq.s32 s10, $0x1;
	s10 =	sld [smem:$0x3FB6]  }
0x3d: {  	_ =	shalt  }
0x3e: {  	_ =	shalt  }
0x3f: {  	_ =	shalt  }
0x40: {  	_ =	shalt  }
0x41: {  	_ =	shalt  }
0x42: {  	_ =	shalt  }
0x43: {  	_ =	shalt  }
0x44: {  	_ =	shalt  }
0x45: {  	_ =	shalt  }
0x46: {  	_ =	shalt  }
0x47: {  	_ =	shalt  }
0x48: {  	_ =	shalt  }
0x49: {  	_ =	shalt  }
0x4a: {  	_ =	shalt  }
0x4b: {  	_ =	shalt  }
0x4c: {  	_ =	shalt  }
0x4d: {  	_ =	shalt  }
0x4e: {  	_ =	shalt  }
0x4f: {  	_ =	shalt  }
0x50: {  	_ =	shalt  }
0x51: {  	_ =	shalt  }
0x52: {  	_ =	shalt  }
0x53: {  	_ =	shalt  }
0x54: {  	_ =	shalt  }
0x55: {  	_ =	shalt  }
0x56: {  	_ =	shalt  }
0x57: {  	_ =	shalt  }
0x58: {  	_ =	shalt  }
0x59: {  	_ =	shalt  }
0x5a: {  	_ =	shalt  }
0x5b: {  	_ =	shalt  }
0x5c: {  	_ =	shalt  }
0x5d: {  	_ =	shalt  }
0x5e: {  	_ =	shalt  }
0x5f: {  	_ =	shalt  }
0x60: {  	_ =	shalt  }
0x61: {  	_ =	shalt  }
0x62: {  	_ =	shalt  }
0x63: {  	_ =	shalt  }
0x64: {  	_ =	shalt  }
0x65: {  	_ =	shalt  }
0x66: {  	_ =	shalt  }
0x67: {  	_ =	shalt  }
0x68: {  	_ =	shalt  }
0x69: {  	_ =	shalt  }
0x6a: {  	_ =	shalt  }
0x6b: {  	_ =	shalt  }
0x6c: {  	_ =	shalt  }
0x6d: {  	_ =	shalt  }
0x6e: {  	_ =	shalt  }
0x6f: {  	_ =	shalt  }
0x70: {  	_ =	shalt  }
0x71: {  	_ =	shalt  }
0x72: {  	_ =	shalt  }
0x73: {  	_ =	shalt  }
0x74: {  	_ =	shalt  }
0x75: {  	_ =	shalt  }
0x76: {  	_ =	shalt  }
0x77: {  	_ =	shalt  }
0x78: {  	_ =	shalt  }
0x79: {  	_ =	shalt  }
0x7a: {  	_ =	shalt  }
0x7b: {  	_ =	shalt  }
0x7c: {  	_ =	shalt  }
0x7d: {  	_ =	shalt  }
0x7e: {  	_ =	shalt  }
0x7f: {  	_ =	shalt  }
0x80: {  	_ =	shalt  }
0x81: {  	_ =	shalt  }
0x82: {  	_ =	shalt  }
0x83: {  	_ =	shalt  }
0x84: {  	_ =	shalt  }
0x85: {  	_ =	shalt  }
0x86: {  	_ =	shalt  }
0x87: {  	_ =	shalt  }
.Lfunc_end0:
.L_simem_size_0:
called_computation.2_lowered:
.L_overlay_start_0:
0x88: {  	s2 =	sld [smem:$0x3FD9]  }
0x89: {  	s3 =	sld [smem:$0x3FFE];
	_ =	sdelay $0x1  }
0x8a: {  	s1 =	srdreg.scid  }
0x8b: {  	s0 =	sand.u32 $0x1, s1  }
0x8c: {  	s17 =	sshll.u32 s0, $0xA;
	s2 =	sadd.s32 s3, s2  }
0x8d: {  	s2 =	sadd.s32 s2, s17  }
0x8e: {  	[smem:$0x3FC2] =	sst s2  }
0x8f: {  	_ = 	snop  }
0x90: {  	s2 =	sld [smem:$0x3FD0];
	(tm) =	ssettm $0x1  }
0x91: {  	s18 =	sld [smem:$0x3FFB];
	_ =	sdelay $0x3  }
0x92: {  	_ =	strace s18  }
0x93: {  	s3 =	sld [smem:$0x3FFC];
	_ =	sdelay $0x3  }
0x94: {  	_ =	strace s3  }
0x95: {  	s3 =	sld [smem:$0x3FFD];
	_ =	sdelay $0x3  }
0x96: {  	_ =	strace s3  }
0x97: {  	_ =	strace $0x8FFFFFFF  }
0x98: {  	s19 =	sld [smem:$0x3FDB];
	_ =	sdelay $0x1  }
0x99: {  	s4 =	simm.s32 $_scs_section_size  }
0x9a: {  	s5 =	simm.s32 $_size__tile_overlayer_lowered;
	s6 =	simm.s32 $_tile_overlayer_lowered  }
0x9b: {  	s22 =	simm.s32 $0x1BFF;
	s21 =	sshll.u32 s6, $0x1;
	s3 =	sadd.s32 s4, s19  }
0x9c: {  	s7 =	simm.s32 $0x0;
	s20 =	sshll.u32 s5, $0x1;
	s5 =	sadd.s32 s21, s3  }
0x9d: {  	[timem:s7], [sflag:s22] =	dma.local [hbm:s5], s20  }
0x9e: {  	_ =	swait.ge [sflag:s22], s20  }
0x9f: {  	s4 =	ssub.s32 $0x0, s20;
	[sflag:s22] =	ssyncset.done $0x0  }
0xa0: {  	[sflag:s22] =	ssyncadd.s32 s4;
	_ =	sdelay $0x1  }
0xa1: {  	s23 =	simm.s32 $0x1B8B  }
0xa2: {  	_ =	swait.ge [sflag:s23], $0x1  }
0xa3: {  	[sflag:s23] =	ssyncset.done $0x0  }
0xa4: {  	s25 =	simm.s32 $0x1B8E;
	s24 =	sld [smem:$0x3FFE];
	[sflag:s23] =	ssyncadd.s32 $0xFFFFFFFF  }
0xa5: {  	s26 =	simm.s32 $execute0_lowered;
	[smem:$0x3FD2] =	sst s25  }
0xa6: {  	s5 =	sshll.u32 s26, $0x1;
	_ =	strace $0x8000004C;
	[dreg:$0x1] =	wrdreg $0xFFFFFFFF  }
0xa7: {  	s28 =	simm.s32 $_size_execute0_lowered;
	s3 =	sadd.s32 s3, s5;
	[dreg:$0x0] =	wrdreg $0x0  }
0xa8: {  	s5 =	sshll.u32 s28, $0x1;
	[dreg:$0x2] =	wrdreg s3  }
0xa9: {  	[dreg:$0x3] =	wrdreg s5  }
0xaa: {  	[dreg:$0x4] =	wrdreg $0xC0  }
0xab: {  	_ =	task [dreg:s7], $0x5FFFF  }
0xac: {  	[dreg:$0x1] =	wrdreg $0xFFFFFFFF  }
0xad: {  	[dreg:$0x0] =	wrdreg $0x60  }
0xae: {  	[dreg:$0x2] =	wrdreg s2  }
0xaf: {  	[dreg:$0x3] =	wrdreg s24  }
0xb0: {  	[dreg:$0x4] =	wrdreg $0xAF800  }
0xb1: {  	[dreg:$0x5] =	wrdreg $0x9  }
0xb2: {  	_ =	task.clear_ibuf [dreg:s7], $0x6FFFF;
	_ =	strace $0x9000004C  }
0xb3: {  	s29 =	simm.s32 $0x9;
	_ =	strace $0x8000004E  }
0xb4: {  	_ =	swait.ge [sflag:s29], $0x1  }
0xb5: {  	[sflag:s29] =	ssyncadd.s32 $0xFFFFFFFF  }
0xb6: {  	_ =	strace $0x9000004E  }
0xb7: {  	_ =	sfence  }
0xb8: {  	s30 =	sld [smem:$0x0];
	_ =	sdelay $0x2  }
0xb9: {  	s31 =	sshll.u32 s1, $0xD;
	s1 =	sshrl.u32 s1, $0x2  }
0xba: {  	s3 =	sand.u32 $0x4000, s31;
	s1 =	sadd.s32 s1, s30  }
0xbb: {  	s0 =	sor.u32 s3, s0;
	s1 =	sshll.u32 s1, $0x11  }
0xbc: {  	s0 =	sor.u32 s1, s0  }
0xbd: {  	s0 =	sadd.s32 $0x8F2B, s0  }
0xbe: {  	[sflag:s0] =	ssyncadd.remote.s32 $0x1  }
0xbf: {  	_ =	sfence.sel $0xFFFF  }
0xc0: {  	[dreg:$0x0] =	wrdreg $0xFFFFFFFF;
	(pc) =	sbr.abs _section_cstart, $3  }
0xc1: {  	[dreg:$0x1] =	wrdreg $0xFFFFFFFF  }
0xc2: {  	_ =	task.clear_ibuf [dreg:s7], $0x2FFFF;
	_ =	strace $0x9FFFFFFF  }
0xc3: {  	(tm) =	ssettm $0x7FFFFFFF  }
tec
execute0_lowered:
.L_overlay_start_1:
0x0: {  	(tag) =	ssettag $0x1  }
0x1: {  	s2 =	rddreg [dreg:$0x0]  }
0x2: {  	s0 =	srdreg.scid;
	s4 =	rddreg [dreg:$0x1]  }
0x3: {  	s7 =	stileid.u32;
	s3 =	rddreg [dreg:$0x2];
	s8 =	simm.s32 $0x0  }
0x4: {  	s19 =	simm.s32 $0x4F80;
	s20 =	simm.s32 $0x7;
	s21 =	simm.s32 $0x27C0  }
0x5: {  	s22 =	simm.s32 $0x40;
	s23 =	simm.s32 $0x6F80;
	s28 =	simm.s32 $0x2  }
0x6: {  	s30 =	simm.s32 $0x4;
	s29 =	simm.s32 $0x6;
	s31 =	simm.s32 $0x0  }
0x7: {  	s0 =	sand.u32 $0x1, s0;
	s1 =	sshll.u32 s7, $0x1;
	s5 =	smul.u32 $0x14000, s7  }
0x8: {  	[smem:$0x7FF] =	sst s8;
	s7 =	smul.u32 $0x50000, s7;
	s1 =	sor.u32 s0, s1  }
0x9: {  	s6 =	smul.u32 $0x140000, s0;
	_ =	strace $0x8000004D;
	s0 =	ssub.s32 $0x2, s0  }
0xa: {  	s1 =	smul.u32 $0x4F8, s1;
	s7 =	sshrl.u32 s7, $0x2;
	s24 =	sshrl.u32 s0, $0x1  }
0xb: {  	s6 =	sadd.s32 s5, s6;
	s14 =	sadd.s32 s7, s3;
	s0 =	ssub.s32 s0, s24  }
0xc: {  	s5 =	sadd.s32 s5, s3;
	s24 =	simm.s32 $0x1;
	s1 =	sadd.s32 s1, s4  }
0xd: {  	s6 =	sshrl.u32 s6, $0x3;
	s25 =	sadd.s32 $0x2000, s14;
	s26 =	sadd.s32 $0x4000, s14  }
0xe: {  	s8 =	sadd.s32 $0x6000, s14;
	s9 =	sadd.s32 $0x8000, s14;
	s10 =	sadd.s32 $0xA000, s14  }
.Ltmp0:
0xf: {  	s11 =	sadd.s32 $0xC000, s14;
	s12 =	sadd.s32 $0xE000, s14;
	(pc) =	sbr.rel .LBB2_1-.Ltmp0, $4  }
0x10: {  	s13 =	sadd.s32 $0x10000, s14;
	s14 =	sadd.s32 $0x12000, s14;
	s18 =	smax.u32 s0, $0x1  }
0x11: {  	s0 =	simm.s32 $0x5;
	s4 =	sadd.s32 s6, s4;
	[dreg:$0x4] =	wrdreg s25  }
0x12: {  	[dreg:$0x5] =	wrdreg s26;
	s15 =	sadd.s32 $0x3400, s1;
	s16 =	sadd.s32 $0xD400, s1  }
0x13: {  	v0 =	vimm.f32 $0.0e+00;
	s26 =	simm.s32 $0x8F80;
	s1 =	simm.s32 $0x3;
	s17 =	sadd.s32 $0x17400, s4  }
.LBB2_6:
0x14: {  	_ =	swait.ge [sflag:s1], $0x2000  }
0x15: {  	[sflag:s1] =	ssyncset.done $0x0  }
0x16: {  	[sflag:s1] =	ssyncadd.s32 $0xFFFFE000  }
0x17: {  	[spmem:s3] =	stream.indirect.scatter.add.f32 [tilespmem:s26], [sflag:$0x6], $0x80, s6, s22, $0xb8;
	[tilespmem:$0x1EF80] =	vst v63  }
0x18: {  	_ =	swait.ge [sflag:s0], $0x2000  }
0x19: {  	[sflag:s0] =	ssyncset.done $0x0  }
0x1a: {  	[sflag:s0] =	ssyncadd.s32 $0xFFFFE000  }
0x1b: {  	s4 =	stileid.u32;
	_ =	swait.ge [sflag:s29], $0x2000  }
0x1c: {  	s25 =	sshrl.u32 s5, $0x3;
	s31 =	sadd.s32 $0x1, s31;
	[sflag:s29] =	ssyncset.done $0x0  }
0x1d: {  	s4 =	sshll.u32 s4, $0x6;
	p0 =	sne.s32 s31, s18;
	[sflag:s29] =	ssyncadd.s32 $0xFFFFE000  }
.Ltmp1:
0x1e: {  	s4 =	sor.u32 $0x1C07, s4;
	[bflag:$0x0] =	sbarrier.arrive $0xFFFF;
	(pc) =	sbr.rel @!p0 .LBB2_7-.Ltmp1, $4  }
0x1f: {  	[hbm:s17], [sflag:s4] =	dma.local [spmem:s25], $0x2800  }
0x20: {  	_ =	swait.ge [sflag:s20], $0x2800  }
0x21: {  	[sflag:s20] =	ssyncset.done $0x0  }
0x22: {  	[sflag:s20] =	ssyncadd.s32 $0xFFFFD800  }
.LBB2_1:
0x23: {  	s6 =	simm.s32 $0x0  }
0x24: {  	s4 =	simm.s32 $0x10;
	s6 =	sand.u32 $0x1FF0, s6  }
.LBB2_2:
0x25: {  	p0 =	sne.s32 s4, $0x1FF0;
	[tilespmem:s6+$0x4F80] =	vst v0;
	s6 =	smov.u32 s4;
	s4 =	sadd.s32 $0x10, s4  }
.Ltmp2:
0x26: {  	(pc) =	sbr.rel @p0 .LBB2_2-.Ltmp2, $2  }
0x27: {  	_ =	sdelay $0x2  }
0x28: {  	s6 =	sand.u32 $0x1FF0, s6  }
0x29: {  	[tilespmem:s6+$0x4F80] =	vst v0  }
0x2a: {  	[spmem:s5] =	stream.linear.scatter [tilespmem:s19], [sflag:$0x7], $0x2000, $0x38;
	[tilespmem:$0x1EF80] =	vst v63  }
0x2b: {  	_ =	swait.ge [sflag:s20], $0x2000  }
0x2c: {  	[sflag:s20] =	ssyncset.done $0x0  }
0x2d: {  	s4 =	rddreg [dreg:$0x4];
	[sflag:s20] =	ssyncadd.s32 $0xFFFFE000  }
0x2e: {  	[spmem:s4] =	stream.linear.scatter [tilespmem:s19], [sflag:$0x7], $0x2000, $0x38;
	[tilespmem:$0x1EF80] =	vst v63  }
0x2f: {  	_ =	swait.ge [sflag:s20], $0x2000  }
0x30: {  	[sflag:s20] =	ssyncset.done $0x0  }
0x31: {  	s7 =	rddreg [dreg:$0x5];
	[sflag:s20] =	ssyncadd.s32 $0xFFFFE000  }
0x32: {  	[spmem:s7] =	stream.linear.scatter [tilespmem:s19], [sflag:$0x7], $0x2000, $0x38;
	[tilespmem:$0x1EF80] =	vst v63  }
0x33: {  	_ =	swait.ge [sflag:s20], $0x2000  }
0x34: {  	[sflag:s20] =	ssyncset.done $0x0  }
0x35: {  	[sflag:s20] =	ssyncadd.s32 $0xFFFFE000  }
0x36: {  	[spmem:s8] =	stream.linear.scatter [tilespmem:s19], [sflag:$0x7], $0x2000, $0x38;
	[tilespmem:$0x1EF80] =	vst v63  }
0x37: {  	_ =	swait.ge [sflag:s20], $0x2000  }
0x38: {  	[sflag:s20] =	ssyncset.done $0x0  }
0x39: {  	[sflag:s20] =	ssyncadd.s32 $0xFFFFE000  }
0x3a: {  	[spmem:s9] =	stream.linear.scatter [tilespmem:s19], [sflag:$0x7], $0x2000, $0x38;
	[tilespmem:$0x1EF80] =	vst v63  }
0x3b: {  	_ =	swait.ge [sflag:s20], $0x2000  }
0x3c: {  	[sflag:s20] =	ssyncset.done $0x0  }
0x3d: {  	[sflag:s20] =	ssyncadd.s32 $0xFFFFE000  }
0x3e: {  	[spmem:s10] =	stream.linear.scatter [tilespmem:s19], [sflag:$0x7], $0x2000, $0x38;
	[tilespmem:$0x1EF80] =	vst v63  }
0x3f: {  	_ =	swait.ge [sflag:s20], $0x2000  }
0x40: {  	[sflag:s20] =	ssyncset.done $0x0  }
0x41: {  	[sflag:s20] =	ssyncadd.s32 $0xFFFFE000  }
0x42: {  	[spmem:s11] =	stream.linear.scatter [tilespmem:s19], [sflag:$0x7], $0x2000, $0x38;
	[tilespmem:$0x1EF80] =	vst v63  }
0x43: {  	_ =	swait.ge [sflag:s20], $0x2000  }
0x44: {  	[sflag:s20] =	ssyncset.done $0x0  }
0x45: {  	[sflag:s20] =	ssyncadd.s32 $0xFFFFE000  }
0x46: {  	[spmem:s12] =	stream.linear.scatter [tilespmem:s19], [sflag:$0x7], $0x2000, $0x38;
	[tilespmem:$0x1EF80] =	vst v63  }
0x47: {  	_ =	swait.ge [sflag:s20], $0x2000  }
0x48: {  	[sflag:s20] =	ssyncset.done $0x0  }
0x49: {  	[sflag:s20] =	ssyncadd.s32 $0xFFFFE000  }
0x4a: {  	[spmem:s13] =	stream.linear.scatter [tilespmem:s19], [sflag:$0x7], $0x2000, $0x38;
	[tilespmem:$0x1EF80] =	vst v63  }
0x4b: {  	_ =	swait.ge [sflag:s20], $0x2000  }
0x4c: {  	[sflag:s20] =	ssyncset.done $0x0  }
0x4d: {  	[sflag:s20] =	ssyncadd.s32 $0xFFFFE000  }
0x4e: {  	[spmem:s14] =	stream.linear.scatter [tilespmem:s19], [sflag:$0x7], $0x2000, $0x38;
	[tilespmem:$0x1EF80] =	vst v63  }
0x4f: {  	_ =	swait.ge [sflag:s20], $0x2000  }
0x50: {  	[sflag:s20] =	ssyncset.done $0x0  }
0x51: {  	s4 =	simm.s32 $0x0;
	[sflag:s20] =	ssyncadd.s32 $0xFFFFE000  }
0x52: {  	[tilespmem:s4], [sflag:$0x7] =	stream.linear.gather [hbm4b:s15+s4], $0x27C0, $0x38;
	[tilespmem:$0x1EF80] =	vst v63  }
0x53: {  	_ =	swait.ge [sflag:s20], $0x27C0  }
0x54: {  	[sflag:s20] =	ssyncset.done $0x0  }
0x55: {  	[sflag:s20] =	ssyncadd.s32 $0xFFFFD840  }
0x56: {  	[tilespmem:s21], [sflag:$0x7] =	stream.linear.gather [hbm4b:s16+s4], $0x27C0, $0x38;
	[tilespmem:$0x1EF80] =	vst v63  }
0x57: {  	_ =	swait.ge [sflag:s20], $0x27C0  }
0x58: {  	[sflag:s20] =	ssyncset.done $0x0  }
0x59: {  	[sflag:s20] =	ssyncadd.s32 $0xFFFFD840  }
0x5a: {  	[bflag:$0x0] =	sbarrier.arrive $0xFFFF  }
0x5b: {  	[tilespmem:s19], [sflag:$0x1] =	stream.indirect.gather [hbm4b:s2+s22], $0x80, s4, s22, $0xb8;
	[tilespmem:$0x1EF80] =	vst v63  }
0x5c: {  	_ = 	snop  }
0x5d: {  	[tilespmem:s23], [sflag:$0x2] =	stream.indirect.gather [hbm4b:s2+s22], $0x80, s22, s22, $0xb8;
	[tilespmem:$0x1EF80] =	vst v63  }
0x5e: {  	_ =	swait.ge [sflag:s24], $0x2000  }
0x5f: {  	[sflag:s24] =	ssyncset.done $0x0  }
0x60: {  	[sflag:s24] =	ssyncadd.s32 $0xFFFFE000  }
0x61: {  	[spmem:s3] =	stream.indirect.scatter.add.f32 [tilespmem:s19], [sflag:$0x4], $0x80, s21, s22, $0xb8;
	[tilespmem:$0x1EF80] =	vst v63  }
0x62: {  	s25 =	simm.s32 $0x80  }
0x63: {  	[tilespmem:s26], [sflag:$0x3] =	stream.indirect.gather [hbm4b:s2+s22], $0x80, s25, s22, $0xb8;
	[tilespmem:$0x1EF80] =	vst v63  }
0x64: {  	_ =	swait.ge [sflag:s28], $0x2000  }
0x65: {  	[sflag:s28] =	ssyncset.done $0x0  }
0x66: {  	s7 =	simm.s32 $0x2800;
	[sflag:s28] =	ssyncadd.s32 $0xFFFFE000  }
0x67: {  	[spmem:s3] =	stream.indirect.scatter.add.f32 [tilespmem:s23], [sflag:$0x5], $0x80, s7, s22, $0xb8;
	[tilespmem:$0x1EF80] =	vst v63  }
0x68: {  	_ =	swait.ge [sflag:s30], $0x2000  }
0x69: {  	[sflag:s30] =	ssyncset.done $0x0  }
0x6a: {  	s25 =	simm.s32 $0xC0;
	[sflag:s30] =	ssyncadd.s32 $0xFFFFE000  }
0x6b: {  	[tilespmem:s19], [sflag:$0x1] =	stream.indirect.gather [hbm4b:s2+s22], $0x80, s25, s22, $0xb8;
	[tilespmem:$0x1EF80] =	vst v63  }
0x6c: {  	_ =	swait.ge [sflag:s1], $0x2000  }
0x6d: {  	[sflag:s1] =	ssyncset.done $0x0  }
0x6e: {  	s7 =	simm.s32 $0x2840;
	[sflag:s1] =	ssyncadd.s32 $0xFFFFE000  }
0x6f: {  	[spmem:s3] =	stream.indirect.scatter.add.f32 [tilespmem:s26], [sflag:$0x6], $0x80, s7, s22, $0xb8;
	[tilespmem:$0x1EF80] =	vst v63  }
0x70: {  	_ =	swait.ge [sflag:s0], $0x2000  }
0x71: {  	[sflag:s0] =	ssyncset.done $0x0  }
0x72: {  	s25 =	simm.s32 $0x100;
	[sflag:s0] =	ssyncadd.s32 $0xFFFFE000  }
0x73: {  	[tilespmem:s23], [sflag:$0x2] =	stream.indirect.gather [hbm4b:s2+s22], $0x80, s25, s22, $0xb8;
	[tilespmem:$0x1EF80] =	vst v63  }
.LBB2_4:
0x74: {  	_ =	swait.ge [sflag:s24], $0x2000  }
0x75: {  	s25 =	sshra.s32 s4, $0x2;
	[sflag:s24] =	ssyncset.done $0x0  }
0x76: {  	s6 =	sadd.s32 $0x2880, s25;
	[sflag:s24] =	ssyncadd.s32 $0xFFFFE000  }
0x77: {  	[spmem:s3] =	stream.indirect.scatter.add.f32 [tilespmem:s19], [sflag:$0x4], $0x80, s6, s22, $0xb8;
	[tilespmem:$0x1EF80] =	vst v63  }
0x78: {  	_ =	swait.ge [sflag:s29], $0x2000  }
0x79: {  	[sflag:s29] =	ssyncset.done $0x0  }
0x7a: {  	s7 =	sadd.s32 $0x140, s25;
	[sflag:s29] =	ssyncadd.s32 $0xFFFFE000  }
0x7b: {  	[tilespmem:s26], [sflag:$0x3] =	stream.indirect.gather [hbm4b:s2+s22], $0x80, s7, s22, $0xb8;
	[tilespmem:$0x1EF80] =	vst v63  }
0x7c: {  	_ =	swait.ge [sflag:s28], $0x2000  }
0x7d: {  	p0 =	seq.s32 s4, $0x9900;
	[sflag:s28] =	ssyncset.done $0x0  }
.Ltmp3:
0x7e: {  	s7 =	sadd.s32 $0x28C0, s25;
	[sflag:s28] =	ssyncadd.s32 $0xFFFFE000;
	(pc) =	sbr.rel @p0 .LBB2_6-.Ltmp3, $4  }
0x7f: {  	[spmem:s3] =	stream.indirect.scatter.add.f32 [tilespmem:s23], [sflag:$0x5], $0x80, s7, s22, $0xb8;
	[tilespmem:$0x1EF80] =	vst v63  }
0x80: {  	_ =	swait.ge [sflag:s30], $0x2000  }
0x81: {  	[sflag:s30] =	ssyncset.done $0x0  }
0x82: {  	s6 =	sadd.s32 $0x2900, s25;
	[sflag:s30] =	ssyncadd.s32 $0xFFFFE000  }
0x83: {  	s7 =	sadd.s32 $0x180, s25  }
0x84: {  	[tilespmem:s19], [sflag:$0x1] =	stream.indirect.gather [hbm4b:s2+s22], $0x80, s7, s22, $0xb8;
	[tilespmem:$0x1EF80] =	vst v63  }
0x85: {  	_ =	swait.ge [sflag:s1], $0x2000  }
0x86: {  	[sflag:s1] =	ssyncset.done $0x0  }
0x87: {  	[sflag:s1] =	ssyncadd.s32 $0xFFFFE000  }
0x88: {  	[spmem:s3] =	stream.indirect.scatter.add.f32 [tilespmem:s26], [sflag:$0x6], $0x80, s6, s22, $0xb8;
	[tilespmem:$0x1EF80] =	vst v63  }
.Ltmp4:
0x89: {  	_ = 	snop;
	(pc) =	sbr.rel .LBB2_4-.Ltmp4, $4  }
0x8a: {  	_ =	swait.ge [sflag:s0], $0x2000  }
0x8b: {  	[sflag:s0] =	ssyncset.done $0x0  }
0x8c: {  	s25 =	sadd.s32 $0x1C0, s25;
	s4 =	sadd.s32 $0x300, s4;
	[sflag:s0] =	ssyncadd.s32 $0xFFFFE000  }
0x8d: {  	[tilespmem:s23], [sflag:$0x2] =	stream.indirect.gather [hbm4b:s2+s22], $0x80, s25, s22, $0xb8;
	[tilespmem:$0x1EF80] =	vst v63  }
.LBB2_7:
0x8e: {  	_ =	sfence.sel $0x180000  }
0x8f: {  	[bflag:$0x0] =	sbarrier.arrive $0xFFFF  }
0x90: {  	_ =	strace $0x9000004D  }
0x91: {  	s0 =	stileid.u32;
	[bflag:$0x2] =	sbarrier.arrive $0xFFFF  }
0x92: {  	p0 =	sne.s32 s0, $0x0;
	s0 =	rddreg [dreg:$0x3]  }
0x93: {  	s0 =	sadd.s32 @!p0 $0x100000, s0  }
0x94: {  	[sflag:s0] =	ssyncadd.tile.s32 @!p0 $0x1;
	_ =	shalt  }
.Lfunc_end2:
_tile_overlayer_lowered:
.L_overlay_start_2:
0x95: {  	(tag) =	ssettag $0x2  }
0x96: {  	s0 =	rddreg [dreg:$0x0];
	s2 =	stileid.u32  }
0x97: {  	s1 =	rddreg [dreg:$0x1];
	p0 =	sne.s32 s2, $0x0  }
0x98: {  	s3 =	rddreg [dreg:$0x2];
	[bflag:$0x3] =	sbarrier.arrive $0xFFFF;
	s2 =	simm.s32 @!p0 $0x1C07  }
0x99: {  	[timem:s3], [sflag:s2] =	dma.local @!p0 [hbm:s0], s1  }
0x9a: {  	s0 =	simm.s32 @!p0 $0x7  }
0x9b: {  	_ =	swait.ge @!p0 [sflag:s0], s1  }
0x9c: {  	s1 =	ssub.s32 @!p0 $0x0, s1;
	[sflag:s0] =	ssyncset.done @!p0 $0x0  }
0x9d: {  	[sflag:s0] =	ssyncadd.s32 @!p0 s1  }
0x9e: {  	[bflag:$0x3] =	sbarrier.arrive $0xFFFF  }
0x9f: {  	_ =	shalt  }

// kernel: kernel.8.cloned.1.call-start
scs
__scs_entry_jumppad:
0x0: {  	(pc) =	sbr.rel $0x88, $3  }
0x1: {  	(tag) =	ssettag $0x0;
	lr =	simm.s32 $0x1  }
0x2: {  	[smem:$0x3F9B] =	sst lr;
	_ =	strace $0xD0000000  }
0x3: {  	_ = 	snop  }
0x4: {  	_ = 	snop  }
0x5: {  	_ = 	snop  }
0x6: {  	_ = 	snop  }
0x7: {  	_ = 	snop  }
__scs_overlays_trampoline_lowered:
0x8: {  	[smem:$0x3FAA] =	sst s0  }
0x9: {  	[smem:$0x3FAB] =	sst s1  }
0xa: {  	[smem:$0x3FAC] =	sst s2  }
0xb: {  	[smem:$0x3FAD] =	sst s3  }
0xc: {  	[smem:$0x3FAE] =	sst s4  }
0xd: {  	[smem:$0x3FAF] =	sst s5  }
0xe: {  	[smem:$0x3FB0] =	sst s6  }
0xf: {  	[smem:$0x3FB1] =	sst s7  }
0x10: {  	[smem:$0x3FB2] =	sst s8  }
0x11: {  	[smem:$0x3FB3] =	sst s9;
	s0 =	simm.s32 @!p0 $0x0  }
0x12: {  	s1 =	sld [smem:$0x3F99];
	s0 =	simm.s32 @p0 $0x1  }
0x13: {  	[smem:$0x3FB4] =	sst s0;
	s0 =	simm.s32 @!p1 $0x0  }
0x14: {  	s2 =	sld [smem:$0x3F98];
	s0 =	simm.s32 @p1 $0x1  }
0x15: {  	[smem:$0x3FB5] =	sst s0;
	s0 =	simm.s32 @!p2 $0x0  }
0x16: {  	s3 =	sld [smem:$0x3FDB];
	s0 =	simm.s32 @p2 $0x1  }
0x17: {  	s4 =	simm.s32 $0x1BF5;
	[smem:$0x3FB7] =	sst s0  }
0x18: {  	s0 =	sld [smem:$0x3F9A];
	_ =	swait.ge [sflag:s4], $0x0  }
0x19: {  	s7 =	sld [smem:$0x3F9B]  }
0x1a: {  	s8 =	sadd.s32 $0xFFFFE003, lr  }
0x1b: {  	s9 =	sadd.s32 $0xFFFFFEF7, lr;
	s5 =	simm.s32 $0xFFFFFFFF;
	p2 =	slt.u32 s8, $0xFFFFF086  }
0x1c: {  	p1 =	slt.u32 s9, $0xF7A;
	s5 =	simm.s32 @!p2 $0x0  }
0x1d: {  	s5 =	simm.s32 @p1 $0x1;
	p0 =	seq.s32 s7, s2  }
0x1e: {  	s7 =	smul.u32 @!p0 $0xF7A, s2;
	p2 =	seq.s32 @!p0 s5, $0x0  }
0x1f: {  	s9 =	smul.u32 $0xF7A, s1;
	s8 =	simm.s32 @!p0 $0x1BF5;
	p2 =	por !p2, p0  }
0x20: {  	[sflag:s8] =	ssyncset.s32 @!p0 $0xFFFFF086;
	s6 =	sadd.s32 @!p0 s3, s7;
	s7 =	simm.s32 @!p0 $0x108  }
0x21: {  	s3 =	sadd.s32 s3, s9;
	s6 =	sadd.s32 @!p0 $0x88, s6;
	s7 =	simm.s32 @p2 $0x1082  }
0x22: {  	[simem:s7], [sflag:s8] =	dma.local @!p0 [hbm:s6], $0xF7A  }
0x23: {  	s9 =	sor.u32 $0xD0000000, s2;
	s6 =	simm.s32 $0x108;
	_ =	swait.ge @!p0 [sflag:s8], $0x0  }
0x24: {  	s3 =	sadd.s32 $0x88, s3;
	s6 =	simm.s32 @!p1 $0x1082;
	[sflag:s4] =	ssyncset.s32 $0xFFFFF086  }
0x25: {  	[simem:s6], [sflag:s4] =	dma.local [hbm:s3], $0xF7A  }
0x26: {  	[smem:$0x3F9B] =	sst s1;
	(tag) =	ssettag s2;
	_ =	strace s9  }
0x27: {  	s1 =	sld [smem:$0x3FAB]  }
0x28: {  	s2 =	sld [smem:$0x3FAC]  }
0x29: {  	s4 =	sld [smem:$0x3FAE]  }
0x2a: {  	p0 =	seq.s32 s5, $0x0;
	s5 =	sld [smem:$0x3FAF]  }
0x2b: {  	s6 =	sld [smem:$0x3FB0]  }
0x2c: {  	s7 =	sld [smem:$0x3FB1]  }
0x2d: {  	s3 =	simm.s32 $0x108;
	s8 =	sld [smem:$0x3FB2]  }
0x2e: {  	s3 =	simm.s32 @!p0 $0x1082;
	s9 =	sld [smem:$0x3FB3]  }
0x2f: {  	lr =	sadd.s32 s0, s3;
	s0 =	sld [smem:$0x3FAA]  }
0x30: {  	s3 =	sld [smem:$0x3FAD]  }
0x31: {  	[smem:$0x3FB6] =	sst s10  }
0x32: {  	s10 =	sld [smem:$0x3FB4];
	_ =	sdelay $0x3  }
0x33: {  	p0 =	seq.s32 s10, $0x1;
	s10 =	sld [smem:$0x3FB6];
	_ =	sdelay $0x3  }
0x34: {  	[smem:$0x3FB6] =	sst s10  }
0x35: {  	s10 =	sld [smem:$0x3FB5];
	_ =	sdelay $0x3  }
0x36: {  	p1 =	seq.s32 s10, $0x1;
	s10 =	sld [smem:$0x3FB6];
	_ =	sdelay $0x3  }
0x37: {  	[smem:$0x3FB6] =	sst s10  }
0x38: {  	s10 =	sld [smem:$0x3FB7]  }
0x39: {  	_ = 	snop;
	(pc) =	sbr.ind lr, $3  }
0x3a: {  	_ = 	snop  }
0x3b: {  	_ = 	snop  }
0x3c: {  	p2 =	seq.s32 s10, $0x1;
	s10 =	sld [smem:$0x3FB6]  }
0x3d: {  	_ =	shalt  }
0x3e: {  	_ =	shalt  }
0x3f: {  	_ =	shalt  }
0x40: {  	_ =	shalt  }
0x41: {  	_ =	shalt  }
0x42: {  	_ =	shalt  }
0x43: {  	_ =	shalt  }
0x44: {  	_ =	shalt  }
0x45: {  	_ =	shalt  }
0x46: {  	_ =	shalt  }
0x47: {  	_ =	shalt  }
0x48: {  	_ =	shalt  }
0x49: {  	_ =	shalt  }
0x4a: {  	_ =	shalt  }
0x4b: {  	_ =	shalt  }
0x4c: {  	_ =	shalt  }
0x4d: {  	_ =	shalt  }
0x4e: {  	_ =	shalt  }
0x4f: {  	_ =	shalt  }
0x50: {  	_ =	shalt  }
0x51: {  	_ =	shalt  }
0x52: {  	_ =	shalt  }
0x53: {  	_ =	shalt  }
0x54: {  	_ =	shalt  }
0x55: {  	_ =	shalt  }
0x56: {  	_ =	shalt  }
0x57: {  	_ =	shalt  }
0x58: {  	_ =	shalt  }
0x59: {  	_ =	shalt  }
0x5a: {  	_ =	shalt  }
0x5b: {  	_ =	shalt  }
0x5c: {  	_ =	shalt  }
0x5d: {  	_ =	shalt  }
0x5e: {  	_ =	shalt  }
0x5f: {  	_ =	shalt  }
0x60: {  	_ =	shalt  }
0x61: {  	_ =	shalt  }
0x62: {  	_ =	shalt  }
0x63: {  	_ =	shalt  }
0x64: {  	_ =	shalt  }
0x65: {  	_ =	shalt  }
0x66: {  	_ =	shalt  }
0x67: {  	_ =	shalt  }
0x68: {  	_ =	shalt  }
0x69: {  	_ =	shalt  }
0x6a: {  	_ =	shalt  }
0x6b: {  	_ =	shalt  }
0x6c: {  	_ =	shalt  }
0x6d: {  	_ =	shalt  }
0x6e: {  	_ =	shalt  }
0x6f: {  	_ =	shalt  }
0x70: {  	_ =	shalt  }
0x71: {  	_ =	shalt  }
0x72: {  	_ =	shalt  }
0x73: {  	_ =	shalt  }
0x74: {  	_ =	shalt  }
0x75: {  	_ =	shalt  }
0x76: {  	_ =	shalt  }
0x77: {  	_ =	shalt  }
0x78: {  	_ =	shalt  }
0x79: {  	_ =	shalt  }
0x7a: {  	_ =	shalt  }
0x7b: {  	_ =	shalt  }
0x7c: {  	_ =	shalt  }
0x7d: {  	_ =	shalt  }
0x7e: {  	_ =	shalt  }
0x7f: {  	_ =	shalt  }
0x80: {  	_ =	shalt  }
0x81: {  	_ =	shalt  }
0x82: {  	_ =	shalt  }
0x83: {  	_ =	shalt  }
0x84: {  	_ =	shalt  }
0x85: {  	_ =	shalt  }
0x86: {  	_ =	shalt  }
0x87: {  	_ =	shalt  }
.Lfunc_end0:
.L_simem_size_0:
called_computation_lowered:
.L_overlay_start_0:
0x88: {  	s2 =	sld [smem:$0x3FD9]  }
0x89: {  	s3 =	sld [smem:$0x3FFE];
	_ =	sdelay $0x1  }
0x8a: {  	s1 =	srdreg.scid  }
0x8b: {  	s0 =	sand.u32 $0x1, s1  }
0x8c: {  	s17 =	sshll.u32 s0, $0xA;
	s2 =	sadd.s32 s3, s2  }
0x8d: {  	s2 =	sadd.s32 s2, s17  }
0x8e: {  	[smem:$0x3FC2] =	sst s2  }
0x8f: {  	_ = 	snop  }
0x90: {  	s2 =	sld [smem:$0x3FD0];
	(tm) =	ssettm $0x1  }
0x91: {  	s18 =	sld [smem:$0x3FFB];
	_ =	sdelay $0x3  }
0x92: {  	_ =	strace s18  }
0x93: {  	s3 =	sld [smem:$0x3FFC];
	_ =	sdelay $0x3  }
0x94: {  	_ =	strace s3  }
0x95: {  	s3 =	sld [smem:$0x3FFD];
	_ =	sdelay $0x3  }
0x96: {  	_ =	strace s3  }
0x97: {  	_ =	strace $0x8FFFFFFF  }
0x98: {  	s19 =	sld [smem:$0x3FDB];
	_ =	sdelay $0x1  }
0x99: {  	s4 =	simm.s32 $_scs_section_size  }
0x9a: {  	s5 =	simm.s32 $_size__tile_overlayer_lowered;
	s6 =	simm.s32 $_tile_overlayer_lowered  }
0x9b: {  	s22 =	simm.s32 $0x1BFF;
	s21 =	sshll.u32 s6, $0x1;
	s3 =	sadd.s32 s4, s19  }
0x9c: {  	s7 =	simm.s32 $0x0;
	s20 =	sshll.u32 s5, $0x1;
	s5 =	sadd.s32 s21, s3  }
0x9d: {  	[timem:s7], [sflag:s22] =	dma.local [hbm:s5], s20  }
0x9e: {  	_ =	swait.ge [sflag:s22], s20  }
0x9f: {  	s4 =	ssub.s32 $0x0, s20;
	[sflag:s22] =	ssyncset.done $0x0  }
0xa0: {  	[sflag:s22] =	ssyncadd.s32 s4;
	_ =	sdelay $0x1  }
0xa1: {  	s23 =	simm.s32 $0x1B8B  }
0xa2: {  	_ =	swait.ge [sflag:s23], $0x1  }
0xa3: {  	[sflag:s23] =	ssyncset.done $0x0  }
0xa4: {  	s25 =	simm.s32 $0x1B8E;
	s24 =	sld [smem:$0x3FFE];
	[sflag:s23] =	ssyncadd.s32 $0xFFFFFFFF  }
0xa5: {  	s26 =	simm.s32 $execute0_lowered;
	[smem:$0x3FD2] =	sst s25  }
0xa6: {  	s5 =	sshll.u32 s26, $0x1;
	_ =	strace $0x80000046;
	[dreg:$0x1] =	wrdreg $0xFFFFFFFF  }
0xa7: {  	s28 =	simm.s32 $_size_execute0_lowered;
	s3 =	sadd.s32 s3, s5;
	[dreg:$0x0] =	wrdreg $0x0  }
0xa8: {  	s5 =	sshll.u32 s28, $0x1;
	[dreg:$0x2] =	wrdreg s3  }
0xa9: {  	[dreg:$0x3] =	wrdreg s5  }
0xaa: {  	[dreg:$0x4] =	wrdreg $0xC0  }
0xab: {  	_ =	task [dreg:s7], $0x5FFFF  }
0xac: {  	[dreg:$0x1] =	wrdreg $0xFFFFFFFF  }
0xad: {  	[dreg:$0x0] =	wrdreg $0x60  }
0xae: {  	[dreg:$0x2] =	wrdreg s2  }
0xaf: {  	[dreg:$0x3] =	wrdreg s24  }
0xb0: {  	[dreg:$0x4] =	wrdreg $0x7E500  }
0xb1: {  	[dreg:$0x5] =	wrdreg $0x9  }
0xb2: {  	_ =	task.clear_ibuf [dreg:s7], $0x6FFFF;
	_ =	strace $0x90000046  }
0xb3: {  	s29 =	simm.s32 $0x9;
	_ =	strace $0x80000048  }
0xb4: {  	_ =	swait.ge [sflag:s29], $0x1  }
0xb5: {  	[sflag:s29] =	ssyncadd.s32 $0xFFFFFFFF  }
0xb6: {  	_ =	strace $0x90000048  }
0xb7: {  	_ =	sfence  }
0xb8: {  	s30 =	sld [smem:$0x0];
	_ =	sdelay $0x2  }
0xb9: {  	s31 =	sshll.u32 s1, $0xD;
	s1 =	sshrl.u32 s1, $0x2  }
0xba: {  	s3 =	sand.u32 $0x4000, s31;
	s1 =	sadd.s32 s1, s30  }
0xbb: {  	s0 =	sor.u32 s3, s0;
	s1 =	sshll.u32 s1, $0x11  }
0xbc: {  	s0 =	sor.u32 s1, s0  }
0xbd: {  	s0 =	sadd.s32 $0x8F2B, s0  }
0xbe: {  	[sflag:s0] =	ssyncadd.remote.s32 $0x1  }
0xbf: {  	_ =	sfence.sel $0xFFFF  }
0xc0: {  	[dreg:$0x0] =	wrdreg $0xFFFFFFFF;
	(pc) =	sbr.abs _section_cstart, $3  }
0xc1: {  	[dreg:$0x1] =	wrdreg $0xFFFFFFFF  }
0xc2: {  	_ =	task.clear_ibuf [dreg:s7], $0x2FFFF;
	_ =	strace $0x9FFFFFFF  }
0xc3: {  	(tm) =	ssettm $0x7FFFFFFF  }
tec
execute0_lowered:
.L_overlay_start_1:
0x0: {  	(tag) =	ssettag $0x1  }
0x1: {  	v0 =	vlaneseq.u32  }
0x2: {  	v22 =	vimm.f32 $0.0e+00;
	v52 =	vimm.f32 $1.000000000e+00;
	v1 =	vor.u32 $0x2710, v0  }
0x3: {  	v3 =	vor.u32 $0x10, v0;
	v2 =	vor.u32 $0x2730, v0;
	v4 =	vor.u32 $0x20, v0  }
0x4: {  	v63 =	vor.u32 $0x40, v0;
	v10 =	vor.u32 $0x50, v0;
	v11 =	vor.u32 $0x60, v0  }
0x5: {  	s26 =	rddreg [dreg:$0x0];
	v14 =	vor.u32 $0x70, v0;
	v15 =	vor.u32 $0x80, v0;
	v18 =	vor.u32 $0x90, v0  }
0x6: {  	s3 =	rddreg [dreg:$0x1];
	v19 =	vor.u32 $0xA0, v0;
	v23 =	vor.u32 $0xB0, v0;
	v24 =	vor.u32 $0xC0, v0  }
0x7: {  	s0 =	srdreg.scid;
	s1 =	rddreg [dreg:$0x2];
	s4 =	simm.s32 $0x0;
	v25 =	vor.u32 $0xD0, v0;
	v26 =	vor.u32 $0xE0, v0;
	v27 =	vor.u32 $0xF0, v0  }
0x8: {  	s13 =	stileid.u32;
	s14 =	simm.s32 $0x4E20;
	s2 =	sand.u32 $0x1, s0;
	v28 =	vor.u32 $0x100, v0;
	v29 =	vor.u32 $0x110, v0;
	v30 =	vor.u32 $0x120, v0  }
0x9: {  	s15 =	simm.s32 $0x7DA0;
	s21 =	simm.s32 $0x7720;
	v31 =	vor.u32 $0x130, v0;
	v32 =	vor.u32 $0x140, v0;
	v33 =	vor.u32 $0x150, v0;
	p0 =	seq.s32 s2, $0x0  }
0xa: {  	s22 =	simm.s32 $0x5E20;
	s23 =	simm.s32 $0x77A0;
	s24 =	simm.s32 $0x6620;
	v34 =	vor.u32 $0x160, v0;
	v35 =	vor.u32 $0x170, v0;
	[tilespmem:$0x1FF60] =	vst v3;
	v1 =	vpsel p0, v0, v1  }
0xb: {  	s17 =	simm.s32 $0x80;
	s25 =	simm.s32 $0x7820;
	s28 =	simm.s32 $0x78A0;
	v36 =	vor.u32 $0x180, v0;
	v37 =	vor.u32 $0x190, v0;
	[tilespmem:$0x1FF50] =	vst v1;
	v1 =	vor.u32 $0x2720, v0  }
0xc: {  	s29 =	simm.s32 $0x7B20;
	[smem:$0x7FF] =	sst s4;
	s5 =	smul.u32 $0x280, s13;
	v38 =	vor.u32 $0x1A0, v0;
	v39 =	vor.u32 $0x1B0, v0;
	[tilespmem:$0x1FF80] =	vst v4;
	v1 =	vpsel p0, v3, v1  }
0xd: {  	s7 =	sadd.s32 $0x2800, s3;
	s8 =	sadd.s32 $0x2E00, s3;
	s6 =	smul.u32 $0x4E20, s13;
	v40 =	vor.u32 $0x1C0, v0;
	v41 =	vor.u32 $0x1D0, v0;
	[tilespmem:$0x1FF70] =	vst v1;
	v1 =	vpsel p0, v4, v2  }
0xe: {  	s30 =	simm.s32 $0x0;
	s9 =	sadd.s32 $0x3400, s3;
	s10 =	smul.u32 $0x4F80, s13;
	v42 =	vor.u32 $0x1E0, v0;
	v3 =	vor.u32 $0x30, v0;
	[tilespmem:$0x1FF90] =	vst v1;
	v1 =	vor.u32 $0x2740, v0  }
0xf: {  	s3 =	sadd.s32 $0xD400, s3;
	s11 =	smul.u32 $0x9C4, s13;
	v43 =	vor.u32 $0x1F0, v0;
	[tilespmem:$0x1FFC0] =	vst v63;
	s2 =	ssub.s32 $0x2, s2;
	v2 =	vor.u32 $0x2750, v0;
	v1 =	vpsel p0, v3, v1  }
0x10: {  	s13 =	smul.u32 $0x50, s13;
	v44 =	vor.u32 $0x200, v0;
	v45 =	vor.u32 $0x210, v0;
	s31 =	sshrl.u32 s2, $0x1;
	s4 =	sadd.s32 s5, s1;
	[tilespmem:$0x1FFB0] =	vst v1;
	v1 =	vpsel p0, v63, v2  }
0x11: {  	v46 =	vor.u32 $0x220, v0;
	v47 =	vor.u32 $0x230, v0;
	s5 =	sadd.s32 $0x4E20, s5;
	s6 =	sshrl.u32 s6, $0x3;
	s10 =	sshrl.u32 s10, $0x3;
	[tilespmem:$0x1FFD0] =	vst v1;
	v1 =	vor.u32 $0x2760, v0  }
0x12: {  	v48 =	vor.u32 $0x240, v0;
	s8 =	smov.u32 @p0 s7;
	s3 =	smov.u32 @p0 s9;
	s2 =	ssub.s32 s2, s31;
	[tilespmem:$0x1FFA0] =	vst v3;
	v2 =	vor.u32 $0x2770, v0;
	v1 =	vpsel p0, v10, v1  }
0x13: {  	v49 =	vor.u32 $0x250, v0;
	s12 =	sadd.s32 $0x9C40, s6;
	s7 =	sadd.s32 s8, s13;
	_ =	strace $0x80000047;
	[tilespmem:$0x1FFE0] =	vst v1;
	v1 =	vpsel p0, v11, v2;
	v2 =	vor.u32 $0x2790, v0  }
0x14: {  	v50 =	vor.u32 $0x260, v0;
	s8 =	sadd.s32 s3, s10;
	s13 =	simm.s32 $0x1;
	s6 =	smax.u32 s2, $0x1;
	[tilespmem:$0x1FFF0] =	vst v1;
	v1 =	vor.u32 $0x2780, v0;
	v17 =	vpsel p0, v15, v2  }
0x15: {  	s12 =	smov.u32 @p0 s11;
	s10 =	sadd.s32 $0x4E2, s8;
	s11 =	sadd.s32 $0x4F8, s8;
	v2 =	vor.u32 $0x27B0, v0;
	v16 =	vpsel p0, v14, v1;
	v1 =	vor.u32 $0x27A0, v0  }
0x16: {  	v51 =	vor.u32 $0x270, v0;
	s9 =	sadd.s32 s26, s12;
	s12 =	sadd.s32 $0x9DA, s8;
	s26 =	simm.s32 $0x6E20;
	v21 =	vpsel p0, v19, v2;
	v20 =	vpsel p0, v18, v1  }
.LBB2_1:
0x17: {  	s0 =	simm.s32 $0x40;
	s2 =	simm.s32 $0x0  }
.LBB2_2:
0x18: {  	p0 =	sne.s32 s0, $0x9FC0;
	[tilespmem:s2+$0x4E20] =	vst v22;
	s2 =	smov.u32 s0;
	s0 =	sadd.s32 $0x40, s0  }
.Ltmp0:
0x19: {  	(pc) =	sbr.rel @p0 .LBB2_2-.Ltmp0, $2  }
0x1a: {  	_ =	sdelay $0x2  }
0x1b: {  	s2 =	sshra.s32 s2, $0x2  }
0x1c: {  	[tilespmem:s2+$0x4E20] =	vst v22  }
0x1d: {  	[spmem:s4] =	stream.linear.scatter [tilespmem:s5], [sflag:$0x1], $0x280, $0x38;
	[tilespmem:$0x80D0] =	vst v63  }
0x1e: {  	_ =	swait.ge [sflag:s13], $0x280  }
0x1f: {  	[sflag:s13] =	ssyncset.done $0x0  }
0x20: {  	s0 =	simm.s32 $0x0;
	[sflag:s13] =	ssyncadd.s32 $0xFFFFFD80  }
0x21: {  	[tilespmem:s0], [sflag:$0x1] =	stream.linear.gather [hbm4b:s9+s0], $0x4E20, $0x38;
	[tilespmem:$0x80D0] =	vst v63  }
0x22: {  	_ =	swait.ge [sflag:s13], $0x4E20  }
0x23: {  	[sflag:s13] =	ssyncset.done $0x0  }
0x24: {  	[sflag:s13] =	ssyncadd.s32 $0xFFFFB1E0  }
0x25: {  	[tilespmem:$0x7620] =	vst v0  }
0x26: {  	[tilespmem:$0x7670] =	vst v10  }
0x27: {  	[tilespmem:$0x7680] =	vst v11  }
0x28: {  	[tilespmem:$0x7690] =	vst v14  }
0x29: {  	[tilespmem:$0x76A0] =	vst v15  }
0x2a: {  	[tilespmem:$0x76B0] =	vst v18  }
0x2b: {  	[tilespmem:$0x76C0] =	vst v19  }
0x2c: {  	[tilespmem:$0x76D0] =	vst v23  }
0x2d: {  	[tilespmem:$0x76E0] =	vst v24  }
0x2e: {  	[tilespmem:$0x76F0] =	vst v25  }
0x2f: {  	[tilespmem:$0x7700] =	vst v26  }
0x30: {  	[tilespmem:$0x7710] =	vst v27  }
0x31: {  	[tilespmem:$0x7720] =	vst v28  }
0x32: {  	[tilespmem:$0x7730] =	vst v29  }
0x33: {  	[tilespmem:$0x7740] =	vst v30  }
0x34: {  	[tilespmem:$0x7750] =	vst v31  }
0x35: {  	[tilespmem:$0x7760] =	vst v32  }
0x36: {  	[tilespmem:$0x7770] =	vst v33  }
0x37: {  	[tilespmem:$0x7780] =	vst v34  }
0x38: {  	v1 =	vld [tilespmem:$0x1FF60];
	[tilespmem:$0x7790] =	vst v35  }
0x39: {  	[tilespmem:$0x77A0] =	vst v36  }
0x3a: {  	[tilespmem:$0x77B0] =	vst v37  }
0x3b: {  	[tilespmem:$0x77C0] =	vst v38  }
0x3c: {  	[tilespmem:$0x77D0] =	vst v39  }
0x3d: {  	[tilespmem:$0x7630] =	vst v1;
	v1 =	vld [tilespmem:$0x1FF80]  }
0x3e: {  	[tilespmem:$0x77E0] =	vst v40  }
0x3f: {  	[tilespmem:$0x77F0] =	vst v41  }
0x40: {  	[tilespmem:$0x7800] =	vst v42  }
0x41: {  	[tilespmem:$0x7810] =	vst v43  }
0x42: {  	[tilespmem:$0x7640] =	vst v1;
	v1 =	vld [tilespmem:$0x1FFA0]  }
0x43: {  	[tilespmem:$0x7820] =	vst v44  }
0x44: {  	[tilespmem:$0x7830] =	vst v45  }
0x45: {  	[tilespmem:$0x7840] =	vst v46  }
0x46: {  	[tilespmem:$0x7850] =	vst v47  }
0x47: {  	[tilespmem:$0x7650] =	vst v1;
	v1 =	vld [tilespmem:$0x1FFC0]  }
0x48: {  	[tilespmem:$0x7860] =	vst v48  }
0x49: {  	[tilespmem:$0x7870] =	vst v49  }
0x4a: {  	[tilespmem:$0x7880] =	vst v50  }
0x4b: {  	[tilespmem:$0x7890] =	vst v51  }
0x4c: {  	s2 =	simm.s32 $0x0;
	s0 =	simm.s32 $0x40;
	[tilespmem:$0x7660] =	vst v1  }
.LBB2_4:
0x4d: {  	p0 =	sne.s32 s0, $0x13840;
	v1 =	vld [tilespmem:s2+$0x0];
	_ =	sdelay $0x3  }
.Ltmp1:
0x4e: {  	(pc) =	sbr.rel @p0 .LBB2_4-.Ltmp1, $2  }
0x4f: {  	_ =	sdelay $0x2  }
0x50: {  	s2 =	sshra.s32 s0, $0x2;
	s0 =	sadd.s32 $0x40, s0;
	[tilespmem:v1+s14+$0x0] =	vst.idx.add.f32.msk $0xffff, v52  }
0x51: {  	v1 =	vld [tilespmem:s2+$0x0];
	_ =	sdelay $0x7  }
0x52: {  	[tilespmem:v1+s14+$0x0] =	vst.idx.add.f32.msk $0xffff, v52  }
0x53: {  	v1 =	vld [tilespmem:$0x1FF50];
	_ =	sdelay $0x4  }
0x54: {  	[tilespmem:$0x7DA0] =	vst v1;
	v1 =	vld [tilespmem:$0x1FF70];
	_ =	sdelay $0x4  }
0x55: {  	[tilespmem:$0x7DB0] =	vst v1;
	v1 =	vld [tilespmem:$0x1FF90];
	_ =	sdelay $0x4  }
0x56: {  	[tilespmem:$0x7DC0] =	vst v1;
	v1 =	vld [tilespmem:$0x1FFB0];
	_ =	sdelay $0x4  }
0x57: {  	[tilespmem:$0x7DD0] =	vst v1;
	v1 =	vld [tilespmem:$0x1FFD0];
	_ =	sdelay $0x4  }
0x58: {  	[tilespmem:$0x7DE0] =	vst v1;
	v1 =	vld [tilespmem:$0x1FFE0];
	_ =	sdelay $0x4  }
0x59: {  	[tilespmem:$0x7DF0] =	vst v1;
	v1 =	vld [tilespmem:$0x1FFF0]  }
0x5a: {  	[tilespmem:$0x7E10] =	vst v16  }
0x5b: {  	[tilespmem:$0x7E20] =	vst v17  }
0x5c: {  	[tilespmem:$0x7E30] =	vst v20  }
0x5d: {  	[tilespmem:$0x7E40] =	vst v21  }
0x5e: {  	s0 =	simm.s32 $0x0;
	[tilespmem:$0x7E00] =	vst v1  }
0x5f: {  	[hbm4b:s8+s0] =	stream.linear.scatter [tilespmem:s0], [sflag:$0x1], $0x2710, $0x38;
	[tilespmem:$0x80D0] =	vst v63  }
0x60: {  	_ =	swait.ge [sflag:s13], $0x2710  }
0x61: {  	[sflag:s13] =	ssyncset.done $0x0  }
0x62: {  	[sflag:s13] =	ssyncadd.s32 $0xFFFFD8F0  }
0x63: {  	[hbm4b:s10+s0] =	stream.linear.scatter [tilespmem:s15], [sflag:$0x1], $0xB0, $0x38;
	[tilespmem:$0x80D0] =	vst v63  }
0x64: {  	_ =	swait.ge [sflag:s13], $0xB0  }
0x65: {  	[sflag:s13] =	ssyncset.done $0x0  }
0x66: {  	s16 =	simm.s32 $0x2710;
	[sflag:s13] =	ssyncadd.s32 $0xFFFFFF50  }
0x67: {  	[hbm4b:s11+s0] =	stream.linear.scatter [tilespmem:s16], [sflag:$0x1], $0x2710, $0x38;
	[tilespmem:$0x80D0] =	vst v63  }
0x68: {  	_ =	swait.ge [sflag:s13], $0x2710  }
0x69: {  	[sflag:s13] =	ssyncset.done $0x0  }
0x6a: {  	[sflag:s13] =	ssyncadd.s32 $0xFFFFD8F0  }
0x6b: {  	[hbm4b:s12+s0] =	stream.linear.scatter [tilespmem:s15], [sflag:$0x1], $0xB0, $0x38;
	[tilespmem:$0x80D0] =	vst v63  }
0x6c: {  	_ =	swait.ge [sflag:s13], $0xB0  }
0x6d: {  	[sflag:s13] =	ssyncset.done $0x0  }
0x6e: {  	[sflag:s13] =	ssyncadd.s32 $0xFFFFFF50  }
0x6f: {  	s18 =	simm.s32 $0x7620;
	[bflag:$0x0] =	sbarrier.arrive $0xFFFF  }
0x70: {  	[spmem:s1] =	stream.indirect.scatter.add.f32 [tilespmem:s14], [sflag:$0x1], $0x10, s18, s17, $0xb8;
	[tilespmem:$0x80D0] =	vst v63  }
0x71: {  	_ =	swait.ge [sflag:s13], $0x800  }
0x72: {  	[sflag:s13] =	ssyncset.done $0x0  }
0x73: {  	s19 =	simm.s32 $0x76A0;
	s20 =	simm.s32 $0x5620;
	[sflag:s13] =	ssyncadd.s32 $0xFFFFF800  }
0x74: {  	[spmem:s1] =	stream.indirect.scatter.add.f32 [tilespmem:s20], [sflag:$0x1], $0x10, s19, s17, $0xb8;
	[tilespmem:$0x80D0] =	vst v63  }
0x75: {  	_ =	swait.ge [sflag:s13], $0x800  }
0x76: {  	[sflag:s13] =	ssyncset.done $0x0  }
0x77: {  	[sflag:s13] =	ssyncadd.s32 $0xFFFFF800  }
0x78: {  	[spmem:s1] =	stream.indirect.scatter.add.f32 [tilespmem:s22], [sflag:$0x1], $0x10, s21, s17, $0xb8;
	[tilespmem:$0x80D0] =	vst v63  }
0x79: {  	_ =	swait.ge [sflag:s13], $0x800  }
0x7a: {  	[sflag:s13] =	ssyncset.done $0x0  }
0x7b: {  	[sflag:s13] =	ssyncadd.s32 $0xFFFFF800  }
0x7c: {  	[spmem:s1] =	stream.indirect.scatter.add.f32 [tilespmem:s24], [sflag:$0x1], $0x10, s23, s17, $0xb8;
	[tilespmem:$0x80D0] =	vst v63  }
0x7d: {  	_ =	swait.ge [sflag:s13], $0x800  }
0x7e: {  	[sflag:s13] =	ssyncset.done $0x0  }
0x7f: {  	[sflag:s13] =	ssyncadd.s32 $0xFFFFF800  }
0x80: {  	[spmem:s1] =	stream.indirect.scatter.add.f32 [tilespmem:s26], [sflag:$0x1], $0x10, s25, s17, $0xb8;
	[tilespmem:$0x80D0] =	vst v63  }
0x81: {  	_ =	swait.ge [sflag:s13], $0x800  }
0x82: {  	[sflag:s13] =	ssyncset.done $0x0  }
0x83: {  	[sflag:s13] =	ssyncadd.s32 $0xFFFFF800  }
0x84: {  	[bflag:$0x0] =	sbarrier.arrive $0xFFFF  }
0x85: {  	[tilespmem:s28], [sflag:$0x1] =	stream.linear.gather [spmem:s4], $0x280, $0x38;
	[tilespmem:$0x80D0] =	vst v63  }
0x86: {  	_ =	swait.ge [sflag:s13], $0x280  }
0x87: {  	[sflag:s13] =	ssyncset.done $0x0  }
0x88: {  	s0 =	simm.s32 $0x0;
	[sflag:s13] =	ssyncadd.s32 $0xFFFFFD80  }
0x89: {  	v4 =	vld [tilespmem:s0+$0x78A0];
	_ =	sdelay $0x3  }
0x8a: {  	s31 =	simm.s32 $0x10  }
0x8b: {  	v53 =	vld [tilespmem:s31+$0x78A0];
	v1 =	vmax.f32 v4, $1.000000000e+00  }
0x8c: {  	v2 =	vshra.s32 v1, $0x1;
	v1 =	vmul.f32 $5.000000000e-01, v1  }
0x8d: {  	v2 =	vsub.s32 $0x5F3759DF, v2  }
0x8e: {  	v5 =	vmul.f32 v2, v1;
	_ =	sdelay $0x1  }
0x8f: {  	s2 =	simm.s32 $0x20;
	v8 =	vmax.f32 v53, $1.000000000e+00;
	v5 =	vmul.f32 v2, v5  }
0x90: {  	v54 =	vld [tilespmem:s2+$0x78A0];
	v55 =	vshra.s32 v8, $0x1;
	v8 =	vmul.f32 $5.000000000e-01, v8  }
0x91: {  	v56 =	vsub.s32 $0x5F3759DF, v55;
	v5 =	vsub.f32 $1.500000000e+00, v5  }
0x92: {  	v55 =	vmul.f32 v56, v8  }
0x93: {  	v2 =	vmul.f32 v2, v5  }
0x94: {  	s3 =	simm.s32 $0x30;
	v58 =	vmul.f32 v56, v55  }
0x95: {  	v55 =	vld [tilespmem:s3+$0x78A0];
	v5 =	vmax.f32 v54, $1.000000000e+00;
	v59 =	vmul.f32 v2, v1  }
0x96: {  	v60 =	vshra.s32 v5, $0x1;
	v57 =	vmul.f32 $5.000000000e-01, v5;
	v5 =	vsub.f32 $1.500000000e+00, v58  }
0x97: {  	v60 =	vsub.s32 $0x5F3759DF, v60;
	v58 =	vmul.f32 v59, v2  }
0x98: {  	v63 =	vmul.f32 v60, v57;
	v5 =	vmul.f32 v56, v5  }
0x99: {  	v58 =	vsub.f32 $1.500000000e+00, v58  }
0x9a: {  	s16 =	simm.s32 $0x40;
	v59 =	vmax.f32 v55, $1.000000000e+00;
	v61 =	vmul.f32 v60, v63;
	v62 =	vmul.f32 v5, v8  }
0x9b: {  	v56 =	vld [tilespmem:s16+$0x78A0];
	v2 =	vmul.f32 v58, v2;
	v58 =	vshra.s32 v59, $0x1;
	v59 =	vmul.f32 $5.000000000e-01, v59  }
0x9c: {  	v61 =	vsub.f32 $1.500000000e+00, v61;
	v63 =	vmul.f32 v62, v5;
	v58 =	vsub.s32 $0x5F3759DF, v58  }
0x9d: {  	v1 =	vmul.f32 v2, v1;
	v9 =	vmul.f32 v58, v59  }
0x9e: {  	v62 =	vmul.f32 v60, v61  }
0x9f: {  	v60 =	vsub.f32 $1.500000000e+00, v63;
	v1 =	vmul.f32 v1, v2;
	v9 =	vmul.f32 v58, v9  }
0xa0: {  	v61 =	vmax.f32 v56, $1.000000000e+00  }
0xa1: {  	v60 =	vmul.f32 v60, v5;
	v1 =	vsub.f32 $1.500000000e+00, v1;
	v5 =	vsub.f32 $1.500000000e+00, v9  }
0xa2: {  	s18 =	simm.s32 $0x50;
	v3 =	vshra.s32 v61, $0x1;
	v61 =	vmul.f32 $5.000000000e-01, v61;
	v63 =	vmul.f32 v62, v57  }
0xa3: {  	v6 =	vmul.f32 v1, v2;
	v1 =	vmul.f32 v58, v5;
	v58 =	vld [tilespmem:s18+$0x78A0]  }
0xa4: {  	v9 =	vmul.f32 v63, v62;
	v63 =	vsub.s32 $0x5F3759DF, v3;
	v3 =	vmul.f32 v60, v8  }
0xa5: {  	vm0 =	vgt.f32 v4, $0.0e+00;
	v2 =	vmul.f32 v63, v61  }
0xa6: {  	s19 =	simm.s32 $0x180;
	v8 =	vsub.f32 $1.500000000e+00, v9;
	v5 =	vmul.f32 v3, v60;
	v4 =	vnsel vm0, $0x0, v6  }
.LBB2_6:
0xa7: {  	s20 =	sshra.s32 s19, $0x2  }
0xa8: {  	v3 =	vmax.f32 v58, $1.000000000e+00;
	v2 =	vmul.f32 v63, v2;
	v6 =	vmul.f32 v1, v59;
	[tilespmem:s0+$0x7B20] =	vst v4;
	v9 =	vmovc v58;
	s0 =	smov.u32 s31;
	s31 =	smov.u32 s2;
	p0 =	sne.s32 s19, $0x9C0  }
.Ltmp2:
0xa9: {  	v12 =	vmovc v59;
	v59 =	vmovc v61;
	s2 =	smov.u32 s3;
	s3 =	smov.u32 s16;
	v58 =	vld [tilespmem:s20+$0x78A0];
	v4 =	vshra.s32 v3, $0x1;
	v8 =	vmul.f32 v8, v62;
	v5 =	vsub.f32 $1.500000000e+00, v5;
	(pc) =	sbr.rel @p0 .LBB2_6-.Ltmp2, $4  }
0xaa: {  	s19 =	sadd.s32 $0x40, s19;
	v13 =	vmovc v63;
	s16 =	smov.u32 s18;
	v61 =	vmul.f32 $5.000000000e-01, v3;
	v62 =	vmovc v1;
	v3 =	vsub.f32 $1.500000000e+00, v2;
	v6 =	vmul.f32 v6, v1  }
0xab: {  	s18 =	smov.u32 s20;
	v63 =	vsub.s32 $0x5F3759DF, v4;
	v4 =	vmul.f32 v8, v57;
	v7 =	vmul.f32 v5, v60;
	v60 =	vmovc v8;
	v57 =	vmovc v12  }
0xac: {  	vm0 =	vgt.f32 v53, $0.0e+00;
	v53 =	vmovc v54;
	v54 =	vmovc v55;
	v2 =	vmul.f32 v63, v61;
	v1 =	vmul.f32 v13, v3  }
0xad: {  	v55 =	vmovc v56;
	v56 =	vmovc v9;
	v8 =	vsub.f32 $1.500000000e+00, v6;
	v5 =	vmul.f32 v4, v60;
	v4 =	vnsel vm0, $0x0, v7  }
0xae: {  	v3 =	vmax.f32 v58, $1.000000000e+00  }
0xaf: {  	v6 =	vshra.s32 v3, $0x1;
	v3 =	vmul.f32 $5.000000000e-01, v3  }
0xb0: {  	v6 =	vsub.s32 $0x5F3759DF, v6  }
0xb1: {  	v7 =	vmul.f32 v6, v3  }
0xb2: {  	v2 =	vmul.f32 v63, v2  }
0xb3: {  	v7 =	vmul.f32 v6, v7  }
0xb4: {  	v2 =	vsub.f32 $1.500000000e+00, v2  }
0xb5: {  	v7 =	vsub.f32 $1.500000000e+00, v7  }
0xb6: {  	v2 =	vmul.f32 v63, v2  }
0xb7: {  	v9 =	vmul.f32 v1, v59;
	v6 =	vmul.f32 v6, v7  }
0xb8: {  	v63 =	vmul.f32 v2, v61  }
0xb9: {  	v9 =	vmul.f32 v9, v1;
	v12 =	vmul.f32 v6, v3  }
0xba: {  	v7 =	vmul.f32 v63, v2  }
0xbb: {  	v9 =	vsub.f32 $1.500000000e+00, v9;
	v12 =	vmul.f32 v12, v6  }
0xbc: {  	v8 =	vmul.f32 v8, v62;
	v7 =	vsub.f32 $1.500000000e+00, v7  }
0xbd: {  	v1 =	vmul.f32 v9, v1;
	v9 =	vsub.f32 $1.500000000e+00, v12  }
0xbe: {  	v2 =	vmul.f32 v7, v2;
	v12 =	vmul.f32 v8, v57  }
0xbf: {  	v62 =	vmul.f32 v1, v59;
	v6 =	vmul.f32 v9, v6  }
0xc0: {  	v9 =	vmul.f32 v12, v8;
	v12 =	vmul.f32 v2, v61  }
0xc1: {  	v5 =	vsub.f32 $1.500000000e+00, v5;
	v7 =	vmul.f32 v62, v1;
	v3 =	vmul.f32 v6, v3  }
0xc2: {  	vm0 =	vgt.f32 v53, $0.0e+00;
	v9 =	vsub.f32 $1.500000000e+00, v9;
	v12 =	vmul.f32 v12, v2  }
0xc3: {  	v5 =	vmul.f32 v5, v60;
	v7 =	vsub.f32 $1.500000000e+00, v7;
	v3 =	vmul.f32 v3, v6  }
0xc4: {  	vm12 =	vgt.f32 v54, $0.0e+00;
	v8 =	vmul.f32 v9, v8;
	v9 =	vsub.f32 $1.500000000e+00, v12  }
0xc5: {  	[tilespmem:s0+$0x7B20] =	vst v4;
	v5 =	vnsel vm0, $0x0, v5;
	v1 =	vmul.f32 v7, v1;
	v3 =	vsub.f32 $1.500000000e+00, v3  }
0xc6: {  	vm13 =	vgt.f32 v55, $0.0e+00;
	[tilespmem:s31+$0x7B20] =	vst v5;
	v63 =	vnsel vm12, $0x0, v8;
	v2 =	vmul.f32 v9, v2  }
0xc7: {  	vm14 =	vgt.f32 v56, $0.0e+00;
	v1 =	vnsel vm13, $0x0, v1;
	[tilespmem:s2+$0x7B20] =	vst v63;
	v3 =	vmul.f32 v3, v6  }
0xc8: {  	vm15 =	vgt.f32 v58, $0.0e+00;
	s30 =	sadd.s32 $0x1, s30;
	[tilespmem:s3+$0x7B20] =	vst v1;
	v1 =	vnsel vm14, $0x0, v2  }
0xc9: {  	p0 =	sne.s32 s30, s6;
	[tilespmem:s16+$0x7B20] =	vst v1;
	v1 =	vnsel vm15, $0x0, v3  }
.Ltmp3:
0xca: {  	s31 =	simm.s32 $0x0;
	[tilespmem:s18+$0x7B20] =	vst v1;
	(pc) =	sbr.rel @p0 .LBB2_1-.Ltmp3, $4  }
0xcb: {  	[hbm4b:s7+s31] =	stream.linear.scatter [tilespmem:s29], [sflag:$0x1], $0x280, $0x38;
	[tilespmem:$0x80D0] =	vst v63  }
0xcc: {  	_ =	swait.ge [sflag:s13], $0x280  }
0xcd: {  	[sflag:s13] =	ssyncset.done $0x0  }
0xce: {  	[sflag:s13] =	ssyncadd.s32 $0xFFFFFD80  }
0xcf: {  	_ =	sfence.sel $0x180000  }
0xd0: {  	[bflag:$0x0] =	sbarrier.arrive $0xFFFF  }
0xd1: {  	_ =	strace $0x90000047  }
0xd2: {  	s0 =	stileid.u32;
	[bflag:$0x2] =	sbarrier.arrive $0xFFFF  }
0xd3: {  	p0 =	sne.s32 s0, $0x0;
	s0 =	rddreg [dreg:$0x3]  }
0xd4: {  	s0 =	sadd.s32 @!p0 $0x100000, s0  }
0xd5: {  	[sflag:s0] =	ssyncadd.tile.s32 @!p0 $0x1;
	_ =	shalt  }
.Lfunc_end2:
_tile_overlayer_lowered:
.L_overlay_start_2:
0xd6: {  	(tag) =	ssettag $0x2  }
0xd7: {  	s0 =	rddreg [dreg:$0x0];
	s2 =	stileid.u32  }
0xd8: {  	s1 =	rddreg [dreg:$0x1];
	p0 =	sne.s32 s2, $0x0  }
0xd9: {  	s3 =	rddreg [dreg:$0x2];
	[bflag:$0x3] =	sbarrier.arrive $0xFFFF;
	s2 =	simm.s32 @!p0 $0x1C01  }
0xda: {  	[timem:s3], [sflag:s2] =	dma.local @!p0 [hbm:s0], s1  }
0xdb: {  	s0 =	simm.s32 @!p0 $0x1  }
0xdc: {  	_ =	swait.ge @!p0 [sflag:s0], s1  }
0xdd: {  	s1 =	ssub.s32 @!p0 $0x0, s1;
	[sflag:s0] =	ssyncset.done @!p0 $0x0  }
0xde: {  	[sflag:s0] =	ssyncadd.s32 @!p0 s1  }
0xdf: {  	[bflag:$0x3] =	sbarrier.arrive $0xFFFF  }
0xe0: {  	_ =	shalt  }

</sc_bundles>
